<compile_context>
chip_gen: v7x
topology: tpu7x:2x2x1
jax: 0.10.2.dev20260603
libtpu: 0.0.44.dev20260713+nightly
codegen_flags: <defaults>
</compile_context>

<pallas_src>
import functools

import jax
import jax.numpy as jnp
from jax import lax
from jax.experimental import pallas as pl
from jax.experimental.pallas import tpu as pltpu
from jax.experimental.pallas import tpu_sc as plsc

_L = 16
_NT = 16
_NC = 2
_CHUNK = 128
_ROWH = 128


def _rsqrt_vec(d):
    xi = lax.bitcast_convert_type(d, jnp.int32)
    yi = jnp.int32(0x5F3759DF) - (xi >> 1)
    y = lax.bitcast_convert_type(yi, jnp.float32)
    for _ in range(3):
        y = y * (1.5 - 0.5 * d * y * y)
    return y


def _sc_body(nch, rpt, src_h, dst_h, ew_h, xv_h, out_h,
             accum, deg_s, dinv_t, rowb0, rowb1,
             a0s, a0s2, a0d, a0w, a1s, a1s2, a1d, a1w,
             d0d, d0w, d1d, d1w, normbuf, tmp,
             g0, g1, s0, s1, e0, e1, d0, d1):
    c = lax.axis_index("c")
    s = lax.axis_index("s")
    base = s * rpt
    zvec = jnp.zeros((_L,), jnp.float32)
    cc = jnp.full((_L,), 0, jnp.int32) + c
    KD = d0d.shape[0]
    NG = nch // KD

    def dload(db, wb, gi, sem):
        for jj in range(KD):
            pltpu.async_copy(dst_h.at[s, gi * KD + jj], db.at[jj], sem)
            pltpu.async_copy(ew_h.at[s, gi * KD + jj], wb.at[jj], sem)

    def dwait(db, wb, sem):
        for jj in range(KD):
            pltpu.make_async_copy(dst_h.at[s, 0], db.at[jj], sem).wait()
            pltpu.make_async_copy(ew_h.at[s, 0], wb.at[jj], sem).wait()

    dload(d0d, d0w, 0, e0)
    dload(d1d, d1w, 1, e1)

    def ztmp(i, _):
        tmp[pl.ds(i * _L, _L)] = zvec
        return 0
    lax.fori_loop(0, rpt // _L, ztmp, 0)

    def zrow(i, _):
        for u in range(_ROWH // _L):
            rowb0[i, pl.ds(u * _L, _L)] = zvec
        return 0
    lax.fori_loop(0, _CHUNK, zrow, 0)

    pltpu.sync_copy(tmp, deg_s.at[pl.ds(base, rpt)])
    for k in range(rpt // _CHUNK):
        pltpu.sync_copy(rowb0, accum.at[pl.ds(base + k * _CHUNK, _CHUNK)])

    plsc.subcore_barrier()

    def fdeg(gg, _):
        g0i = 2 * gg
        dwait(d0d, d0w, e0)
        hs = [pltpu.async_copy(d0w.at[jj], deg_s.at[d0d.at[jj]], s0, add=True)
              for jj in range(KD)]
        for h in hs:
            h.wait()

        @pl.when(gg < NG // 2 - 1)
        def _():
            dload(d0d, d0w, g0i + 2, e0)

        dwait(d1d, d1w, e1)
        hs1 = [pltpu.async_copy(d1w.at[jj], deg_s.at[d1d.at[jj]], s1, add=True)
               for jj in range(KD)]
        for h in hs1:
            h.wait()

        @pl.when(gg < NG // 2 - 1)
        def _():
            dload(d1d, d1w, g0i + 3, e1)
        return 0
    lax.fori_loop(0, NG // 2, fdeg, 0)

    plsc.subcore_barrier()

    pltpu.sync_copy(deg_s.at[pl.ds(base, rpt)], tmp)

    def fnewton(i, _):
        d = tmp[pl.ds(i * _L, _L)]
        tmp[pl.ds(i * _L, _L)] = _rsqrt_vec(d)
        return 0
    lax.fori_loop(0, rpt // _L, fnewton, 0)
    pltpu.sync_copy(tmp, deg_s.at[pl.ds(base, rpt)])
    plsc.subcore_barrier()
    pltpu.sync_copy(deg_s, dinv_t)

    def norm(sb, db, wb):
        for u in range(_CHUNK // _L):
            sl = pl.ds(u * _L, _L)
            ns = plsc.load_gather(dinv_t, [sb[sl]])
            nd = plsc.load_gather(dinv_t, [db[sl]])
            normbuf[sl] = ns * wb[sl] * nd

    def scale(rowb):
        @plsc.parallel_loop(0, _CHUNK, unroll=4)
        def _(e):
            nb = plsc.load_gather(normbuf, [jnp.full((_L,), 0, jnp.int32) + e])
            for u in range(_ROWH // _L):
                sl = (e, pl.ds(u * _L, _L))
                rowb[sl] = rowb[sl] * nb

    def src2(sb, s2b):
        for u in range(_CHUNK // _L):
            sl = pl.ds(u * _L, _L)
            s2b[sl] = sb[sl] * 2 + cc

    pltpu.sync_copy(src_h.at[s, 0], a0s)
    pltpu.sync_copy(ew_h.at[s, 0], a0w)
    pltpu.sync_copy(dst_h.at[s, 0], a0d)
    pltpu.sync_copy(src_h.at[s, 1], a1s)
    pltpu.sync_copy(ew_h.at[s, 1], a1w)
    src2(a0s, a0s2)
    pltpu.async_copy(xv_h.at[a0s2], rowb0, g0)
    nt = nch // 2

    def fmain(t, _):
        j0 = 2 * t
        @pl.when(t > 0)
        def _():
            pltpu.make_async_copy(dst_h.at[s, 0], a0d, d0).wait()
        norm(a0s, a0d, a0w)
        pltpu.make_async_copy(xv_h.at[pl.ds(0, _CHUNK)], rowb0, g0).wait()
        scale(rowb0)

        @pl.when(t < nch // 2 - 1)
        def _():
            pltpu.async_copy(src_h.at[s, j0 + 2], a0s, e0)
            pltpu.async_copy(ew_h.at[s, j0 + 2], a0w, e0)

        @pl.when(t > 0)
        def _():
            pltpu.make_async_copy(rowb1, accum.at[a1d], s1).wait()
        pltpu.async_copy(dst_h.at[s, j0 + 1], a1d, d1)

        sc0 = pltpu.async_copy(rowb0, accum.at[a0d], s0, add=True)

        @pl.when(t > 0)
        def _():
            pltpu.make_async_copy(src_h.at[s, 0], a1s, e1).wait()
            pltpu.make_async_copy(ew_h.at[s, 0], a1w, e1).wait()
        src2(a1s, a1s2)
        pltpu.async_copy(xv_h.at[a1s2], rowb1, g1)

        pltpu.make_async_copy(dst_h.at[s, 0], a1d, d1).wait()
        norm(a1s, a1d, a1w)
        pltpu.make_async_copy(xv_h.at[pl.ds(0, _CHUNK)], rowb1, g1).wait()
        scale(rowb1)

        @pl.when(t < nch // 2 - 1)
        def _():
            pltpu.async_copy(src_h.at[s, j0 + 3], a1s, e1)
            pltpu.async_copy(ew_h.at[s, j0 + 3], a1w, e1)

        sc0.wait()
        pltpu.async_copy(rowb1, accum.at[a1d], s1, add=True)

        @pl.when(t < nch // 2 - 1)
        def _():
            pltpu.async_copy(dst_h.at[s, j0 + 2], a0d, d0)
            pltpu.make_async_copy(src_h.at[s, 0], a0s, e0).wait()
            pltpu.make_async_copy(ew_h.at[s, 0], a0w, e0).wait()
            src2(a0s, a0s2)
            pltpu.async_copy(xv_h.at[a0s2], rowb0, g0)
        return 0
    lax.fori_loop(0, nch // 2, fmain, 0)

    pltpu.make_async_copy(rowb1, accum.at[a1d], s1).wait()
    plsc.subcore_barrier()
    pltpu.sync_copy(accum.at[pl.ds(base, rpt)], out_h.at[c, pl.ds(base, rpt)])


def _sc_call(src3, dst3, ew3, xview, nch, npad):
    rpt = npad // _NT
    kd = 3
    mesh = plsc.VectorSubcoreMesh(core_axis_name="c", subcore_axis_name="s")
    f = pl.kernel(
        functools.partial(_sc_body, nch, rpt),
        mesh=mesh,
        compiler_params=pltpu.CompilerParams(needs_layout_passes=False),
        out_type=jax.ShapeDtypeStruct((_NC, npad, _ROWH), jnp.float32),
        scratch_types=[
            pltpu.VMEM_SHARED((npad, _ROWH), jnp.float32),
            pltpu.VMEM_SHARED((npad,), jnp.float32),
            pltpu.VMEM((npad,), jnp.float32),
            pltpu.VMEM((_CHUNK, _ROWH), jnp.float32),
            pltpu.VMEM((_CHUNK, _ROWH), jnp.float32),
            pltpu.VMEM((_CHUNK,), jnp.int32),
            pltpu.VMEM((_CHUNK,), jnp.int32),
            pltpu.VMEM((_CHUNK,), jnp.int32),
            pltpu.VMEM((_CHUNK,), jnp.float32),
            pltpu.VMEM((_CHUNK,), jnp.int32),
            pltpu.VMEM((_CHUNK,), jnp.int32),
            pltpu.VMEM((_CHUNK,), jnp.int32),
            pltpu.VMEM((_CHUNK,), jnp.float32),
            pltpu.VMEM((kd, _CHUNK), jnp.int32),
            pltpu.VMEM((kd, _CHUNK), jnp.float32),
            pltpu.VMEM((kd, _CHUNK), jnp.int32),
            pltpu.VMEM((kd, _CHUNK), jnp.float32),
            pltpu.VMEM((_CHUNK,), jnp.float32),
            pltpu.VMEM((npad // _NT,), jnp.float32),
            pltpu.SemaphoreType.DMA,
            pltpu.SemaphoreType.DMA,
            pltpu.SemaphoreType.DMA,
            pltpu.SemaphoreType.DMA,
            pltpu.SemaphoreType.DMA,
            pltpu.SemaphoreType.DMA,
            pltpu.SemaphoreType.DMA,
            pltpu.SemaphoreType.DMA,
        ],
    )
    return f(src3, dst3, ew3, xview)


def _tca_body(h_ref, lz1, lbz, lr1, lbr, hz_ref, hr_ref):
    dot = lambda a, b: jnp.dot(a, b, preferred_element_type=jnp.float32)
    h = h_ref[...]
    hz_ref[...] = dot(h, lz1[...]) + lbz[...]
    hr_ref[...] = dot(h, lr1[...]) + lbr[...]


def _tca_call(h, lz1, lbz, lr1, lbr):
    n, cdim = h.shape
    rb = 1000
    wspec = pl.BlockSpec((cdim, cdim), lambda i: (0, 0))
    bspec = pl.BlockSpec((1, cdim), lambda i: (0, 0))
    rspec = pl.BlockSpec((rb, cdim), lambda i: (i, 0))
    return pl.pallas_call(
        _tca_body,
        grid=(n // rb,),
        in_specs=[rspec, wspec, bspec, wspec, bspec],
        out_specs=[rspec, rspec],
        out_shape=[
            jax.ShapeDtypeStruct((n, cdim), jnp.float32),
            jax.ShapeDtypeStruct((n, cdim), jnp.float32),
        ],
    )(h, lz1, lbz, lr1, lbr)


def _tc_body(xa_ref, h_ref, hz_ref, hr_ref, wz, bz, lz0, wr, br, lr0,
             wh, bh, lh0, lh1, lbh, wlin, blin, y_ref, hn_ref):
    dot = lambda a, b: jnp.dot(a, b, preferred_element_type=jnp.float32)
    xaf = jnp.concatenate([xa_ref[0], xa_ref[1]], axis=1)
    h = h_ref[...]
    z = jax.nn.sigmoid(dot(dot(xaf, wz[...]) + bz[...], lz0[...]) + hz_ref[...])
    r = jax.nn.sigmoid(dot(dot(xaf, wr[...]) + br[...], lr0[...]) + hr_ref[...])
    ht = jnp.tanh(dot(dot(xaf, wh[...]) + bh[...], lh0[...])
                  + dot(h * r, lh1[...]) + lbh[...])
    hn = z * h + (1.0 - z) * ht
    y_ref[...] = dot(jax.nn.relu(hn), wlin[...]) + blin[...]
    hn_ref[...] = hn


def _tc_call(xa2, h, hz, hr, wz, bz, lz0, wr, br, lr0,
             wh, bh, lh0, lh1, lbh, wlin, blin):
    n, cdim = h.shape
    rb = 1000
    wspec = pl.BlockSpec((cdim, cdim), lambda i: (0, 0))
    bspec = pl.BlockSpec((1, cdim), lambda i: (0, 0))
    rspec = pl.BlockSpec((rb, cdim), lambda i: (i, 0))
    return pl.pallas_call(
        _tc_body,
        grid=(n // rb,),
        in_specs=[
            pl.BlockSpec((_NC, rb, _ROWH), lambda i: (0, i, 0)),
            rspec, rspec, rspec,
            wspec, bspec, wspec,
            wspec, bspec, wspec,
            wspec, bspec, wspec, wspec, bspec,
            wspec, bspec,
        ],
        out_specs=[rspec, rspec],
        out_shape=[
            jax.ShapeDtypeStruct((n, cdim), jnp.float32),
            jax.ShapeDtypeStruct((n, cdim), jnp.float32),
        ],
    )(xa2, h, hz, hr, wz, bz, lz0, wr, br, lr0,
      wh, bh, lh0, lh1, lbh, wlin, blin)


def kernel(x, edge_index, edge_weight, prev_hidden_state,
           Wz, bz, Lz, lbz, Wr, br, Lr, lbr, Wh, bh, Lh, lbh, Wlin, blin):
    n, cdim = x.shape
    src = edge_index[0]
    dst = edge_index[1]
    loop = jnp.arange(n, dtype=src.dtype)

    tot = edge_weight.shape[0] + n
    per_tile = -(-tot // _NT)
    nch = -(-per_tile // _CHUNK)
    pad = _NT * nch * _CHUNK - tot
    npad = -(-n // (_NT * _CHUNK)) * (_NT * _CHUNK)

    srcp = jnp.concatenate([src, loop, jnp.zeros((pad,), src.dtype)]).reshape(_NT, nch, _CHUNK)
    dstp = jnp.concatenate([dst, loop, jnp.zeros((pad,), dst.dtype)]).reshape(_NT, nch, _CHUNK)
    ewp = jnp.concatenate([edge_weight, jnp.ones((n,), edge_weight.dtype),
                           jnp.zeros((pad,), edge_weight.dtype)]).reshape(_NT, nch, _CHUNK)
    xview = x.reshape(2 * n, _ROWH)

    half = cdim
    hz, hr = _tca_call(prev_hidden_state, Lz[half:], lbz.reshape(1, -1),
                       Lr[half:], lbr.reshape(1, -1))
    xa2 = _sc_call(srcp, dstp, ewp, xview, nch, npad)

    y, hn = _tc_call(xa2, prev_hidden_state, hz, hr,
                     Wz, bz.reshape(1, -1), Lz[:half],
                     Wr, br.reshape(1, -1), Lr[:half],
                     Wh, bh.reshape(1, -1), Lh[:half], Lh[half:],
                     lbh.reshape(1, -1), Wlin, blin.reshape(1, -1))
    return (y, hn)

# --- scband reference (transcript-rebuilt; emitter-appended) ---
"""Pipeline reference for scband-model-27135603376410 (READ-ONLY COPY).

The authoritative reference and input builder live on the scoring server;
editing this copy changes nothing except your own understanding.
"""

import jax, jax.numpy as jnp
import numpy as np

N = 10000
E = 160000
C = 256


def _gcn(x, src, dst, ew, W, b):
    n = x.shape[0]
    loop = jnp.arange(n, dtype=src.dtype)
    s = jnp.concatenate([src, loop])
    d = jnp.concatenate([dst, loop])
    w = jnp.concatenate([ew, jnp.ones((n,), dtype=ew.dtype)])
    deg = jnp.zeros((n,), dtype=ew.dtype).at[d].add(w)
    dinv = jnp.where(deg > 0, deg ** -0.5, 0.0)
    norm = dinv[s] * w * dinv[d]
    xw = x @ W
    msg = xw[s] * norm[:, None]
    out = jnp.zeros((n, W.shape[1]), dtype=x.dtype).at[d].add(msg)
    return out + b


def _forward(x, edge_index, edge_weight, H, params):
    (Wz, bz, Lz, lbz, Wr, br, Lr, lbr, Wh, bh, Lh, lbh, Wlin, blin) = params
    src, dst = edge_index[0], edge_index[1]
    cz = _gcn(x, src, dst, edge_weight, Wz, bz)
    Z = jax.nn.sigmoid(jnp.concatenate([cz, H], axis=1) @ Lz + lbz)
    cr = _gcn(x, src, dst, edge_weight, Wr, br)
    R = jax.nn.sigmoid(jnp.concatenate([cr, H], axis=1) @ Lr + lbr)
    ch = _gcn(x, src, dst, edge_weight, Wh, bh)
    Ht = jnp.tanh(jnp.concatenate([ch, H * R], axis=1) @ Lh + lbh)
    Hn = Z * H + (1.0 - Z) * Ht
    y = jax.nn.relu(Hn) @ Wlin + blin
    return (y, Hn)


def setup_inputs(seed: int = 0):
    key = jax.random.key(seed)
    ks = jax.random.split(key, 24)
    inp = {}
    inp["x"] = jax.random.normal(ks[0], (N, C), dtype=jnp.float32)
    inp["edge_index"] = jax.random.randint(ks[1], (2, E), 0, N, dtype=jnp.int32)
    inp["edge_weight"] = jax.random.uniform(ks[2], (E,), dtype=jnp.float32)
    inp["prev_hidden_state"] = jax.random.normal(ks[3], (N, C), dtype=jnp.float32)
    s = 1.0 / np.sqrt(C)
    names = ["Wz", "bz", "Lz", "lbz", "Wr", "br", "Lr", "lbr", "Wh", "bh", "Lh", "lbh", "Wlin", "blin"]
    shapes = [(C, C), (C,), (2 * C, C), (C,), (C, C), (C,), (2 * C, C), (C,), (C, C), (C,), (2 * C, C), (C,), (C, C), (C,)]
    for i, (nm, sh) in enumerate(zip(names, shapes)):
        inp[nm] = jax.random.uniform(ks[4 + i], sh, dtype=jnp.float32, minval=-s, maxval=s)
    return inp


def reference(x, edge_index, edge_weight, prev_hidden_state, Wz, bz, Lz, lbz, Wr, br, Lr, lbr, Wh, bh, Lh, lbh, Wlin, blin):
    params = (Wz, bz, Lz, lbz, Wr, br, Lr, lbr, Wh, bh, Lh, lbh, Wlin, blin)
    return _forward(x, edge_index, edge_weight, prev_hidden_state, params)

if __name__ == "__main__":
    import jax
    _d = setup_inputs()
    print(jax.jit(kernel)(*tuple(_d.values())))

</pallas_src>

<mosaic_0001>
#map = affine_map<(d0, d1) -> (0, 0, 0)>
#map1 = affine_map<(d0, d1) -> (0, 0)>
module attributes {stable_mosaic.version = 14 : i64} {
  func.func @_sc_body(%arg0: i32, %arg1: i32, %arg2: memref<16x84x128xi32, #tpu.memory_space<hbm>>, %arg3: memref<16x84x128xi32, #tpu.memory_space<hbm>>, %arg4: memref<16x84x128xf32, #tpu.memory_space<hbm>>, %arg5: memref<20000x128xf32, #tpu.memory_space<hbm>>, %arg6: memref<2x10240x128xf32, #tpu.memory_space<hbm>>, %arg7: memref<10240x128xf32, #tpu.memory_space<vmem_shared>>, %arg8: memref<10240xf32, #tpu.memory_space<vmem_shared>>, %arg9: memref<10240xf32, #tpu.memory_space<vmem>>, %arg10: memref<128x128xf32, #tpu.memory_space<vmem>>, %arg11: memref<128x128xf32, #tpu.memory_space<vmem>>, %arg12: memref<128xi32, #tpu.memory_space<vmem>>, %arg13: memref<128xi32, #tpu.memory_space<vmem>>, %arg14: memref<128xi32, #tpu.memory_space<vmem>>, %arg15: memref<128xf32, #tpu.memory_space<vmem>>, %arg16: memref<128xi32, #tpu.memory_space<vmem>>, %arg17: memref<128xi32, #tpu.memory_space<vmem>>, %arg18: memref<128xi32, #tpu.memory_space<vmem>>, %arg19: memref<128xf32, #tpu.memory_space<vmem>>, %arg20: memref<3x128xi32, #tpu.memory_space<vmem>>, %arg21: memref<3x128xf32, #tpu.memory_space<vmem>>, %arg22: memref<3x128xi32, #tpu.memory_space<vmem>>, %arg23: memref<3x128xf32, #tpu.memory_space<vmem>>, %arg24: memref<128xf32, #tpu.memory_space<vmem>>, %arg25: memref<640xf32, #tpu.memory_space<vmem>>, %arg26: memref<!tpu.dma_semaphore, #tpu.memory_space<semaphore_mem>>, %arg27: memref<!tpu.dma_semaphore, #tpu.memory_space<semaphore_mem>>, %arg28: memref<!tpu.dma_semaphore, #tpu.memory_space<semaphore_mem>>, %arg29: memref<!tpu.dma_semaphore, #tpu.memory_space<semaphore_mem>>, %arg30: memref<!tpu.dma_semaphore, #tpu.memory_space<semaphore_mem>>, %arg31: memref<!tpu.dma_semaphore, #tpu.memory_space<semaphore_mem>>, %arg32: memref<!tpu.dma_semaphore, #tpu.memory_space<semaphore_mem>>, %arg33: memref<!tpu.dma_semaphore, #tpu.memory_space<semaphore_mem>>) attributes {dimension_semantics = [#tpu.dimension_semantics<core_parallel>, #tpu.dimension_semantics<subcore_parallel>], iteration_bounds = array<i64: 2, 16>, scalar_prefetch = 0 : i64, scratch_operands = 27 : i64, tpu.core_type = #tpu.core_type<sc_vector_subcore>, window_params = [{transform_indices = #map}, {transform_indices = #map}, {transform_indices = #map}, {transform_indices = #map1}, {transform_indices = #map}]} {
    %mul3A = arith.constant 640 : i32
    %mul3A_0 = arith.muli %arg1, %mul3A : i32
    %broadcast_in_dim3A = arith.constant 0.000000e+00 : f32
    %broadcast_in_dim3A_1 = vector.broadcast %broadcast_in_dim3A : f32 to vector<16xf32>
    %broadcast_in_dim3A_2 = arith.constant 0 : i32
    %broadcast_in_dim3A_3 = vector.broadcast %broadcast_in_dim3A_2 : i32 to vector<16xi32>
    %add3A = vector.broadcast %arg0 : i32 to vector<16xi32>
    %add3A_4 = arith.addi %broadcast_in_dim3A_3, %add3A : vector<16xi32>
    %dma_start3A = arith.constant 0 : i32
    %dma_start3A_5 = arith.constant 0 : i32
    %dma_start3A_6 = arith.constant 0 : i32
    %dma_start3A_7 = tpu.memref_slice %arg20[%dma_start3A_5, %dma_start3A_6] : memref<3x128xi32, #tpu.memory_space<vmem>> -> memref<1x128xi32, #tpu.memory_space<vmem>>
    %dma_start3A_8 = tpu.memref_squeeze %dma_start3A_7 : memref<1x128xi32, #tpu.memory_space<vmem>> -> memref<128xi32, #tpu.memory_space<vmem>>
    %dma_start3A_9 = arith.constant 0 : i32
    %dma_start3A_10 = tpu.memref_slice %arg3[%arg1, %dma_start3A, %dma_start3A_9] : memref<16x84x128xi32, #tpu.memory_space<hbm>> -> memref<1x1x128xi32, #tpu.memory_space<hbm>>
    %dma_start3A_11 = tpu.memref_squeeze %dma_start3A_10 : memref<1x1x128xi32, #tpu.memory_space<hbm>> -> memref<128xi32, #tpu.memory_space<hbm>>
    %dma_start3A_12 = arith.constant 0 : i32
    %dma_start3A_13 = tpu.memref_slice %arg20[%dma_start3A_5, %dma_start3A_12] : memref<3x128xi32, #tpu.memory_space<vmem>> -> memref<1x128xi32, #tpu.memory_space<vmem>>
    %dma_start3A_14 = tpu.memref_squeeze %dma_start3A_13 : memref<1x128xi32, #tpu.memory_space<vmem>> -> memref<128xi32, #tpu.memory_space<vmem>>
    %dma_start3A_15 = arith.constant 0 : i32
    %dma_start3A_16 = tpu.memref_slice %arg3[%arg1, %dma_start3A, %dma_start3A_15] : memref<16x84x128xi32, #tpu.memory_space<hbm>> -> memref<1x1x128xi32, #tpu.memory_space<hbm>>
    %dma_start3A_17 = tpu.memref_squeeze %dma_start3A_16 : memref<1x1x128xi32, #tpu.memory_space<hbm>> -> memref<128xi32, #tpu.memory_space<hbm>>
    tpu.enqueue_dma source(%dma_start3A_17 : memref<128xi32, #tpu.memory_space<hbm>>) target(%dma_start3A_14 : memref<128xi32, #tpu.memory_space<vmem>>) target_semaphore(%arg30 : memref<!tpu.dma_semaphore, #tpu.memory_space<semaphore_mem>>)
    %dma_start3A_18 = arith.constant 0 : i32
    %dma_start3A_19 = arith.constant 0 : i32
    %dma_start3A_20 = arith.constant 0 : i32
    %dma_start3A_21 = tpu.memref_slice %arg21[%dma_start3A_19, %dma_start3A_20] : memref<3x128xf32, #tpu.memory_space<vmem>> -> memref<1x128xf32, #tpu.memory_space<vmem>>
    %dma_start3A_22 = tpu.memref_squeeze %dma_start3A_21 : memref<1x128xf32, #tpu.memory_space<vmem>> -> memref<128xf32, #tpu.memory_space<vmem>>
    %dma_start3A_23 = arith.constant 0 : i32
    %dma_start3A_24 = tpu.memref_slice %arg4[%arg1, %dma_start3A_18, %dma_start3A_23] : memref<16x84x128xf32, #tpu.memory_space<hbm>> -> memref<1x1x128xf32, #tpu.memory_space<hbm>>
    %dma_start3A_25 = tpu.memref_squeeze %dma_start3A_24 : memref<1x1x128xf32, #tpu.memory_space<hbm>> -> memref<128xf32, #tpu.memory_space<hbm>>
    %dma_start3A_26 = arith.constant 0 : i32
    %dma_start3A_27 = tpu.memref_slice %arg21[%dma_start3A_19, %dma_start3A_26] : memref<3x128xf32, #tpu.memory_space<vmem>> -> memref<1x128xf32, #tpu.memory_space<vmem>>
    %dma_start3A_28 = tpu.memref_squeeze %dma_start3A_27 : memref<1x128xf32, #tpu.memory_space<vmem>> -> memref<128xf32, #tpu.memory_space<vmem>>
    %dma_start3A_29 = arith.constant 0 : i32
    %dma_start3A_30 = tpu.memref_slice %arg4[%arg1, %dma_start3A_18, %dma_start3A_29] : memref<16x84x128xf32, #tpu.memory_space<hbm>> -> memref<1x1x128xf32, #tpu.memory_space<hbm>>
    %dma_start3A_31 = tpu.memref_squeeze %dma_start3A_30 : memref<1x1x128xf32, #tpu.memory_space<hbm>> -> memref<128xf32, #tpu.memory_space<hbm>>
    tpu.enqueue_dma source(%dma_start3A_31 : memref<128xf32, #tpu.memory_space<hbm>>) target(%dma_start3A_28 : memref<128xf32, #tpu.memory_space<vmem>>) target_semaphore(%arg30 : memref<!tpu.dma_semaphore, #tpu.memory_space<semaphore_mem>>)
    %dma_start3A_32 = arith.constant 1 : i32
    %dma_start3A_33 = arith.constant 1 : i32
    %dma_start3A_34 = arith.constant 0 : i32
    %dma_start3A_35 = tpu.memref_slice %arg20[%dma_start3A_33, %dma_start3A_34] : memref<3x128xi32, #tpu.memory_space<vmem>> -> memref<1x128xi32, #tpu.memory_space<vmem>>
    %dma_start3A_36 = tpu.memref_squeeze %dma_start3A_35 : memref<1x128xi32, #tpu.memory_space<vmem>> -> memref<128xi32, #tpu.memory_space<vmem>>
    %dma_start3A_37 = arith.constant 0 : i32
    %dma_start3A_38 = tpu.memref_slice %arg3[%arg1, %dma_start3A_32, %dma_start3A_37] : memref<16x84x128xi32, #tpu.memory_space<hbm>> -> memref<1x1x128xi32, #tpu.memory_space<hbm>>
    %dma_start3A_39 = tpu.memref_squeeze %dma_start3A_38 : memref<1x1x128xi32, #tpu.memory_space<hbm>> -> memref<128xi32, #tpu.memory_space<hbm>>
    %dma_start3A_40 = arith.constant 0 : i32
    %dma_start3A_41 = tpu.memref_slice %arg20[%dma_start3A_33, %dma_start3A_40] : memref<3x128xi32, #tpu.memory_space<vmem>> -> memref<1x128xi32, #tpu.memory_space<vmem>>
    %dma_start3A_42 = tpu.memref_squeeze %dma_start3A_41 : memref<1x128xi32, #tpu.memory_space<vmem>> -> memref<128xi32, #tpu.memory_space<vmem>>
    %dma_start3A_43 = arith.constant 0 : i32
    %dma_start3A_44 = tpu.memref_slice %arg3[%arg1, %dma_start3A_32, %dma_start3A_43] : memref<16x84x128xi32, #tpu.memory_space<hbm>> -> memref<1x1x128xi32, #tpu.memory_space<hbm>>
    %dma_start3A_45 = tpu.memref_squeeze %dma_start3A_44 : memref<1x1x128xi32, #tpu.memory_space<hbm>> -> memref<128xi32, #tpu.memory_space<hbm>>
    tpu.enqueue_dma source(%dma_start3A_45 : memref<128xi32, #tpu.memory_space<hbm>>) target(%dma_start3A_42 : memref<128xi32, #tpu.memory_space<vmem>>) target_semaphore(%arg30 : memref<!tpu.dma_semaphore, #tpu.memory_space<semaphore_mem>>)
    %dma_start3A_46 = arith.constant 1 : i32
    %dma_start3A_47 = arith.constant 1 : i32
    %dma_start3A_48 = arith.constant 0 : i32
    %dma_start3A_49 = tpu.memref_slice %arg21[%dma_start3A_47, %dma_start3A_48] : memref<3x128xf32, #tpu.memory_space<vmem>> -> memref<1x128xf32, #tpu.memory_space<vmem>>
    %dma_start3A_50 = tpu.memref_squeeze %dma_start3A_49 : memref<1x128xf32, #tpu.memory_space<vmem>> -> memref<128xf32, #tpu.memory_space<vmem>>
    %dma_start3A_51 = arith.constant 0 : i32
    %dma_start3A_52 = tpu.memref_slice %arg4[%arg1, %dma_start3A_46, %dma_start3A_51] : memref<16x84x128xf32, #tpu.memory_space<hbm>> -> memref<1x1x128xf32, #tpu.memory_space<hbm>>
    %dma_start3A_53 = tpu.memref_squeeze %dma_start3A_52 : memref<1x1x128xf32, #tpu.memory_space<hbm>> -> memref<128xf32, #tpu.memory_space<hbm>>
    %dma_start3A_54 = arith.constant 0 : i32
    %dma_start3A_55 = tpu.memref_slice %arg21[%dma_start3A_47, %dma_start3A_54] : memref<3x128xf32, #tpu.memory_space<vmem>> -> memref<1x128xf32, #tpu.memory_space<vmem>>
    %dma_start3A_56 = tpu.memref_squeeze %dma_start3A_55 : memref<1x128xf32, #tpu.memory_space<vmem>> -> memref<128xf32, #tpu.memory_space<vmem>>
    %dma_start3A_57 = arith.constant 0 : i32
    %dma_start3A_58 = tpu.memref_slice %arg4[%arg1, %dma_start3A_46, %dma_start3A_57] : memref<16x84x128xf32, #tpu.memory_space<hbm>> -> memref<1x1x128xf32, #tpu.memory_space<hbm>>
    %dma_start3A_59 = tpu.memref_squeeze %dma_start3A_58 : memref<1x1x128xf32, #tpu.memory_space<hbm>> -> memref<128xf32, #tpu.memory_space<hbm>>
    tpu.enqueue_dma source(%dma_start3A_59 : memref<128xf32, #tpu.memory_space<hbm>>) target(%dma_start3A_56 : memref<128xf32, #tpu.memory_space<vmem>>) target_semaphore(%arg30 : memref<!tpu.dma_semaphore, #tpu.memory_space<semaphore_mem>>)
    %dma_start3A_60 = arith.constant 2 : i32
    %dma_start3A_61 = arith.constant 2 : i32
    %dma_start3A_62 = arith.constant 0 : i32
    %dma_start3A_63 = tpu.memref_slice %arg20[%dma_start3A_61, %dma_start3A_62] : memref<3x128xi32, #tpu.memory_space<vmem>> -> memref<1x128xi32, #tpu.memory_space<vmem>>
    %dma_start3A_64 = tpu.memref_squeeze %dma_start3A_63 : memref<1x128xi32, #tpu.memory_space<vmem>> -> memref<128xi32, #tpu.memory_space<vmem>>
    %dma_start3A_65 = arith.constant 0 : i32
    %dma_start3A_66 = tpu.memref_slice %arg3[%arg1, %dma_start3A_60, %dma_start3A_65] : memref<16x84x128xi32, #tpu.memory_space<hbm>> -> memref<1x1x128xi32, #tpu.memory_space<hbm>>
    %dma_start3A_67 = tpu.memref_squeeze %dma_start3A_66 : memref<1x1x128xi32, #tpu.memory_space<hbm>> -> memref<128xi32, #tpu.memory_space<hbm>>
    %dma_start3A_68 = arith.constant 0 : i32
    %dma_start3A_69 = tpu.memref_slice %arg20[%dma_start3A_61, %dma_start3A_68] : memref<3x128xi32, #tpu.memory_space<vmem>> -> memref<1x128xi32, #tpu.memory_space<vmem>>
    %dma_start3A_70 = tpu.memref_squeeze %dma_start3A_69 : memref<1x128xi32, #tpu.memory_space<vmem>> -> memref<128xi32, #tpu.memory_space<vmem>>
    %dma_start3A_71 = arith.constant 0 : i32
    %dma_start3A_72 = tpu.memref_slice %arg3[%arg1, %dma_start3A_60, %dma_start3A_71] : memref<16x84x128xi32, #tpu.memory_space<hbm>> -> memref<1x1x128xi32, #tpu.memory_space<hbm>>
    %dma_start3A_73 = tpu.memref_squeeze %dma_start3A_72 : memref<1x1x128xi32, #tpu.memory_space<hbm>> -> memref<128xi32, #tpu.memory_space<hbm>>
    tpu.enqueue_dma source(%dma_start3A_73 : memref<128xi32, #tpu.memory_space<hbm>>) target(%dma_start3A_70 : memref<128xi32, #tpu.memory_space<vmem>>) target_semaphore(%arg30 : memref<!tpu.dma_semaphore, #tpu.memory_space<semaphore_mem>>)
    %dma_start3A_74 = arith.constant 2 : i32
    %dma_start3A_75 = arith.constant 2 : i32
    %dma_start3A_76 = arith.constant 0 : i32
    %dma_start3A_77 = tpu.memref_slice %arg21[%dma_start3A_75, %dma_start3A_76] : memref<3x128xf32, #tpu.memory_space<vmem>> -> memref<1x128xf32, #tpu.memory_space<vmem>>
    %dma_start3A_78 = tpu.memref_squeeze %dma_start3A_77 : memref<1x128xf32, #tpu.memory_space<vmem>> -> memref<128xf32, #tpu.memory_space<vmem>>
    %dma_start3A_79 = arith.constant 0 : i32
    %dma_start3A_80 = tpu.memref_slice %arg4[%arg1, %dma_start3A_74, %dma_start3A_79] : memref<16x84x128xf32, #tpu.memory_space<hbm>> -> memref<1x1x128xf32, #tpu.memory_space<hbm>>
    %dma_start3A_81 = tpu.memref_squeeze %dma_start3A_80 : memref<1x1x128xf32, #tpu.memory_space<hbm>> -> memref<128xf32, #tpu.memory_space<hbm>>
    %dma_start3A_82 = arith.constant 0 : i32
    %dma_start3A_83 = tpu.memref_slice %arg21[%dma_start3A_75, %dma_start3A_82] : memref<3x128xf32, #tpu.memory_space<vmem>> -> memref<1x128xf32, #tpu.memory_space<vmem>>
    %dma_start3A_84 = tpu.memref_squeeze %dma_start3A_83 : memref<1x128xf32, #tpu.memory_space<vmem>> -> memref<128xf32, #tpu.memory_space<vmem>>
    %dma_start3A_85 = arith.constant 0 : i32
    %dma_start3A_86 = tpu.memref_slice %arg4[%arg1, %dma_start3A_74, %dma_start3A_85] : memref<16x84x128xf32, #tpu.memory_space<hbm>> -> memref<1x1x128xf32, #tpu.memory_space<hbm>>
    %dma_start3A_87 = tpu.memref_squeeze %dma_start3A_86 : memref<1x1x128xf32, #tpu.memory_space<hbm>> -> memref<128xf32, #tpu.memory_space<hbm>>
    tpu.enqueue_dma source(%dma_start3A_87 : memref<128xf32, #tpu.memory_space<hbm>>) target(%dma_start3A_84 : memref<128xf32, #tpu.memory_space<vmem>>) target_semaphore(%arg30 : memref<!tpu.dma_semaphore, #tpu.memory_space<semaphore_mem>>)
    %dma_start3A_88 = arith.constant 3 : i32
    %dma_start3A_89 = arith.constant 0 : i32
    %dma_start3A_90 = arith.constant 0 : i32
    %dma_start3A_91 = tpu.memref_slice %arg22[%dma_start3A_89, %dma_start3A_90] : memref<3x128xi32, #tpu.memory_space<vmem>> -> memref<1x128xi32, #tpu.memory_space<vmem>>
    %dma_start3A_92 = tpu.memref_squeeze %dma_start3A_91 : memref<1x128xi32, #tpu.memory_space<vmem>> -> memref<128xi32, #tpu.memory_space<vmem>>
    %dma_start3A_93 = arith.constant 0 : i32
    %dma_start3A_94 = tpu.memref_slice %arg3[%arg1, %dma_start3A_88, %dma_start3A_93] : memref<16x84x128xi32, #tpu.memory_space<hbm>> -> memref<1x1x128xi32, #tpu.memory_space<hbm>>
    %dma_start3A_95 = tpu.memref_squeeze %dma_start3A_94 : memref<1x1x128xi32, #tpu.memory_space<hbm>> -> memref<128xi32, #tpu.memory_space<hbm>>
    %dma_start3A_96 = arith.constant 0 : i32
    %dma_start3A_97 = tpu.memref_slice %arg22[%dma_start3A_89, %dma_start3A_96] : memref<3x128xi32, #tpu.memory_space<vmem>> -> memref<1x128xi32, #tpu.memory_space<vmem>>
    %dma_start3A_98 = tpu.memref_squeeze %dma_start3A_97 : memref<1x128xi32, #tpu.memory_space<vmem>> -> memref<128xi32, #tpu.memory_space<vmem>>
    %dma_start3A_99 = arith.constant 0 : i32
    %dma_start3A_100 = tpu.memref_slice %arg3[%arg1, %dma_start3A_88, %dma_start3A_99] : memref<16x84x128xi32, #tpu.memory_space<hbm>> -> memref<1x1x128xi32, #tpu.memory_space<hbm>>
    %dma_start3A_101 = tpu.memref_squeeze %dma_start3A_100 : memref<1x1x128xi32, #tpu.memory_space<hbm>> -> memref<128xi32, #tpu.memory_space<hbm>>
    tpu.enqueue_dma source(%dma_start3A_101 : memref<128xi32, #tpu.memory_space<hbm>>) target(%dma_start3A_98 : memref<128xi32, #tpu.memory_space<vmem>>) target_semaphore(%arg31 : memref<!tpu.dma_semaphore, #tpu.memory_space<semaphore_mem>>)
    %dma_start3A_102 = arith.constant 3 : i32
    %dma_start3A_103 = arith.constant 0 : i32
    %dma_start3A_104 = arith.constant 0 : i32
    %dma_start3A_105 = tpu.memref_slice %arg23[%dma_start3A_103, %dma_start3A_104] : memref<3x128xf32, #tpu.memory_space<vmem>> -> memref<1x128xf32, #tpu.memory_space<vmem>>
    %dma_start3A_106 = tpu.memref_squeeze %dma_start3A_105 : memref<1x128xf32, #tpu.memory_space<vmem>> -> memref<128xf32, #tpu.memory_space<vmem>>
    %dma_start3A_107 = arith.constant 0 : i32
    %dma_start3A_108 = tpu.memref_slice %arg4[%arg1, %dma_start3A_102, %dma_start3A_107] : memref<16x84x128xf32, #tpu.memory_space<hbm>> -> memref<1x1x128xf32, #tpu.memory_space<hbm>>
    %dma_start3A_109 = tpu.memref_squeeze %dma_start3A_108 : memref<1x1x128xf32, #tpu.memory_space<hbm>> -> memref<128xf32, #tpu.memory_space<hbm>>
    %dma_start3A_110 = arith.constant 0 : i32
    %dma_start3A_111 = tpu.memref_slice %arg23[%dma_start3A_103, %dma_start3A_110] : memref<3x128xf32, #tpu.memory_space<vmem>> -> memref<1x128xf32, #tpu.memory_space<vmem>>
    %dma_start3A_112 = tpu.memref_squeeze %dma_start3A_111 : memref<1x128xf32, #tpu.memory_space<vmem>> -> memref<128xf32, #tpu.memory_space<vmem>>
    %dma_start3A_113 = arith.constant 0 : i32
    %dma_start3A_114 = tpu.memref_slice %arg4[%arg1, %dma_start3A_102, %dma_start3A_113] : memref<16x84x128xf32, #tpu.memory_space<hbm>> -> memref<1x1x128xf32, #tpu.memory_space<hbm>>
    %dma_start3A_115 = tpu.memref_squeeze %dma_start3A_114 : memref<1x1x128xf32, #tpu.memory_space<hbm>> -> memref<128xf32, #tpu.memory_space<hbm>>
    tpu.enqueue_dma source(%dma_start3A_115 : memref<128xf32, #tpu.memory_space<hbm>>) target(%dma_start3A_112 : memref<128xf32, #tpu.memory_space<vmem>>) target_semaphore(%arg31 : memref<!tpu.dma_semaphore, #tpu.memory_space<semaphore_mem>>)
    %dma_start3A_116 = arith.constant 4 : i32
    %dma_start3A_117 = arith.constant 1 : i32
    %dma_start3A_118 = arith.constant 0 : i32
    %dma_start3A_119 = tpu.memref_slice %arg22[%dma_start3A_117, %dma_start3A_118] : memref<3x128xi32, #tpu.memory_space<vmem>> -> memref<1x128xi32, #tpu.memory_space<vmem>>
    %dma_start3A_120 = tpu.memref_squeeze %dma_start3A_119 : memref<1x128xi32, #tpu.memory_space<vmem>> -> memref<128xi32, #tpu.memory_space<vmem>>
    %dma_start3A_121 = arith.constant 0 : i32
    %dma_start3A_122 = tpu.memref_slice %arg3[%arg1, %dma_start3A_116, %dma_start3A_121] : memref<16x84x128xi32, #tpu.memory_space<hbm>> -> memref<1x1x128xi32, #tpu.memory_space<hbm>>
    %dma_start3A_123 = tpu.memref_squeeze %dma_start3A_122 : memref<1x1x128xi32, #tpu.memory_space<hbm>> -> memref<128xi32, #tpu.memory_space<hbm>>
    %dma_start3A_124 = arith.constant 0 : i32
    %dma_start3A_125 = tpu.memref_slice %arg22[%dma_start3A_117, %dma_start3A_124] : memref<3x128xi32, #tpu.memory_space<vmem>> -> memref<1x128xi32, #tpu.memory_space<vmem>>
    %dma_start3A_126 = tpu.memref_squeeze %dma_start3A_125 : memref<1x128xi32, #tpu.memory_space<vmem>> -> memref<128xi32, #tpu.memory_space<vmem>>
    %dma_start3A_127 = arith.constant 0 : i32
    %dma_start3A_128 = tpu.memref_slice %arg3[%arg1, %dma_start3A_116, %dma_start3A_127] : memref<16x84x128xi32, #tpu.memory_space<hbm>> -> memref<1x1x128xi32, #tpu.memory_space<hbm>>
    %dma_start3A_129 = tpu.memref_squeeze %dma_start3A_128 : memref<1x1x128xi32, #tpu.memory_space<hbm>> -> memref<128xi32, #tpu.memory_space<hbm>>
    tpu.enqueue_dma source(%dma_start3A_129 : memref<128xi32, #tpu.memory_space<hbm>>) target(%dma_start3A_126 : memref<128xi32, #tpu.memory_space<vmem>>) target_semaphore(%arg31 : memref<!tpu.dma_semaphore, #tpu.memory_space<semaphore_mem>>)
    %dma_start3A_130 = arith.constant 4 : i32
    %dma_start3A_131 = arith.constant 1 : i32
    %dma_start3A_132 = arith.constant 0 : i32
    %dma_start3A_133 = tpu.memref_slice %arg23[%dma_start3A_131, %dma_start3A_132] : memref<3x128xf32, #tpu.memory_space<vmem>> -> memref<1x128xf32, #tpu.memory_space<vmem>>
    %dma_start3A_134 = tpu.memref_squeeze %dma_start3A_133 : memref<1x128xf32, #tpu.memory_space<vmem>> -> memref<128xf32, #tpu.memory_space<vmem>>
    %dma_start3A_135 = arith.constant 0 : i32
    %dma_start3A_136 = tpu.memref_slice %arg4[%arg1, %dma_start3A_130, %dma_start3A_135] : memref<16x84x128xf32, #tpu.memory_space<hbm>> -> memref<1x1x128xf32, #tpu.memory_space<hbm>>
    %dma_start3A_137 = tpu.memref_squeeze %dma_start3A_136 : memref<1x1x128xf32, #tpu.memory_space<hbm>> -> memref<128xf32, #tpu.memory_space<hbm>>
    %dma_start3A_138 = arith.constant 0 : i32
    %dma_start3A_139 = tpu.memref_slice %arg23[%dma_start3A_131, %dma_start3A_138] : memref<3x128xf32, #tpu.memory_space<vmem>> -> memref<1x128xf32, #tpu.memory_space<vmem>>
    %dma_start3A_140 = tpu.memref_squeeze %dma_start3A_139 : memref<1x128xf32, #tpu.memory_space<vmem>> -> memref<128xf32, #tpu.memory_space<vmem>>
    %dma_start3A_141 = arith.constant 0 : i32
    %dma_start3A_142 = tpu.memref_slice %arg4[%arg1, %dma_start3A_130, %dma_start3A_141] : memref<16x84x128xf32, #tpu.memory_space<hbm>> -> memref<1x1x128xf32, #tpu.memory_space<hbm>>
    %dma_start3A_143 = tpu.memref_squeeze %dma_start3A_142 : memref<1x1x128xf32, #tpu.memory_space<hbm>> -> memref<128xf32, #tpu.memory_space<hbm>>
    tpu.enqueue_dma source(%dma_start3A_143 : memref<128xf32, #tpu.memory_space<hbm>>) target(%dma_start3A_140 : memref<128xf32, #tpu.memory_space<vmem>>) target_semaphore(%arg31 : memref<!tpu.dma_semaphore, #tpu.memory_space<semaphore_mem>>)
    %dma_start3A_144 = arith.constant 5 : i32
    %dma_start3A_145 = arith.constant 2 : i32
    %dma_start3A_146 = arith.constant 0 : i32
    %dma_start3A_147 = tpu.memref_slice %arg22[%dma_start3A_145, %dma_start3A_146] : memref<3x128xi32, #tpu.memory_space<vmem>> -> memref<1x128xi32, #tpu.memory_space<vmem>>
    %dma_start3A_148 = tpu.memref_squeeze %dma_start3A_147 : memref<1x128xi32, #tpu.memory_space<vmem>> -> memref<128xi32, #tpu.memory_space<vmem>>
    %dma_start3A_149 = arith.constant 0 : i32
    %dma_start3A_150 = tpu.memref_slice %arg3[%arg1, %dma_start3A_144, %dma_start3A_149] : memref<16x84x128xi32, #tpu.memory_space<hbm>> -> memref<1x1x128xi32, #tpu.memory_space<hbm>>
    %dma_start3A_151 = tpu.memref_squeeze %dma_start3A_150 : memref<1x1x128xi32, #tpu.memory_space<hbm>> -> memref<128xi32, #tpu.memory_space<hbm>>
    %dma_start3A_152 = arith.constant 0 : i32
    %dma_start3A_153 = tpu.memref_slice %arg22[%dma_start3A_145, %dma_start3A_152] : memref<3x128xi32, #tpu.memory_space<vmem>> -> memref<1x128xi32, #tpu.memory_space<vmem>>
    %dma_start3A_154 = tpu.memref_squeeze %dma_start3A_153 : memref<1x128xi32, #tpu.memory_space<vmem>> -> memref<128xi32, #tpu.memory_space<vmem>>
    %dma_start3A_155 = arith.constant 0 : i32
    %dma_start3A_156 = tpu.memref_slice %arg3[%arg1, %dma_start3A_144, %dma_start3A_155] : memref<16x84x128xi32, #tpu.memory_space<hbm>> -> memref<1x1x128xi32, #tpu.memory_space<hbm>>
    %dma_start3A_157 = tpu.memref_squeeze %dma_start3A_156 : memref<1x1x128xi32, #tpu.memory_space<hbm>> -> memref<128xi32, #tpu.memory_space<hbm>>
    tpu.enqueue_dma source(%dma_start3A_157 : memref<128xi32, #tpu.memory_space<hbm>>) target(%dma_start3A_154 : memref<128xi32, #tpu.memory_space<vmem>>) target_semaphore(%arg31 : memref<!tpu.dma_semaphore, #tpu.memory_space<semaphore_mem>>)
    %dma_start3A_158 = arith.constant 5 : i32
    %dma_start3A_159 = arith.constant 2 : i32
    %dma_start3A_160 = arith.constant 0 : i32
    %dma_start3A_161 = tpu.memref_slice %arg23[%dma_start3A_159, %dma_start3A_160] : memref<3x128xf32, #tpu.memory_space<vmem>> -> memref<1x128xf32, #tpu.memory_space<vmem>>
    %dma_start3A_162 = tpu.memref_squeeze %dma_start3A_161 : memref<1x128xf32, #tpu.memory_space<vmem>> -> memref<128xf32, #tpu.memory_space<vmem>>
    %dma_start3A_163 = arith.constant 0 : i32
    %dma_start3A_164 = tpu.memref_slice %arg4[%arg1, %dma_start3A_158, %dma_start3A_163] : memref<16x84x128xf32, #tpu.memory_space<hbm>> -> memref<1x1x128xf32, #tpu.memory_space<hbm>>
    %dma_start3A_165 = tpu.memref_squeeze %dma_start3A_164 : memref<1x1x128xf32, #tpu.memory_space<hbm>> -> memref<128xf32, #tpu.memory_space<hbm>>
    %dma_start3A_166 = arith.constant 0 : i32
    %dma_start3A_167 = tpu.memref_slice %arg23[%dma_start3A_159, %dma_start3A_166] : memref<3x128xf32, #tpu.memory_space<vmem>> -> memref<1x128xf32, #tpu.memory_space<vmem>>
    %dma_start3A_168 = tpu.memref_squeeze %dma_start3A_167 : memref<1x128xf32, #tpu.memory_space<vmem>> -> memref<128xf32, #tpu.memory_space<vmem>>
    %dma_start3A_169 = arith.constant 0 : i32
    %dma_start3A_170 = tpu.memref_slice %arg4[%arg1, %dma_start3A_158, %dma_start3A_169] : memref<16x84x128xf32, #tpu.memory_space<hbm>> -> memref<1x1x128xf32, #tpu.memory_space<hbm>>
    %dma_start3A_171 = tpu.memref_squeeze %dma_start3A_170 : memref<1x1x128xf32, #tpu.memory_space<hbm>> -> memref<128xf32, #tpu.memory_space<hbm>>
    tpu.enqueue_dma source(%dma_start3A_171 : memref<128xf32, #tpu.memory_space<hbm>>) target(%dma_start3A_168 : memref<128xf32, #tpu.memory_space<vmem>>) target_semaphore(%arg31 : memref<!tpu.dma_semaphore, #tpu.memory_space<semaphore_mem>>)
    %scan3A = arith.constant 0 : i32
    %scan3A_172 = arith.constant 0 : i32
    %scan3A_173 = arith.constant 40 : i32
    %scan3A_174 = arith.addi %scan3A_172, %scan3A_173 : i32
    %scan3A_175 = arith.constant 1 : i32
    %scan3A_176 = scf.for %scan3A_290 = %scan3A_172 to %scan3A_174 step %scan3A_175 iter_args(%scan3A_291 = %scan3A) -> (i32)  : i32 {
      %mul3A_292 = arith.constant 16 : i32
      %mul3A_293 = arith.muli %scan3A_290, %mul3A_292 : i32
      %swap3A_294 = arith.index_cast %mul3A_293 : i32 to index
      %swap3A_295 = tpu.vector_load %arg25[%swap3A_294] {strides = array<i32>} : memref<640xf32, #tpu.memory_space<vmem>>, vector<16xf32>,
      tpu.vector_store %arg25[%swap3A_294], %broadcast_in_dim3A_1 {strides = array<i32>} : memref<640xf32, #tpu.memory_space<vmem>>, vector<16xf32>,
      %scan3A_296 = arith.constant 0 : i32
      scf.yield %scan3A_296 : i32
    }
    %scan3A_177 = arith.constant 40 : i32
    %scan3A_178 = arith.constant 0 : i32
    %scan3A_179 = arith.constant 0 : i32
    %scan3A_180 = arith.constant 128 : i32
    %scan3A_181 = arith.addi %scan3A_179, %scan3A_180 : i32
    %scan3A_182 = arith.constant 1 : i32
    %scan3A_183 = scf.for %scan3A_290 = %scan3A_179 to %scan3A_181 step %scan3A_182 iter_args(%scan3A_291 = %scan3A_178) -> (i32)  : i32 {
      %swap3A_292 = arith.index_cast %scan3A_290 : i32 to index
      %swap3A_293 = arith.constant 0 : index
      %swap3A_294 = tpu.vector_load %arg10[%swap3A_292, %swap3A_293] {strides = array<i32>} : memref<128x128xf32, #tpu.memory_space<vmem>>, vector<16xf32>,
      tpu.vector_store %arg10[%swap3A_292, %swap3A_293], %broadcast_in_dim3A_1 {strides = array<i32>} : memref<128x128xf32, #tpu.memory_space<vmem>>, vector<16xf32>,
      %swap3A_295 = arith.index_cast %scan3A_290 : i32 to index
      %swap3A_296 = arith.constant 16 : index
      %swap3A_297 = tpu.vector_load %arg10[%swap3A_295, %swap3A_296] {strides = array<i32>} : memref<128x128xf32, #tpu.memory_space<vmem>>, vector<16xf32>,
      tpu.vector_store %arg10[%swap3A_295, %swap3A_296], %broadcast_in_dim3A_1 {strides = array<i32>} : memref<128x128xf32, #tpu.memory_space<vmem>>, vector<16xf32>,
      %swap3A_298 = arith.index_cast %scan3A_290 : i32 to index
      %swap3A_299 = arith.constant 32 : index
      %swap3A_300 = tpu.vector_load %arg10[%swap3A_298, %swap3A_299] {strides = array<i32>} : memref<128x128xf32, #tpu.memory_space<vmem>>, vector<16xf32>,
      tpu.vector_store %arg10[%swap3A_298, %swap3A_299], %broadcast_in_dim3A_1 {strides = array<i32>} : memref<128x128xf32, #tpu.memory_space<vmem>>, vector<16xf32>,
      %swap3A_301 = arith.index_cast %scan3A_290 : i32 to index
      %swap3A_302 = arith.constant 48 : index
      %swap3A_303 = tpu.vector_load %arg10[%swap3A_301, %swap3A_302] {strides = array<i32>} : memref<128x128xf32, #tpu.memory_space<vmem>>, vector<16xf32>,
      tpu.vector_store %arg10[%swap3A_301, %swap3A_302], %broadcast_in_dim3A_1 {strides = array<i32>} : memref<128x128xf32, #tpu.memory_space<vmem>>, vector<16xf32>,
      %swap3A_304 = arith.index_cast %scan3A_290 : i32 to index
      %swap3A_305 = arith.constant 64 : index
      %swap3A_306 = tpu.vector_load %arg10[%swap3A_304, %swap3A_305] {strides = array<i32>} : memref<128x128xf32, #tpu.memory_space<vmem>>, vector<16xf32>,
      tpu.vector_store %arg10[%swap3A_304, %swap3A_305], %broadcast_in_dim3A_1 {strides = array<i32>} : memref<128x128xf32, #tpu.memory_space<vmem>>, vector<16xf32>,
      %swap3A_307 = arith.index_cast %scan3A_290 : i32 to index
      %swap3A_308 = arith.constant 80 : index
      %swap3A_309 = tpu.vector_load %arg10[%swap3A_307, %swap3A_308] {strides = array<i32>} : memref<128x128xf32, #tpu.memory_space<vmem>>, vector<16xf32>,
      tpu.vector_store %arg10[%swap3A_307, %swap3A_308], %broadcast_in_dim3A_1 {strides = array<i32>} : memref<128x128xf32, #tpu.memory_space<vmem>>, vector<16xf32>,
      %swap3A_310 = arith.index_cast %scan3A_290 : i32 to index
      %swap3A_311 = arith.constant 96 : index
      %swap3A_312 = tpu.vector_load %arg10[%swap3A_310, %swap3A_311] {strides = array<i32>} : memref<128x128xf32, #tpu.memory_space<vmem>>, vector<16xf32>,
      tpu.vector_store %arg10[%swap3A_310, %swap3A_311], %broadcast_in_dim3A_1 {strides = array<i32>} : memref<128x128xf32, #tpu.memory_space<vmem>>, vector<16xf32>,
      %swap3A_313 = arith.index_cast %scan3A_290 : i32 to index
      %swap3A_314 = arith.constant 112 : index
      %swap3A_315 = tpu.vector_load %arg10[%swap3A_313, %swap3A_314] {strides = array<i32>} : memref<128x128xf32, #tpu.memory_space<vmem>>, vector<16xf32>,
      tpu.vector_store %arg10[%swap3A_313, %swap3A_314], %broadcast_in_dim3A_1 {strides = array<i32>} : memref<128x128xf32, #tpu.memory_space<vmem>>, vector<16xf32>,
      %scan3A_316 = arith.constant 0 : i32
      scf.yield %scan3A_316 : i32
    }
    %scan3A_184 = arith.constant 128 : i32
    "tpu.region"() ({
      %run_scoped3A_290 = tpu.sem_alloc : memref<!tpu.dma_semaphore, #tpu.memory_space<semaphore_mem>>
      %dma_start3A_291 = tpu.memref_slice %arg8[%mul3A_0] : memref<10240xf32, #tpu.memory_space<vmem_shared>> -> memref<640xf32, #tpu.memory_space<vmem_shared>>
      %dma_start3A_292 = tpu.memref_slice %arg8[%mul3A_0] : memref<10240xf32, #tpu.memory_space<vmem_shared>> -> memref<640xf32, #tpu.memory_space<vmem_shared>>
      tpu.enqueue_dma source(%arg25 : memref<640xf32, #tpu.memory_space<vmem>>) target(%dma_start3A_292 : memref<640xf32, #tpu.memory_space<vmem_shared>>) target_semaphore(%run_scoped3A_290 : memref<!tpu.dma_semaphore, #tpu.memory_space<semaphore_mem>>)
      %dma_wait3A_293 = tpu.memref_slice %arg8[%mul3A_0] : memref<10240xf32, #tpu.memory_space<vmem_shared>> -> memref<640xf32, #tpu.memory_space<vmem_shared>>
      %dma_wait3A_294 = tpu.memref_slice %arg8[%mul3A_0] : memref<10240xf32, #tpu.memory_space<vmem_shared>> -> memref<640xf32, #tpu.memory_space<vmem_shared>>
      tpu.wait_dma2 semaphore(%run_scoped3A_290 : memref<!tpu.dma_semaphore, #tpu.memory_space<semaphore_mem>>) src(%arg25 : memref<640xf32, #tpu.memory_space<vmem>>) dst(%dma_wait3A_294 : memref<640xf32, #tpu.memory_space<vmem_shared>>)
      tpu.yield
    }) : () -> ()
    %add3A_185 = arith.constant 0 : i32
    %add3A_186 = arith.addi %mul3A_0, %add3A_185 : i32
    "tpu.region"() ({
      %run_scoped3A_290 = tpu.sem_alloc : memref<!tpu.dma_semaphore, #tpu.memory_space<semaphore_mem>>
      %dma_start3A_291 = arith.constant 0 : i32
      %dma_start3A_292 = tpu.memref_slice %arg7[%add3A_186, %dma_start3A_291] : memref<10240x128xf32, #tpu.memory_space<vmem_shared>> -> memref<128x128xf32, #tpu.memory_space<vmem_shared>>
      %dma_start3A_293 = arith.constant 0 : i32
      %dma_start3A_294 = tpu.memref_slice %arg7[%add3A_186, %dma_start3A_293] : memref<10240x128xf32, #tpu.memory_space<vmem_shared>> -> memref<128x128xf32, #tpu.memory_space<vmem_shared>>
      tpu.enqueue_dma source(%arg10 : memref<128x128xf32, #tpu.memory_space<vmem>>) target(%dma_start3A_294 : memref<128x128xf32, #tpu.memory_space<vmem_shared>>) target_semaphore(%run_scoped3A_290 : memref<!tpu.dma_semaphore, #tpu.memory_space<semaphore_mem>>)
      %dma_wait3A_295 = arith.constant 0 : i32
      %dma_wait3A_296 = tpu.memref_slice %arg7[%add3A_186, %dma_wait3A_295] : memref<10240x128xf32, #tpu.memory_space<vmem_shared>> -> memref<128x128xf32, #tpu.memory_space<vmem_shared>>
      %dma_wait3A_297 = arith.constant 0 : i32
      %dma_wait3A_298 = tpu.memref_slice %arg7[%add3A_186, %dma_wait3A_297] : memref<10240x128xf32, #tpu.memory_space<vmem_shared>> -> memref<128x128xf32, #tpu.memory_space<vmem_shared>>
      tpu.wait_dma2 semaphore(%run_scoped3A_290 : memref<!tpu.dma_semaphore, #tpu.memory_space<semaphore_mem>>) src(%arg10 : memref<128x128xf32, #tpu.memory_space<vmem>>) dst(%dma_wait3A_298 : memref<128x128xf32, #tpu.memory_space<vmem_shared>>)
      tpu.yield
    }) : () -> ()
    %add3A_187 = arith.constant 128 : i32
    %add3A_188 = arith.addi %mul3A_0, %add3A_187 : i32
    "tpu.region"() ({
      %run_scoped3A_290 = tpu.sem_alloc : memref<!tpu.dma_semaphore, #tpu.memory_space<semaphore_mem>>
      %dma_start3A_291 = arith.constant 0 : i32
      %dma_start3A_292 = tpu.memref_slice %arg7[%add3A_188, %dma_start3A_291] : memref<10240x128xf32, #tpu.memory_space<vmem_shared>> -> memref<128x128xf32, #tpu.memory_space<vmem_shared>>
      %dma_start3A_293 = arith.constant 0 : i32
      %dma_start3A_294 = tpu.memref_slice %arg7[%add3A_188, %dma_start3A_293] : memref<10240x128xf32, #tpu.memory_space<vmem_shared>> -> memref<128x128xf32, #tpu.memory_space<vmem_shared>>
      tpu.enqueue_dma source(%arg10 : memref<128x128xf32, #tpu.memory_space<vmem>>) target(%dma_start3A_294 : memref<128x128xf32, #tpu.memory_space<vmem_shared>>) target_semaphore(%run_scoped3A_290 : memref<!tpu.dma_semaphore, #tpu.memory_space<semaphore_mem>>)
      %dma_wait3A_295 = arith.constant 0 : i32
      %dma_wait3A_296 = tpu.memref_slice %arg7[%add3A_188, %dma_wait3A_295] : memref<10240x128xf32, #tpu.memory_space<vmem_shared>> -> memref<128x128xf32, #tpu.memory_space<vmem_shared>>
      %dma_wait3A_297 = arith.constant 0 : i32
      %dma_wait3A_298 = tpu.memref_slice %arg7[%add3A_188, %dma_wait3A_297] : memref<10240x128xf32, #tpu.memory_space<vmem_shared>> -> memref<128x128xf32, #tpu.memory_space<vmem_shared>>
      tpu.wait_dma2 semaphore(%run_scoped3A_290 : memref<!tpu.dma_semaphore, #tpu.memory_space<semaphore_mem>>) src(%arg10 : memref<128x128xf32, #tpu.memory_space<vmem>>) dst(%dma_wait3A_298 : memref<128x128xf32, #tpu.memory_space<vmem_shared>>)
      tpu.yield
    }) : () -> ()
    %add3A_189 = arith.constant 256 : i32
    %add3A_190 = arith.addi %mul3A_0, %add3A_189 : i32
    "tpu.region"() ({
      %run_scoped3A_290 = tpu.sem_alloc : memref<!tpu.dma_semaphore, #tpu.memory_space<semaphore_mem>>
      %dma_start3A_291 = arith.constant 0 : i32
      %dma_start3A_292 = tpu.memref_slice %arg7[%add3A_190, %dma_start3A_291] : memref<10240x128xf32, #tpu.memory_space<vmem_shared>> -> memref<128x128xf32, #tpu.memory_space<vmem_shared>>
      %dma_start3A_293 = arith.constant 0 : i32
      %dma_start3A_294 = tpu.memref_slice %arg7[%add3A_190, %dma_start3A_293] : memref<10240x128xf32, #tpu.memory_space<vmem_shared>> -> memref<128x128xf32, #tpu.memory_space<vmem_shared>>
      tpu.enqueue_dma source(%arg10 : memref<128x128xf32, #tpu.memory_space<vmem>>) target(%dma_start3A_294 : memref<128x128xf32, #tpu.memory_space<vmem_shared>>) target_semaphore(%run_scoped3A_290 : memref<!tpu.dma_semaphore, #tpu.memory_space<semaphore_mem>>)
      %dma_wait3A_295 = arith.constant 0 : i32
      %dma_wait3A_296 = tpu.memref_slice %arg7[%add3A_190, %dma_wait3A_295] : memref<10240x128xf32, #tpu.memory_space<vmem_shared>> -> memref<128x128xf32, #tpu.memory_space<vmem_shared>>
      %dma_wait3A_297 = arith.constant 0 : i32
      %dma_wait3A_298 = tpu.memref_slice %arg7[%add3A_190, %dma_wait3A_297] : memref<10240x128xf32, #tpu.memory_space<vmem_shared>> -> memref<128x128xf32, #tpu.memory_space<vmem_shared>>
      tpu.wait_dma2 semaphore(%run_scoped3A_290 : memref<!tpu.dma_semaphore, #tpu.memory_space<semaphore_mem>>) src(%arg10 : memref<128x128xf32, #tpu.memory_space<vmem>>) dst(%dma_wait3A_298 : memref<128x128xf32, #tpu.memory_space<vmem_shared>>)
      tpu.yield
    }) : () -> ()
    %add3A_191 = arith.constant 384 : i32
    %add3A_192 = arith.addi %mul3A_0, %add3A_191 : i32
    "tpu.region"() ({
      %run_scoped3A_290 = tpu.sem_alloc : memref<!tpu.dma_semaphore, #tpu.memory_space<semaphore_mem>>
      %dma_start3A_291 = arith.constant 0 : i32
      %dma_start3A_292 = tpu.memref_slice %arg7[%add3A_192, %dma_start3A_291] : memref<10240x128xf32, #tpu.memory_space<vmem_shared>> -> memref<128x128xf32, #tpu.memory_space<vmem_shared>>
      %dma_start3A_293 = arith.constant 0 : i32
      %dma_start3A_294 = tpu.memref_slice %arg7[%add3A_192, %dma_start3A_293] : memref<10240x128xf32, #tpu.memory_space<vmem_shared>> -> memref<128x128xf32, #tpu.memory_space<vmem_shared>>
      tpu.enqueue_dma source(%arg10 : memref<128x128xf32, #tpu.memory_space<vmem>>) target(%dma_start3A_294 : memref<128x128xf32, #tpu.memory_space<vmem_shared>>) target_semaphore(%run_scoped3A_290 : memref<!tpu.dma_semaphore, #tpu.memory_space<semaphore_mem>>)
      %dma_wait3A_295 = arith.constant 0 : i32
      %dma_wait3A_296 = tpu.memref_slice %arg7[%add3A_192, %dma_wait3A_295] : memref<10240x128xf32, #tpu.memory_space<vmem_shared>> -> memref<128x128xf32, #tpu.memory_space<vmem_shared>>
      %dma_wait3A_297 = arith.constant 0 : i32
      %dma_wait3A_298 = tpu.memref_slice %arg7[%add3A_192, %dma_wait3A_297] : memref<10240x128xf32, #tpu.memory_space<vmem_shared>> -> memref<128x128xf32, #tpu.memory_space<vmem_shared>>
      tpu.wait_dma2 semaphore(%run_scoped3A_290 : memref<!tpu.dma_semaphore, #tpu.memory_space<semaphore_mem>>) src(%arg10 : memref<128x128xf32, #tpu.memory_space<vmem>>) dst(%dma_wait3A_298 : memref<128x128xf32, #tpu.memory_space<vmem_shared>>)
      tpu.yield
    }) : () -> ()
    %add3A_193 = arith.constant 512 : i32
    %add3A_194 = arith.addi %mul3A_0, %add3A_193 : i32
    "tpu.region"() ({
      %run_scoped3A_290 = tpu.sem_alloc : memref<!tpu.dma_semaphore, #tpu.memory_space<semaphore_mem>>
      %dma_start3A_291 = arith.constant 0 : i32
      %dma_start3A_292 = tpu.memref_slice %arg7[%add3A_194, %dma_start3A_291] : memref<10240x128xf32, #tpu.memory_space<vmem_shared>> -> memref<128x128xf32, #tpu.memory_space<vmem_shared>>
      %dma_start3A_293 = arith.constant 0 : i32
      %dma_start3A_294 = tpu.memref_slice %arg7[%add3A_194, %dma_start3A_293] : memref<10240x128xf32, #tpu.memory_space<vmem_shared>> -> memref<128x128xf32, #tpu.memory_space<vmem_shared>>
      tpu.enqueue_dma source(%arg10 : memref<128x128xf32, #tpu.memory_space<vmem>>) target(%dma_start3A_294 : memref<128x128xf32, #tpu.memory_space<vmem_shared>>) target_semaphore(%run_scoped3A_290 : memref<!tpu.dma_semaphore, #tpu.memory_space<semaphore_mem>>)
      %dma_wait3A_295 = arith.constant 0 : i32
      %dma_wait3A_296 = tpu.memref_slice %arg7[%add3A_194, %dma_wait3A_295] : memref<10240x128xf32, #tpu.memory_space<vmem_shared>> -> memref<128x128xf32, #tpu.memory_space<vmem_shared>>
      %dma_wait3A_297 = arith.constant 0 : i32
      %dma_wait3A_298 = tpu.memref_slice %arg7[%add3A_194, %dma_wait3A_297] : memref<10240x128xf32, #tpu.memory_space<vmem_shared>> -> memref<128x128xf32, #tpu.memory_space<vmem_shared>>
      tpu.wait_dma2 semaphore(%run_scoped3A_290 : memref<!tpu.dma_semaphore, #tpu.memory_space<semaphore_mem>>) src(%arg10 : memref<128x128xf32, #tpu.memory_space<vmem>>) dst(%dma_wait3A_298 : memref<128x128xf32, #tpu.memory_space<vmem_shared>>)
      tpu.yield
    }) : () -> ()
    %barrier3A = arith.constant 0 : index
    tpu.barrier barrier_id(%barrier3A)
    %scan3A_195 = arith.constant 0 : i32
    %scan3A_196 = arith.constant 0 : i32
    %scan3A_197 = arith.constant 14 : i32
    %scan3A_198 = arith.addi %scan3A_196, %scan3A_197 : i32
    %scan3A_199 = arith.constant 1 : i32
    %scan3A_200 = scf.for %scan3A_290 = %scan3A_196 to %scan3A_198 step %scan3A_199 iter_args(%scan3A_291 = %scan3A_195) -> (i32)  : i32 {
      %mul3A_292 = arith.constant 2 : i32
      %mul3A_293 = arith.muli %mul3A_292, %scan3A_290 : i32
      %dma_wait3A_294 = arith.constant 0 : i32
      %dma_wait3A_295 = arith.constant 0 : i32
      %dma_wait3A_296 = arith.constant 0 : i32
      %dma_wait3A_297 = tpu.memref_slice %arg20[%dma_wait3A_295, %dma_wait3A_296] : memref<3x128xi32, #tpu.memory_space<vmem>> -> memref<1x128xi32, #tpu.memory_space<vmem>>
      %dma_wait3A_298 = tpu.memref_squeeze %dma_wait3A_297 : memref<1x128xi32, #tpu.memory_space<vmem>> -> memref<128xi32, #tpu.memory_space<vmem>>
      %dma_wait3A_299 = arith.constant 0 : i32
      %dma_wait3A_300 = tpu.memref_slice %arg3[%arg1, %dma_wait3A_294, %dma_wait3A_299] : memref<16x84x128xi32, #tpu.memory_space<hbm>> -> memref<1x1x128xi32, #tpu.memory_space<hbm>>
      %dma_wait3A_301 = tpu.memref_squeeze %dma_wait3A_300 : memref<1x1x128xi32, #tpu.memory_space<hbm>> -> memref<128xi32, #tpu.memory_space<hbm>>
      %dma_wait3A_302 = arith.constant 0 : i32
      %dma_wait3A_303 = tpu.memref_slice %arg20[%dma_wait3A_295, %dma_wait3A_302] : memref<3x128xi32, #tpu.memory_space<vmem>> -> memref<1x128xi32, #tpu.memory_space<vmem>>
      %dma_wait3A_304 = tpu.memref_squeeze %dma_wait3A_303 : memref<1x128xi32, #tpu.memory_space<vmem>> -> memref<128xi32, #tpu.memory_space<vmem>>
      %dma_wait3A_305 = arith.constant 0 : i32
      %dma_wait3A_306 = tpu.memref_slice %arg3[%arg1, %dma_wait3A_294, %dma_wait3A_305] : memref<16x84x128xi32, #tpu.memory_space<hbm>> -> memref<1x1x128xi32, #tpu.memory_space<hbm>>
      %dma_wait3A_307 = tpu.memref_squeeze %dma_wait3A_306 : memref<1x1x128xi32, #tpu.memory_space<hbm>> -> memref<128xi32, #tpu.memory_space<hbm>>
      tpu.wait_dma2 semaphore(%arg30 : memref<!tpu.dma_semaphore, #tpu.memory_space<semaphore_mem>>) src(%dma_wait3A_307 : memref<128xi32, #tpu.memory_space<hbm>>) dst(%dma_wait3A_304 : memref<128xi32, #tpu.memory_space<vmem>>)
      %dma_wait3A_308 = arith.constant 0 : i32
      %dma_wait3A_309 = arith.constant 0 : i32
      %dma_wait3A_310 = arith.constant 0 : i32
      %dma_wait3A_311 = tpu.memref_slice %arg21[%dma_wait3A_309, %dma_wait3A_310] : memref<3x128xf32, #tpu.memory_space<vmem>> -> memref<1x128xf32, #tpu.memory_space<vmem>>
      %dma_wait3A_312 = tpu.memref_squeeze %dma_wait3A_311 : memref<1x128xf32, #tpu.memory_space<vmem>> -> memref<128xf32, #tpu.memory_space<vmem>>
      %dma_wait3A_313 = arith.constant 0 : i32
      %dma_wait3A_314 = tpu.memref_slice %arg4[%arg1, %dma_wait3A_308, %dma_wait3A_313] : memref<16x84x128xf32, #tpu.memory_space<hbm>> -> memref<1x1x128xf32, #tpu.memory_space<hbm>>
      %dma_wait3A_315 = tpu.memref_squeeze %dma_wait3A_314 : memref<1x1x128xf32, #tpu.memory_space<hbm>> -> memref<128xf32, #tpu.memory_space<hbm>>
      %dma_wait3A_316 = arith.constant 0 : i32
      %dma_wait3A_317 = tpu.memref_slice %arg21[%dma_wait3A_309, %dma_wait3A_316] : memref<3x128xf32, #tpu.memory_space<vmem>> -> memref<1x128xf32, #tpu.memory_space<vmem>>
      %dma_wait3A_318 = tpu.memref_squeeze %dma_wait3A_317 : memref<1x128xf32, #tpu.memory_space<vmem>> -> memref<128xf32, #tpu.memory_space<vmem>>
      %dma_wait3A_319 = arith.constant 0 : i32
      %dma_wait3A_320 = tpu.memref_slice %arg4[%arg1, %dma_wait3A_308, %dma_wait3A_319] : memref<16x84x128xf32, #tpu.memory_space<hbm>> -> memref<1x1x128xf32, #tpu.memory_space<hbm>>
      %dma_wait3A_321 = tpu.memref_squeeze %dma_wait3A_320 : memref<1x1x128xf32, #tpu.memory_space<hbm>> -> memref<128xf32, #tpu.memory_space<hbm>>
      tpu.wait_dma2 semaphore(%arg30 : memref<!tpu.dma_semaphore, #tpu.memory_space<semaphore_mem>>) src(%dma_wait3A_321 : memref<128xf32, #tpu.memory_space<hbm>>) dst(%dma_wait3A_318 : memref<128xf32, #tpu.memory_space<vmem>>)
      %dma_wait3A_322 = arith.constant 0 : i32
      %dma_wait3A_323 = arith.constant 1 : i32
      %dma_wait3A_324 = arith.constant 0 : i32
      %dma_wait3A_325 = tpu.memref_slice %arg20[%dma_wait3A_323, %dma_wait3A_324] : memref<3x128xi32, #tpu.memory_space<vmem>> -> memref<1x128xi32, #tpu.memory_space<vmem>>
      %dma_wait3A_326 = tpu.memref_squeeze %dma_wait3A_325 : memref<1x128xi32, #tpu.memory_space<vmem>> -> memref<128xi32, #tpu.memory_space<vmem>>
      %dma_wait3A_327 = arith.constant 0 : i32
      %dma_wait3A_328 = tpu.memref_slice %arg3[%arg1, %dma_wait3A_322, %dma_wait3A_327] : memref<16x84x128xi32, #tpu.memory_space<hbm>> -> memref<1x1x128xi32, #tpu.memory_space<hbm>>
      %dma_wait3A_329 = tpu.memref_squeeze %dma_wait3A_328 : memref<1x1x128xi32, #tpu.memory_space<hbm>> -> memref<128xi32, #tpu.memory_space<hbm>>
      %dma_wait3A_330 = arith.constant 0 : i32
      %dma_wait3A_331 = tpu.memref_slice %arg20[%dma_wait3A_323, %dma_wait3A_330] : memref<3x128xi32, #tpu.memory_space<vmem>> -> memref<1x128xi32, #tpu.memory_space<vmem>>
      %dma_wait3A_332 = tpu.memref_squeeze %dma_wait3A_331 : memref<1x128xi32, #tpu.memory_space<vmem>> -> memref<128xi32, #tpu.memory_space<vmem>>
      %dma_wait3A_333 = arith.constant 0 : i32
      %dma_wait3A_334 = tpu.memref_slice %arg3[%arg1, %dma_wait3A_322, %dma_wait3A_333] : memref<16x84x128xi32, #tpu.memory_space<hbm>> -> memref<1x1x128xi32, #tpu.memory_space<hbm>>
      %dma_wait3A_335 = tpu.memref_squeeze %dma_wait3A_334 : memref<1x1x128xi32, #tpu.memory_space<hbm>> -> memref<128xi32, #tpu.memory_space<hbm>>
      tpu.wait_dma2 semaphore(%arg30 : memref<!tpu.dma_semaphore, #tpu.memory_space<semaphore_mem>>) src(%dma_wait3A_335 : memref<128xi32, #tpu.memory_space<hbm>>) dst(%dma_wait3A_332 : memref<128xi32, #tpu.memory_space<vmem>>)
      %dma_wait3A_336 = arith.constant 0 : i32
      %dma_wait3A_337 = arith.constant 1 : i32
      %dma_wait3A_338 = arith.constant 0 : i32
      %dma_wait3A_339 = tpu.memref_slice %arg21[%dma_wait3A_337, %dma_wait3A_338] : memref<3x128xf32, #tpu.memory_space<vmem>> -> memref<1x128xf32, #tpu.memory_space<vmem>>
      %dma_wait3A_340 = tpu.memref_squeeze %dma_wait3A_339 : memref<1x128xf32, #tpu.memory_space<vmem>> -> memref<128xf32, #tpu.memory_space<vmem>>
      %dma_wait3A_341 = arith.constant 0 : i32
      %dma_wait3A_342 = tpu.memref_slice %arg4[%arg1, %dma_wait3A_336, %dma_wait3A_341] : memref<16x84x128xf32, #tpu.memory_space<hbm>> -> memref<1x1x128xf32, #tpu.memory_space<hbm>>
      %dma_wait3A_343 = tpu.memref_squeeze %dma_wait3A_342 : memref<1x1x128xf32, #tpu.memory_space<hbm>> -> memref<128xf32, #tpu.memory_space<hbm>>
      %dma_wait3A_344 = arith.constant 0 : i32
      %dma_wait3A_345 = tpu.memref_slice %arg21[%dma_wait3A_337, %dma_wait3A_344] : memref<3x128xf32, #tpu.memory_space<vmem>> -> memref<1x128xf32, #tpu.memory_space<vmem>>
      %dma_wait3A_346 = tpu.memref_squeeze %dma_wait3A_345 : memref<1x128xf32, #tpu.memory_space<vmem>> -> memref<128xf32, #tpu.memory_space<vmem>>
      %dma_wait3A_347 = arith.constant 0 : i32
      %dma_wait3A_348 = tpu.memref_slice %arg4[%arg1, %dma_wait3A_336, %dma_wait3A_347] : memref<16x84x128xf32, #tpu.memory_space<hbm>> -> memref<1x1x128xf32, #tpu.memory_space<hbm>>
      %dma_wait3A_349 = tpu.memref_squeeze %dma_wait3A_348 : memref<1x1x128xf32, #tpu.memory_space<hbm>> -> memref<128xf32, #tpu.memory_space<hbm>>
      tpu.wait_dma2 semaphore(%arg30 : memref<!tpu.dma_semaphore, #tpu.memory_space<semaphore_mem>>) src(%dma_wait3A_349 : memref<128xf32, #tpu.memory_space<hbm>>) dst(%dma_wait3A_346 : memref<128xf32, #tpu.memory_space<vmem>>)
      %dma_wait3A_350 = arith.constant 0 : i32
      %dma_wait3A_351 = arith.constant 2 : i32
      %dma_wait3A_352 = arith.constant 0 : i32
      %dma_wait3A_353 = tpu.memref_slice %arg20[%dma_wait3A_351, %dma_wait3A_352] : memref<3x128xi32, #tpu.memory_space<vmem>> -> memref<1x128xi32, #tpu.memory_space<vmem>>
      %dma_wait3A_354 = tpu.memref_squeeze %dma_wait3A_353 : memref<1x128xi32, #tpu.memory_space<vmem>> -> memref<128xi32, #tpu.memory_space<vmem>>
      %dma_wait3A_355 = arith.constant 0 : i32
      %dma_wait3A_356 = tpu.memref_slice %arg3[%arg1, %dma_wait3A_350, %dma_wait3A_355] : memref<16x84x128xi32, #tpu.memory_space<hbm>> -> memref<1x1x128xi32, #tpu.memory_space<hbm>>
      %dma_wait3A_357 = tpu.memref_squeeze %dma_wait3A_356 : memref<1x1x128xi32, #tpu.memory_space<hbm>> -> memref<128xi32, #tpu.memory_space<hbm>>
      %dma_wait3A_358 = arith.constant 0 : i32
      %dma_wait3A_359 = tpu.memref_slice %arg20[%dma_wait3A_351, %dma_wait3A_358] : memref<3x128xi32, #tpu.memory_space<vmem>> -> memref<1x128xi32, #tpu.memory_space<vmem>>
      %dma_wait3A_360 = tpu.memref_squeeze %dma_wait3A_359 : memref<1x128xi32, #tpu.memory_space<vmem>> -> memref<128xi32, #tpu.memory_space<vmem>>
      %dma_wait3A_361 = arith.constant 0 : i32
      %dma_wait3A_362 = tpu.memref_slice %arg3[%arg1, %dma_wait3A_350, %dma_wait3A_361] : memref<16x84x128xi32, #tpu.memory_space<hbm>> -> memref<1x1x128xi32, #tpu.memory_space<hbm>>
      %dma_wait3A_363 = tpu.memref_squeeze %dma_wait3A_362 : memref<1x1x128xi32, #tpu.memory_space<hbm>> -> memref<128xi32, #tpu.memory_space<hbm>>
      tpu.wait_dma2 semaphore(%arg30 : memref<!tpu.dma_semaphore, #tpu.memory_space<semaphore_mem>>) src(%dma_wait3A_363 : memref<128xi32, #tpu.memory_space<hbm>>) dst(%dma_wait3A_360 : memref<128xi32, #tpu.memory_space<vmem>>)
      %dma_wait3A_364 = arith.constant 0 : i32
      %dma_wait3A_365 = arith.constant 2 : i32
      %dma_wait3A_366 = arith.constant 0 : i32
      %dma_wait3A_367 = tpu.memref_slice %arg21[%dma_wait3A_365, %dma_wait3A_366] : memref<3x128xf32, #tpu.memory_space<vmem>> -> memref<1x128xf32, #tpu.memory_space<vmem>>
      %dma_wait3A_368 = tpu.memref_squeeze %dma_wait3A_367 : memref<1x128xf32, #tpu.memory_space<vmem>> -> memref<128xf32, #tpu.memory_space<vmem>>
      %dma_wait3A_369 = arith.constant 0 : i32
      %dma_wait3A_370 = tpu.memref_slice %arg4[%arg1, %dma_wait3A_364, %dma_wait3A_369] : memref<16x84x128xf32, #tpu.memory_space<hbm>> -> memref<1x1x128xf32, #tpu.memory_space<hbm>>
      %dma_wait3A_371 = tpu.memref_squeeze %dma_wait3A_370 : memref<1x1x128xf32, #tpu.memory_space<hbm>> -> memref<128xf32, #tpu.memory_space<hbm>>
      %dma_wait3A_372 = arith.constant 0 : i32
      %dma_wait3A_373 = tpu.memref_slice %arg21[%dma_wait3A_365, %dma_wait3A_372] : memref<3x128xf32, #tpu.memory_space<vmem>> -> memref<1x128xf32, #tpu.memory_space<vmem>>
      %dma_wait3A_374 = tpu.memref_squeeze %dma_wait3A_373 : memref<1x128xf32, #tpu.memory_space<vmem>> -> memref<128xf32, #tpu.memory_space<vmem>>
      %dma_wait3A_375 = arith.constant 0 : i32
      %dma_wait3A_376 = tpu.memref_slice %arg4[%arg1, %dma_wait3A_364, %dma_wait3A_375] : memref<16x84x128xf32, #tpu.memory_space<hbm>> -> memref<1x1x128xf32, #tpu.memory_space<hbm>>
      %dma_wait3A_377 = tpu.memref_squeeze %dma_wait3A_376 : memref<1x1x128xf32, #tpu.memory_space<hbm>> -> memref<128xf32, #tpu.memory_space<hbm>>
      tpu.wait_dma2 semaphore(%arg30 : memref<!tpu.dma_semaphore, #tpu.memory_space<semaphore_mem>>) src(%dma_wait3A_377 : memref<128xf32, #tpu.memory_space<hbm>>) dst(%dma_wait3A_374 : memref<128xf32, #tpu.memory_space<vmem>>)
      %dma_start3A_378 = arith.constant 0 : i32
      %dma_start3A_379 = arith.constant 0 : i32
      %dma_start3A_380 = arith.constant 0 : i32
      %dma_start3A_381 = tpu.memref_slice %arg21[%dma_start3A_378, %dma_start3A_380] : memref<3x128xf32, #tpu.memory_space<vmem>> -> memref<1x128xf32, #tpu.memory_space<vmem>>
      %dma_start3A_382 = tpu.memref_squeeze %dma_start3A_381 : memref<1x128xf32, #tpu.memory_space<vmem>> -> memref<128xf32, #tpu.memory_space<vmem>>
      %dma_start3A_383 = arith.constant 0 : i32
      %dma_start3A_384 = tpu.memref_slice %arg20[%dma_start3A_379, %dma_start3A_383] : memref<3x128xi32, #tpu.memory_space<vmem>> -> memref<1x128xi32, #tpu.memory_space<vmem>>
      %dma_start3A_385 = tpu.memref_squeeze %dma_start3A_384 : memref<1x128xi32, #tpu.memory_space<vmem>> -> memref<128xi32, #tpu.memory_space<vmem>>
      %dma_start3A_386 = arith.constant 0 : i32
      %dma_start3A_387 = tpu.memref_slice %arg8[%dma_start3A_386] : memref<10240xf32, #tpu.memory_space<vmem_shared>> -> memref<10240xf32, #tpu.memory_space<vmem_shared>>
      tpu.enqueue_indirect_dma source(%dma_start3A_382 : memref<128xf32, #tpu.memory_space<vmem>>) target(%dma_start3A_387 : memref<10240xf32, #tpu.memory_space<vmem_shared>>) offsets(%dma_start3A_385 : memref<128xi32, #tpu.memory_space<vmem>>) semaphore(%arg28 : memref<!tpu.dma_semaphore, #tpu.memory_space<semaphore_mem>>) {add = true}
      %dma_start3A_388 = arith.constant 1 : i32
      %dma_start3A_389 = arith.constant 1 : i32
      %dma_start3A_390 = arith.constant 0 : i32
      %dma_start3A_391 = tpu.memref_slice %arg21[%dma_start3A_388, %dma_start3A_390] : memref<3x128xf32, #tpu.memory_space<vmem>> -> memref<1x128xf32, #tpu.memory_space<vmem>>
      %dma_start3A_392 = tpu.memref_squeeze %dma_start3A_391 : memref<1x128xf32, #tpu.memory_space<vmem>> -> memref<128xf32, #tpu.memory_space<vmem>>
      %dma_start3A_393 = arith.constant 0 : i32
      %dma_start3A_394 = tpu.memref_slice %arg20[%dma_start3A_389, %dma_start3A_393] : memref<3x128xi32, #tpu.memory_space<vmem>> -> memref<1x128xi32, #tpu.memory_space<vmem>>
      %dma_start3A_395 = tpu.memref_squeeze %dma_start3A_394 : memref<1x128xi32, #tpu.memory_space<vmem>> -> memref<128xi32, #tpu.memory_space<vmem>>
      %dma_start3A_396 = arith.constant 0 : i32
      %dma_start3A_397 = tpu.memref_slice %arg8[%dma_start3A_396] : memref<10240xf32, #tpu.memory_space<vmem_shared>> -> memref<10240xf32, #tpu.memory_space<vmem_shared>>
      tpu.enqueue_indirect_dma source(%dma_start3A_392 : memref<128xf32, #tpu.memory_space<vmem>>) target(%dma_start3A_397 : memref<10240xf32, #tpu.memory_space<vmem_shared>>) offsets(%dma_start3A_395 : memref<128xi32, #tpu.memory_space<vmem>>) semaphore(%arg28 : memref<!tpu.dma_semaphore, #tpu.memory_space<semaphore_mem>>) {add = true}
      %dma_start3A_398 = arith.constant 2 : i32
      %dma_start3A_399 = arith.constant 2 : i32
      %dma_start3A_400 = arith.constant 0 : i32
      %dma_start3A_401 = tpu.memref_slice %arg21[%dma_start3A_398, %dma_start3A_400] : memref<3x128xf32, #tpu.memory_space<vmem>> -> memref<1x128xf32, #tpu.memory_space<vmem>>
      %dma_start3A_402 = tpu.memref_squeeze %dma_start3A_401 : memref<1x128xf32, #tpu.memory_space<vmem>> -> memref<128xf32, #tpu.memory_space<vmem>>
      %dma_start3A_403 = arith.constant 0 : i32
      %dma_start3A_404 = tpu.memref_slice %arg20[%dma_start3A_399, %dma_start3A_403] : memref<3x128xi32, #tpu.memory_space<vmem>> -> memref<1x128xi32, #tpu.memory_space<vmem>>
      %dma_start3A_405 = tpu.memref_squeeze %dma_start3A_404 : memref<1x128xi32, #tpu.memory_space<vmem>> -> memref<128xi32, #tpu.memory_space<vmem>>
      %dma_start3A_406 = arith.constant 0 : i32
      %dma_start3A_407 = tpu.memref_slice %arg8[%dma_start3A_406] : memref<10240xf32, #tpu.memory_space<vmem_shared>> -> memref<10240xf32, #tpu.memory_space<vmem_shared>>
      tpu.enqueue_indirect_dma source(%dma_start3A_402 : memref<128xf32, #tpu.memory_space<vmem>>) target(%dma_start3A_407 : memref<10240xf32, #tpu.memory_space<vmem_shared>>) offsets(%dma_start3A_405 : memref<128xi32, #tpu.memory_space<vmem>>) semaphore(%arg28 : memref<!tpu.dma_semaphore, #tpu.memory_space<semaphore_mem>>) {add = true}
      %dma_wait3A_408 = arith.constant 0 : i32
      %dma_wait3A_409 = arith.constant 0 : i32
      %dma_wait3A_410 = arith.constant 0 : i32
      %dma_wait3A_411 = tpu.memref_slice %arg21[%dma_wait3A_408, %dma_wait3A_410] : memref<3x128xf32, #tpu.memory_space<vmem>> -> memref<1x128xf32, #tpu.memory_space<vmem>>
      %dma_wait3A_412 = tpu.memref_squeeze %dma_wait3A_411 : memref<1x128xf32, #tpu.memory_space<vmem>> -> memref<128xf32, #tpu.memory_space<vmem>>
      %dma_wait3A_413 = arith.constant 0 : i32
      %dma_wait3A_414 = tpu.memref_slice %arg20[%dma_wait3A_409, %dma_wait3A_413] : memref<3x128xi32, #tpu.memory_space<vmem>> -> memref<1x128xi32, #tpu.memory_space<vmem>>
      %dma_wait3A_415 = tpu.memref_squeeze %dma_wait3A_414 : memref<1x128xi32, #tpu.memory_space<vmem>> -> memref<128xi32, #tpu.memory_space<vmem>>
      %dma_wait3A_416 = arith.constant 0 : i32
      %dma_wait3A_417 = tpu.memref_slice %arg8[%dma_wait3A_416] : memref<10240xf32, #tpu.memory_space<vmem_shared>> -> memref<10240xf32, #tpu.memory_space<vmem_shared>>
      tpu.wait_indirect_dma semaphore(%arg28 : memref<!tpu.dma_semaphore, #tpu.memory_space<semaphore_mem>>) src(%dma_wait3A_412 : memref<128xf32, #tpu.memory_space<vmem>>) dst(%dma_wait3A_417 : memref<10240xf32, #tpu.memory_space<vmem_shared>>)
      %dma_wait3A_418 = arith.constant 1 : i32
      %dma_wait3A_419 = arith.constant 1 : i32
      %dma_wait3A_420 = arith.constant 0 : i32
      %dma_wait3A_421 = tpu.memref_slice %arg21[%dma_wait3A_418, %dma_wait3A_420] : memref<3x128xf32, #tpu.memory_space<vmem>> -> memref<1x128xf32, #tpu.memory_space<vmem>>
      %dma_wait3A_422 = tpu.memref_squeeze %dma_wait3A_421 : memref<1x128xf32, #tpu.memory_space<vmem>> -> memref<128xf32, #tpu.memory_space<vmem>>
      %dma_wait3A_423 = arith.constant 0 : i32
      %dma_wait3A_424 = tpu.memref_slice %arg20[%dma_wait3A_419, %dma_wait3A_423] : memref<3x128xi32, #tpu.memory_space<vmem>> -> memref<1x128xi32, #tpu.memory_space<vmem>>
      %dma_wait3A_425 = tpu.memref_squeeze %dma_wait3A_424 : memref<1x128xi32, #tpu.memory_space<vmem>> -> memref<128xi32, #tpu.memory_space<vmem>>
      %dma_wait3A_426 = arith.constant 0 : i32
      %dma_wait3A_427 = tpu.memref_slice %arg8[%dma_wait3A_426] : memref<10240xf32, #tpu.memory_space<vmem_shared>> -> memref<10240xf32, #tpu.memory_space<vmem_shared>>
      tpu.wait_indirect_dma semaphore(%arg28 : memref<!tpu.dma_semaphore, #tpu.memory_space<semaphore_mem>>) src(%dma_wait3A_422 : memref<128xf32, #tpu.memory_space<vmem>>) dst(%dma_wait3A_427 : memref<10240xf32, #tpu.memory_space<vmem_shared>>)
      %dma_wait3A_428 = arith.constant 2 : i32
      %dma_wait3A_429 = arith.constant 2 : i32
      %dma_wait3A_430 = arith.constant 0 : i32
      %dma_wait3A_431 = tpu.memref_slice %arg21[%dma_wait3A_428, %dma_wait3A_430] : memref<3x128xf32, #tpu.memory_space<vmem>> -> memref<1x128xf32, #tpu.memory_space<vmem>>
      %dma_wait3A_432 = tpu.memref_squeeze %dma_wait3A_431 : memref<1x128xf32, #tpu.memory_space<vmem>> -> memref<128xf32, #tpu.memory_space<vmem>>
      %dma_wait3A_433 = arith.constant 0 : i32
      %dma_wait3A_434 = tpu.memref_slice %arg20[%dma_wait3A_429, %dma_wait3A_433] : memref<3x128xi32, #tpu.memory_space<vmem>> -> memref<1x128xi32, #tpu.memory_space<vmem>>
      %dma_wait3A_435 = tpu.memref_squeeze %dma_wait3A_434 : memref<1x128xi32, #tpu.memory_space<vmem>> -> memref<128xi32, #tpu.memory_space<vmem>>
      %dma_wait3A_436 = arith.constant 0 : i32
      %dma_wait3A_437 = tpu.memref_slice %arg8[%dma_wait3A_436] : memref<10240xf32, #tpu.memory_space<vmem_shared>> -> memref<10240xf32, #tpu.memory_space<vmem_shared>>
      tpu.wait_indirect_dma semaphore(%arg28 : memref<!tpu.dma_semaphore, #tpu.memory_space<semaphore_mem>>) src(%dma_wait3A_432 : memref<128xf32, #tpu.memory_space<vmem>>) dst(%dma_wait3A_437 : memref<10240xf32, #tpu.memory_space<vmem_shared>>)
      %lt3A = arith.constant 13 : i32
      %lt3A_438 = arith.cmpi slt, %scan3A_290, %lt3A : i32
      %convert_element_type3A = arith.extui %lt3A_438 : i1 to i32
      %cond3A = arith.constant 0 : i32
      %cond3A_439 = arith.cmpi ne, %convert_element_type3A, %cond3A : i32
      scf.if %cond3A_439 {
        %add3A_590 = arith.constant 2 : i32
        %add3A_591 = arith.addi %mul3A_293, %add3A_590 : i32
        %mul3A_592 = arith.constant 3 : i32
        %mul3A_593 = arith.muli %add3A_591, %mul3A_592 : i32
        %add3A_594 = arith.constant 0 : i32
        %add3A_595 = arith.addi %mul3A_593, %add3A_594 : i32
        %dma_start3A_596 = arith.constant 0 : i32
        %dma_start3A_597 = arith.constant 0 : i32
        %dma_start3A_598 = tpu.memref_slice %arg20[%dma_start3A_596, %dma_start3A_597] : memref<3x128xi32, #tpu.memory_space<vmem>> -> memref<1x128xi32, #tpu.memory_space<vmem>>
        %dma_start3A_599 = tpu.memref_squeeze %dma_start3A_598 : memref<1x128xi32, #tpu.memory_space<vmem>> -> memref<128xi32, #tpu.memory_space<vmem>>
        %dma_start3A_600 = arith.constant 0 : i32
        %dma_start3A_601 = tpu.memref_slice %arg3[%arg1, %add3A_595, %dma_start3A_600] : memref<16x84x128xi32, #tpu.memory_space<hbm>> -> memref<1x1x128xi32, #tpu.memory_space<hbm>>
        %dma_start3A_602 = tpu.memref_squeeze %dma_start3A_601 : memref<1x1x128xi32, #tpu.memory_space<hbm>> -> memref<128xi32, #tpu.memory_space<hbm>>
        %dma_start3A_603 = arith.constant 0 : i32
        %dma_start3A_604 = tpu.memref_slice %arg20[%dma_start3A_596, %dma_start3A_603] : memref<3x128xi32, #tpu.memory_space<vmem>> -> memref<1x128xi32, #tpu.memory_space<vmem>>
        %dma_start3A_605 = tpu.memref_squeeze %dma_start3A_604 : memref<1x128xi32, #tpu.memory_space<vmem>> -> memref<128xi32, #tpu.memory_space<vmem>>
        %dma_start3A_606 = arith.constant 0 : i32
        %dma_start3A_607 = tpu.memref_slice %arg3[%arg1, %add3A_595, %dma_start3A_606] : memref<16x84x128xi32, #tpu.memory_space<hbm>> -> memref<1x1x128xi32, #tpu.memory_space<hbm>>
        %dma_start3A_608 = tpu.memref_squeeze %dma_start3A_607 : memref<1x1x128xi32, #tpu.memory_space<hbm>> -> memref<128xi32, #tpu.memory_space<hbm>>
        tpu.enqueue_dma source(%dma_start3A_608 : memref<128xi32, #tpu.memory_space<hbm>>) target(%dma_start3A_605 : memref<128xi32, #tpu.memory_space<vmem>>) target_semaphore(%arg30 : memref<!tpu.dma_semaphore, #tpu.memory_space<semaphore_mem>>)
        %mul3A_609 = arith.constant 3 : i32
        %mul3A_610 = arith.muli %add3A_591, %mul3A_609 : i32
        %add3A_611 = arith.constant 0 : i32
        %add3A_612 = arith.addi %mul3A_610, %add3A_611 : i32
        %dma_start3A_613 = arith.constant 0 : i32
        %dma_start3A_614 = arith.constant 0 : i32
        %dma_start3A_615 = tpu.memref_slice %arg21[%dma_start3A_613, %dma_start3A_614] : memref<3x128xf32, #tpu.memory_space<vmem>> -> memref<1x128xf32, #tpu.memory_space<vmem>>
        %dma_start3A_616 = tpu.memref_squeeze %dma_start3A_615 : memref<1x128xf32, #tpu.memory_space<vmem>> -> memref<128xf32, #tpu.memory_space<vmem>>
        %dma_start3A_617 = arith.constant 0 : i32
        %dma_start3A_618 = tpu.memref_slice %arg4[%arg1, %add3A_612, %dma_start3A_617] : memref<16x84x128xf32, #tpu.memory_space<hbm>> -> memref<1x1x128xf32, #tpu.memory_space<hbm>>
        %dma_start3A_619 = tpu.memref_squeeze %dma_start3A_618 : memref<1x1x128xf32, #tpu.memory_space<hbm>> -> memref<128xf32, #tpu.memory_space<hbm>>
        %dma_start3A_620 = arith.constant 0 : i32
        %dma_start3A_621 = tpu.memref_slice %arg21[%dma_start3A_613, %dma_start3A_620] : memref<3x128xf32, #tpu.memory_space<vmem>> -> memref<1x128xf32, #tpu.memory_space<vmem>>
        %dma_start3A_622 = tpu.memref_squeeze %dma_start3A_621 : memref<1x128xf32, #tpu.memory_space<vmem>> -> memref<128xf32, #tpu.memory_space<vmem>>
        %dma_start3A_623 = arith.constant 0 : i32
        %dma_start3A_624 = tpu.memref_slice %arg4[%arg1, %add3A_612, %dma_start3A_623] : memref<16x84x128xf32, #tpu.memory_space<hbm>> -> memref<1x1x128xf32, #tpu.memory_space<hbm>>
        %dma_start3A_625 = tpu.memref_squeeze %dma_start3A_624 : memref<1x1x128xf32, #tpu.memory_space<hbm>> -> memref<128xf32, #tpu.memory_space<hbm>>
        tpu.enqueue_dma source(%dma_start3A_625 : memref<128xf32, #tpu.memory_space<hbm>>) target(%dma_start3A_622 : memref<128xf32, #tpu.memory_space<vmem>>) target_semaphore(%arg30 : memref<!tpu.dma_semaphore, #tpu.memory_space<semaphore_mem>>)
        %mul3A_626 = arith.constant 3 : i32
        %mul3A_627 = arith.muli %add3A_591, %mul3A_626 : i32
        %add3A_628 = arith.constant 1 : i32
        %add3A_629 = arith.addi %mul3A_627, %add3A_628 : i32
        %dma_start3A_630 = arith.constant 1 : i32
        %dma_start3A_631 = arith.constant 0 : i32
        %dma_start3A_632 = tpu.memref_slice %arg20[%dma_start3A_630, %dma_start3A_631] : memref<3x128xi32, #tpu.memory_space<vmem>> -> memref<1x128xi32, #tpu.memory_space<vmem>>
        %dma_start3A_633 = tpu.memref_squeeze %dma_start3A_632 : memref<1x128xi32, #tpu.memory_space<vmem>> -> memref<128xi32, #tpu.memory_space<vmem>>
        %dma_start3A_634 = arith.constant 0 : i32
        %dma_start3A_635 = tpu.memref_slice %arg3[%arg1, %add3A_629, %dma_start3A_634] : memref<16x84x128xi32, #tpu.memory_space<hbm>> -> memref<1x1x128xi32, #tpu.memory_space<hbm>>
        %dma_start3A_636 = tpu.memref_squeeze %dma_start3A_635 : memref<1x1x128xi32, #tpu.memory_space<hbm>> -> memref<128xi32, #tpu.memory_space<hbm>>
        %dma_start3A_637 = arith.constant 0 : i32
        %dma_start3A_638 = tpu.memref_slice %arg20[%dma_start3A_630, %dma_start3A_637] : memref<3x128xi32, #tpu.memory_space<vmem>> -> memref<1x128xi32, #tpu.memory_space<vmem>>
        %dma_start3A_639 = tpu.memref_squeeze %dma_start3A_638 : memref<1x128xi32, #tpu.memory_space<vmem>> -> memref<128xi32, #tpu.memory_space<vmem>>
        %dma_start3A_640 = arith.constant 0 : i32
        %dma_start3A_641 = tpu.memref_slice %arg3[%arg1, %add3A_629, %dma_start3A_640] : memref<16x84x128xi32, #tpu.memory_space<hbm>> -> memref<1x1x128xi32, #tpu.memory_space<hbm>>
        %dma_start3A_642 = tpu.memref_squeeze %dma_start3A_641 : memref<1x1x128xi32, #tpu.memory_space<hbm>> -> memref<128xi32, #tpu.memory_space<hbm>>
        tpu.enqueue_dma source(%dma_start3A_642 : memref<128xi32, #tpu.memory_space<hbm>>) target(%dma_start3A_639 : memref<128xi32, #tpu.memory_space<vmem>>) target_semaphore(%arg30 : memref<!tpu.dma_semaphore, #tpu.memory_space<semaphore_mem>>)
        %mul3A_643 = arith.constant 3 : i32
        %mul3A_644 = arith.muli %add3A_591, %mul3A_643 : i32
        %add3A_645 = arith.constant 1 : i32
        %add3A_646 = arith.addi %mul3A_644, %add3A_645 : i32
        %dma_start3A_647 = arith.constant 1 : i32
        %dma_start3A_648 = arith.constant 0 : i32
        %dma_start3A_649 = tpu.memref_slice %arg21[%dma_start3A_647, %dma_start3A_648] : memref<3x128xf32, #tpu.memory_space<vmem>> -> memref<1x128xf32, #tpu.memory_space<vmem>>
        %dma_start3A_650 = tpu.memref_squeeze %dma_start3A_649 : memref<1x128xf32, #tpu.memory_space<vmem>> -> memref<128xf32, #tpu.memory_space<vmem>>
        %dma_start3A_651 = arith.constant 0 : i32
        %dma_start3A_652 = tpu.memref_slice %arg4[%arg1, %add3A_646, %dma_start3A_651] : memref<16x84x128xf32, #tpu.memory_space<hbm>> -> memref<1x1x128xf32, #tpu.memory_space<hbm>>
        %dma_start3A_653 = tpu.memref_squeeze %dma_start3A_652 : memref<1x1x128xf32, #tpu.memory_space<hbm>> -> memref<128xf32, #tpu.memory_space<hbm>>
        %dma_start3A_654 = arith.constant 0 : i32
        %dma_start3A_655 = tpu.memref_slice %arg21[%dma_start3A_647, %dma_start3A_654] : memref<3x128xf32, #tpu.memory_space<vmem>> -> memref<1x128xf32, #tpu.memory_space<vmem>>
        %dma_start3A_656 = tpu.memref_squeeze %dma_start3A_655 : memref<1x128xf32, #tpu.memory_space<vmem>> -> memref<128xf32, #tpu.memory_space<vmem>>
        %dma_start3A_657 = arith.constant 0 : i32
        %dma_start3A_658 = tpu.memref_slice %arg4[%arg1, %add3A_646, %dma_start3A_657] : memref<16x84x128xf32, #tpu.memory_space<hbm>> -> memref<1x1x128xf32, #tpu.memory_space<hbm>>
        %dma_start3A_659 = tpu.memref_squeeze %dma_start3A_658 : memref<1x1x128xf32, #tpu.memory_space<hbm>> -> memref<128xf32, #tpu.memory_space<hbm>>
        tpu.enqueue_dma source(%dma_start3A_659 : memref<128xf32, #tpu.memory_space<hbm>>) target(%dma_start3A_656 : memref<128xf32, #tpu.memory_space<vmem>>) target_semaphore(%arg30 : memref<!tpu.dma_semaphore, #tpu.memory_space<semaphore_mem>>)
        %mul3A_660 = arith.constant 3 : i32
        %mul3A_661 = arith.muli %add3A_591, %mul3A_660 : i32
        %add3A_662 = arith.constant 2 : i32
        %add3A_663 = arith.addi %mul3A_661, %add3A_662 : i32
        %dma_start3A_664 = arith.constant 2 : i32
        %dma_start3A_665 = arith.constant 0 : i32
        %dma_start3A_666 = tpu.memref_slice %arg20[%dma_start3A_664, %dma_start3A_665] : memref<3x128xi32, #tpu.memory_space<vmem>> -> memref<1x128xi32, #tpu.memory_space<vmem>>
        %dma_start3A_667 = tpu.memref_squeeze %dma_start3A_666 : memref<1x128xi32, #tpu.memory_space<vmem>> -> memref<128xi32, #tpu.memory_space<vmem>>
        %dma_start3A_668 = arith.constant 0 : i32
        %dma_start3A_669 = tpu.memref_slice %arg3[%arg1, %add3A_663, %dma_start3A_668] : memref<16x84x128xi32, #tpu.memory_space<hbm>> -> memref<1x1x128xi32, #tpu.memory_space<hbm>>
        %dma_start3A_670 = tpu.memref_squeeze %dma_start3A_669 : memref<1x1x128xi32, #tpu.memory_space<hbm>> -> memref<128xi32, #tpu.memory_space<hbm>>
        %dma_start3A_671 = arith.constant 0 : i32
        %dma_start3A_672 = tpu.memref_slice %arg20[%dma_start3A_664, %dma_start3A_671] : memref<3x128xi32, #tpu.memory_space<vmem>> -> memref<1x128xi32, #tpu.memory_space<vmem>>
        %dma_start3A_673 = tpu.memref_squeeze %dma_start3A_672 : memref<1x128xi32, #tpu.memory_space<vmem>> -> memref<128xi32, #tpu.memory_space<vmem>>
        %dma_start3A_674 = arith.constant 0 : i32
        %dma_start3A_675 = tpu.memref_slice %arg3[%arg1, %add3A_663, %dma_start3A_674] : memref<16x84x128xi32, #tpu.memory_space<hbm>> -> memref<1x1x128xi32, #tpu.memory_space<hbm>>
        %dma_start3A_676 = tpu.memref_squeeze %dma_start3A_675 : memref<1x1x128xi32, #tpu.memory_space<hbm>> -> memref<128xi32, #tpu.memory_space<hbm>>
        tpu.enqueue_dma source(%dma_start3A_676 : memref<128xi32, #tpu.memory_space<hbm>>) target(%dma_start3A_673 : memref<128xi32, #tpu.memory_space<vmem>>) target_semaphore(%arg30 : memref<!tpu.dma_semaphore, #tpu.memory_space<semaphore_mem>>)
        %mul3A_677 = arith.constant 3 : i32
        %mul3A_678 = arith.muli %add3A_591, %mul3A_677 : i32
        %add3A_679 = arith.constant 2 : i32
        %add3A_680 = arith.addi %mul3A_678, %add3A_679 : i32
        %dma_start3A_681 = arith.constant 2 : i32
        %dma_start3A_682 = arith.constant 0 : i32
        %dma_start3A_683 = tpu.memref_slice %arg21[%dma_start3A_681, %dma_start3A_682] : memref<3x128xf32, #tpu.memory_space<vmem>> -> memref<1x128xf32, #tpu.memory_space<vmem>>
        %dma_start3A_684 = tpu.memref_squeeze %dma_start3A_683 : memref<1x128xf32, #tpu.memory_space<vmem>> -> memref<128xf32, #tpu.memory_space<vmem>>
        %dma_start3A_685 = arith.constant 0 : i32
        %dma_start3A_686 = tpu.memref_slice %arg4[%arg1, %add3A_680, %dma_start3A_685] : memref<16x84x128xf32, #tpu.memory_space<hbm>> -> memref<1x1x128xf32, #tpu.memory_space<hbm>>
        %dma_start3A_687 = tpu.memref_squeeze %dma_start3A_686 : memref<1x1x128xf32, #tpu.memory_space<hbm>> -> memref<128xf32, #tpu.memory_space<hbm>>
        %dma_start3A_688 = arith.constant 0 : i32
        %dma_start3A_689 = tpu.memref_slice %arg21[%dma_start3A_681, %dma_start3A_688] : memref<3x128xf32, #tpu.memory_space<vmem>> -> memref<1x128xf32, #tpu.memory_space<vmem>>
        %dma_start3A_690 = tpu.memref_squeeze %dma_start3A_689 : memref<1x128xf32, #tpu.memory_space<vmem>> -> memref<128xf32, #tpu.memory_space<vmem>>
        %dma_start3A_691 = arith.constant 0 : i32
        %dma_start3A_692 = tpu.memref_slice %arg4[%arg1, %add3A_680, %dma_start3A_691] : memref<16x84x128xf32, #tpu.memory_space<hbm>> -> memref<1x1x128xf32, #tpu.memory_space<hbm>>
        %dma_start3A_693 = tpu.memref_squeeze %dma_start3A_692 : memref<1x1x128xf32, #tpu.memory_space<hbm>> -> memref<128xf32, #tpu.memory_space<hbm>>
        tpu.enqueue_dma source(%dma_start3A_693 : memref<128xf32, #tpu.memory_space<hbm>>) target(%dma_start3A_690 : memref<128xf32, #tpu.memory_space<vmem>>) target_semaphore(%arg30 : memref<!tpu.dma_semaphore, #tpu.memory_space<semaphore_mem>>)
      } else {
      }
      %dma_wait3A_440 = arith.constant 0 : i32
      %dma_wait3A_441 = arith.constant 0 : i32
      %dma_wait3A_442 = arith.constant 0 : i32
      %dma_wait3A_443 = tpu.memref_slice %arg22[%dma_wait3A_441, %dma_wait3A_442] : memref<3x128xi32, #tpu.memory_space<vmem>> -> memref<1x128xi32, #tpu.memory_space<vmem>>
      %dma_wait3A_444 = tpu.memref_squeeze %dma_wait3A_443 : memref<1x128xi32, #tpu.memory_space<vmem>> -> memref<128xi32, #tpu.memory_space<vmem>>
      %dma_wait3A_445 = arith.constant 0 : i32
      %dma_wait3A_446 = tpu.memref_slice %arg3[%arg1, %dma_wait3A_440, %dma_wait3A_445] : memref<16x84x128xi32, #tpu.memory_space<hbm>> -> memref<1x1x128xi32, #tpu.memory_space<hbm>>
      %dma_wait3A_447 = tpu.memref_squeeze %dma_wait3A_446 : memref<1x1x128xi32, #tpu.memory_space<hbm>> -> memref<128xi32, #tpu.memory_space<hbm>>
      %dma_wait3A_448 = arith.constant 0 : i32
      %dma_wait3A_449 = tpu.memref_slice %arg22[%dma_wait3A_441, %dma_wait3A_448] : memref<3x128xi32, #tpu.memory_space<vmem>> -> memref<1x128xi32, #tpu.memory_space<vmem>>
      %dma_wait3A_450 = tpu.memref_squeeze %dma_wait3A_449 : memref<1x128xi32, #tpu.memory_space<vmem>> -> memref<128xi32, #tpu.memory_space<vmem>>
      %dma_wait3A_451 = arith.constant 0 : i32
      %dma_wait3A_452 = tpu.memref_slice %arg3[%arg1, %dma_wait3A_440, %dma_wait3A_451] : memref<16x84x128xi32, #tpu.memory_space<hbm>> -> memref<1x1x128xi32, #tpu.memory_space<hbm>>
      %dma_wait3A_453 = tpu.memref_squeeze %dma_wait3A_452 : memref<1x1x128xi32, #tpu.memory_space<hbm>> -> memref<128xi32, #tpu.memory_space<hbm>>
      tpu.wait_dma2 semaphore(%arg31 : memref<!tpu.dma_semaphore, #tpu.memory_space<semaphore_mem>>) src(%dma_wait3A_453 : memref<128xi32, #tpu.memory_space<hbm>>) dst(%dma_wait3A_450 : memref<128xi32, #tpu.memory_space<vmem>>)
      %dma_wait3A_454 = arith.constant 0 : i32
      %dma_wait3A_455 = arith.constant 0 : i32
      %dma_wait3A_456 = arith.constant 0 : i32
      %dma_wait3A_457 = tpu.memref_slice %arg23[%dma_wait3A_455, %dma_wait3A_456] : memref<3x128xf32, #tpu.memory_space<vmem>> -> memref<1x128xf32, #tpu.memory_space<vmem>>
      %dma_wait3A_458 = tpu.memref_squeeze %dma_wait3A_457 : memref<1x128xf32, #tpu.memory_space<vmem>> -> memref<128xf32, #tpu.memory_space<vmem>>
      %dma_wait3A_459 = arith.constant 0 : i32
      %dma_wait3A_460 = tpu.memref_slice %arg4[%arg1, %dma_wait3A_454, %dma_wait3A_459] : memref<16x84x128xf32, #tpu.memory_space<hbm>> -> memref<1x1x128xf32, #tpu.memory_space<hbm>>
      %dma_wait3A_461 = tpu.memref_squeeze %dma_wait3A_460 : memref<1x1x128xf32, #tpu.memory_space<hbm>> -> memref<128xf32, #tpu.memory_space<hbm>>
      %dma_wait3A_462 = arith.constant 0 : i32
      %dma_wait3A_463 = tpu.memref_slice %arg23[%dma_wait3A_455, %dma_wait3A_462] : memref<3x128xf32, #tpu.memory_space<vmem>> -> memref<1x128xf32, #tpu.memory_space<vmem>>
      %dma_wait3A_464 = tpu.memref_squeeze %dma_wait3A_463 : memref<1x128xf32, #tpu.memory_space<vmem>> -> memref<128xf32, #tpu.memory_space<vmem>>
      %dma_wait3A_465 = arith.constant 0 : i32
      %dma_wait3A_466 = tpu.memref_slice %arg4[%arg1, %dma_wait3A_454, %dma_wait3A_465] : memref<16x84x128xf32, #tpu.memory_space<hbm>> -> memref<1x1x128xf32, #tpu.memory_space<hbm>>
      %dma_wait3A_467 = tpu.memref_squeeze %dma_wait3A_466 : memref<1x1x128xf32, #tpu.memory_space<hbm>> -> memref<128xf32, #tpu.memory_space<hbm>>
      tpu.wait_dma2 semaphore(%arg31 : memref<!tpu.dma_semaphore, #tpu.memory_space<semaphore_mem>>) src(%dma_wait3A_467 : memref<128xf32, #tpu.memory_space<hbm>>) dst(%dma_wait3A_464 : memref<128xf32, #tpu.memory_space<vmem>>)
      %dma_wait3A_468 = arith.constant 0 : i32
      %dma_wait3A_469 = arith.constant 1 : i32
      %dma_wait3A_470 = arith.constant 0 : i32
      %dma_wait3A_471 = tpu.memref_slice %arg22[%dma_wait3A_469, %dma_wait3A_470] : memref<3x128xi32, #tpu.memory_space<vmem>> -> memref<1x128xi32, #tpu.memory_space<vmem>>
      %dma_wait3A_472 = tpu.memref_squeeze %dma_wait3A_471 : memref<1x128xi32, #tpu.memory_space<vmem>> -> memref<128xi32, #tpu.memory_space<vmem>>
      %dma_wait3A_473 = arith.constant 0 : i32
      %dma_wait3A_474 = tpu.memref_slice %arg3[%arg1, %dma_wait3A_468, %dma_wait3A_473] : memref<16x84x128xi32, #tpu.memory_space<hbm>> -> memref<1x1x128xi32, #tpu.memory_space<hbm>>
      %dma_wait3A_475 = tpu.memref_squeeze %dma_wait3A_474 : memref<1x1x128xi32, #tpu.memory_space<hbm>> -> memref<128xi32, #tpu.memory_space<hbm>>
      %dma_wait3A_476 = arith.constant 0 : i32
      %dma_wait3A_477 = tpu.memref_slice %arg22[%dma_wait3A_469, %dma_wait3A_476] : memref<3x128xi32, #tpu.memory_space<vmem>> -> memref<1x128xi32, #tpu.memory_space<vmem>>
      %dma_wait3A_478 = tpu.memref_squeeze %dma_wait3A_477 : memref<1x128xi32, #tpu.memory_space<vmem>> -> memref<128xi32, #tpu.memory_space<vmem>>
      %dma_wait3A_479 = arith.constant 0 : i32
      %dma_wait3A_480 = tpu.memref_slice %arg3[%arg1, %dma_wait3A_468, %dma_wait3A_479] : memref<16x84x128xi32, #tpu.memory_space<hbm>> -> memref<1x1x128xi32, #tpu.memory_space<hbm>>
      %dma_wait3A_481 = tpu.memref_squeeze %dma_wait3A_480 : memref<1x1x128xi32, #tpu.memory_space<hbm>> -> memref<128xi32, #tpu.memory_space<hbm>>
      tpu.wait_dma2 semaphore(%arg31 : memref<!tpu.dma_semaphore, #tpu.memory_space<semaphore_mem>>) src(%dma_wait3A_481 : memref<128xi32, #tpu.memory_space<hbm>>) dst(%dma_wait3A_478 : memref<128xi32, #tpu.memory_space<vmem>>)
      %dma_wait3A_482 = arith.constant 0 : i32
      %dma_wait3A_483 = arith.constant 1 : i32
      %dma_wait3A_484 = arith.constant 0 : i32
      %dma_wait3A_485 = tpu.memref_slice %arg23[%dma_wait3A_483, %dma_wait3A_484] : memref<3x128xf32, #tpu.memory_space<vmem>> -> memref<1x128xf32, #tpu.memory_space<vmem>>
      %dma_wait3A_486 = tpu.memref_squeeze %dma_wait3A_485 : memref<1x128xf32, #tpu.memory_space<vmem>> -> memref<128xf32, #tpu.memory_space<vmem>>
      %dma_wait3A_487 = arith.constant 0 : i32
      %dma_wait3A_488 = tpu.memref_slice %arg4[%arg1, %dma_wait3A_482, %dma_wait3A_487] : memref<16x84x128xf32, #tpu.memory_space<hbm>> -> memref<1x1x128xf32, #tpu.memory_space<hbm>>
      %dma_wait3A_489 = tpu.memref_squeeze %dma_wait3A_488 : memref<1x1x128xf32, #tpu.memory_space<hbm>> -> memref<128xf32, #tpu.memory_space<hbm>>
      %dma_wait3A_490 = arith.constant 0 : i32
      %dma_wait3A_491 = tpu.memref_slice %arg23[%dma_wait3A_483, %dma_wait3A_490] : memref<3x128xf32, #tpu.memory_space<vmem>> -> memref<1x128xf32, #tpu.memory_space<vmem>>
      %dma_wait3A_492 = tpu.memref_squeeze %dma_wait3A_491 : memref<1x128xf32, #tpu.memory_space<vmem>> -> memref<128xf32, #tpu.memory_space<vmem>>
      %dma_wait3A_493 = arith.constant 0 : i32
      %dma_wait3A_494 = tpu.memref_slice %arg4[%arg1, %dma_wait3A_482, %dma_wait3A_493] : memref<16x84x128xf32, #tpu.memory_space<hbm>> -> memref<1x1x128xf32, #tpu.memory_space<hbm>>
      %dma_wait3A_495 = tpu.memref_squeeze %dma_wait3A_494 : memref<1x1x128xf32, #tpu.memory_space<hbm>> -> memref<128xf32, #tpu.memory_space<hbm>>
      tpu.wait_dma2 semaphore(%arg31 : memref<!tpu.dma_semaphore, #tpu.memory_space<semaphore_mem>>) src(%dma_wait3A_495 : memref<128xf32, #tpu.memory_space<hbm>>) dst(%dma_wait3A_492 : memref<128xf32, #tpu.memory_space<vmem>>)
      %dma_wait3A_496 = arith.constant 0 : i32
      %dma_wait3A_497 = arith.constant 2 : i32
      %dma_wait3A_498 = arith.constant 0 : i32
      %dma_wait3A_499 = tpu.memref_slice %arg22[%dma_wait3A_497, %dma_wait3A_498] : memref<3x128xi32, #tpu.memory_space<vmem>> -> memref<1x128xi32, #tpu.memory_space<vmem>>
      %dma_wait3A_500 = tpu.memref_squeeze %dma_wait3A_499 : memref<1x128xi32, #tpu.memory_space<vmem>> -> memref<128xi32, #tpu.memory_space<vmem>>
      %dma_wait3A_501 = arith.constant 0 : i32
      %dma_wait3A_502 = tpu.memref_slice %arg3[%arg1, %dma_wait3A_496, %dma_wait3A_501] : memref<16x84x128xi32, #tpu.memory_space<hbm>> -> memref<1x1x128xi32, #tpu.memory_space<hbm>>
      %dma_wait3A_503 = tpu.memref_squeeze %dma_wait3A_502 : memref<1x1x128xi32, #tpu.memory_space<hbm>> -> memref<128xi32, #tpu.memory_space<hbm>>
      %dma_wait3A_504 = arith.constant 0 : i32
      %dma_wait3A_505 = tpu.memref_slice %arg22[%dma_wait3A_497, %dma_wait3A_504] : memref<3x128xi32, #tpu.memory_space<vmem>> -> memref<1x128xi32, #tpu.memory_space<vmem>>
      %dma_wait3A_506 = tpu.memref_squeeze %dma_wait3A_505 : memref<1x128xi32, #tpu.memory_space<vmem>> -> memref<128xi32, #tpu.memory_space<vmem>>
      %dma_wait3A_507 = arith.constant 0 : i32
      %dma_wait3A_508 = tpu.memref_slice %arg3[%arg1, %dma_wait3A_496, %dma_wait3A_507] : memref<16x84x128xi32, #tpu.memory_space<hbm>> -> memref<1x1x128xi32, #tpu.memory_space<hbm>>
      %dma_wait3A_509 = tpu.memref_squeeze %dma_wait3A_508 : memref<1x1x128xi32, #tpu.memory_space<hbm>> -> memref<128xi32, #tpu.memory_space<hbm>>
      tpu.wait_dma2 semaphore(%arg31 : memref<!tpu.dma_semaphore, #tpu.memory_space<semaphore_mem>>) src(%dma_wait3A_509 : memref<128xi32, #tpu.memory_space<hbm>>) dst(%dma_wait3A_506 : memref<128xi32, #tpu.memory_space<vmem>>)
      %dma_wait3A_510 = arith.constant 0 : i32
      %dma_wait3A_511 = arith.constant 2 : i32
      %dma_wait3A_512 = arith.constant 0 : i32
      %dma_wait3A_513 = tpu.memref_slice %arg23[%dma_wait3A_511, %dma_wait3A_512] : memref<3x128xf32, #tpu.memory_space<vmem>> -> memref<1x128xf32, #tpu.memory_space<vmem>>
      %dma_wait3A_514 = tpu.memref_squeeze %dma_wait3A_513 : memref<1x128xf32, #tpu.memory_space<vmem>> -> memref<128xf32, #tpu.memory_space<vmem>>
      %dma_wait3A_515 = arith.constant 0 : i32
      %dma_wait3A_516 = tpu.memref_slice %arg4[%arg1, %dma_wait3A_510, %dma_wait3A_515] : memref<16x84x128xf32, #tpu.memory_space<hbm>> -> memref<1x1x128xf32, #tpu.memory_space<hbm>>
      %dma_wait3A_517 = tpu.memref_squeeze %dma_wait3A_516 : memref<1x1x128xf32, #tpu.memory_space<hbm>> -> memref<128xf32, #tpu.memory_space<hbm>>
      %dma_wait3A_518 = arith.constant 0 : i32
      %dma_wait3A_519 = tpu.memref_slice %arg23[%dma_wait3A_511, %dma_wait3A_518] : memref<3x128xf32, #tpu.memory_space<vmem>> -> memref<1x128xf32, #tpu.memory_space<vmem>>
      %dma_wait3A_520 = tpu.memref_squeeze %dma_wait3A_519 : memref<1x128xf32, #tpu.memory_space<vmem>> -> memref<128xf32, #tpu.memory_space<vmem>>
      %dma_wait3A_521 = arith.constant 0 : i32
      %dma_wait3A_522 = tpu.memref_slice %arg4[%arg1, %dma_wait3A_510, %dma_wait3A_521] : memref<16x84x128xf32, #tpu.memory_space<hbm>> -> memref<1x1x128xf32, #tpu.memory_space<hbm>>
      %dma_wait3A_523 = tpu.memref_squeeze %dma_wait3A_522 : memref<1x1x128xf32, #tpu.memory_space<hbm>> -> memref<128xf32, #tpu.memory_space<hbm>>
      tpu.wait_dma2 semaphore(%arg31 : memref<!tpu.dma_semaphore, #tpu.memory_space<semaphore_mem>>) src(%dma_wait3A_523 : memref<128xf32, #tpu.memory_space<hbm>>) dst(%dma_wait3A_520 : memref<128xf32, #tpu.memory_space<vmem>>)
      %dma_start3A_524 = arith.constant 0 : i32
      %dma_start3A_525 = arith.constant 0 : i32
      %dma_start3A_526 = arith.constant 0 : i32
      %dma_start3A_527 = tpu.memref_slice %arg23[%dma_start3A_524, %dma_start3A_526] : memref<3x128xf32, #tpu.memory_space<vmem>> -> memref<1x128xf32, #tpu.memory_space<vmem>>
      %dma_start3A_528 = tpu.memref_squeeze %dma_start3A_527 : memref<1x128xf32, #tpu.memory_space<vmem>> -> memref<128xf32, #tpu.memory_space<vmem>>
      %dma_start3A_529 = arith.constant 0 : i32
      %dma_start3A_530 = tpu.memref_slice %arg22[%dma_start3A_525, %dma_start3A_529] : memref<3x128xi32, #tpu.memory_space<vmem>> -> memref<1x128xi32, #tpu.memory_space<vmem>>
      %dma_start3A_531 = tpu.memref_squeeze %dma_start3A_530 : memref<1x128xi32, #tpu.memory_space<vmem>> -> memref<128xi32, #tpu.memory_space<vmem>>
      %dma_start3A_532 = arith.constant 0 : i32
      %dma_start3A_533 = tpu.memref_slice %arg8[%dma_start3A_532] : memref<10240xf32, #tpu.memory_space<vmem_shared>> -> memref<10240xf32, #tpu.memory_space<vmem_shared>>
      tpu.enqueue_indirect_dma source(%dma_start3A_528 : memref<128xf32, #tpu.memory_space<vmem>>) target(%dma_start3A_533 : memref<10240xf32, #tpu.memory_space<vmem_shared>>) offsets(%dma_start3A_531 : memref<128xi32, #tpu.memory_space<vmem>>) semaphore(%arg29 : memref<!tpu.dma_semaphore, #tpu.memory_space<semaphore_mem>>) {add = true}
      %dma_start3A_534 = arith.constant 1 : i32
      %dma_start3A_535 = arith.constant 1 : i32
      %dma_start3A_536 = arith.constant 0 : i32
      %dma_start3A_537 = tpu.memref_slice %arg23[%dma_start3A_534, %dma_start3A_536] : memref<3x128xf32, #tpu.memory_space<vmem>> -> memref<1x128xf32, #tpu.memory_space<vmem>>
      %dma_start3A_538 = tpu.memref_squeeze %dma_start3A_537 : memref<1x128xf32, #tpu.memory_space<vmem>> -> memref<128xf32, #tpu.memory_space<vmem>>
      %dma_start3A_539 = arith.constant 0 : i32
      %dma_start3A_540 = tpu.memref_slice %arg22[%dma_start3A_535, %dma_start3A_539] : memref<3x128xi32, #tpu.memory_space<vmem>> -> memref<1x128xi32, #tpu.memory_space<vmem>>
      %dma_start3A_541 = tpu.memref_squeeze %dma_start3A_540 : memref<1x128xi32, #tpu.memory_space<vmem>> -> memref<128xi32, #tpu.memory_space<vmem>>
      %dma_start3A_542 = arith.constant 0 : i32
      %dma_start3A_543 = tpu.memref_slice %arg8[%dma_start3A_542] : memref<10240xf32, #tpu.memory_space<vmem_shared>> -> memref<10240xf32, #tpu.memory_space<vmem_shared>>
      tpu.enqueue_indirect_dma source(%dma_start3A_538 : memref<128xf32, #tpu.memory_space<vmem>>) target(%dma_start3A_543 : memref<10240xf32, #tpu.memory_space<vmem_shared>>) offsets(%dma_start3A_541 : memref<128xi32, #tpu.memory_space<vmem>>) semaphore(%arg29 : memref<!tpu.dma_semaphore, #tpu.memory_space<semaphore_mem>>) {add = true}
      %dma_start3A_544 = arith.constant 2 : i32
      %dma_start3A_545 = arith.constant 2 : i32
      %dma_start3A_546 = arith.constant 0 : i32
      %dma_start3A_547 = tpu.memref_slice %arg23[%dma_start3A_544, %dma_start3A_546] : memref<3x128xf32, #tpu.memory_space<vmem>> -> memref<1x128xf32, #tpu.memory_space<vmem>>
      %dma_start3A_548 = tpu.memref_squeeze %dma_start3A_547 : memref<1x128xf32, #tpu.memory_space<vmem>> -> memref<128xf32, #tpu.memory_space<vmem>>
      %dma_start3A_549 = arith.constant 0 : i32
      %dma_start3A_550 = tpu.memref_slice %arg22[%dma_start3A_545, %dma_start3A_549] : memref<3x128xi32, #tpu.memory_space<vmem>> -> memref<1x128xi32, #tpu.memory_space<vmem>>
      %dma_start3A_551 = tpu.memref_squeeze %dma_start3A_550 : memref<1x128xi32, #tpu.memory_space<vmem>> -> memref<128xi32, #tpu.memory_space<vmem>>
      %dma_start3A_552 = arith.constant 0 : i32
      %dma_start3A_553 = tpu.memref_slice %arg8[%dma_start3A_552] : memref<10240xf32, #tpu.memory_space<vmem_shared>> -> memref<10240xf32, #tpu.memory_space<vmem_shared>>
      tpu.enqueue_indirect_dma source(%dma_start3A_548 : memref<128xf32, #tpu.memory_space<vmem>>) target(%dma_start3A_553 : memref<10240xf32, #tpu.memory_space<vmem_shared>>) offsets(%dma_start3A_551 : memref<128xi32, #tpu.memory_space<vmem>>) semaphore(%arg29 : memref<!tpu.dma_semaphore, #tpu.memory_space<semaphore_mem>>) {add = true}
      %dma_wait3A_554 = arith.constant 0 : i32
      %dma_wait3A_555 = arith.constant 0 : i32
      %dma_wait3A_556 = arith.constant 0 : i32
      %dma_wait3A_557 = tpu.memref_slice %arg23[%dma_wait3A_554, %dma_wait3A_556] : memref<3x128xf32, #tpu.memory_space<vmem>> -> memref<1x128xf32, #tpu.memory_space<vmem>>
      %dma_wait3A_558 = tpu.memref_squeeze %dma_wait3A_557 : memref<1x128xf32, #tpu.memory_space<vmem>> -> memref<128xf32, #tpu.memory_space<vmem>>
      %dma_wait3A_559 = arith.constant 0 : i32
      %dma_wait3A_560 = tpu.memref_slice %arg22[%dma_wait3A_555, %dma_wait3A_559] : memref<3x128xi32, #tpu.memory_space<vmem>> -> memref<1x128xi32, #tpu.memory_space<vmem>>
      %dma_wait3A_561 = tpu.memref_squeeze %dma_wait3A_560 : memref<1x128xi32, #tpu.memory_space<vmem>> -> memref<128xi32, #tpu.memory_space<vmem>>
      %dma_wait3A_562 = arith.constant 0 : i32
      %dma_wait3A_563 = tpu.memref_slice %arg8[%dma_wait3A_562] : memref<10240xf32, #tpu.memory_space<vmem_shared>> -> memref<10240xf32, #tpu.memory_space<vmem_shared>>
      tpu.wait_indirect_dma semaphore(%arg29 : memref<!tpu.dma_semaphore, #tpu.memory_space<semaphore_mem>>) src(%dma_wait3A_558 : memref<128xf32, #tpu.memory_space<vmem>>) dst(%dma_wait3A_563 : memref<10240xf32, #tpu.memory_space<vmem_shared>>)
      %dma_wait3A_564 = arith.constant 1 : i32
      %dma_wait3A_565 = arith.constant 1 : i32
      %dma_wait3A_566 = arith.constant 0 : i32
      %dma_wait3A_567 = tpu.memref_slice %arg23[%dma_wait3A_564, %dma_wait3A_566] : memref<3x128xf32, #tpu.memory_space<vmem>> -> memref<1x128xf32, #tpu.memory_space<vmem>>
      %dma_wait3A_568 = tpu.memref_squeeze %dma_wait3A_567 : memref<1x128xf32, #tpu.memory_space<vmem>> -> memref<128xf32, #tpu.memory_space<vmem>>
      %dma_wait3A_569 = arith.constant 0 : i32
      %dma_wait3A_570 = tpu.memref_slice %arg22[%dma_wait3A_565, %dma_wait3A_569] : memref<3x128xi32, #tpu.memory_space<vmem>> -> memref<1x128xi32, #tpu.memory_space<vmem>>
      %dma_wait3A_571 = tpu.memref_squeeze %dma_wait3A_570 : memref<1x128xi32, #tpu.memory_space<vmem>> -> memref<128xi32, #tpu.memory_space<vmem>>
      %dma_wait3A_572 = arith.constant 0 : i32
      %dma_wait3A_573 = tpu.memref_slice %arg8[%dma_wait3A_572] : memref<10240xf32, #tpu.memory_space<vmem_shared>> -> memref<10240xf32, #tpu.memory_space<vmem_shared>>
      tpu.wait_indirect_dma semaphore(%arg29 : memref<!tpu.dma_semaphore, #tpu.memory_space<semaphore_mem>>) src(%dma_wait3A_568 : memref<128xf32, #tpu.memory_space<vmem>>) dst(%dma_wait3A_573 : memref<10240xf32, #tpu.memory_space<vmem_shared>>)
      %dma_wait3A_574 = arith.constant 2 : i32
      %dma_wait3A_575 = arith.constant 2 : i32
      %dma_wait3A_576 = arith.constant 0 : i32
      %dma_wait3A_577 = tpu.memref_slice %arg23[%dma_wait3A_574, %dma_wait3A_576] : memref<3x128xf32, #tpu.memory_space<vmem>> -> memref<1x128xf32, #tpu.memory_space<vmem>>
      %dma_wait3A_578 = tpu.memref_squeeze %dma_wait3A_577 : memref<1x128xf32, #tpu.memory_space<vmem>> -> memref<128xf32, #tpu.memory_space<vmem>>
      %dma_wait3A_579 = arith.constant 0 : i32
      %dma_wait3A_580 = tpu.memref_slice %arg22[%dma_wait3A_575, %dma_wait3A_579] : memref<3x128xi32, #tpu.memory_space<vmem>> -> memref<1x128xi32, #tpu.memory_space<vmem>>
      %dma_wait3A_581 = tpu.memref_squeeze %dma_wait3A_580 : memref<1x128xi32, #tpu.memory_space<vmem>> -> memref<128xi32, #tpu.memory_space<vmem>>
      %dma_wait3A_582 = arith.constant 0 : i32
      %dma_wait3A_583 = tpu.memref_slice %arg8[%dma_wait3A_582] : memref<10240xf32, #tpu.memory_space<vmem_shared>> -> memref<10240xf32, #tpu.memory_space<vmem_shared>>
      tpu.wait_indirect_dma semaphore(%arg29 : memref<!tpu.dma_semaphore, #tpu.memory_space<semaphore_mem>>) src(%dma_wait3A_578 : memref<128xf32, #tpu.memory_space<vmem>>) dst(%dma_wait3A_583 : memref<10240xf32, #tpu.memory_space<vmem_shared>>)
      %lt3A_584 = arith.constant 13 : i32
      %lt3A_585 = arith.cmpi slt, %scan3A_290, %lt3A_584 : i32
      %convert_element_type3A_586 = arith.extui %lt3A_585 : i1 to i32
      %cond3A_587 = arith.constant 0 : i32
      %cond3A_588 = arith.cmpi ne, %convert_element_type3A_586, %cond3A_587 : i32
      scf.if %cond3A_588 {
        %add3A_590 = arith.constant 3 : i32
        %add3A_591 = arith.addi %mul3A_293, %add3A_590 : i32
        %mul3A_592 = arith.constant 3 : i32
        %mul3A_593 = arith.muli %add3A_591, %mul3A_592 : i32
        %add3A_594 = arith.constant 0 : i32
        %add3A_595 = arith.addi %mul3A_593, %add3A_594 : i32
        %dma_start3A_596 = arith.constant 0 : i32
        %dma_start3A_597 = arith.constant 0 : i32
        %dma_start3A_598 = tpu.memref_slice %arg22[%dma_start3A_596, %dma_start3A_597] : memref<3x128xi32, #tpu.memory_space<vmem>> -> memref<1x128xi32, #tpu.memory_space<vmem>>
        %dma_start3A_599 = tpu.memref_squeeze %dma_start3A_598 : memref<1x128xi32, #tpu.memory_space<vmem>> -> memref<128xi32, #tpu.memory_space<vmem>>
        %dma_start3A_600 = arith.constant 0 : i32
        %dma_start3A_601 = tpu.memref_slice %arg3[%arg1, %add3A_595, %dma_start3A_600] : memref<16x84x128xi32, #tpu.memory_space<hbm>> -> memref<1x1x128xi32, #tpu.memory_space<hbm>>
        %dma_start3A_602 = tpu.memref_squeeze %dma_start3A_601 : memref<1x1x128xi32, #tpu.memory_space<hbm>> -> memref<128xi32, #tpu.memory_space<hbm>>
        %dma_start3A_603 = arith.constant 0 : i32
        %dma_start3A_604 = tpu.memref_slice %arg22[%dma_start3A_596, %dma_start3A_603] : memref<3x128xi32, #tpu.memory_space<vmem>> -> memref<1x128xi32, #tpu.memory_space<vmem>>
        %dma_start3A_605 = tpu.memref_squeeze %dma_start3A_604 : memref<1x128xi32, #tpu.memory_space<vmem>> -> memref<128xi32, #tpu.memory_space<vmem>>
        %dma_start3A_606 = arith.constant 0 : i32
        %dma_start3A_607 = tpu.memref_slice %arg3[%arg1, %add3A_595, %dma_start3A_606] : memref<16x84x128xi32, #tpu.memory_space<hbm>> -> memref<1x1x128xi32, #tpu.memory_space<hbm>>
        %dma_start3A_608 = tpu.memref_squeeze %dma_start3A_607 : memref<1x1x128xi32, #tpu.memory_space<hbm>> -> memref<128xi32, #tpu.memory_space<hbm>>
        tpu.enqueue_dma source(%dma_start3A_608 : memref<128xi32, #tpu.memory_space<hbm>>) target(%dma_start3A_605 : memref<128xi32, #tpu.memory_space<vmem>>) target_semaphore(%arg31 : memref<!tpu.dma_semaphore, #tpu.memory_space<semaphore_mem>>)
        %mul3A_609 = arith.constant 3 : i32
        %mul3A_610 = arith.muli %add3A_591, %mul3A_609 : i32
        %add3A_611 = arith.constant 0 : i32
        %add3A_612 = arith.addi %mul3A_610, %add3A_611 : i32
        %dma_start3A_613 = arith.constant 0 : i32
        %dma_start3A_614 = arith.constant 0 : i32
        %dma_start3A_615 = tpu.memref_slice %arg23[%dma_start3A_613, %dma_start3A_614] : memref<3x128xf32, #tpu.memory_space<vmem>> -> memref<1x128xf32, #tpu.memory_space<vmem>>
        %dma_start3A_616 = tpu.memref_squeeze %dma_start3A_615 : memref<1x128xf32, #tpu.memory_space<vmem>> -> memref<128xf32, #tpu.memory_space<vmem>>
        %dma_start3A_617 = arith.constant 0 : i32
        %dma_start3A_618 = tpu.memref_slice %arg4[%arg1, %add3A_612, %dma_start3A_617] : memref<16x84x128xf32, #tpu.memory_space<hbm>> -> memref<1x1x128xf32, #tpu.memory_space<hbm>>
        %dma_start3A_619 = tpu.memref_squeeze %dma_start3A_618 : memref<1x1x128xf32, #tpu.memory_space<hbm>> -> memref<128xf32, #tpu.memory_space<hbm>>
        %dma_start3A_620 = arith.constant 0 : i32
        %dma_start3A_621 = tpu.memref_slice %arg23[%dma_start3A_613, %dma_start3A_620] : memref<3x128xf32, #tpu.memory_space<vmem>> -> memref<1x128xf32, #tpu.memory_space<vmem>>
        %dma_start3A_622 = tpu.memref_squeeze %dma_start3A_621 : memref<1x128xf32, #tpu.memory_space<vmem>> -> memref<128xf32, #tpu.memory_space<vmem>>
        %dma_start3A_623 = arith.constant 0 : i32
        %dma_start3A_624 = tpu.memref_slice %arg4[%arg1, %add3A_612, %dma_start3A_623] : memref<16x84x128xf32, #tpu.memory_space<hbm>> -> memref<1x1x128xf32, #tpu.memory_space<hbm>>
        %dma_start3A_625 = tpu.memref_squeeze %dma_start3A_624 : memref<1x1x128xf32, #tpu.memory_space<hbm>> -> memref<128xf32, #tpu.memory_space<hbm>>
        tpu.enqueue_dma source(%dma_start3A_625 : memref<128xf32, #tpu.memory_space<hbm>>) target(%dma_start3A_622 : memref<128xf32, #tpu.memory_space<vmem>>) target_semaphore(%arg31 : memref<!tpu.dma_semaphore, #tpu.memory_space<semaphore_mem>>)
        %mul3A_626 = arith.constant 3 : i32
        %mul3A_627 = arith.muli %add3A_591, %mul3A_626 : i32
        %add3A_628 = arith.constant 1 : i32
        %add3A_629 = arith.addi %mul3A_627, %add3A_628 : i32
        %dma_start3A_630 = arith.constant 1 : i32
        %dma_start3A_631 = arith.constant 0 : i32
        %dma_start3A_632 = tpu.memref_slice %arg22[%dma_start3A_630, %dma_start3A_631] : memref<3x128xi32, #tpu.memory_space<vmem>> -> memref<1x128xi32, #tpu.memory_space<vmem>>
        %dma_start3A_633 = tpu.memref_squeeze %dma_start3A_632 : memref<1x128xi32, #tpu.memory_space<vmem>> -> memref<128xi32, #tpu.memory_space<vmem>>
        %dma_start3A_634 = arith.constant 0 : i32
        %dma_start3A_635 = tpu.memref_slice %arg3[%arg1, %add3A_629, %dma_start3A_634] : memref<16x84x128xi32, #tpu.memory_space<hbm>> -> memref<1x1x128xi32, #tpu.memory_space<hbm>>
        %dma_start3A_636 = tpu.memref_squeeze %dma_start3A_635 : memref<1x1x128xi32, #tpu.memory_space<hbm>> -> memref<128xi32, #tpu.memory_space<hbm>>
        %dma_start3A_637 = arith.constant 0 : i32
        %dma_start3A_638 = tpu.memref_slice %arg22[%dma_start3A_630, %dma_start3A_637] : memref<3x128xi32, #tpu.memory_space<vmem>> -> memref<1x128xi32, #tpu.memory_space<vmem>>
        %dma_start3A_639 = tpu.memref_squeeze %dma_start3A_638 : memref<1x128xi32, #tpu.memory_space<vmem>> -> memref<128xi32, #tpu.memory_space<vmem>>
        %dma_start3A_640 = arith.constant 0 : i32
        %dma_start3A_641 = tpu.memref_slice %arg3[%arg1, %add3A_629, %dma_start3A_640] : memref<16x84x128xi32, #tpu.memory_space<hbm>> -> memref<1x1x128xi32, #tpu.memory_space<hbm>>
        %dma_start3A_642 = tpu.memref_squeeze %dma_start3A_641 : memref<1x1x128xi32, #tpu.memory_space<hbm>> -> memref<128xi32, #tpu.memory_space<hbm>>
        tpu.enqueue_dma source(%dma_start3A_642 : memref<128xi32, #tpu.memory_space<hbm>>) target(%dma_start3A_639 : memref<128xi32, #tpu.memory_space<vmem>>) target_semaphore(%arg31 : memref<!tpu.dma_semaphore, #tpu.memory_space<semaphore_mem>>)
        %mul3A_643 = arith.constant 3 : i32
        %mul3A_644 = arith.muli %add3A_591, %mul3A_643 : i32
        %add3A_645 = arith.constant 1 : i32
        %add3A_646 = arith.addi %mul3A_644, %add3A_645 : i32
        %dma_start3A_647 = arith.constant 1 : i32
        %dma_start3A_648 = arith.constant 0 : i32
        %dma_start3A_649 = tpu.memref_slice %arg23[%dma_start3A_647, %dma_start3A_648] : memref<3x128xf32, #tpu.memory_space<vmem>> -> memref<1x128xf32, #tpu.memory_space<vmem>>
        %dma_start3A_650 = tpu.memref_squeeze %dma_start3A_649 : memref<1x128xf32, #tpu.memory_space<vmem>> -> memref<128xf32, #tpu.memory_space<vmem>>
        %dma_start3A_651 = arith.constant 0 : i32
        %dma_start3A_652 = tpu.memref_slice %arg4[%arg1, %add3A_646, %dma_start3A_651] : memref<16x84x128xf32, #tpu.memory_space<hbm>> -> memref<1x1x128xf32, #tpu.memory_space<hbm>>
        %dma_start3A_653 = tpu.memref_squeeze %dma_start3A_652 : memref<1x1x128xf32, #tpu.memory_space<hbm>> -> memref<128xf32, #tpu.memory_space<hbm>>
        %dma_start3A_654 = arith.constant 0 : i32
        %dma_start3A_655 = tpu.memref_slice %arg23[%dma_start3A_647, %dma_start3A_654] : memref<3x128xf32, #tpu.memory_space<vmem>> -> memref<1x128xf32, #tpu.memory_space<vmem>>
        %dma_start3A_656 = tpu.memref_squeeze %dma_start3A_655 : memref<1x128xf32, #tpu.memory_space<vmem>> -> memref<128xf32, #tpu.memory_space<vmem>>
        %dma_start3A_657 = arith.constant 0 : i32
        %dma_start3A_658 = tpu.memref_slice %arg4[%arg1, %add3A_646, %dma_start3A_657] : memref<16x84x128xf32, #tpu.memory_space<hbm>> -> memref<1x1x128xf32, #tpu.memory_space<hbm>>
        %dma_start3A_659 = tpu.memref_squeeze %dma_start3A_658 : memref<1x1x128xf32, #tpu.memory_space<hbm>> -> memref<128xf32, #tpu.memory_space<hbm>>
        tpu.enqueue_dma source(%dma_start3A_659 : memref<128xf32, #tpu.memory_space<hbm>>) target(%dma_start3A_656 : memref<128xf32, #tpu.memory_space<vmem>>) target_semaphore(%arg31 : memref<!tpu.dma_semaphore, #tpu.memory_space<semaphore_mem>>)
        %mul3A_660 = arith.constant 3 : i32
        %mul3A_661 = arith.muli %add3A_591, %mul3A_660 : i32
        %add3A_662 = arith.constant 2 : i32
        %add3A_663 = arith.addi %mul3A_661, %add3A_662 : i32
        %dma_start3A_664 = arith.constant 2 : i32
        %dma_start3A_665 = arith.constant 0 : i32
        %dma_start3A_666 = tpu.memref_slice %arg22[%dma_start3A_664, %dma_start3A_665] : memref<3x128xi32, #tpu.memory_space<vmem>> -> memref<1x128xi32, #tpu.memory_space<vmem>>
        %dma_start3A_667 = tpu.memref_squeeze %dma_start3A_666 : memref<1x128xi32, #tpu.memory_space<vmem>> -> memref<128xi32, #tpu.memory_space<vmem>>
        %dma_start3A_668 = arith.constant 0 : i32
        %dma_start3A_669 = tpu.memref_slice %arg3[%arg1, %add3A_663, %dma_start3A_668] : memref<16x84x128xi32, #tpu.memory_space<hbm>> -> memref<1x1x128xi32, #tpu.memory_space<hbm>>
        %dma_start3A_670 = tpu.memref_squeeze %dma_start3A_669 : memref<1x1x128xi32, #tpu.memory_space<hbm>> -> memref<128xi32, #tpu.memory_space<hbm>>
        %dma_start3A_671 = arith.constant 0 : i32
        %dma_start3A_672 = tpu.memref_slice %arg22[%dma_start3A_664, %dma_start3A_671] : memref<3x128xi32, #tpu.memory_space<vmem>> -> memref<1x128xi32, #tpu.memory_space<vmem>>
        %dma_start3A_673 = tpu.memref_squeeze %dma_start3A_672 : memref<1x128xi32, #tpu.memory_space<vmem>> -> memref<128xi32, #tpu.memory_space<vmem>>
        %dma_start3A_674 = arith.constant 0 : i32
        %dma_start3A_675 = tpu.memref_slice %arg3[%arg1, %add3A_663, %dma_start3A_674] : memref<16x84x128xi32, #tpu.memory_space<hbm>> -> memref<1x1x128xi32, #tpu.memory_space<hbm>>
        %dma_start3A_676 = tpu.memref_squeeze %dma_start3A_675 : memref<1x1x128xi32, #tpu.memory_space<hbm>> -> memref<128xi32, #tpu.memory_space<hbm>>
        tpu.enqueue_dma source(%dma_start3A_676 : memref<128xi32, #tpu.memory_space<hbm>>) target(%dma_start3A_673 : memref<128xi32, #tpu.memory_space<vmem>>) target_semaphore(%arg31 : memref<!tpu.dma_semaphore, #tpu.memory_space<semaphore_mem>>)
        %mul3A_677 = arith.constant 3 : i32
        %mul3A_678 = arith.muli %add3A_591, %mul3A_677 : i32
        %add3A_679 = arith.constant 2 : i32
        %add3A_680 = arith.addi %mul3A_678, %add3A_679 : i32
        %dma_start3A_681 = arith.constant 2 : i32
        %dma_start3A_682 = arith.constant 0 : i32
        %dma_start3A_683 = tpu.memref_slice %arg23[%dma_start3A_681, %dma_start3A_682] : memref<3x128xf32, #tpu.memory_space<vmem>> -> memref<1x128xf32, #tpu.memory_space<vmem>>
        %dma_start3A_684 = tpu.memref_squeeze %dma_start3A_683 : memref<1x128xf32, #tpu.memory_space<vmem>> -> memref<128xf32, #tpu.memory_space<vmem>>
        %dma_start3A_685 = arith.constant 0 : i32
        %dma_start3A_686 = tpu.memref_slice %arg4[%arg1, %add3A_680, %dma_start3A_685] : memref<16x84x128xf32, #tpu.memory_space<hbm>> -> memref<1x1x128xf32, #tpu.memory_space<hbm>>
        %dma_start3A_687 = tpu.memref_squeeze %dma_start3A_686 : memref<1x1x128xf32, #tpu.memory_space<hbm>> -> memref<128xf32, #tpu.memory_space<hbm>>
        %dma_start3A_688 = arith.constant 0 : i32
        %dma_start3A_689 = tpu.memref_slice %arg23[%dma_start3A_681, %dma_start3A_688] : memref<3x128xf32, #tpu.memory_space<vmem>> -> memref<1x128xf32, #tpu.memory_space<vmem>>
        %dma_start3A_690 = tpu.memref_squeeze %dma_start3A_689 : memref<1x128xf32, #tpu.memory_space<vmem>> -> memref<128xf32, #tpu.memory_space<vmem>>
        %dma_start3A_691 = arith.constant 0 : i32
        %dma_start3A_692 = tpu.memref_slice %arg4[%arg1, %add3A_680, %dma_start3A_691] : memref<16x84x128xf32, #tpu.memory_space<hbm>> -> memref<1x1x128xf32, #tpu.memory_space<hbm>>
        %dma_start3A_693 = tpu.memref_squeeze %dma_start3A_692 : memref<1x1x128xf32, #tpu.memory_space<hbm>> -> memref<128xf32, #tpu.memory_space<hbm>>
        tpu.enqueue_dma source(%dma_start3A_693 : memref<128xf32, #tpu.memory_space<hbm>>) target(%dma_start3A_690 : memref<128xf32, #tpu.memory_space<vmem>>) target_semaphore(%arg31 : memref<!tpu.dma_semaphore, #tpu.memory_space<semaphore_mem>>)
      } else {
      }
      %scan3A_589 = arith.constant 0 : i32
      scf.yield %scan3A_589 : i32
    }
    %scan3A_201 = arith.constant 14 : i32
    %barrier3A_202 = arith.constant 0 : index
    tpu.barrier barrier_id(%barrier3A_202)
    "tpu.region"() ({
      %run_scoped3A_290 = tpu.sem_alloc : memref<!tpu.dma_semaphore, #tpu.memory_space<semaphore_mem>>
      %dma_start3A_291 = tpu.memref_slice %arg8[%mul3A_0] : memref<10240xf32, #tpu.memory_space<vmem_shared>> -> memref<640xf32, #tpu.memory_space<vmem_shared>>
      %dma_start3A_292 = tpu.memref_slice %arg8[%mul3A_0] : memref<10240xf32, #tpu.memory_space<vmem_shared>> -> memref<640xf32, #tpu.memory_space<vmem_shared>>
      tpu.enqueue_dma source(%dma_start3A_292 : memref<640xf32, #tpu.memory_space<vmem_shared>>) target(%arg25 : memref<640xf32, #tpu.memory_space<vmem>>) target_semaphore(%run_scoped3A_290 : memref<!tpu.dma_semaphore, #tpu.memory_space<semaphore_mem>>)
      %dma_wait3A_293 = tpu.memref_slice %arg8[%mul3A_0] : memref<10240xf32, #tpu.memory_space<vmem_shared>> -> memref<640xf32, #tpu.memory_space<vmem_shared>>
      %dma_wait3A_294 = tpu.memref_slice %arg8[%mul3A_0] : memref<10240xf32, #tpu.memory_space<vmem_shared>> -> memref<640xf32, #tpu.memory_space<vmem_shared>>
      tpu.wait_dma2 semaphore(%run_scoped3A_290 : memref<!tpu.dma_semaphore, #tpu.memory_space<semaphore_mem>>) src(%dma_wait3A_294 : memref<640xf32, #tpu.memory_space<vmem_shared>>) dst(%arg25 : memref<640xf32, #tpu.memory_space<vmem>>)
      tpu.yield
    }) : () -> ()
    %scan3A_203 = arith.constant 0 : i32
    %scan3A_204 = arith.constant 0 : i32
    %scan3A_205 = arith.constant 40 : i32
    %scan3A_206 = arith.addi %scan3A_204, %scan3A_205 : i32
    %scan3A_207 = arith.constant 1 : i32
    %scan3A_208 = scf.for %scan3A_290 = %scan3A_204 to %scan3A_206 step %scan3A_207 iter_args(%scan3A_291 = %scan3A_203) -> (i32)  : i32 {
      %mul3A_292 = arith.constant 16 : i32
      %mul3A_293 = arith.muli %scan3A_290, %mul3A_292 : i32
      %get3A_294 = arith.index_cast %mul3A_293 : i32 to index
      %get3A_295 = tpu.vector_load %arg25[%get3A_294] {strides = array<i32>} : memref<640xf32, #tpu.memory_space<vmem>>, vector<16xf32>,
      %bitcast_convert_type3A = tpu.bitcast %get3A_295 : vector<16xf32> -> vector<16xi32>
      %shift_right_arithmetic3A = arith.constant 1 : i32
      %shift_right_arithmetic3A_296 = vector.broadcast %shift_right_arithmetic3A : i32 to vector<16xi32>
      %shift_right_arithmetic3A_297 = arith.shrsi %bitcast_convert_type3A, %shift_right_arithmetic3A_296 : vector<16xi32>
      %sub3A = arith.constant 1597463007 : i32
      %sub3A_298 = vector.broadcast %sub3A : i32 to vector<16xi32>
      %sub3A_299 = arith.subi %sub3A_298, %shift_right_arithmetic3A_297 : vector<16xi32>
      %bitcast_convert_type3A_300 = tpu.bitcast %sub3A_299 : vector<16xi32> -> vector<16xf32>
      %mul3A_301 = arith.constant 5.000000e-01 : f32
      %mul3A_302 = vector.broadcast %mul3A_301 : f32 to vector<16xf32>
      %mul3A_303 = arith.mulf %mul3A_302, %get3A_295 : vector<16xf32>
      %mul3A_304 = arith.mulf %mul3A_303, %bitcast_convert_type3A_300 : vector<16xf32>
      %mul3A_305 = arith.mulf %mul3A_304, %bitcast_convert_type3A_300 : vector<16xf32>
      %sub3A_306 = arith.constant 1.500000e+00 : f32
      %sub3A_307 = vector.broadcast %sub3A_306 : f32 to vector<16xf32>
      %sub3A_308 = arith.subf %sub3A_307, %mul3A_305 : vector<16xf32>
      %mul3A_309 = arith.mulf %bitcast_convert_type3A_300, %sub3A_308 : vector<16xf32>
      %mul3A_310 = arith.constant 5.000000e-01 : f32
      %mul3A_311 = vector.broadcast %mul3A_310 : f32 to vector<16xf32>
      %mul3A_312 = arith.mulf %mul3A_311, %get3A_295 : vector<16xf32>
      %mul3A_313 = arith.mulf %mul3A_312, %mul3A_309 : vector<16xf32>
      %mul3A_314 = arith.mulf %mul3A_313, %mul3A_309 : vector<16xf32>
      %sub3A_315 = arith.constant 1.500000e+00 : f32
      %sub3A_316 = vector.broadcast %sub3A_315 : f32 to vector<16xf32>
      %sub3A_317 = arith.subf %sub3A_316, %mul3A_314 : vector<16xf32>
      %mul3A_318 = arith.mulf %mul3A_309, %sub3A_317 : vector<16xf32>
      %mul3A_319 = arith.constant 5.000000e-01 : f32
      %mul3A_320 = vector.broadcast %mul3A_319 : f32 to vector<16xf32>
      %mul3A_321 = arith.mulf %mul3A_320, %get3A_295 : vector<16xf32>
      %mul3A_322 = arith.mulf %mul3A_321, %mul3A_318 : vector<16xf32>
      %mul3A_323 = arith.mulf %mul3A_322, %mul3A_318 : vector<16xf32>
      %sub3A_324 = arith.constant 1.500000e+00 : f32
      %sub3A_325 = vector.broadcast %sub3A_324 : f32 to vector<16xf32>
      %sub3A_326 = arith.subf %sub3A_325, %mul3A_323 : vector<16xf32>
      %mul3A_327 = arith.mulf %mul3A_318, %sub3A_326 : vector<16xf32>
      %mul3A_328 = arith.constant 16 : i32
      %mul3A_329 = arith.muli %scan3A_290, %mul3A_328 : i32
      %swap3A_330 = arith.index_cast %mul3A_329 : i32 to index
      %swap3A_331 = tpu.vector_load %arg25[%swap3A_330] {strides = array<i32>} : memref<640xf32, #tpu.memory_space<vmem>>, vector<16xf32>,
      tpu.vector_store %arg25[%swap3A_330], %mul3A_327 {strides = array<i32>} : memref<640xf32, #tpu.memory_space<vmem>>, vector<16xf32>,
      %scan3A_332 = arith.constant 0 : i32
      scf.yield %scan3A_332 : i32
    }
    %scan3A_209 = arith.constant 40 : i32
    "tpu.region"() ({
      %run_scoped3A_290 = tpu.sem_alloc : memref<!tpu.dma_semaphore, #tpu.memory_space<semaphore_mem>>
      %dma_start3A_291 = tpu.memref_slice %arg8[%mul3A_0] : memref<10240xf32, #tpu.memory_space<vmem_shared>> -> memref<640xf32, #tpu.memory_space<vmem_shared>>
      %dma_start3A_292 = tpu.memref_slice %arg8[%mul3A_0] : memref<10240xf32, #tpu.memory_space<vmem_shared>> -> memref<640xf32, #tpu.memory_space<vmem_shared>>
      tpu.enqueue_dma source(%arg25 : memref<640xf32, #tpu.memory_space<vmem>>) target(%dma_start3A_292 : memref<640xf32, #tpu.memory_space<vmem_shared>>) target_semaphore(%run_scoped3A_290 : memref<!tpu.dma_semaphore, #tpu.memory_space<semaphore_mem>>)
      %dma_wait3A_293 = tpu.memref_slice %arg8[%mul3A_0] : memref<10240xf32, #tpu.memory_space<vmem_shared>> -> memref<640xf32, #tpu.memory_space<vmem_shared>>
      %dma_wait3A_294 = tpu.memref_slice %arg8[%mul3A_0] : memref<10240xf32, #tpu.memory_space<vmem_shared>> -> memref<640xf32, #tpu.memory_space<vmem_shared>>
      tpu.wait_dma2 semaphore(%run_scoped3A_290 : memref<!tpu.dma_semaphore, #tpu.memory_space<semaphore_mem>>) src(%arg25 : memref<640xf32, #tpu.memory_space<vmem>>) dst(%dma_wait3A_294 : memref<640xf32, #tpu.memory_space<vmem_shared>>)
      tpu.yield
    }) : () -> ()
    %barrier3A_210 = arith.constant 0 : index
    tpu.barrier barrier_id(%barrier3A_210)
    "tpu.region"() ({
      %run_scoped3A_290 = tpu.sem_alloc : memref<!tpu.dma_semaphore, #tpu.memory_space<semaphore_mem>>
      tpu.enqueue_dma source(%arg8 : memref<10240xf32, #tpu.memory_space<vmem_shared>>) target(%arg9 : memref<10240xf32, #tpu.memory_space<vmem>>) target_semaphore(%run_scoped3A_290 : memref<!tpu.dma_semaphore, #tpu.memory_space<semaphore_mem>>)
      tpu.wait_dma2 semaphore(%run_scoped3A_290 : memref<!tpu.dma_semaphore, #tpu.memory_space<semaphore_mem>>) src(%arg8 : memref<10240xf32, #tpu.memory_space<vmem_shared>>) dst(%arg9 : memref<10240xf32, #tpu.memory_space<vmem>>)
      tpu.yield
    }) : () -> ()
    %run_scoped3A = arith.constant 0 : i32
    "tpu.region"() ({
      %run_scoped3A_290 = tpu.sem_alloc : memref<!tpu.dma_semaphore, #tpu.memory_space<semaphore_mem>>
      %dma_start3A_291 = arith.constant 0 : i32
      %dma_start3A_292 = tpu.memref_slice %arg2[%arg1, %run_scoped3A, %dma_start3A_291] : memref<16x84x128xi32, #tpu.memory_space<hbm>> -> memref<1x1x128xi32, #tpu.memory_space<hbm>>
      %dma_start3A_293 = tpu.memref_squeeze %dma_start3A_292 : memref<1x1x128xi32, #tpu.memory_space<hbm>> -> memref<128xi32, #tpu.memory_space<hbm>>
      %dma_start3A_294 = arith.constant 0 : i32
      %dma_start3A_295 = tpu.memref_slice %arg2[%arg1, %run_scoped3A, %dma_start3A_294] : memref<16x84x128xi32, #tpu.memory_space<hbm>> -> memref<1x1x128xi32, #tpu.memory_space<hbm>>
      %dma_start3A_296 = tpu.memref_squeeze %dma_start3A_295 : memref<1x1x128xi32, #tpu.memory_space<hbm>> -> memref<128xi32, #tpu.memory_space<hbm>>
      tpu.enqueue_dma source(%dma_start3A_296 : memref<128xi32, #tpu.memory_space<hbm>>) target(%arg12 : memref<128xi32, #tpu.memory_space<vmem>>) target_semaphore(%run_scoped3A_290 : memref<!tpu.dma_semaphore, #tpu.memory_space<semaphore_mem>>)
      %dma_wait3A_297 = arith.constant 0 : i32
      %dma_wait3A_298 = tpu.memref_slice %arg2[%arg1, %run_scoped3A, %dma_wait3A_297] : memref<16x84x128xi32, #tpu.memory_space<hbm>> -> memref<1x1x128xi32, #tpu.memory_space<hbm>>
      %dma_wait3A_299 = tpu.memref_squeeze %dma_wait3A_298 : memref<1x1x128xi32, #tpu.memory_space<hbm>> -> memref<128xi32, #tpu.memory_space<hbm>>
      %dma_wait3A_300 = arith.constant 0 : i32
      %dma_wait3A_301 = tpu.memref_slice %arg2[%arg1, %run_scoped3A, %dma_wait3A_300] : memref<16x84x128xi32, #tpu.memory_space<hbm>> -> memref<1x1x128xi32, #tpu.memory_space<hbm>>
      %dma_wait3A_302 = tpu.memref_squeeze %dma_wait3A_301 : memref<1x1x128xi32, #tpu.memory_space<hbm>> -> memref<128xi32, #tpu.memory_space<hbm>>
      tpu.wait_dma2 semaphore(%run_scoped3A_290 : memref<!tpu.dma_semaphore, #tpu.memory_space<semaphore_mem>>) src(%dma_wait3A_302 : memref<128xi32, #tpu.memory_space<hbm>>) dst(%arg12 : memref<128xi32, #tpu.memory_space<vmem>>)
      tpu.yield
    }) : () -> ()
    %run_scoped3A_211 = arith.constant 0 : i32
    "tpu.region"() ({
      %run_scoped3A_290 = tpu.sem_alloc : memref<!tpu.dma_semaphore, #tpu.memory_space<semaphore_mem>>
      %dma_start3A_291 = arith.constant 0 : i32
      %dma_start3A_292 = tpu.memref_slice %arg4[%arg1, %run_scoped3A_211, %dma_start3A_291] : memref<16x84x128xf32, #tpu.memory_space<hbm>> -> memref<1x1x128xf32, #tpu.memory_space<hbm>>
      %dma_start3A_293 = tpu.memref_squeeze %dma_start3A_292 : memref<1x1x128xf32, #tpu.memory_space<hbm>> -> memref<128xf32, #tpu.memory_space<hbm>>
      %dma_start3A_294 = arith.constant 0 : i32
      %dma_start3A_295 = tpu.memref_slice %arg4[%arg1, %run_scoped3A_211, %dma_start3A_294] : memref<16x84x128xf32, #tpu.memory_space<hbm>> -> memref<1x1x128xf32, #tpu.memory_space<hbm>>
      %dma_start3A_296 = tpu.memref_squeeze %dma_start3A_295 : memref<1x1x128xf32, #tpu.memory_space<hbm>> -> memref<128xf32, #tpu.memory_space<hbm>>
      tpu.enqueue_dma source(%dma_start3A_296 : memref<128xf32, #tpu.memory_space<hbm>>) target(%arg15 : memref<128xf32, #tpu.memory_space<vmem>>) target_semaphore(%run_scoped3A_290 : memref<!tpu.dma_semaphore, #tpu.memory_space<semaphore_mem>>)
      %dma_wait3A_297 = arith.constant 0 : i32
      %dma_wait3A_298 = tpu.memref_slice %arg4[%arg1, %run_scoped3A_211, %dma_wait3A_297] : memref<16x84x128xf32, #tpu.memory_space<hbm>> -> memref<1x1x128xf32, #tpu.memory_space<hbm>>
      %dma_wait3A_299 = tpu.memref_squeeze %dma_wait3A_298 : memref<1x1x128xf32, #tpu.memory_space<hbm>> -> memref<128xf32, #tpu.memory_space<hbm>>
      %dma_wait3A_300 = arith.constant 0 : i32
      %dma_wait3A_301 = tpu.memref_slice %arg4[%arg1, %run_scoped3A_211, %dma_wait3A_300] : memref<16x84x128xf32, #tpu.memory_space<hbm>> -> memref<1x1x128xf32, #tpu.memory_space<hbm>>
      %dma_wait3A_302 = tpu.memref_squeeze %dma_wait3A_301 : memref<1x1x128xf32, #tpu.memory_space<hbm>> -> memref<128xf32, #tpu.memory_space<hbm>>
      tpu.wait_dma2 semaphore(%run_scoped3A_290 : memref<!tpu.dma_semaphore, #tpu.memory_space<semaphore_mem>>) src(%dma_wait3A_302 : memref<128xf32, #tpu.memory_space<hbm>>) dst(%arg15 : memref<128xf32, #tpu.memory_space<vmem>>)
      tpu.yield
    }) : () -> ()
    %run_scoped3A_212 = arith.constant 0 : i32
    "tpu.region"() ({
      %run_scoped3A_290 = tpu.sem_alloc : memref<!tpu.dma_semaphore, #tpu.memory_space<semaphore_mem>>
      %dma_start3A_291 = arith.constant 0 : i32
      %dma_start3A_292 = tpu.memref_slice %arg3[%arg1, %run_scoped3A_212, %dma_start3A_291] : memref<16x84x128xi32, #tpu.memory_space<hbm>> -> memref<1x1x128xi32, #tpu.memory_space<hbm>>
      %dma_start3A_293 = tpu.memref_squeeze %dma_start3A_292 : memref<1x1x128xi32, #tpu.memory_space<hbm>> -> memref<128xi32, #tpu.memory_space<hbm>>
      %dma_start3A_294 = arith.constant 0 : i32
      %dma_start3A_295 = tpu.memref_slice %arg3[%arg1, %run_scoped3A_212, %dma_start3A_294] : memref<16x84x128xi32, #tpu.memory_space<hbm>> -> memref<1x1x128xi32, #tpu.memory_space<hbm>>
      %dma_start3A_296 = tpu.memref_squeeze %dma_start3A_295 : memref<1x1x128xi32, #tpu.memory_space<hbm>> -> memref<128xi32, #tpu.memory_space<hbm>>
      tpu.enqueue_dma source(%dma_start3A_296 : memref<128xi32, #tpu.memory_space<hbm>>) target(%arg14 : memref<128xi32, #tpu.memory_space<vmem>>) target_semaphore(%run_scoped3A_290 : memref<!tpu.dma_semaphore, #tpu.memory_space<semaphore_mem>>)
      %dma_wait3A_297 = arith.constant 0 : i32
      %dma_wait3A_298 = tpu.memref_slice %arg3[%arg1, %run_scoped3A_212, %dma_wait3A_297] : memref<16x84x128xi32, #tpu.memory_space<hbm>> -> memref<1x1x128xi32, #tpu.memory_space<hbm>>
      %dma_wait3A_299 = tpu.memref_squeeze %dma_wait3A_298 : memref<1x1x128xi32, #tpu.memory_space<hbm>> -> memref<128xi32, #tpu.memory_space<hbm>>
      %dma_wait3A_300 = arith.constant 0 : i32
      %dma_wait3A_301 = tpu.memref_slice %arg3[%arg1, %run_scoped3A_212, %dma_wait3A_300] : memref<16x84x128xi32, #tpu.memory_space<hbm>> -> memref<1x1x128xi32, #tpu.memory_space<hbm>>
      %dma_wait3A_302 = tpu.memref_squeeze %dma_wait3A_301 : memref<1x1x128xi32, #tpu.memory_space<hbm>> -> memref<128xi32, #tpu.memory_space<hbm>>
      tpu.wait_dma2 semaphore(%run_scoped3A_290 : memref<!tpu.dma_semaphore, #tpu.memory_space<semaphore_mem>>) src(%dma_wait3A_302 : memref<128xi32, #tpu.memory_space<hbm>>) dst(%arg14 : memref<128xi32, #tpu.memory_space<vmem>>)
      tpu.yield
    }) : () -> ()
    %run_scoped3A_213 = arith.constant 1 : i32
    "tpu.region"() ({
      %run_scoped3A_290 = tpu.sem_alloc : memref<!tpu.dma_semaphore, #tpu.memory_space<semaphore_mem>>
      %dma_start3A_291 = arith.constant 0 : i32
      %dma_start3A_292 = tpu.memref_slice %arg2[%arg1, %run_scoped3A_213, %dma_start3A_291] : memref<16x84x128xi32, #tpu.memory_space<hbm>> -> memref<1x1x128xi32, #tpu.memory_space<hbm>>
      %dma_start3A_293 = tpu.memref_squeeze %dma_start3A_292 : memref<1x1x128xi32, #tpu.memory_space<hbm>> -> memref<128xi32, #tpu.memory_space<hbm>>
      %dma_start3A_294 = arith.constant 0 : i32
      %dma_start3A_295 = tpu.memref_slice %arg2[%arg1, %run_scoped3A_213, %dma_start3A_294] : memref<16x84x128xi32, #tpu.memory_space<hbm>> -> memref<1x1x128xi32, #tpu.memory_space<hbm>>
      %dma_start3A_296 = tpu.memref_squeeze %dma_start3A_295 : memref<1x1x128xi32, #tpu.memory_space<hbm>> -> memref<128xi32, #tpu.memory_space<hbm>>
      tpu.enqueue_dma source(%dma_start3A_296 : memref<128xi32, #tpu.memory_space<hbm>>) target(%arg16 : memref<128xi32, #tpu.memory_space<vmem>>) target_semaphore(%run_scoped3A_290 : memref<!tpu.dma_semaphore, #tpu.memory_space<semaphore_mem>>)
      %dma_wait3A_297 = arith.constant 0 : i32
      %dma_wait3A_298 = tpu.memref_slice %arg2[%arg1, %run_scoped3A_213, %dma_wait3A_297] : memref<16x84x128xi32, #tpu.memory_space<hbm>> -> memref<1x1x128xi32, #tpu.memory_space<hbm>>
      %dma_wait3A_299 = tpu.memref_squeeze %dma_wait3A_298 : memref<1x1x128xi32, #tpu.memory_space<hbm>> -> memref<128xi32, #tpu.memory_space<hbm>>
      %dma_wait3A_300 = arith.constant 0 : i32
      %dma_wait3A_301 = tpu.memref_slice %arg2[%arg1, %run_scoped3A_213, %dma_wait3A_300] : memref<16x84x128xi32, #tpu.memory_space<hbm>> -> memref<1x1x128xi32, #tpu.memory_space<hbm>>
      %dma_wait3A_302 = tpu.memref_squeeze %dma_wait3A_301 : memref<1x1x128xi32, #tpu.memory_space<hbm>> -> memref<128xi32, #tpu.memory_space<hbm>>
      tpu.wait_dma2 semaphore(%run_scoped3A_290 : memref<!tpu.dma_semaphore, #tpu.memory_space<semaphore_mem>>) src(%dma_wait3A_302 : memref<128xi32, #tpu.memory_space<hbm>>) dst(%arg16 : memref<128xi32, #tpu.memory_space<vmem>>)
      tpu.yield
    }) : () -> ()
    %run_scoped3A_214 = arith.constant 1 : i32
    "tpu.region"() ({
      %run_scoped3A_290 = tpu.sem_alloc : memref<!tpu.dma_semaphore, #tpu.memory_space<semaphore_mem>>
      %dma_start3A_291 = arith.constant 0 : i32
      %dma_start3A_292 = tpu.memref_slice %arg4[%arg1, %run_scoped3A_214, %dma_start3A_291] : memref<16x84x128xf32, #tpu.memory_space<hbm>> -> memref<1x1x128xf32, #tpu.memory_space<hbm>>
      %dma_start3A_293 = tpu.memref_squeeze %dma_start3A_292 : memref<1x1x128xf32, #tpu.memory_space<hbm>> -> memref<128xf32, #tpu.memory_space<hbm>>
      %dma_start3A_294 = arith.constant 0 : i32
      %dma_start3A_295 = tpu.memref_slice %arg4[%arg1, %run_scoped3A_214, %dma_start3A_294] : memref<16x84x128xf32, #tpu.memory_space<hbm>> -> memref<1x1x128xf32, #tpu.memory_space<hbm>>
      %dma_start3A_296 = tpu.memref_squeeze %dma_start3A_295 : memref<1x1x128xf32, #tpu.memory_space<hbm>> -> memref<128xf32, #tpu.memory_space<hbm>>
      tpu.enqueue_dma source(%dma_start3A_296 : memref<128xf32, #tpu.memory_space<hbm>>) target(%arg19 : memref<128xf32, #tpu.memory_space<vmem>>) target_semaphore(%run_scoped3A_290 : memref<!tpu.dma_semaphore, #tpu.memory_space<semaphore_mem>>)
      %dma_wait3A_297 = arith.constant 0 : i32
      %dma_wait3A_298 = tpu.memref_slice %arg4[%arg1, %run_scoped3A_214, %dma_wait3A_297] : memref<16x84x128xf32, #tpu.memory_space<hbm>> -> memref<1x1x128xf32, #tpu.memory_space<hbm>>
      %dma_wait3A_299 = tpu.memref_squeeze %dma_wait3A_298 : memref<1x1x128xf32, #tpu.memory_space<hbm>> -> memref<128xf32, #tpu.memory_space<hbm>>
      %dma_wait3A_300 = arith.constant 0 : i32
      %dma_wait3A_301 = tpu.memref_slice %arg4[%arg1, %run_scoped3A_214, %dma_wait3A_300] : memref<16x84x128xf32, #tpu.memory_space<hbm>> -> memref<1x1x128xf32, #tpu.memory_space<hbm>>
      %dma_wait3A_302 = tpu.memref_squeeze %dma_wait3A_301 : memref<1x1x128xf32, #tpu.memory_space<hbm>> -> memref<128xf32, #tpu.memory_space<hbm>>
      tpu.wait_dma2 semaphore(%run_scoped3A_290 : memref<!tpu.dma_semaphore, #tpu.memory_space<semaphore_mem>>) src(%dma_wait3A_302 : memref<128xf32, #tpu.memory_space<hbm>>) dst(%arg19 : memref<128xf32, #tpu.memory_space<vmem>>)
      tpu.yield
    }) : () -> ()
    %get3A = arith.constant 0 : index
    %get3A_215 = tpu.vector_load %arg12[%get3A] {strides = array<i32>} : memref<128xi32, #tpu.memory_space<vmem>>, vector<16xi32>,
    %mul3A_216 = arith.constant 2 : i32
    %mul3A_217 = vector.broadcast %mul3A_216 : i32 to vector<16xi32>
    %mul3A_218 = arith.muli %get3A_215, %mul3A_217 : vector<16xi32>
    %add3A_219 = arith.addi %mul3A_218, %add3A_4 : vector<16xi32>
    %swap3A = arith.constant 0 : index
    %swap3A_220 = tpu.vector_load %arg13[%swap3A] {strides = array<i32>} : memref<128xi32, #tpu.memory_space<vmem>>, vector<16xi32>,
    tpu.vector_store %arg13[%swap3A], %add3A_219 {strides = array<i32>} : memref<128xi32, #tpu.memory_space<vmem>>, vector<16xi32>,
    %get3A_221 = arith.constant 16 : index
    %get3A_222 = tpu.vector_load %arg12[%get3A_221] {strides = array<i32>} : memref<128xi32, #tpu.memory_space<vmem>>, vector<16xi32>,
    %mul3A_223 = arith.constant 2 : i32
    %mul3A_224 = vector.broadcast %mul3A_223 : i32 to vector<16xi32>
    %mul3A_225 = arith.muli %get3A_222, %mul3A_224 : vector<16xi32>
    %add3A_226 = arith.addi %mul3A_225, %add3A_4 : vector<16xi32>
    %swap3A_227 = arith.constant 16 : index
    %swap3A_228 = tpu.vector_load %arg13[%swap3A_227] {strides = array<i32>} : memref<128xi32, #tpu.memory_space<vmem>>, vector<16xi32>,
    tpu.vector_store %arg13[%swap3A_227], %add3A_226 {strides = array<i32>} : memref<128xi32, #tpu.memory_space<vmem>>, vector<16xi32>,
    %get3A_229 = arith.constant 32 : index
    %get3A_230 = tpu.vector_load %arg12[%get3A_229] {strides = array<i32>} : memref<128xi32, #tpu.memory_space<vmem>>, vector<16xi32>,
    %mul3A_231 = arith.constant 2 : i32
    %mul3A_232 = vector.broadcast %mul3A_231 : i32 to vector<16xi32>
    %mul3A_233 = arith.muli %get3A_230, %mul3A_232 : vector<16xi32>
    %add3A_234 = arith.addi %mul3A_233, %add3A_4 : vector<16xi32>
    %swap3A_235 = arith.constant 32 : index
    %swap3A_236 = tpu.vector_load %arg13[%swap3A_235] {strides = array<i32>} : memref<128xi32, #tpu.memory_space<vmem>>, vector<16xi32>,
    tpu.vector_store %arg13[%swap3A_235], %add3A_234 {strides = array<i32>} : memref<128xi32, #tpu.memory_space<vmem>>, vector<16xi32>,
    %get3A_237 = arith.constant 48 : index
    %get3A_238 = tpu.vector_load %arg12[%get3A_237] {strides = array<i32>} : memref<128xi32, #tpu.memory_space<vmem>>, vector<16xi32>,
    %mul3A_239 = arith.constant 2 : i32
    %mul3A_240 = vector.broadcast %mul3A_239 : i32 to vector<16xi32>
    %mul3A_241 = arith.muli %get3A_238, %mul3A_240 : vector<16xi32>
    %add3A_242 = arith.addi %mul3A_241, %add3A_4 : vector<16xi32>
    %swap3A_243 = arith.constant 48 : index
    %swap3A_244 = tpu.vector_load %arg13[%swap3A_243] {strides = array<i32>} : memref<128xi32, #tpu.memory_space<vmem>>, vector<16xi32>,
    tpu.vector_store %arg13[%swap3A_243], %add3A_242 {strides = array<i32>} : memref<128xi32, #tpu.memory_space<vmem>>, vector<16xi32>,
    %get3A_245 = arith.constant 64 : index
    %get3A_246 = tpu.vector_load %arg12[%get3A_245] {strides = array<i32>} : memref<128xi32, #tpu.memory_space<vmem>>, vector<16xi32>,
    %mul3A_247 = arith.constant 2 : i32
    %mul3A_248 = vector.broadcast %mul3A_247 : i32 to vector<16xi32>
    %mul3A_249 = arith.muli %get3A_246, %mul3A_248 : vector<16xi32>
    %add3A_250 = arith.addi %mul3A_249, %add3A_4 : vector<16xi32>
    %swap3A_251 = arith.constant 64 : index
    %swap3A_252 = tpu.vector_load %arg13[%swap3A_251] {strides = array<i32>} : memref<128xi32, #tpu.memory_space<vmem>>, vector<16xi32>,
    tpu.vector_store %arg13[%swap3A_251], %add3A_250 {strides = array<i32>} : memref<128xi32, #tpu.memory_space<vmem>>, vector<16xi32>,
    %get3A_253 = arith.constant 80 : index
    %get3A_254 = tpu.vector_load %arg12[%get3A_253] {strides = array<i32>} : memref<128xi32, #tpu.memory_space<vmem>>, vector<16xi32>,
    %mul3A_255 = arith.constant 2 : i32
    %mul3A_256 = vector.broadcast %mul3A_255 : i32 to vector<16xi32>
    %mul3A_257 = arith.muli %get3A_254, %mul3A_256 : vector<16xi32>
    %add3A_258 = arith.addi %mul3A_257, %add3A_4 : vector<16xi32>
    %swap3A_259 = arith.constant 80 : index
    %swap3A_260 = tpu.vector_load %arg13[%swap3A_259] {strides = array<i32>} : memref<128xi32, #tpu.memory_space<vmem>>, vector<16xi32>,
    tpu.vector_store %arg13[%swap3A_259], %add3A_258 {strides = array<i32>} : memref<128xi32, #tpu.memory_space<vmem>>, vector<16xi32>,
    %get3A_261 = arith.constant 96 : index
    %get3A_262 = tpu.vector_load %arg12[%get3A_261] {strides = array<i32>} : memref<128xi32, #tpu.memory_space<vmem>>, vector<16xi32>,
    %mul3A_263 = arith.constant 2 : i32
    %mul3A_264 = vector.broadcast %mul3A_263 : i32 to vector<16xi32>
    %mul3A_265 = arith.muli %get3A_262, %mul3A_264 : vector<16xi32>
    %add3A_266 = arith.addi %mul3A_265, %add3A_4 : vector<16xi32>
    %swap3A_267 = arith.constant 96 : index
    %swap3A_268 = tpu.vector_load %arg13[%swap3A_267] {strides = array<i32>} : memref<128xi32, #tpu.memory_space<vmem>>, vector<16xi32>,
    tpu.vector_store %arg13[%swap3A_267], %add3A_266 {strides = array<i32>} : memref<128xi32, #tpu.memory_space<vmem>>, vector<16xi32>,
    %get3A_269 = arith.constant 112 : index
    %get3A_270 = tpu.vector_load %arg12[%get3A_269] {strides = array<i32>} : memref<128xi32, #tpu.memory_space<vmem>>, vector<16xi32>,
    %mul3A_271 = arith.constant 2 : i32
    %mul3A_272 = vector.broadcast %mul3A_271 : i32 to vector<16xi32>
    %mul3A_273 = arith.muli %get3A_270, %mul3A_272 : vector<16xi32>
    %add3A_274 = arith.addi %mul3A_273, %add3A_4 : vector<16xi32>
    %swap3A_275 = arith.constant 112 : index
    %swap3A_276 = tpu.vector_load %arg13[%swap3A_275] {strides = array<i32>} : memref<128xi32, #tpu.memory_space<vmem>>, vector<16xi32>,
    tpu.vector_store %arg13[%swap3A_275], %add3A_274 {strides = array<i32>} : memref<128xi32, #tpu.memory_space<vmem>>, vector<16xi32>,
    %dma_start3A_277 = arith.constant 0 : i32
    %dma_start3A_278 = arith.constant 0 : i32
    %dma_start3A_279 = tpu.memref_slice %arg5[%dma_start3A_277, %dma_start3A_278] : memref<20000x128xf32, #tpu.memory_space<hbm>> -> memref<20000x128xf32, #tpu.memory_space<hbm>>
    tpu.enqueue_indirect_dma source(%dma_start3A_279 : memref<20000x128xf32, #tpu.memory_space<hbm>>) target(%arg10 : memref<128x128xf32, #tpu.memory_space<vmem>>) offsets(%arg13 : memref<128xi32, #tpu.memory_space<vmem>>) semaphore(%arg26 : memref<!tpu.dma_semaphore, #tpu.memory_space<semaphore_mem>>)
    %scan3A_280 = arith.constant 0 : i32
    %scan3A_281 = arith.constant 0 : i32
    %scan3A_282 = arith.constant 42 : i32
    %scan3A_283 = arith.addi %scan3A_281, %scan3A_282 : i32
    %scan3A_284 = arith.constant 1 : i32
    %scan3A_285 = scf.for %scan3A_290 = %scan3A_281 to %scan3A_283 step %scan3A_284 iter_args(%scan3A_291 = %scan3A_280) -> (i32)  : i32 {
      %mul3A_292 = arith.constant 2 : i32
      %mul3A_293 = arith.muli %mul3A_292, %scan3A_290 : i32
      %gt3A = arith.constant 0 : i32
      %gt3A_294 = arith.cmpi sgt, %scan3A_290, %gt3A : i32
      %convert_element_type3A = arith.extui %gt3A_294 : i1 to i32
      %cond3A = arith.constant 0 : i32
      %cond3A_295 = arith.cmpi ne, %convert_element_type3A, %cond3A : i32
      scf.if %cond3A_295 {
        %dma_wait3A_620 = arith.constant 0 : i32
        %dma_wait3A_621 = arith.constant 0 : i32
        %dma_wait3A_622 = tpu.memref_slice %arg3[%arg1, %dma_wait3A_620, %dma_wait3A_621] : memref<16x84x128xi32, #tpu.memory_space<hbm>> -> memref<1x1x128xi32, #tpu.memory_space<hbm>>
        %dma_wait3A_623 = tpu.memref_squeeze %dma_wait3A_622 : memref<1x1x128xi32, #tpu.memory_space<hbm>> -> memref<128xi32, #tpu.memory_space<hbm>>
        %dma_wait3A_624 = arith.constant 0 : i32
        %dma_wait3A_625 = tpu.memref_slice %arg3[%arg1, %dma_wait3A_620, %dma_wait3A_624] : memref<16x84x128xi32, #tpu.memory_space<hbm>> -> memref<1x1x128xi32, #tpu.memory_space<hbm>>
        %dma_wait3A_626 = tpu.memref_squeeze %dma_wait3A_625 : memref<1x1x128xi32, #tpu.memory_space<hbm>> -> memref<128xi32, #tpu.memory_space<hbm>>
        tpu.wait_dma2 semaphore(%arg32 : memref<!tpu.dma_semaphore, #tpu.memory_space<semaphore_mem>>) src(%dma_wait3A_626 : memref<128xi32, #tpu.memory_space<hbm>>) dst(%arg14 : memref<128xi32, #tpu.memory_space<vmem>>)
      } else {
      }
      %get3A_296 = arith.constant 0 : index
      %get3A_297 = tpu.vector_load %arg12[%get3A_296] {strides = array<i32>} : memref<128xi32, #tpu.memory_space<vmem>>, vector<16xi32>,
      %gather3A = tpu.vector_load_idx %arg9[%get3A_297] : memref<10240xf32, #tpu.memory_space<vmem>>[vector<16xi32>], vector<16xf32>,
      %get3A_298 = arith.constant 0 : index
      %get3A_299 = tpu.vector_load %arg14[%get3A_298] {strides = array<i32>} : memref<128xi32, #tpu.memory_space<vmem>>, vector<16xi32>,
      %gather3A_300 = tpu.vector_load_idx %arg9[%get3A_299] : memref<10240xf32, #tpu.memory_space<vmem>>[vector<16xi32>], vector<16xf32>,
      %get3A_301 = arith.constant 0 : index
      %get3A_302 = tpu.vector_load %arg15[%get3A_301] {strides = array<i32>} : memref<128xf32, #tpu.memory_space<vmem>>, vector<16xf32>,
      %mul3A_303 = arith.mulf %gather3A, %get3A_302 : vector<16xf32>
      %mul3A_304 = arith.mulf %mul3A_303, %gather3A_300 : vector<16xf32>
      %swap3A_305 = arith.constant 0 : index
      %swap3A_306 = tpu.vector_load %arg24[%swap3A_305] {strides = array<i32>} : memref<128xf32, #tpu.memory_space<vmem>>, vector<16xf32>,
      tpu.vector_store %arg24[%swap3A_305], %mul3A_304 {strides = array<i32>} : memref<128xf32, #tpu.memory_space<vmem>>, vector<16xf32>,
      %get3A_307 = arith.constant 16 : index
      %get3A_308 = tpu.vector_load %arg12[%get3A_307] {strides = array<i32>} : memref<128xi32, #tpu.memory_space<vmem>>, vector<16xi32>,
      %gather3A_309 = tpu.vector_load_idx %arg9[%get3A_308] : memref<10240xf32, #tpu.memory_space<vmem>>[vector<16xi32>], vector<16xf32>,
      %get3A_310 = arith.constant 16 : index
      %get3A_311 = tpu.vector_load %arg14[%get3A_310] {strides = array<i32>} : memref<128xi32, #tpu.memory_space<vmem>>, vector<16xi32>,
      %gather3A_312 = tpu.vector_load_idx %arg9[%get3A_311] : memref<10240xf32, #tpu.memory_space<vmem>>[vector<16xi32>], vector<16xf32>,
      %get3A_313 = arith.constant 16 : index
      %get3A_314 = tpu.vector_load %arg15[%get3A_313] {strides = array<i32>} : memref<128xf32, #tpu.memory_space<vmem>>, vector<16xf32>,
      %mul3A_315 = arith.mulf %gather3A_309, %get3A_314 : vector<16xf32>
      %mul3A_316 = arith.mulf %mul3A_315, %gather3A_312 : vector<16xf32>
      %swap3A_317 = arith.constant 16 : index
      %swap3A_318 = tpu.vector_load %arg24[%swap3A_317] {strides = array<i32>} : memref<128xf32, #tpu.memory_space<vmem>>, vector<16xf32>,
      tpu.vector_store %arg24[%swap3A_317], %mul3A_316 {strides = array<i32>} : memref<128xf32, #tpu.memory_space<vmem>>, vector<16xf32>,
      %get3A_319 = arith.constant 32 : index
      %get3A_320 = tpu.vector_load %arg12[%get3A_319] {strides = array<i32>} : memref<128xi32, #tpu.memory_space<vmem>>, vector<16xi32>,
      %gather3A_321 = tpu.vector_load_idx %arg9[%get3A_320] : memref<10240xf32, #tpu.memory_space<vmem>>[vector<16xi32>], vector<16xf32>,
      %get3A_322 = arith.constant 32 : index
      %get3A_323 = tpu.vector_load %arg14[%get3A_322] {strides = array<i32>} : memref<128xi32, #tpu.memory_space<vmem>>, vector<16xi32>,
      %gather3A_324 = tpu.vector_load_idx %arg9[%get3A_323] : memref<10240xf32, #tpu.memory_space<vmem>>[vector<16xi32>], vector<16xf32>,
      %get3A_325 = arith.constant 32 : index
      %get3A_326 = tpu.vector_load %arg15[%get3A_325] {strides = array<i32>} : memref<128xf32, #tpu.memory_space<vmem>>, vector<16xf32>,
      %mul3A_327 = arith.mulf %gather3A_321, %get3A_326 : vector<16xf32>
      %mul3A_328 = arith.mulf %mul3A_327, %gather3A_324 : vector<16xf32>
      %swap3A_329 = arith.constant 32 : index
      %swap3A_330 = tpu.vector_load %arg24[%swap3A_329] {strides = array<i32>} : memref<128xf32, #tpu.memory_space<vmem>>, vector<16xf32>,
      tpu.vector_store %arg24[%swap3A_329], %mul3A_328 {strides = array<i32>} : memref<128xf32, #tpu.memory_space<vmem>>, vector<16xf32>,
      %get3A_331 = arith.constant 48 : index
      %get3A_332 = tpu.vector_load %arg12[%get3A_331] {strides = array<i32>} : memref<128xi32, #tpu.memory_space<vmem>>, vector<16xi32>,
      %gather3A_333 = tpu.vector_load_idx %arg9[%get3A_332] : memref<10240xf32, #tpu.memory_space<vmem>>[vector<16xi32>], vector<16xf32>,
      %get3A_334 = arith.constant 48 : index
      %get3A_335 = tpu.vector_load %arg14[%get3A_334] {strides = array<i32>} : memref<128xi32, #tpu.memory_space<vmem>>, vector<16xi32>,
      %gather3A_336 = tpu.vector_load_idx %arg9[%get3A_335] : memref<10240xf32, #tpu.memory_space<vmem>>[vector<16xi32>], vector<16xf32>,
      %get3A_337 = arith.constant 48 : index
      %get3A_338 = tpu.vector_load %arg15[%get3A_337] {strides = array<i32>} : memref<128xf32, #tpu.memory_space<vmem>>, vector<16xf32>,
      %mul3A_339 = arith.mulf %gather3A_333, %get3A_338 : vector<16xf32>
      %mul3A_340 = arith.mulf %mul3A_339, %gather3A_336 : vector<16xf32>
      %swap3A_341 = arith.constant 48 : index
      %swap3A_342 = tpu.vector_load %arg24[%swap3A_341] {strides = array<i32>} : memref<128xf32, #tpu.memory_space<vmem>>, vector<16xf32>,
      tpu.vector_store %arg24[%swap3A_341], %mul3A_340 {strides = array<i32>} : memref<128xf32, #tpu.memory_space<vmem>>, vector<16xf32>,
      %get3A_343 = arith.constant 64 : index
      %get3A_344 = tpu.vector_load %arg12[%get3A_343] {strides = array<i32>} : memref<128xi32, #tpu.memory_space<vmem>>, vector<16xi32>,
      %gather3A_345 = tpu.vector_load_idx %arg9[%get3A_344] : memref<10240xf32, #tpu.memory_space<vmem>>[vector<16xi32>], vector<16xf32>,
      %get3A_346 = arith.constant 64 : index
      %get3A_347 = tpu.vector_load %arg14[%get3A_346] {strides = array<i32>} : memref<128xi32, #tpu.memory_space<vmem>>, vector<16xi32>,
      %gather3A_348 = tpu.vector_load_idx %arg9[%get3A_347] : memref<10240xf32, #tpu.memory_space<vmem>>[vector<16xi32>], vector<16xf32>,
      %get3A_349 = arith.constant 64 : index
      %get3A_350 = tpu.vector_load %arg15[%get3A_349] {strides = array<i32>} : memref<128xf32, #tpu.memory_space<vmem>>, vector<16xf32>,
      %mul3A_351 = arith.mulf %gather3A_345, %get3A_350 : vector<16xf32>
      %mul3A_352 = arith.mulf %mul3A_351, %gather3A_348 : vector<16xf32>
      %swap3A_353 = arith.constant 64 : index
      %swap3A_354 = tpu.vector_load %arg24[%swap3A_353] {strides = array<i32>} : memref<128xf32, #tpu.memory_space<vmem>>, vector<16xf32>,
      tpu.vector_store %arg24[%swap3A_353], %mul3A_352 {strides = array<i32>} : memref<128xf32, #tpu.memory_space<vmem>>, vector<16xf32>,
      %get3A_355 = arith.constant 80 : index
      %get3A_356 = tpu.vector_load %arg12[%get3A_355] {strides = array<i32>} : memref<128xi32, #tpu.memory_space<vmem>>, vector<16xi32>,
      %gather3A_357 = tpu.vector_load_idx %arg9[%get3A_356] : memref<10240xf32, #tpu.memory_space<vmem>>[vector<16xi32>], vector<16xf32>,
      %get3A_358 = arith.constant 80 : index
      %get3A_359 = tpu.vector_load %arg14[%get3A_358] {strides = array<i32>} : memref<128xi32, #tpu.memory_space<vmem>>, vector<16xi32>,
      %gather3A_360 = tpu.vector_load_idx %arg9[%get3A_359] : memref<10240xf32, #tpu.memory_space<vmem>>[vector<16xi32>], vector<16xf32>,
      %get3A_361 = arith.constant 80 : index
      %get3A_362 = tpu.vector_load %arg15[%get3A_361] {strides = array<i32>} : memref<128xf32, #tpu.memory_space<vmem>>, vector<16xf32>,
      %mul3A_363 = arith.mulf %gather3A_357, %get3A_362 : vector<16xf32>
      %mul3A_364 = arith.mulf %mul3A_363, %gather3A_360 : vector<16xf32>
      %swap3A_365 = arith.constant 80 : index
      %swap3A_366 = tpu.vector_load %arg24[%swap3A_365] {strides = array<i32>} : memref<128xf32, #tpu.memory_space<vmem>>, vector<16xf32>,
      tpu.vector_store %arg24[%swap3A_365], %mul3A_364 {strides = array<i32>} : memref<128xf32, #tpu.memory_space<vmem>>, vector<16xf32>,
      %get3A_367 = arith.constant 96 : index
      %get3A_368 = tpu.vector_load %arg12[%get3A_367] {strides = array<i32>} : memref<128xi32, #tpu.memory_space<vmem>>, vector<16xi32>,
      %gather3A_369 = tpu.vector_load_idx %arg9[%get3A_368] : memref<10240xf32, #tpu.memory_space<vmem>>[vector<16xi32>], vector<16xf32>,
      %get3A_370 = arith.constant 96 : index
      %get3A_371 = tpu.vector_load %arg14[%get3A_370] {strides = array<i32>} : memref<128xi32, #tpu.memory_space<vmem>>, vector<16xi32>,
      %gather3A_372 = tpu.vector_load_idx %arg9[%get3A_371] : memref<10240xf32, #tpu.memory_space<vmem>>[vector<16xi32>], vector<16xf32>,
      %get3A_373 = arith.constant 96 : index
      %get3A_374 = tpu.vector_load %arg15[%get3A_373] {strides = array<i32>} : memref<128xf32, #tpu.memory_space<vmem>>, vector<16xf32>,
      %mul3A_375 = arith.mulf %gather3A_369, %get3A_374 : vector<16xf32>
      %mul3A_376 = arith.mulf %mul3A_375, %gather3A_372 : vector<16xf32>
      %swap3A_377 = arith.constant 96 : index
      %swap3A_378 = tpu.vector_load %arg24[%swap3A_377] {strides = array<i32>} : memref<128xf32, #tpu.memory_space<vmem>>, vector<16xf32>,
      tpu.vector_store %arg24[%swap3A_377], %mul3A_376 {strides = array<i32>} : memref<128xf32, #tpu.memory_space<vmem>>, vector<16xf32>,
      %get3A_379 = arith.constant 112 : index
      %get3A_380 = tpu.vector_load %arg12[%get3A_379] {strides = array<i32>} : memref<128xi32, #tpu.memory_space<vmem>>, vector<16xi32>,
      %gather3A_381 = tpu.vector_load_idx %arg9[%get3A_380] : memref<10240xf32, #tpu.memory_space<vmem>>[vector<16xi32>], vector<16xf32>,
      %get3A_382 = arith.constant 112 : index
      %get3A_383 = tpu.vector_load %arg14[%get3A_382] {strides = array<i32>} : memref<128xi32, #tpu.memory_space<vmem>>, vector<16xi32>,
      %gather3A_384 = tpu.vector_load_idx %arg9[%get3A_383] : memref<10240xf32, #tpu.memory_space<vmem>>[vector<16xi32>], vector<16xf32>,
      %get3A_385 = arith.constant 112 : index
      %get3A_386 = tpu.vector_load %arg15[%get3A_385] {strides = array<i32>} : memref<128xf32, #tpu.memory_space<vmem>>, vector<16xf32>,
      %mul3A_387 = arith.mulf %gather3A_381, %get3A_386 : vector<16xf32>
      %mul3A_388 = arith.mulf %mul3A_387, %gather3A_384 : vector<16xf32>
      %swap3A_389 = arith.constant 112 : index
      %swap3A_390 = tpu.vector_load %arg24[%swap3A_389] {strides = array<i32>} : memref<128xf32, #tpu.memory_space<vmem>>, vector<16xf32>,
      tpu.vector_store %arg24[%swap3A_389], %mul3A_388 {strides = array<i32>} : memref<128xf32, #tpu.memory_space<vmem>>, vector<16xf32>,
      %dma_wait3A_391 = arith.constant 0 : i32
      %dma_wait3A_392 = arith.constant 0 : i32
      %dma_wait3A_393 = tpu.memref_slice %arg5[%dma_wait3A_391, %dma_wait3A_392] : memref<20000x128xf32, #tpu.memory_space<hbm>> -> memref<128x128xf32, #tpu.memory_space<hbm>>
      %dma_wait3A_394 = arith.constant 0 : i32
      %dma_wait3A_395 = arith.constant 0 : i32
      %dma_wait3A_396 = tpu.memref_slice %arg5[%dma_wait3A_394, %dma_wait3A_395] : memref<20000x128xf32, #tpu.memory_space<hbm>> -> memref<128x128xf32, #tpu.memory_space<hbm>>
      tpu.wait_dma2 semaphore(%arg26 : memref<!tpu.dma_semaphore, #tpu.memory_space<semaphore_mem>>) src(%dma_wait3A_396 : memref<128x128xf32, #tpu.memory_space<hbm>>) dst(%arg10 : memref<128x128xf32, #tpu.memory_space<vmem>>)
      %parallel_loop3A = arith.constant 0 : i32
      %parallel_loop3A_397 = arith.constant 128 : i32
      %parallel_loop3A_398 = arith.constant 1 : i32
      scf.for %parallel_loop3A_620 = %parallel_loop3A to %parallel_loop3A_397 step %parallel_loop3A_398  : i32 {
        %parallel_loop3A_621 = arith.constant 0 : i32
        %parallel_loop3A_622 = vector.broadcast %parallel_loop3A_621 : i32 to vector<16xi32>
        %parallel_loop3A_623 = vector.broadcast %parallel_loop3A_620 : i32 to vector<16xi32>
        %parallel_loop3A_624 = arith.addi %parallel_loop3A_622, %parallel_loop3A_623 : vector<16xi32>
        %parallel_loop3A_625 = tpu.vector_load_idx %arg24[%parallel_loop3A_624] : memref<128xf32, #tpu.memory_space<vmem>>[vector<16xi32>], vector<16xf32>,
        %parallel_loop3A_626 = arith.index_cast %parallel_loop3A_620 : i32 to index
        %parallel_loop3A_627 = arith.constant 0 : index
        %parallel_loop3A_628 = tpu.vector_load %arg10[%parallel_loop3A_626, %parallel_loop3A_627] {strides = array<i32>} : memref<128x128xf32, #tpu.memory_space<vmem>>, vector<16xf32>,
        %parallel_loop3A_629 = arith.mulf %parallel_loop3A_628, %parallel_loop3A_625 : vector<16xf32>
        %parallel_loop3A_630 = arith.index_cast %parallel_loop3A_620 : i32 to index
        %parallel_loop3A_631 = arith.constant 0 : index
        %parallel_loop3A_632 = tpu.vector_load %arg10[%parallel_loop3A_630, %parallel_loop3A_631] {strides = array<i32>} : memref<128x128xf32, #tpu.memory_space<vmem>>, vector<16xf32>,
        tpu.vector_store %arg10[%parallel_loop3A_630, %parallel_loop3A_631], %parallel_loop3A_629 {strides = array<i32>} : memref<128x128xf32, #tpu.memory_space<vmem>>, vector<16xf32>,
        %parallel_loop3A_633 = arith.index_cast %parallel_loop3A_620 : i32 to index
        %parallel_loop3A_634 = arith.constant 16 : index
        %parallel_loop3A_635 = tpu.vector_load %arg10[%parallel_loop3A_633, %parallel_loop3A_634] {strides = array<i32>} : memref<128x128xf32, #tpu.memory_space<vmem>>, vector<16xf32>,
        %parallel_loop3A_636 = arith.mulf %parallel_loop3A_635, %parallel_loop3A_625 : vector<16xf32>
        %parallel_loop3A_637 = arith.index_cast %parallel_loop3A_620 : i32 to index
        %parallel_loop3A_638 = arith.constant 16 : index
        %parallel_loop3A_639 = tpu.vector_load %arg10[%parallel_loop3A_637, %parallel_loop3A_638] {strides = array<i32>} : memref<128x128xf32, #tpu.memory_space<vmem>>, vector<16xf32>,
        tpu.vector_store %arg10[%parallel_loop3A_637, %parallel_loop3A_638], %parallel_loop3A_636 {strides = array<i32>} : memref<128x128xf32, #tpu.memory_space<vmem>>, vector<16xf32>,
        %parallel_loop3A_640 = arith.index_cast %parallel_loop3A_620 : i32 to index
        %parallel_loop3A_641 = arith.constant 32 : index
        %parallel_loop3A_642 = tpu.vector_load %arg10[%parallel_loop3A_640, %parallel_loop3A_641] {strides = array<i32>} : memref<128x128xf32, #tpu.memory_space<vmem>>, vector<16xf32>,
        %parallel_loop3A_643 = arith.mulf %parallel_loop3A_642, %parallel_loop3A_625 : vector<16xf32>
        %parallel_loop3A_644 = arith.index_cast %parallel_loop3A_620 : i32 to index
        %parallel_loop3A_645 = arith.constant 32 : index
        %parallel_loop3A_646 = tpu.vector_load %arg10[%parallel_loop3A_644, %parallel_loop3A_645] {strides = array<i32>} : memref<128x128xf32, #tpu.memory_space<vmem>>, vector<16xf32>,
        tpu.vector_store %arg10[%parallel_loop3A_644, %parallel_loop3A_645], %parallel_loop3A_643 {strides = array<i32>} : memref<128x128xf32, #tpu.memory_space<vmem>>, vector<16xf32>,
        %parallel_loop3A_647 = arith.index_cast %parallel_loop3A_620 : i32 to index
        %parallel_loop3A_648 = arith.constant 48 : index
        %parallel_loop3A_649 = tpu.vector_load %arg10[%parallel_loop3A_647, %parallel_loop3A_648] {strides = array<i32>} : memref<128x128xf32, #tpu.memory_space<vmem>>, vector<16xf32>,
        %parallel_loop3A_650 = arith.mulf %parallel_loop3A_649, %parallel_loop3A_625 : vector<16xf32>
        %parallel_loop3A_651 = arith.index_cast %parallel_loop3A_620 : i32 to index
        %parallel_loop3A_652 = arith.constant 48 : index
        %parallel_loop3A_653 = tpu.vector_load %arg10[%parallel_loop3A_651, %parallel_loop3A_652] {strides = array<i32>} : memref<128x128xf32, #tpu.memory_space<vmem>>, vector<16xf32>,
        tpu.vector_store %arg10[%parallel_loop3A_651, %parallel_loop3A_652], %parallel_loop3A_650 {strides = array<i32>} : memref<128x128xf32, #tpu.memory_space<vmem>>, vector<16xf32>,
        %parallel_loop3A_654 = arith.index_cast %parallel_loop3A_620 : i32 to index
        %parallel_loop3A_655 = arith.constant 64 : index
        %parallel_loop3A_656 = tpu.vector_load %arg10[%parallel_loop3A_654, %parallel_loop3A_655] {strides = array<i32>} : memref<128x128xf32, #tpu.memory_space<vmem>>, vector<16xf32>,
        %parallel_loop3A_657 = arith.mulf %parallel_loop3A_656, %parallel_loop3A_625 : vector<16xf32>
        %parallel_loop3A_658 = arith.index_cast %parallel_loop3A_620 : i32 to index
        %parallel_loop3A_659 = arith.constant 64 : index
        %parallel_loop3A_660 = tpu.vector_load %arg10[%parallel_loop3A_658, %parallel_loop3A_659] {strides = array<i32>} : memref<128x128xf32, #tpu.memory_space<vmem>>, vector<16xf32>,
        tpu.vector_store %arg10[%parallel_loop3A_658, %parallel_loop3A_659], %parallel_loop3A_657 {strides = array<i32>} : memref<128x128xf32, #tpu.memory_space<vmem>>, vector<16xf32>,
        %parallel_loop3A_661 = arith.index_cast %parallel_loop3A_620 : i32 to index
        %parallel_loop3A_662 = arith.constant 80 : index
        %parallel_loop3A_663 = tpu.vector_load %arg10[%parallel_loop3A_661, %parallel_loop3A_662] {strides = array<i32>} : memref<128x128xf32, #tpu.memory_space<vmem>>, vector<16xf32>,
        %parallel_loop3A_664 = arith.mulf %parallel_loop3A_663, %parallel_loop3A_625 : vector<16xf32>
        %parallel_loop3A_665 = arith.index_cast %parallel_loop3A_620 : i32 to index
        %parallel_loop3A_666 = arith.constant 80 : index
        %parallel_loop3A_667 = tpu.vector_load %arg10[%parallel_loop3A_665, %parallel_loop3A_666] {strides = array<i32>} : memref<128x128xf32, #tpu.memory_space<vmem>>, vector<16xf32>,
        tpu.vector_store %arg10[%parallel_loop3A_665, %parallel_loop3A_666], %parallel_loop3A_664 {strides = array<i32>} : memref<128x128xf32, #tpu.memory_space<vmem>>, vector<16xf32>,
        %parallel_loop3A_668 = arith.index_cast %parallel_loop3A_620 : i32 to index
        %parallel_loop3A_669 = arith.constant 96 : index
        %parallel_loop3A_670 = tpu.vector_load %arg10[%parallel_loop3A_668, %parallel_loop3A_669] {strides = array<i32>} : memref<128x128xf32, #tpu.memory_space<vmem>>, vector<16xf32>,
        %parallel_loop3A_671 = arith.mulf %parallel_loop3A_670, %parallel_loop3A_625 : vector<16xf32>
        %parallel_loop3A_672 = arith.index_cast %parallel_loop3A_620 : i32 to index
        %parallel_loop3A_673 = arith.constant 96 : index
        %parallel_loop3A_674 = tpu.vector_load %arg10[%parallel_loop3A_672, %parallel_loop3A_673] {strides = array<i32>} : memref<128x128xf32, #tpu.memory_space<vmem>>, vector<16xf32>,
        tpu.vector_store %arg10[%parallel_loop3A_672, %parallel_loop3A_673], %parallel_loop3A_671 {strides = array<i32>} : memref<128x128xf32, #tpu.memory_space<vmem>>, vector<16xf32>,
        %parallel_loop3A_675 = arith.index_cast %parallel_loop3A_620 : i32 to index
        %parallel_loop3A_676 = arith.constant 112 : index
        %parallel_loop3A_677 = tpu.vector_load %arg10[%parallel_loop3A_675, %parallel_loop3A_676] {strides = array<i32>} : memref<128x128xf32, #tpu.memory_space<vmem>>, vector<16xf32>,
        %parallel_loop3A_678 = arith.mulf %parallel_loop3A_677, %parallel_loop3A_625 : vector<16xf32>
        %parallel_loop3A_679 = arith.index_cast %parallel_loop3A_620 : i32 to index
        %parallel_loop3A_680 = arith.constant 112 : index
        %parallel_loop3A_681 = tpu.vector_load %arg10[%parallel_loop3A_679, %parallel_loop3A_680] {strides = array<i32>} : memref<128x128xf32, #tpu.memory_space<vmem>>, vector<16xf32>,
        tpu.vector_store %arg10[%parallel_loop3A_679, %parallel_loop3A_680], %parallel_loop3A_678 {strides = array<i32>} : memref<128x128xf32, #tpu.memory_space<vmem>>, vector<16xf32>,
      } {sc.loop_unroll_factor = 4 : i64, sc.parallel_access}
      %lt3A = arith.constant 41 : i32
      %lt3A_399 = arith.cmpi slt, %scan3A_290, %lt3A : i32
      %convert_element_type3A_400 = arith.extui %lt3A_399 : i1 to i32
      %cond3A_401 = arith.constant 0 : i32
      %cond3A_402 = arith.cmpi ne, %convert_element_type3A_400, %cond3A_401 : i32
      scf.if %cond3A_402 {
        %add3A_620 = arith.constant 2 : i32
        %add3A_621 = arith.addi %mul3A_293, %add3A_620 : i32
        %dma_start3A_622 = arith.constant 0 : i32
        %dma_start3A_623 = tpu.memref_slice %arg2[%arg1, %add3A_621, %dma_start3A_622] : memref<16x84x128xi32, #tpu.memory_space<hbm>> -> memref<1x1x128xi32, #tpu.memory_space<hbm>>
        %dma_start3A_624 = tpu.memref_squeeze %dma_start3A_623 : memref<1x1x128xi32, #tpu.memory_space<hbm>> -> memref<128xi32, #tpu.memory_space<hbm>>
        %dma_start3A_625 = arith.constant 0 : i32
        %dma_start3A_626 = tpu.memref_slice %arg2[%arg1, %add3A_621, %dma_start3A_625] : memref<16x84x128xi32, #tpu.memory_space<hbm>> -> memref<1x1x128xi32, #tpu.memory_space<hbm>>
        %dma_start3A_627 = tpu.memref_squeeze %dma_start3A_626 : memref<1x1x128xi32, #tpu.memory_space<hbm>> -> memref<128xi32, #tpu.memory_space<hbm>>
        tpu.enqueue_dma source(%dma_start3A_627 : memref<128xi32, #tpu.memory_space<hbm>>) target(%arg12 : memref<128xi32, #tpu.memory_space<vmem>>) target_semaphore(%arg30 : memref<!tpu.dma_semaphore, #tpu.memory_space<semaphore_mem>>)
        %add3A_628 = arith.constant 2 : i32
        %add3A_629 = arith.addi %mul3A_293, %add3A_628 : i32
        %dma_start3A_630 = arith.constant 0 : i32
        %dma_start3A_631 = tpu.memref_slice %arg4[%arg1, %add3A_629, %dma_start3A_630] : memref<16x84x128xf32, #tpu.memory_space<hbm>> -> memref<1x1x128xf32, #tpu.memory_space<hbm>>
        %dma_start3A_632 = tpu.memref_squeeze %dma_start3A_631 : memref<1x1x128xf32, #tpu.memory_space<hbm>> -> memref<128xf32, #tpu.memory_space<hbm>>
        %dma_start3A_633 = arith.constant 0 : i32
        %dma_start3A_634 = tpu.memref_slice %arg4[%arg1, %add3A_629, %dma_start3A_633] : memref<16x84x128xf32, #tpu.memory_space<hbm>> -> memref<1x1x128xf32, #tpu.memory_space<hbm>>
        %dma_start3A_635 = tpu.memref_squeeze %dma_start3A_634 : memref<1x1x128xf32, #tpu.memory_space<hbm>> -> memref<128xf32, #tpu.memory_space<hbm>>
        tpu.enqueue_dma source(%dma_start3A_635 : memref<128xf32, #tpu.memory_space<hbm>>) target(%arg15 : memref<128xf32, #tpu.memory_space<vmem>>) target_semaphore(%arg30 : memref<!tpu.dma_semaphore, #tpu.memory_space<semaphore_mem>>)
      } else {
      }
      %gt3A_403 = arith.constant 0 : i32
      %gt3A_404 = arith.cmpi sgt, %scan3A_290, %gt3A_403 : i32
      %convert_element_type3A_405 = arith.extui %gt3A_404 : i1 to i32
      %cond3A_406 = arith.constant 0 : i32
      %cond3A_407 = arith.cmpi ne, %convert_element_type3A_405, %cond3A_406 : i32
      scf.if %cond3A_407 {
        %dma_wait3A_620 = arith.constant 0 : i32
        %dma_wait3A_621 = arith.constant 0 : i32
        %dma_wait3A_622 = tpu.memref_slice %arg7[%dma_wait3A_620, %dma_wait3A_621] : memref<10240x128xf32, #tpu.memory_space<vmem_shared>> -> memref<10240x128xf32, #tpu.memory_space<vmem_shared>>
        tpu.wait_indirect_dma semaphore(%arg29 : memref<!tpu.dma_semaphore, #tpu.memory_space<semaphore_mem>>) src(%arg11 : memref<128x128xf32, #tpu.memory_space<vmem>>) dst(%dma_wait3A_622 : memref<10240x128xf32, #tpu.memory_space<vmem_shared>>)
      } else {
      }
      %add3A_408 = arith.constant 1 : i32
      %add3A_409 = arith.addi %mul3A_293, %add3A_408 : i32
      %dma_start3A_410 = arith.constant 0 : i32
      %dma_start3A_411 = tpu.memref_slice %arg3[%arg1, %add3A_409, %dma_start3A_410] : memref<16x84x128xi32, #tpu.memory_space<hbm>> -> memref<1x1x128xi32, #tpu.memory_space<hbm>>
      %dma_start3A_412 = tpu.memref_squeeze %dma_start3A_411 : memref<1x1x128xi32, #tpu.memory_space<hbm>> -> memref<128xi32, #tpu.memory_space<hbm>>
      %dma_start3A_413 = arith.constant 0 : i32
      %dma_start3A_414 = tpu.memref_slice %arg3[%arg1, %add3A_409, %dma_start3A_413] : memref<16x84x128xi32, #tpu.memory_space<hbm>> -> memref<1x1x128xi32, #tpu.memory_space<hbm>>
      %dma_start3A_415 = tpu.memref_squeeze %dma_start3A_414 : memref<1x1x128xi32, #tpu.memory_space<hbm>> -> memref<128xi32, #tpu.memory_space<hbm>>
      tpu.enqueue_dma source(%dma_start3A_415 : memref<128xi32, #tpu.memory_space<hbm>>) target(%arg18 : memref<128xi32, #tpu.memory_space<vmem>>) target_semaphore(%arg33 : memref<!tpu.dma_semaphore, #tpu.memory_space<semaphore_mem>>)
      %dma_start3A_416 = arith.constant 0 : i32
      %dma_start3A_417 = arith.constant 0 : i32
      %dma_start3A_418 = tpu.memref_slice %arg7[%dma_start3A_416, %dma_start3A_417] : memref<10240x128xf32, #tpu.memory_space<vmem_shared>> -> memref<10240x128xf32, #tpu.memory_space<vmem_shared>>
      tpu.enqueue_indirect_dma source(%arg10 : memref<128x128xf32, #tpu.memory_space<vmem>>) target(%dma_start3A_418 : memref<10240x128xf32, #tpu.memory_space<vmem_shared>>) offsets(%arg14 : memref<128xi32, #tpu.memory_space<vmem>>) semaphore(%arg28 : memref<!tpu.dma_semaphore, #tpu.memory_space<semaphore_mem>>) {add = true}
      %gt3A_419 = arith.constant 0 : i32
      %gt3A_420 = arith.cmpi sgt, %scan3A_290, %gt3A_419 : i32
      %convert_element_type3A_421 = arith.extui %gt3A_420 : i1 to i32
      %cond3A_422 = arith.constant 0 : i32
      %cond3A_423 = arith.cmpi ne, %convert_element_type3A_421, %cond3A_422 : i32
      scf.if %cond3A_423 {
        %dma_wait3A_620 = arith.constant 0 : i32
        %dma_wait3A_621 = arith.constant 0 : i32
        %dma_wait3A_622 = tpu.memref_slice %arg2[%arg1, %dma_wait3A_620, %dma_wait3A_621] : memref<16x84x128xi32, #tpu.memory_space<hbm>> -> memref<1x1x128xi32, #tpu.memory_space<hbm>>
        %dma_wait3A_623 = tpu.memref_squeeze %dma_wait3A_622 : memref<1x1x128xi32, #tpu.memory_space<hbm>> -> memref<128xi32, #tpu.memory_space<hbm>>
        %dma_wait3A_624 = arith.constant 0 : i32
        %dma_wait3A_625 = tpu.memref_slice %arg2[%arg1, %dma_wait3A_620, %dma_wait3A_624] : memref<16x84x128xi32, #tpu.memory_space<hbm>> -> memref<1x1x128xi32, #tpu.memory_space<hbm>>
        %dma_wait3A_626 = tpu.memref_squeeze %dma_wait3A_625 : memref<1x1x128xi32, #tpu.memory_space<hbm>> -> memref<128xi32, #tpu.memory_space<hbm>>
        tpu.wait_dma2 semaphore(%arg31 : memref<!tpu.dma_semaphore, #tpu.memory_space<semaphore_mem>>) src(%dma_wait3A_626 : memref<128xi32, #tpu.memory_space<hbm>>) dst(%arg16 : memref<128xi32, #tpu.memory_space<vmem>>)
        %dma_wait3A_627 = arith.constant 0 : i32
        %dma_wait3A_628 = arith.constant 0 : i32
        %dma_wait3A_629 = tpu.memref_slice %arg4[%arg1, %dma_wait3A_627, %dma_wait3A_628] : memref<16x84x128xf32, #tpu.memory_space<hbm>> -> memref<1x1x128xf32, #tpu.memory_space<hbm>>
        %dma_wait3A_630 = tpu.memref_squeeze %dma_wait3A_629 : memref<1x1x128xf32, #tpu.memory_space<hbm>> -> memref<128xf32, #tpu.memory_space<hbm>>
        %dma_wait3A_631 = arith.constant 0 : i32
        %dma_wait3A_632 = tpu.memref_slice %arg4[%arg1, %dma_wait3A_627, %dma_wait3A_631] : memref<16x84x128xf32, #tpu.memory_space<hbm>> -> memref<1x1x128xf32, #tpu.memory_space<hbm>>
        %dma_wait3A_633 = tpu.memref_squeeze %dma_wait3A_632 : memref<1x1x128xf32, #tpu.memory_space<hbm>> -> memref<128xf32, #tpu.memory_space<hbm>>
        tpu.wait_dma2 semaphore(%arg31 : memref<!tpu.dma_semaphore, #tpu.memory_space<semaphore_mem>>) src(%dma_wait3A_633 : memref<128xf32, #tpu.memory_space<hbm>>) dst(%arg19 : memref<128xf32, #tpu.memory_space<vmem>>)
      } else {
      }
      %get3A_424 = arith.constant 0 : index
      %get3A_425 = tpu.vector_load %arg16[%get3A_424] {strides = array<i32>} : memref<128xi32, #tpu.memory_space<vmem>>, vector<16xi32>,
      %mul3A_426 = arith.constant 2 : i32
      %mul3A_427 = vector.broadcast %mul3A_426 : i32 to vector<16xi32>
      %mul3A_428 = arith.muli %get3A_425, %mul3A_427 : vector<16xi32>
      %add3A_429 = arith.addi %mul3A_428, %add3A_4 : vector<16xi32>
      %swap3A_430 = arith.constant 0 : index
      %swap3A_431 = tpu.vector_load %arg17[%swap3A_430] {strides = array<i32>} : memref<128xi32, #tpu.memory_space<vmem>>, vector<16xi32>,
      tpu.vector_store %arg17[%swap3A_430], %add3A_429 {strides = array<i32>} : memref<128xi32, #tpu.memory_space<vmem>>, vector<16xi32>,
      %get3A_432 = arith.constant 16 : index
      %get3A_433 = tpu.vector_load %arg16[%get3A_432] {strides = array<i32>} : memref<128xi32, #tpu.memory_space<vmem>>, vector<16xi32>,
      %mul3A_434 = arith.constant 2 : i32
      %mul3A_435 = vector.broadcast %mul3A_434 : i32 to vector<16xi32>
      %mul3A_436 = arith.muli %get3A_433, %mul3A_435 : vector<16xi32>
      %add3A_437 = arith.addi %mul3A_436, %add3A_4 : vector<16xi32>
      %swap3A_438 = arith.constant 16 : index
      %swap3A_439 = tpu.vector_load %arg17[%swap3A_438] {strides = array<i32>} : memref<128xi32, #tpu.memory_space<vmem>>, vector<16xi32>,
      tpu.vector_store %arg17[%swap3A_438], %add3A_437 {strides = array<i32>} : memref<128xi32, #tpu.memory_space<vmem>>, vector<16xi32>,
      %get3A_440 = arith.constant 32 : index
      %get3A_441 = tpu.vector_load %arg16[%get3A_440] {strides = array<i32>} : memref<128xi32, #tpu.memory_space<vmem>>, vector<16xi32>,
      %mul3A_442 = arith.constant 2 : i32
      %mul3A_443 = vector.broadcast %mul3A_442 : i32 to vector<16xi32>
      %mul3A_444 = arith.muli %get3A_441, %mul3A_443 : vector<16xi32>
      %add3A_445 = arith.addi %mul3A_444, %add3A_4 : vector<16xi32>
      %swap3A_446 = arith.constant 32 : index
      %swap3A_447 = tpu.vector_load %arg17[%swap3A_446] {strides = array<i32>} : memref<128xi32, #tpu.memory_space<vmem>>, vector<16xi32>,
      tpu.vector_store %arg17[%swap3A_446], %add3A_445 {strides = array<i32>} : memref<128xi32, #tpu.memory_space<vmem>>, vector<16xi32>,
      %get3A_448 = arith.constant 48 : index
      %get3A_449 = tpu.vector_load %arg16[%get3A_448] {strides = array<i32>} : memref<128xi32, #tpu.memory_space<vmem>>, vector<16xi32>,
      %mul3A_450 = arith.constant 2 : i32
      %mul3A_451 = vector.broadcast %mul3A_450 : i32 to vector<16xi32>
      %mul3A_452 = arith.muli %get3A_449, %mul3A_451 : vector<16xi32>
      %add3A_453 = arith.addi %mul3A_452, %add3A_4 : vector<16xi32>
      %swap3A_454 = arith.constant 48 : index
      %swap3A_455 = tpu.vector_load %arg17[%swap3A_454] {strides = array<i32>} : memref<128xi32, #tpu.memory_space<vmem>>, vector<16xi32>,
      tpu.vector_store %arg17[%swap3A_454], %add3A_453 {strides = array<i32>} : memref<128xi32, #tpu.memory_space<vmem>>, vector<16xi32>,
      %get3A_456 = arith.constant 64 : index
      %get3A_457 = tpu.vector_load %arg16[%get3A_456] {strides = array<i32>} : memref<128xi32, #tpu.memory_space<vmem>>, vector<16xi32>,
      %mul3A_458 = arith.constant 2 : i32
      %mul3A_459 = vector.broadcast %mul3A_458 : i32 to vector<16xi32>
      %mul3A_460 = arith.muli %get3A_457, %mul3A_459 : vector<16xi32>
      %add3A_461 = arith.addi %mul3A_460, %add3A_4 : vector<16xi32>
      %swap3A_462 = arith.constant 64 : index
      %swap3A_463 = tpu.vector_load %arg17[%swap3A_462] {strides = array<i32>} : memref<128xi32, #tpu.memory_space<vmem>>, vector<16xi32>,
      tpu.vector_store %arg17[%swap3A_462], %add3A_461 {strides = array<i32>} : memref<128xi32, #tpu.memory_space<vmem>>, vector<16xi32>,
      %get3A_464 = arith.constant 80 : index
      %get3A_465 = tpu.vector_load %arg16[%get3A_464] {strides = array<i32>} : memref<128xi32, #tpu.memory_space<vmem>>, vector<16xi32>,
      %mul3A_466 = arith.constant 2 : i32
      %mul3A_467 = vector.broadcast %mul3A_466 : i32 to vector<16xi32>
      %mul3A_468 = arith.muli %get3A_465, %mul3A_467 : vector<16xi32>
      %add3A_469 = arith.addi %mul3A_468, %add3A_4 : vector<16xi32>
      %swap3A_470 = arith.constant 80 : index
      %swap3A_471 = tpu.vector_load %arg17[%swap3A_470] {strides = array<i32>} : memref<128xi32, #tpu.memory_space<vmem>>, vector<16xi32>,
      tpu.vector_store %arg17[%swap3A_470], %add3A_469 {strides = array<i32>} : memref<128xi32, #tpu.memory_space<vmem>>, vector<16xi32>,
      %get3A_472 = arith.constant 96 : index
      %get3A_473 = tpu.vector_load %arg16[%get3A_472] {strides = array<i32>} : memref<128xi32, #tpu.memory_space<vmem>>, vector<16xi32>,
      %mul3A_474 = arith.constant 2 : i32
      %mul3A_475 = vector.broadcast %mul3A_474 : i32 to vector<16xi32>
      %mul3A_476 = arith.muli %get3A_473, %mul3A_475 : vector<16xi32>
      %add3A_477 = arith.addi %mul3A_476, %add3A_4 : vector<16xi32>
      %swap3A_478 = arith.constant 96 : index
      %swap3A_479 = tpu.vector_load %arg17[%swap3A_478] {strides = array<i32>} : memref<128xi32, #tpu.memory_space<vmem>>, vector<16xi32>,
      tpu.vector_store %arg17[%swap3A_478], %add3A_477 {strides = array<i32>} : memref<128xi32, #tpu.memory_space<vmem>>, vector<16xi32>,
      %get3A_480 = arith.constant 112 : index
      %get3A_481 = tpu.vector_load %arg16[%get3A_480] {strides = array<i32>} : memref<128xi32, #tpu.memory_space<vmem>>, vector<16xi32>,
      %mul3A_482 = arith.constant 2 : i32
      %mul3A_483 = vector.broadcast %mul3A_482 : i32 to vector<16xi32>
      %mul3A_484 = arith.muli %get3A_481, %mul3A_483 : vector<16xi32>
      %add3A_485 = arith.addi %mul3A_484, %add3A_4 : vector<16xi32>
      %swap3A_486 = arith.constant 112 : index
      %swap3A_487 = tpu.vector_load %arg17[%swap3A_486] {strides = array<i32>} : memref<128xi32, #tpu.memory_space<vmem>>, vector<16xi32>,
      tpu.vector_store %arg17[%swap3A_486], %add3A_485 {strides = array<i32>} : memref<128xi32, #tpu.memory_space<vmem>>, vector<16xi32>,
      %dma_start3A_488 = arith.constant 0 : i32
      %dma_start3A_489 = arith.constant 0 : i32
      %dma_start3A_490 = tpu.memref_slice %arg5[%dma_start3A_488, %dma_start3A_489] : memref<20000x128xf32, #tpu.memory_space<hbm>> -> memref<20000x128xf32, #tpu.memory_space<hbm>>
      tpu.enqueue_indirect_dma source(%dma_start3A_490 : memref<20000x128xf32, #tpu.memory_space<hbm>>) target(%arg11 : memref<128x128xf32, #tpu.memory_space<vmem>>) offsets(%arg17 : memref<128xi32, #tpu.memory_space<vmem>>) semaphore(%arg27 : memref<!tpu.dma_semaphore, #tpu.memory_space<semaphore_mem>>)
      %dma_wait3A_491 = arith.constant 0 : i32
      %dma_wait3A_492 = arith.constant 0 : i32
      %dma_wait3A_493 = tpu.memref_slice %arg3[%arg1, %dma_wait3A_491, %dma_wait3A_492] : memref<16x84x128xi32, #tpu.memory_space<hbm>> -> memref<1x1x128xi32, #tpu.memory_space<hbm>>
      %dma_wait3A_494 = tpu.memref_squeeze %dma_wait3A_493 : memref<1x1x128xi32, #tpu.memory_space<hbm>> -> memref<128xi32, #tpu.memory_space<hbm>>
      %dma_wait3A_495 = arith.constant 0 : i32
      %dma_wait3A_496 = tpu.memref_slice %arg3[%arg1, %dma_wait3A_491, %dma_wait3A_495] : memref<16x84x128xi32, #tpu.memory_space<hbm>> -> memref<1x1x128xi32, #tpu.memory_space<hbm>>
      %dma_wait3A_497 = tpu.memref_squeeze %dma_wait3A_496 : memref<1x1x128xi32, #tpu.memory_space<hbm>> -> memref<128xi32, #tpu.memory_space<hbm>>
      tpu.wait_dma2 semaphore(%arg33 : memref<!tpu.dma_semaphore, #tpu.memory_space<semaphore_mem>>) src(%dma_wait3A_497 : memref<128xi32, #tpu.memory_space<hbm>>) dst(%arg18 : memref<128xi32, #tpu.memory_space<vmem>>)
      %get3A_498 = arith.constant 0 : index
      %get3A_499 = tpu.vector_load %arg16[%get3A_498] {strides = array<i32>} : memref<128xi32, #tpu.memory_space<vmem>>, vector<16xi32>,
      %gather3A_500 = tpu.vector_load_idx %arg9[%get3A_499] : memref<10240xf32, #tpu.memory_space<vmem>>[vector<16xi32>], vector<16xf32>,
      %get3A_501 = arith.constant 0 : index
      %get3A_502 = tpu.vector_load %arg18[%get3A_501] {strides = array<i32>} : memref<128xi32, #tpu.memory_space<vmem>>, vector<16xi32>,
      %gather3A_503 = tpu.vector_load_idx %arg9[%get3A_502] : memref<10240xf32, #tpu.memory_space<vmem>>[vector<16xi32>], vector<16xf32>,
      %get3A_504 = arith.constant 0 : index
      %get3A_505 = tpu.vector_load %arg19[%get3A_504] {strides = array<i32>} : memref<128xf32, #tpu.memory_space<vmem>>, vector<16xf32>,
      %mul3A_506 = arith.mulf %gather3A_500, %get3A_505 : vector<16xf32>
      %mul3A_507 = arith.mulf %mul3A_506, %gather3A_503 : vector<16xf32>
      %swap3A_508 = arith.constant 0 : index
      %swap3A_509 = tpu.vector_load %arg24[%swap3A_508] {strides = array<i32>} : memref<128xf32, #tpu.memory_space<vmem>>, vector<16xf32>,
      tpu.vector_store %arg24[%swap3A_508], %mul3A_507 {strides = array<i32>} : memref<128xf32, #tpu.memory_space<vmem>>, vector<16xf32>,
      %get3A_510 = arith.constant 16 : index
      %get3A_511 = tpu.vector_load %arg16[%get3A_510] {strides = array<i32>} : memref<128xi32, #tpu.memory_space<vmem>>, vector<16xi32>,
      %gather3A_512 = tpu.vector_load_idx %arg9[%get3A_511] : memref<10240xf32, #tpu.memory_space<vmem>>[vector<16xi32>], vector<16xf32>,
      %get3A_513 = arith.constant 16 : index
      %get3A_514 = tpu.vector_load %arg18[%get3A_513] {strides = array<i32>} : memref<128xi32, #tpu.memory_space<vmem>>, vector<16xi32>,
      %gather3A_515 = tpu.vector_load_idx %arg9[%get3A_514] : memref<10240xf32, #tpu.memory_space<vmem>>[vector<16xi32>], vector<16xf32>,
      %get3A_516 = arith.constant 16 : index
      %get3A_517 = tpu.vector_load %arg19[%get3A_516] {strides = array<i32>} : memref<128xf32, #tpu.memory_space<vmem>>, vector<16xf32>,
      %mul3A_518 = arith.mulf %gather3A_512, %get3A_517 : vector<16xf32>
      %mul3A_519 = arith.mulf %mul3A_518, %gather3A_515 : vector<16xf32>
      %swap3A_520 = arith.constant 16 : index
      %swap3A_521 = tpu.vector_load %arg24[%swap3A_520] {strides = array<i32>} : memref<128xf32, #tpu.memory_space<vmem>>, vector<16xf32>,
      tpu.vector_store %arg24[%swap3A_520], %mul3A_519 {strides = array<i32>} : memref<128xf32, #tpu.memory_space<vmem>>, vector<16xf32>,
      %get3A_522 = arith.constant 32 : index
      %get3A_523 = tpu.vector_load %arg16[%get3A_522] {strides = array<i32>} : memref<128xi32, #tpu.memory_space<vmem>>, vector<16xi32>,
      %gather3A_524 = tpu.vector_load_idx %arg9[%get3A_523] : memref<10240xf32, #tpu.memory_space<vmem>>[vector<16xi32>], vector<16xf32>,
      %get3A_525 = arith.constant 32 : index
      %get3A_526 = tpu.vector_load %arg18[%get3A_525] {strides = array<i32>} : memref<128xi32, #tpu.memory_space<vmem>>, vector<16xi32>,
      %gather3A_527 = tpu.vector_load_idx %arg9[%get3A_526] : memref<10240xf32, #tpu.memory_space<vmem>>[vector<16xi32>], vector<16xf32>,
      %get3A_528 = arith.constant 32 : index
      %get3A_529 = tpu.vector_load %arg19[%get3A_528] {strides = array<i32>} : memref<128xf32, #tpu.memory_space<vmem>>, vector<16xf32>,
      %mul3A_530 = arith.mulf %gather3A_524, %get3A_529 : vector<16xf32>
      %mul3A_531 = arith.mulf %mul3A_530, %gather3A_527 : vector<16xf32>
      %swap3A_532 = arith.constant 32 : index
      %swap3A_533 = tpu.vector_load %arg24[%swap3A_532] {strides = array<i32>} : memref<128xf32, #tpu.memory_space<vmem>>, vector<16xf32>,
      tpu.vector_store %arg24[%swap3A_532], %mul3A_531 {strides = array<i32>} : memref<128xf32, #tpu.memory_space<vmem>>, vector<16xf32>,
      %get3A_534 = arith.constant 48 : index
      %get3A_535 = tpu.vector_load %arg16[%get3A_534] {strides = array<i32>} : memref<128xi32, #tpu.memory_space<vmem>>, vector<16xi32>,
      %gather3A_536 = tpu.vector_load_idx %arg9[%get3A_535] : memref<10240xf32, #tpu.memory_space<vmem>>[vector<16xi32>], vector<16xf32>,
      %get3A_537 = arith.constant 48 : index
      %get3A_538 = tpu.vector_load %arg18[%get3A_537] {strides = array<i32>} : memref<128xi32, #tpu.memory_space<vmem>>, vector<16xi32>,
      %gather3A_539 = tpu.vector_load_idx %arg9[%get3A_538] : memref<10240xf32, #tpu.memory_space<vmem>>[vector<16xi32>], vector<16xf32>,
      %get3A_540 = arith.constant 48 : index
      %get3A_541 = tpu.vector_load %arg19[%get3A_540] {strides = array<i32>} : memref<128xf32, #tpu.memory_space<vmem>>, vector<16xf32>,
      %mul3A_542 = arith.mulf %gather3A_536, %get3A_541 : vector<16xf32>
      %mul3A_543 = arith.mulf %mul3A_542, %gather3A_539 : vector<16xf32>
      %swap3A_544 = arith.constant 48 : index
      %swap3A_545 = tpu.vector_load %arg24[%swap3A_544] {strides = array<i32>} : memref<128xf32, #tpu.memory_space<vmem>>, vector<16xf32>,
      tpu.vector_store %arg24[%swap3A_544], %mul3A_543 {strides = array<i32>} : memref<128xf32, #tpu.memory_space<vmem>>, vector<16xf32>,
      %get3A_546 = arith.constant 64 : index
      %get3A_547 = tpu.vector_load %arg16[%get3A_546] {strides = array<i32>} : memref<128xi32, #tpu.memory_space<vmem>>, vector<16xi32>,
      %gather3A_548 = tpu.vector_load_idx %arg9[%get3A_547] : memref<10240xf32, #tpu.memory_space<vmem>>[vector<16xi32>], vector<16xf32>,
      %get3A_549 = arith.constant 64 : index
      %get3A_550 = tpu.vector_load %arg18[%get3A_549] {strides = array<i32>} : memref<128xi32, #tpu.memory_space<vmem>>, vector<16xi32>,
      %gather3A_551 = tpu.vector_load_idx %arg9[%get3A_550] : memref<10240xf32, #tpu.memory_space<vmem>>[vector<16xi32>], vector<16xf32>,
      %get3A_552 = arith.constant 64 : index
      %get3A_553 = tpu.vector_load %arg19[%get3A_552] {strides = array<i32>} : memref<128xf32, #tpu.memory_space<vmem>>, vector<16xf32>,
      %mul3A_554 = arith.mulf %gather3A_548, %get3A_553 : vector<16xf32>
      %mul3A_555 = arith.mulf %mul3A_554, %gather3A_551 : vector<16xf32>
      %swap3A_556 = arith.constant 64 : index
      %swap3A_557 = tpu.vector_load %arg24[%swap3A_556] {strides = array<i32>} : memref<128xf32, #tpu.memory_space<vmem>>, vector<16xf32>,
      tpu.vector_store %arg24[%swap3A_556], %mul3A_555 {strides = array<i32>} : memref<128xf32, #tpu.memory_space<vmem>>, vector<16xf32>,
      %get3A_558 = arith.constant 80 : index
      %get3A_559 = tpu.vector_load %arg16[%get3A_558] {strides = array<i32>} : memref<128xi32, #tpu.memory_space<vmem>>, vector<16xi32>,
      %gather3A_560 = tpu.vector_load_idx %arg9[%get3A_559] : memref<10240xf32, #tpu.memory_space<vmem>>[vector<16xi32>], vector<16xf32>,
      %get3A_561 = arith.constant 80 : index
      %get3A_562 = tpu.vector_load %arg18[%get3A_561] {strides = array<i32>} : memref<128xi32, #tpu.memory_space<vmem>>, vector<16xi32>,
      %gather3A_563 = tpu.vector_load_idx %arg9[%get3A_562] : memref<10240xf32, #tpu.memory_space<vmem>>[vector<16xi32>], vector<16xf32>,
      %get3A_564 = arith.constant 80 : index
      %get3A_565 = tpu.vector_load %arg19[%get3A_564] {strides = array<i32>} : memref<128xf32, #tpu.memory_space<vmem>>, vector<16xf32>,
      %mul3A_566 = arith.mulf %gather3A_560, %get3A_565 : vector<16xf32>
      %mul3A_567 = arith.mulf %mul3A_566, %gather3A_563 : vector<16xf32>
      %swap3A_568 = arith.constant 80 : index
      %swap3A_569 = tpu.vector_load %arg24[%swap3A_568] {strides = array<i32>} : memref<128xf32, #tpu.memory_space<vmem>>, vector<16xf32>,
      tpu.vector_store %arg24[%swap3A_568], %mul3A_567 {strides = array<i32>} : memref<128xf32, #tpu.memory_space<vmem>>, vector<16xf32>,
      %get3A_570 = arith.constant 96 : index
      %get3A_571 = tpu.vector_load %arg16[%get3A_570] {strides = array<i32>} : memref<128xi32, #tpu.memory_space<vmem>>, vector<16xi32>,
      %gather3A_572 = tpu.vector_load_idx %arg9[%get3A_571] : memref<10240xf32, #tpu.memory_space<vmem>>[vector<16xi32>], vector<16xf32>,
      %get3A_573 = arith.constant 96 : index
      %get3A_574 = tpu.vector_load %arg18[%get3A_573] {strides = array<i32>} : memref<128xi32, #tpu.memory_space<vmem>>, vector<16xi32>,
      %gather3A_575 = tpu.vector_load_idx %arg9[%get3A_574] : memref<10240xf32, #tpu.memory_space<vmem>>[vector<16xi32>], vector<16xf32>,
      %get3A_576 = arith.constant 96 : index
      %get3A_577 = tpu.vector_load %arg19[%get3A_576] {strides = array<i32>} : memref<128xf32, #tpu.memory_space<vmem>>, vector<16xf32>,
      %mul3A_578 = arith.mulf %gather3A_572, %get3A_577 : vector<16xf32>
      %mul3A_579 = arith.mulf %mul3A_578, %gather3A_575 : vector<16xf32>
      %swap3A_580 = arith.constant 96 : index
      %swap3A_581 = tpu.vector_load %arg24[%swap3A_580] {strides = array<i32>} : memref<128xf32, #tpu.memory_space<vmem>>, vector<16xf32>,
      tpu.vector_store %arg24[%swap3A_580], %mul3A_579 {strides = array<i32>} : memref<128xf32, #tpu.memory_space<vmem>>, vector<16xf32>,
      %get3A_582 = arith.constant 112 : index
      %get3A_583 = tpu.vector_load %arg16[%get3A_582] {strides = array<i32>} : memref<128xi32, #tpu.memory_space<vmem>>, vector<16xi32>,
      %gather3A_584 = tpu.vector_load_idx %arg9[%get3A_583] : memref<10240xf32, #tpu.memory_space<vmem>>[vector<16xi32>], vector<16xf32>,
      %get3A_585 = arith.constant 112 : index
      %get3A_586 = tpu.vector_load %arg18[%get3A_585] {strides = array<i32>} : memref<128xi32, #tpu.memory_space<vmem>>, vector<16xi32>,
      %gather3A_587 = tpu.vector_load_idx %arg9[%get3A_586] : memref<10240xf32, #tpu.memory_space<vmem>>[vector<16xi32>], vector<16xf32>,
      %get3A_588 = arith.constant 112 : index
      %get3A_589 = tpu.vector_load %arg19[%get3A_588] {strides = array<i32>} : memref<128xf32, #tpu.memory_space<vmem>>, vector<16xf32>,
      %mul3A_590 = arith.mulf %gather3A_584, %get3A_589 : vector<16xf32>
      %mul3A_591 = arith.mulf %mul3A_590, %gather3A_587 : vector<16xf32>
      %swap3A_592 = arith.constant 112 : index
      %swap3A_593 = tpu.vector_load %arg24[%swap3A_592] {strides = array<i32>} : memref<128xf32, #tpu.memory_space<vmem>>, vector<16xf32>,
      tpu.vector_store %arg24[%swap3A_592], %mul3A_591 {strides = array<i32>} : memref<128xf32, #tpu.memory_space<vmem>>, vector<16xf32>,
      %dma_wait3A_594 = arith.constant 0 : i32
      %dma_wait3A_595 = arith.constant 0 : i32
      %dma_wait3A_596 = tpu.memref_slice %arg5[%dma_wait3A_594, %dma_wait3A_595] : memref<20000x128xf32, #tpu.memory_space<hbm>> -> memref<128x128xf32, #tpu.memory_space<hbm>>
      %dma_wait3A_597 = arith.constant 0 : i32
      %dma_wait3A_598 = arith.constant 0 : i32
      %dma_wait3A_599 = tpu.memref_slice %arg5[%dma_wait3A_597, %dma_wait3A_598] : memref<20000x128xf32, #tpu.memory_space<hbm>> -> memref<128x128xf32, #tpu.memory_space<hbm>>
      tpu.wait_dma2 semaphore(%arg27 : memref<!tpu.dma_semaphore, #tpu.memory_space<semaphore_mem>>) src(%dma_wait3A_599 : memref<128x128xf32, #tpu.memory_space<hbm>>) dst(%arg11 : memref<128x128xf32, #tpu.memory_space<vmem>>)
      %parallel_loop3A_600 = arith.constant 0 : i32
      %parallel_loop3A_601 = arith.constant 128 : i32
      %parallel_loop3A_602 = arith.constant 1 : i32
      scf.for %parallel_loop3A_620 = %parallel_loop3A_600 to %parallel_loop3A_601 step %parallel_loop3A_602  : i32 {
        %parallel_loop3A_621 = arith.constant 0 : i32
        %parallel_loop3A_622 = vector.broadcast %parallel_loop3A_621 : i32 to vector<16xi32>
        %parallel_loop3A_623 = vector.broadcast %parallel_loop3A_620 : i32 to vector<16xi32>
        %parallel_loop3A_624 = arith.addi %parallel_loop3A_622, %parallel_loop3A_623 : vector<16xi32>
        %parallel_loop3A_625 = tpu.vector_load_idx %arg24[%parallel_loop3A_624] : memref<128xf32, #tpu.memory_space<vmem>>[vector<16xi32>], vector<16xf32>,
        %parallel_loop3A_626 = arith.index_cast %parallel_loop3A_620 : i32 to index
        %parallel_loop3A_627 = arith.constant 0 : index
        %parallel_loop3A_628 = tpu.vector_load %arg11[%parallel_loop3A_626, %parallel_loop3A_627] {strides = array<i32>} : memref<128x128xf32, #tpu.memory_space<vmem>>, vector<16xf32>,
        %parallel_loop3A_629 = arith.mulf %parallel_loop3A_628, %parallel_loop3A_625 : vector<16xf32>
        %parallel_loop3A_630 = arith.index_cast %parallel_loop3A_620 : i32 to index
        %parallel_loop3A_631 = arith.constant 0 : index
        %parallel_loop3A_632 = tpu.vector_load %arg11[%parallel_loop3A_630, %parallel_loop3A_631] {strides = array<i32>} : memref<128x128xf32, #tpu.memory_space<vmem>>, vector<16xf32>,
        tpu.vector_store %arg11[%parallel_loop3A_630, %parallel_loop3A_631], %parallel_loop3A_629 {strides = array<i32>} : memref<128x128xf32, #tpu.memory_space<vmem>>, vector<16xf32>,
        %parallel_loop3A_633 = arith.index_cast %parallel_loop3A_620 : i32 to index
        %parallel_loop3A_634 = arith.constant 16 : index
        %parallel_loop3A_635 = tpu.vector_load %arg11[%parallel_loop3A_633, %parallel_loop3A_634] {strides = array<i32>} : memref<128x128xf32, #tpu.memory_space<vmem>>, vector<16xf32>,
        %parallel_loop3A_636 = arith.mulf %parallel_loop3A_635, %parallel_loop3A_625 : vector<16xf32>
        %parallel_loop3A_637 = arith.index_cast %parallel_loop3A_620 : i32 to index
        %parallel_loop3A_638 = arith.constant 16 : index
        %parallel_loop3A_639 = tpu.vector_load %arg11[%parallel_loop3A_637, %parallel_loop3A_638] {strides = array<i32>} : memref<128x128xf32, #tpu.memory_space<vmem>>, vector<16xf32>,
        tpu.vector_store %arg11[%parallel_loop3A_637, %parallel_loop3A_638], %parallel_loop3A_636 {strides = array<i32>} : memref<128x128xf32, #tpu.memory_space<vmem>>, vector<16xf32>,
        %parallel_loop3A_640 = arith.index_cast %parallel_loop3A_620 : i32 to index
        %parallel_loop3A_641 = arith.constant 32 : index
        %parallel_loop3A_642 = tpu.vector_load %arg11[%parallel_loop3A_640, %parallel_loop3A_641] {strides = array<i32>} : memref<128x128xf32, #tpu.memory_space<vmem>>, vector<16xf32>,
        %parallel_loop3A_643 = arith.mulf %parallel_loop3A_642, %parallel_loop3A_625 : vector<16xf32>
        %parallel_loop3A_644 = arith.index_cast %parallel_loop3A_620 : i32 to index
        %parallel_loop3A_645 = arith.constant 32 : index
        %parallel_loop3A_646 = tpu.vector_load %arg11[%parallel_loop3A_644, %parallel_loop3A_645] {strides = array<i32>} : memref<128x128xf32, #tpu.memory_space<vmem>>, vector<16xf32>,
        tpu.vector_store %arg11[%parallel_loop3A_644, %parallel_loop3A_645], %parallel_loop3A_643 {strides = array<i32>} : memref<128x128xf32, #tpu.memory_space<vmem>>, vector<16xf32>,
        %parallel_loop3A_647 = arith.index_cast %parallel_loop3A_620 : i32 to index
        %parallel_loop3A_648 = arith.constant 48 : index
        %parallel_loop3A_649 = tpu.vector_load %arg11[%parallel_loop3A_647, %parallel_loop3A_648] {strides = array<i32>} : memref<128x128xf32, #tpu.memory_space<vmem>>, vector<16xf32>,
        %parallel_loop3A_650 = arith.mulf %parallel_loop3A_649, %parallel_loop3A_625 : vector<16xf32>
        %parallel_loop3A_651 = arith.index_cast %parallel_loop3A_620 : i32 to index
        %parallel_loop3A_652 = arith.constant 48 : index
        %parallel_loop3A_653 = tpu.vector_load %arg11[%parallel_loop3A_651, %parallel_loop3A_652] {strides = array<i32>} : memref<128x128xf32, #tpu.memory_space<vmem>>, vector<16xf32>,
        tpu.vector_store %arg11[%parallel_loop3A_651, %parallel_loop3A_652], %parallel_loop3A_650 {strides = array<i32>} : memref<128x128xf32, #tpu.memory_space<vmem>>, vector<16xf32>,
        %parallel_loop3A_654 = arith.index_cast %parallel_loop3A_620 : i32 to index
        %parallel_loop3A_655 = arith.constant 64 : index
        %parallel_loop3A_656 = tpu.vector_load %arg11[%parallel_loop3A_654, %parallel_loop3A_655] {strides = array<i32>} : memref<128x128xf32, #tpu.memory_space<vmem>>, vector<16xf32>,
        %parallel_loop3A_657 = arith.mulf %parallel_loop3A_656, %parallel_loop3A_625 : vector<16xf32>
        %parallel_loop3A_658 = arith.index_cast %parallel_loop3A_620 : i32 to index
        %parallel_loop3A_659 = arith.constant 64 : index
        %parallel_loop3A_660 = tpu.vector_load %arg11[%parallel_loop3A_658, %parallel_loop3A_659] {strides = array<i32>} : memref<128x128xf32, #tpu.memory_space<vmem>>, vector<16xf32>,
        tpu.vector_store %arg11[%parallel_loop3A_658, %parallel_loop3A_659], %parallel_loop3A_657 {strides = array<i32>} : memref<128x128xf32, #tpu.memory_space<vmem>>, vector<16xf32>,
        %parallel_loop3A_661 = arith.index_cast %parallel_loop3A_620 : i32 to index
        %parallel_loop3A_662 = arith.constant 80 : index
        %parallel_loop3A_663 = tpu.vector_load %arg11[%parallel_loop3A_661, %parallel_loop3A_662] {strides = array<i32>} : memref<128x128xf32, #tpu.memory_space<vmem>>, vector<16xf32>,
        %parallel_loop3A_664 = arith.mulf %parallel_loop3A_663, %parallel_loop3A_625 : vector<16xf32>
        %parallel_loop3A_665 = arith.index_cast %parallel_loop3A_620 : i32 to index
        %parallel_loop3A_666 = arith.constant 80 : index
        %parallel_loop3A_667 = tpu.vector_load %arg11[%parallel_loop3A_665, %parallel_loop3A_666] {strides = array<i32>} : memref<128x128xf32, #tpu.memory_space<vmem>>, vector<16xf32>,
        tpu.vector_store %arg11[%parallel_loop3A_665, %parallel_loop3A_666], %parallel_loop3A_664 {strides = array<i32>} : memref<128x128xf32, #tpu.memory_space<vmem>>, vector<16xf32>,
        %parallel_loop3A_668 = arith.index_cast %parallel_loop3A_620 : i32 to index
        %parallel_loop3A_669 = arith.constant 96 : index
        %parallel_loop3A_670 = tpu.vector_load %arg11[%parallel_loop3A_668, %parallel_loop3A_669] {strides = array<i32>} : memref<128x128xf32, #tpu.memory_space<vmem>>, vector<16xf32>,
        %parallel_loop3A_671 = arith.mulf %parallel_loop3A_670, %parallel_loop3A_625 : vector<16xf32>
        %parallel_loop3A_672 = arith.index_cast %parallel_loop3A_620 : i32 to index
        %parallel_loop3A_673 = arith.constant 96 : index
        %parallel_loop3A_674 = tpu.vector_load %arg11[%parallel_loop3A_672, %parallel_loop3A_673] {strides = array<i32>} : memref<128x128xf32, #tpu.memory_space<vmem>>, vector<16xf32>,
        tpu.vector_store %arg11[%parallel_loop3A_672, %parallel_loop3A_673], %parallel_loop3A_671 {strides = array<i32>} : memref<128x128xf32, #tpu.memory_space<vmem>>, vector<16xf32>,
        %parallel_loop3A_675 = arith.index_cast %parallel_loop3A_620 : i32 to index
        %parallel_loop3A_676 = arith.constant 112 : index
        %parallel_loop3A_677 = tpu.vector_load %arg11[%parallel_loop3A_675, %parallel_loop3A_676] {strides = array<i32>} : memref<128x128xf32, #tpu.memory_space<vmem>>, vector<16xf32>,
        %parallel_loop3A_678 = arith.mulf %parallel_loop3A_677, %parallel_loop3A_625 : vector<16xf32>
        %parallel_loop3A_679 = arith.index_cast %parallel_loop3A_620 : i32 to index
        %parallel_loop3A_680 = arith.constant 112 : index
        %parallel_loop3A_681 = tpu.vector_load %arg11[%parallel_loop3A_679, %parallel_loop3A_680] {strides = array<i32>} : memref<128x128xf32, #tpu.memory_space<vmem>>, vector<16xf32>,
        tpu.vector_store %arg11[%parallel_loop3A_679, %parallel_loop3A_680], %parallel_loop3A_678 {strides = array<i32>} : memref<128x128xf32, #tpu.memory_space<vmem>>, vector<16xf32>,
      } {sc.loop_unroll_factor = 4 : i64, sc.parallel_access}
      %lt3A_603 = arith.constant 41 : i32
      %lt3A_604 = arith.cmpi slt, %scan3A_290, %lt3A_603 : i32
      %convert_element_type3A_605 = arith.extui %lt3A_604 : i1 to i32
      %cond3A_606 = arith.constant 0 : i32
      %cond3A_607 = arith.cmpi ne, %convert_element_type3A_605, %cond3A_606 : i32
      scf.if %cond3A_607 {
        %add3A_620 = arith.constant 3 : i32
        %add3A_621 = arith.addi %mul3A_293, %add3A_620 : i32
        %dma_start3A_622 = arith.constant 0 : i32
        %dma_start3A_623 = tpu.memref_slice %arg2[%arg1, %add3A_621, %dma_start3A_622] : memref<16x84x128xi32, #tpu.memory_space<hbm>> -> memref<1x1x128xi32, #tpu.memory_space<hbm>>
        %dma_start3A_624 = tpu.memref_squeeze %dma_start3A_623 : memref<1x1x128xi32, #tpu.memory_space<hbm>> -> memref<128xi32, #tpu.memory_space<hbm>>
        %dma_start3A_625 = arith.constant 0 : i32
        %dma_start3A_626 = tpu.memref_slice %arg2[%arg1, %add3A_621, %dma_start3A_625] : memref<16x84x128xi32, #tpu.memory_space<hbm>> -> memref<1x1x128xi32, #tpu.memory_space<hbm>>
        %dma_start3A_627 = tpu.memref_squeeze %dma_start3A_626 : memref<1x1x128xi32, #tpu.memory_space<hbm>> -> memref<128xi32, #tpu.memory_space<hbm>>
        tpu.enqueue_dma source(%dma_start3A_627 : memref<128xi32, #tpu.memory_space<hbm>>) target(%arg16 : memref<128xi32, #tpu.memory_space<vmem>>) target_semaphore(%arg31 : memref<!tpu.dma_semaphore, #tpu.memory_space<semaphore_mem>>)
        %add3A_628 = arith.constant 3 : i32
        %add3A_629 = arith.addi %mul3A_293, %add3A_628 : i32
        %dma_start3A_630 = arith.constant 0 : i32
        %dma_start3A_631 = tpu.memref_slice %arg4[%arg1, %add3A_629, %dma_start3A_630] : memref<16x84x128xf32, #tpu.memory_space<hbm>> -> memref<1x1x128xf32, #tpu.memory_space<hbm>>
        %dma_start3A_632 = tpu.memref_squeeze %dma_start3A_631 : memref<1x1x128xf32, #tpu.memory_space<hbm>> -> memref<128xf32, #tpu.memory_space<hbm>>
        %dma_start3A_633 = arith.constant 0 : i32
        %dma_start3A_634 = tpu.memref_slice %arg4[%arg1, %add3A_629, %dma_start3A_633] : memref<16x84x128xf32, #tpu.memory_space<hbm>> -> memref<1x1x128xf32, #tpu.memory_space<hbm>>
        %dma_start3A_635 = tpu.memref_squeeze %dma_start3A_634 : memref<1x1x128xf32, #tpu.memory_space<hbm>> -> memref<128xf32, #tpu.memory_space<hbm>>
        tpu.enqueue_dma source(%dma_start3A_635 : memref<128xf32, #tpu.memory_space<hbm>>) target(%arg19 : memref<128xf32, #tpu.memory_space<vmem>>) target_semaphore(%arg31 : memref<!tpu.dma_semaphore, #tpu.memory_space<semaphore_mem>>)
      } else {
      }
      %dma_wait3A_608 = arith.constant 0 : i32
      %dma_wait3A_609 = arith.constant 0 : i32
      %dma_wait3A_610 = tpu.memref_slice %arg7[%dma_wait3A_608, %dma_wait3A_609] : memref<10240x128xf32, #tpu.memory_space<vmem_shared>> -> memref<10240x128xf32, #tpu.memory_space<vmem_shared>>
      tpu.wait_indirect_dma semaphore(%arg28 : memref<!tpu.dma_semaphore, #tpu.memory_space<semaphore_mem>>) src(%arg10 : memref<128x128xf32, #tpu.memory_space<vmem>>) dst(%dma_wait3A_610 : memref<10240x128xf32, #tpu.memory_space<vmem_shared>>)
      %dma_start3A_611 = arith.constant 0 : i32
      %dma_start3A_612 = arith.constant 0 : i32
      %dma_start3A_613 = tpu.memref_slice %arg7[%dma_start3A_611, %dma_start3A_612] : memref<10240x128xf32, #tpu.memory_space<vmem_shared>> -> memref<10240x128xf32, #tpu.memory_space<vmem_shared>>
      tpu.enqueue_indirect_dma source(%arg11 : memref<128x128xf32, #tpu.memory_space<vmem>>) target(%dma_start3A_613 : memref<10240x128xf32, #tpu.memory_space<vmem_shared>>) offsets(%arg18 : memref<128xi32, #tpu.memory_space<vmem>>) semaphore(%arg29 : memref<!tpu.dma_semaphore, #tpu.memory_space<semaphore_mem>>) {add = true}
      %lt3A_614 = arith.constant 41 : i32
      %lt3A_615 = arith.cmpi slt, %scan3A_290, %lt3A_614 : i32
      %convert_element_type3A_616 = arith.extui %lt3A_615 : i1 to i32
      %cond3A_617 = arith.constant 0 : i32
      %cond3A_618 = arith.cmpi ne, %convert_element_type3A_616, %cond3A_617 : i32
      scf.if %cond3A_618 {
        %add3A_620 = arith.constant 2 : i32
        %add3A_621 = arith.addi %mul3A_293, %add3A_620 : i32
        %dma_start3A_622 = arith.constant 0 : i32
        %dma_start3A_623 = tpu.memref_slice %arg3[%arg1, %add3A_621, %dma_start3A_622] : memref<16x84x128xi32, #tpu.memory_space<hbm>> -> memref<1x1x128xi32, #tpu.memory_space<hbm>>
        %dma_start3A_624 = tpu.memref_squeeze %dma_start3A_623 : memref<1x1x128xi32, #tpu.memory_space<hbm>> -> memref<128xi32, #tpu.memory_space<hbm>>
        %dma_start3A_625 = arith.constant 0 : i32
        %dma_start3A_626 = tpu.memref_slice %arg3[%arg1, %add3A_621, %dma_start3A_625] : memref<16x84x128xi32, #tpu.memory_space<hbm>> -> memref<1x1x128xi32, #tpu.memory_space<hbm>>
        %dma_start3A_627 = tpu.memref_squeeze %dma_start3A_626 : memref<1x1x128xi32, #tpu.memory_space<hbm>> -> memref<128xi32, #tpu.memory_space<hbm>>
        tpu.enqueue_dma source(%dma_start3A_627 : memref<128xi32, #tpu.memory_space<hbm>>) target(%arg14 : memref<128xi32, #tpu.memory_space<vmem>>) target_semaphore(%arg32 : memref<!tpu.dma_semaphore, #tpu.memory_space<semaphore_mem>>)
        %dma_wait3A_628 = arith.constant 0 : i32
        %dma_wait3A_629 = arith.constant 0 : i32
        %dma_wait3A_630 = tpu.memref_slice %arg2[%arg1, %dma_wait3A_628, %dma_wait3A_629] : memref<16x84x128xi32, #tpu.memory_space<hbm>> -> memref<1x1x128xi32, #tpu.memory_space<hbm>>
        %dma_wait3A_631 = tpu.memref_squeeze %dma_wait3A_630 : memref<1x1x128xi32, #tpu.memory_space<hbm>> -> memref<128xi32, #tpu.memory_space<hbm>>
        %dma_wait3A_632 = arith.constant 0 : i32
        %dma_wait3A_633 = tpu.memref_slice %arg2[%arg1, %dma_wait3A_628, %dma_wait3A_632] : memref<16x84x128xi32, #tpu.memory_space<hbm>> -> memref<1x1x128xi32, #tpu.memory_space<hbm>>
        %dma_wait3A_634 = tpu.memref_squeeze %dma_wait3A_633 : memref<1x1x128xi32, #tpu.memory_space<hbm>> -> memref<128xi32, #tpu.memory_space<hbm>>
        tpu.wait_dma2 semaphore(%arg30 : memref<!tpu.dma_semaphore, #tpu.memory_space<semaphore_mem>>) src(%dma_wait3A_634 : memref<128xi32, #tpu.memory_space<hbm>>) dst(%arg12 : memref<128xi32, #tpu.memory_space<vmem>>)
        %dma_wait3A_635 = arith.constant 0 : i32
        %dma_wait3A_636 = arith.constant 0 : i32
        %dma_wait3A_637 = tpu.memref_slice %arg4[%arg1, %dma_wait3A_635, %dma_wait3A_636] : memref<16x84x128xf32, #tpu.memory_space<hbm>> -> memref<1x1x128xf32, #tpu.memory_space<hbm>>
        %dma_wait3A_638 = tpu.memref_squeeze %dma_wait3A_637 : memref<1x1x128xf32, #tpu.memory_space<hbm>> -> memref<128xf32, #tpu.memory_space<hbm>>
        %dma_wait3A_639 = arith.constant 0 : i32
        %dma_wait3A_640 = tpu.memref_slice %arg4[%arg1, %dma_wait3A_635, %dma_wait3A_639] : memref<16x84x128xf32, #tpu.memory_space<hbm>> -> memref<1x1x128xf32, #tpu.memory_space<hbm>>
        %dma_wait3A_641 = tpu.memref_squeeze %dma_wait3A_640 : memref<1x1x128xf32, #tpu.memory_space<hbm>> -> memref<128xf32, #tpu.memory_space<hbm>>
        tpu.wait_dma2 semaphore(%arg30 : memref<!tpu.dma_semaphore, #tpu.memory_space<semaphore_mem>>) src(%dma_wait3A_641 : memref<128xf32, #tpu.memory_space<hbm>>) dst(%arg15 : memref<128xf32, #tpu.memory_space<vmem>>)
        %get3A_642 = arith.constant 0 : index
        %get3A_643 = tpu.vector_load %arg12[%get3A_642] {strides = array<i32>} : memref<128xi32, #tpu.memory_space<vmem>>, vector<16xi32>,
        %mul3A_644 = arith.constant 2 : i32
        %mul3A_645 = vector.broadcast %mul3A_644 : i32 to vector<16xi32>
        %mul3A_646 = arith.muli %get3A_643, %mul3A_645 : vector<16xi32>
        %add3A_647 = arith.addi %mul3A_646, %add3A_4 : vector<16xi32>
        %swap3A_648 = arith.constant 0 : index
        %swap3A_649 = tpu.vector_load %arg13[%swap3A_648] {strides = array<i32>} : memref<128xi32, #tpu.memory_space<vmem>>, vector<16xi32>,
        tpu.vector_store %arg13[%swap3A_648], %add3A_647 {strides = array<i32>} : memref<128xi32, #tpu.memory_space<vmem>>, vector<16xi32>,
        %get3A_650 = arith.constant 16 : index
        %get3A_651 = tpu.vector_load %arg12[%get3A_650] {strides = array<i32>} : memref<128xi32, #tpu.memory_space<vmem>>, vector<16xi32>,
        %mul3A_652 = arith.constant 2 : i32
        %mul3A_653 = vector.broadcast %mul3A_652 : i32 to vector<16xi32>
        %mul3A_654 = arith.muli %get3A_651, %mul3A_653 : vector<16xi32>
        %add3A_655 = arith.addi %mul3A_654, %add3A_4 : vector<16xi32>
        %swap3A_656 = arith.constant 16 : index
        %swap3A_657 = tpu.vector_load %arg13[%swap3A_656] {strides = array<i32>} : memref<128xi32, #tpu.memory_space<vmem>>, vector<16xi32>,
        tpu.vector_store %arg13[%swap3A_656], %add3A_655 {strides = array<i32>} : memref<128xi32, #tpu.memory_space<vmem>>, vector<16xi32>,
        %get3A_658 = arith.constant 32 : index
        %get3A_659 = tpu.vector_load %arg12[%get3A_658] {strides = array<i32>} : memref<128xi32, #tpu.memory_space<vmem>>, vector<16xi32>,
        %mul3A_660 = arith.constant 2 : i32
        %mul3A_661 = vector.broadcast %mul3A_660 : i32 to vector<16xi32>
        %mul3A_662 = arith.muli %get3A_659, %mul3A_661 : vector<16xi32>
        %add3A_663 = arith.addi %mul3A_662, %add3A_4 : vector<16xi32>
        %swap3A_664 = arith.constant 32 : index
        %swap3A_665 = tpu.vector_load %arg13[%swap3A_664] {strides = array<i32>} : memref<128xi32, #tpu.memory_space<vmem>>, vector<16xi32>,
        tpu.vector_store %arg13[%swap3A_664], %add3A_663 {strides = array<i32>} : memref<128xi32, #tpu.memory_space<vmem>>, vector<16xi32>,
        %get3A_666 = arith.constant 48 : index
        %get3A_667 = tpu.vector_load %arg12[%get3A_666] {strides = array<i32>} : memref<128xi32, #tpu.memory_space<vmem>>, vector<16xi32>,
        %mul3A_668 = arith.constant 2 : i32
        %mul3A_669 = vector.broadcast %mul3A_668 : i32 to vector<16xi32>
        %mul3A_670 = arith.muli %get3A_667, %mul3A_669 : vector<16xi32>
        %add3A_671 = arith.addi %mul3A_670, %add3A_4 : vector<16xi32>
        %swap3A_672 = arith.constant 48 : index
        %swap3A_673 = tpu.vector_load %arg13[%swap3A_672] {strides = array<i32>} : memref<128xi32, #tpu.memory_space<vmem>>, vector<16xi32>,
        tpu.vector_store %arg13[%swap3A_672], %add3A_671 {strides = array<i32>} : memref<128xi32, #tpu.memory_space<vmem>>, vector<16xi32>,
        %get3A_674 = arith.constant 64 : index
        %get3A_675 = tpu.vector_load %arg12[%get3A_674] {strides = array<i32>} : memref<128xi32, #tpu.memory_space<vmem>>, vector<16xi32>,
        %mul3A_676 = arith.constant 2 : i32
        %mul3A_677 = vector.broadcast %mul3A_676 : i32 to vector<16xi32>
        %mul3A_678 = arith.muli %get3A_675, %mul3A_677 : vector<16xi32>
        %add3A_679 = arith.addi %mul3A_678, %add3A_4 : vector<16xi32>
        %swap3A_680 = arith.constant 64 : index
        %swap3A_681 = tpu.vector_load %arg13[%swap3A_680] {strides = array<i32>} : memref<128xi32, #tpu.memory_space<vmem>>, vector<16xi32>,
        tpu.vector_store %arg13[%swap3A_680], %add3A_679 {strides = array<i32>} : memref<128xi32, #tpu.memory_space<vmem>>, vector<16xi32>,
        %get3A_682 = arith.constant 80 : index
        %get3A_683 = tpu.vector_load %arg12[%get3A_682] {strides = array<i32>} : memref<128xi32, #tpu.memory_space<vmem>>, vector<16xi32>,
        %mul3A_684 = arith.constant 2 : i32
        %mul3A_685 = vector.broadcast %mul3A_684 : i32 to vector<16xi32>
        %mul3A_686 = arith.muli %get3A_683, %mul3A_685 : vector<16xi32>
        %add3A_687 = arith.addi %mul3A_686, %add3A_4 : vector<16xi32>
        %swap3A_688 = arith.constant 80 : index
        %swap3A_689 = tpu.vector_load %arg13[%swap3A_688] {strides = array<i32>} : memref<128xi32, #tpu.memory_space<vmem>>, vector<16xi32>,
        tpu.vector_store %arg13[%swap3A_688], %add3A_687 {strides = array<i32>} : memref<128xi32, #tpu.memory_space<vmem>>, vector<16xi32>,
        %get3A_690 = arith.constant 96 : index
        %get3A_691 = tpu.vector_load %arg12[%get3A_690] {strides = array<i32>} : memref<128xi32, #tpu.memory_space<vmem>>, vector<16xi32>,
        %mul3A_692 = arith.constant 2 : i32
        %mul3A_693 = vector.broadcast %mul3A_692 : i32 to vector<16xi32>
        %mul3A_694 = arith.muli %get3A_691, %mul3A_693 : vector<16xi32>
        %add3A_695 = arith.addi %mul3A_694, %add3A_4 : vector<16xi32>
        %swap3A_696 = arith.constant 96 : index
        %swap3A_697 = tpu.vector_load %arg13[%swap3A_696] {strides = array<i32>} : memref<128xi32, #tpu.memory_space<vmem>>, vector<16xi32>,
        tpu.vector_store %arg13[%swap3A_696], %add3A_695 {strides = array<i32>} : memref<128xi32, #tpu.memory_space<vmem>>, vector<16xi32>,
        %get3A_698 = arith.constant 112 : index
        %get3A_699 = tpu.vector_load %arg12[%get3A_698] {strides = array<i32>} : memref<128xi32, #tpu.memory_space<vmem>>, vector<16xi32>,
        %mul3A_700 = arith.constant 2 : i32
        %mul3A_701 = vector.broadcast %mul3A_700 : i32 to vector<16xi32>
        %mul3A_702 = arith.muli %get3A_699, %mul3A_701 : vector<16xi32>
        %add3A_703 = arith.addi %mul3A_702, %add3A_4 : vector<16xi32>
        %swap3A_704 = arith.constant 112 : index
        %swap3A_705 = tpu.vector_load %arg13[%swap3A_704] {strides = array<i32>} : memref<128xi32, #tpu.memory_space<vmem>>, vector<16xi32>,
        tpu.vector_store %arg13[%swap3A_704], %add3A_703 {strides = array<i32>} : memref<128xi32, #tpu.memory_space<vmem>>, vector<16xi32>,
        %dma_start3A_706 = arith.constant 0 : i32
        %dma_start3A_707 = arith.constant 0 : i32
        %dma_start3A_708 = tpu.memref_slice %arg5[%dma_start3A_706, %dma_start3A_707] : memref<20000x128xf32, #tpu.memory_space<hbm>> -> memref<20000x128xf32, #tpu.memory_space<hbm>>
        tpu.enqueue_indirect_dma source(%dma_start3A_708 : memref<20000x128xf32, #tpu.memory_space<hbm>>) target(%arg10 : memref<128x128xf32, #tpu.memory_space<vmem>>) offsets(%arg13 : memref<128xi32, #tpu.memory_space<vmem>>) semaphore(%arg26 : memref<!tpu.dma_semaphore, #tpu.memory_space<semaphore_mem>>)
      } else {
      }
      %scan3A_619 = arith.constant 0 : i32
      scf.yield %scan3A_619 : i32
    }
    %scan3A_286 = arith.constant 42 : i32
    %dma_wait3A = arith.constant 0 : i32
    %dma_wait3A_287 = arith.constant 0 : i32
    %dma_wait3A_288 = tpu.memref_slice %arg7[%dma_wait3A, %dma_wait3A_287] : memref<10240x128xf32, #tpu.memory_space<vmem_shared>> -> memref<10240x128xf32, #tpu.memory_space<vmem_shared>>
    tpu.wait_indirect_dma semaphore(%arg29 : memref<!tpu.dma_semaphore, #tpu.memory_space<semaphore_mem>>) src(%arg11 : memref<128x128xf32, #tpu.memory_space<vmem>>) dst(%dma_wait3A_288 : memref<10240x128xf32, #tpu.memory_space<vmem_shared>>)
    %barrier3A_289 = arith.constant 0 : index
    tpu.barrier barrier_id(%barrier3A_289)
    "tpu.region"() ({
      %run_scoped3A_290 = tpu.sem_alloc : memref<!tpu.dma_semaphore, #tpu.memory_space<semaphore_mem>>
      %dma_start3A_291 = arith.constant 0 : i32
      %dma_start3A_292 = tpu.memref_slice %arg6[%arg0, %mul3A_0, %dma_start3A_291] : memref<2x10240x128xf32, #tpu.memory_space<hbm>> -> memref<1x640x128xf32, #tpu.memory_space<hbm>>
      %dma_start3A_293 = tpu.memref_squeeze %dma_start3A_292 : memref<1x640x128xf32, #tpu.memory_space<hbm>> -> memref<640x128xf32, #tpu.memory_space<hbm>>
      %dma_start3A_294 = arith.constant 0 : i32
      %dma_start3A_295 = tpu.memref_slice %arg7[%mul3A_0, %dma_start3A_294] : memref<10240x128xf32, #tpu.memory_space<vmem_shared>> -> memref<640x128xf32, #tpu.memory_space<vmem_shared>>
      tpu.enqueue_dma source(%dma_start3A_295 : memref<640x128xf32, #tpu.memory_space<vmem_shared>>) target(%dma_start3A_293 : memref<640x128xf32, #tpu.memory_space<hbm>>) target_semaphore(%run_scoped3A_290 : memref<!tpu.dma_semaphore, #tpu.memory_space<semaphore_mem>>)
      %dma_wait3A_296 = arith.constant 0 : i32
      %dma_wait3A_297 = tpu.memref_slice %arg6[%arg0, %mul3A_0, %dma_wait3A_296] : memref<2x10240x128xf32, #tpu.memory_space<hbm>> -> memref<1x640x128xf32, #tpu.memory_space<hbm>>
      %dma_wait3A_298 = tpu.memref_squeeze %dma_wait3A_297 : memref<1x640x128xf32, #tpu.memory_space<hbm>> -> memref<640x128xf32, #tpu.memory_space<hbm>>
      %dma_wait3A_299 = arith.constant 0 : i32
      %dma_wait3A_300 = tpu.memref_slice %arg7[%mul3A_0, %dma_wait3A_299] : memref<10240x128xf32, #tpu.memory_space<vmem_shared>> -> memref<640x128xf32, #tpu.memory_space<vmem_shared>>
      tpu.wait_dma2 semaphore(%run_scoped3A_290 : memref<!tpu.dma_semaphore, #tpu.memory_space<semaphore_mem>>) src(%dma_wait3A_300 : memref<640x128xf32, #tpu.memory_space<vmem_shared>>) dst(%dma_wait3A_298 : memref<640x128xf32, #tpu.memory_space<hbm>>)
      tpu.yield
    }) : () -> ()
    return
  }
}

module attributes {stable_mosaic.version = 14 : i64} {
  func.func @_tca_body(%arg0: i32, %arg1: memref<1000x256xf32, #tpu.memory_space<vmem>>, %arg2: memref<256x256xf32, #tpu.memory_space<vmem>>, %arg3: memref<1x256xf32, #tpu.memory_space<vmem>>, %arg4: memref<256x256xf32, #tpu.memory_space<vmem>>, %arg5: memref<1x256xf32, #tpu.memory_space<vmem>>, %arg6: memref<1000x256xf32, #tpu.memory_space<vmem>>, %arg7: memref<1000x256xf32, #tpu.memory_space<vmem>>) attributes {dimension_semantics = [#tpu.dimension_semantics<arbitrary>], iteration_bounds = array<i64: 10>, scalar_prefetch = 0 : i64, scratch_operands = 0 : i64, tpu.core_type = #tpu.core_type<tc>, window_params = [{transform_indices = @transform_0, window_bounds = array<i64: 1000, 256>}, {pipeline_mode = #tpu.pipeline_mode<synchronous>, transform_indices = @transform_1, window_bounds = array<i64: 256, 256>}, {pipeline_mode = #tpu.pipeline_mode<synchronous>, transform_indices = @transform_2, window_bounds = array<i64: 1, 256>}, {pipeline_mode = #tpu.pipeline_mode<synchronous>, transform_indices = @transform_3, window_bounds = array<i64: 256, 256>}, {pipeline_mode = #tpu.pipeline_mode<synchronous>, transform_indices = @transform_4, window_bounds = array<i64: 1, 256>}, {transform_indices = @transform_5, window_bounds = array<i64: 1000, 256>}, {transform_indices = @transform_6, window_bounds = array<i64: 1000, 256>}]} {
    %get3A = arith.constant 0 : index
    %get3A_0 = arith.constant 0 : index
    %get3A_1 = vector.load %arg1[%get3A, %get3A_0] : memref<1000x256xf32, #tpu.memory_space<vmem>>, vector<1000x256xf32>
    %get3A_2 = arith.constant 0 : index
    %get3A_3 = arith.constant 0 : index
    %get3A_4 = vector.load %arg2[%get3A_2, %get3A_3] : memref<256x256xf32, #tpu.memory_space<vmem>>, vector<256x256xf32>
    %dot_general3A = arith.constant dense<0.000000e+00> : vector<1000x256xf32>
    %dot_general3A_5 = tpu.matmul %get3A_1, %get3A_4, %dot_general3A {dimension_numbers = #tpu.dot_dimension_numbers<[1], [0], [0], [1], [0, 0, 1, 1], [], []>, transpose_lhs_hint = false} : vector<1000x256xf32>, vector<256x256xf32>, vector<1000x256xf32> -> vector<1000x256xf32>
    %get3A_6 = arith.constant 0 : index
    %get3A_7 = arith.constant 0 : index
    %get3A_8 = vector.load %arg3[%get3A_6, %get3A_7] : memref<1x256xf32, #tpu.memory_space<vmem>>, vector<1x256xf32>
    %add3A = vector.broadcast %get3A_8 : vector<1x256xf32> to vector<1000x256xf32>
    %add3A_9 = arith.addf %dot_general3A_5, %add3A : vector<1000x256xf32>
    %swap3A = arith.constant 0 : index
    %swap3A_10 = arith.constant 0 : index
    %swap3A_11 = vector.load %arg6[%swap3A, %swap3A_10] : memref<1000x256xf32, #tpu.memory_space<vmem>>, vector<1000x256xf32>
    tpu.vector_store %arg6[%swap3A, %swap3A_10], %add3A_9 {strides = array<i32>} : memref<1000x256xf32, #tpu.memory_space<vmem>>, vector<1000x256xf32>,
    %get3A_12 = arith.constant 0 : index
    %get3A_13 = arith.constant 0 : index
    %get3A_14 = vector.load %arg4[%get3A_12, %get3A_13] : memref<256x256xf32, #tpu.memory_space<vmem>>, vector<256x256xf32>
    %dot_general3A_15 = arith.constant dense<0.000000e+00> : vector<1000x256xf32>
    %dot_general3A_16 = tpu.matmul %get3A_1, %get3A_14, %dot_general3A_15 {dimension_numbers = #tpu.dot_dimension_numbers<[1], [0], [0], [1], [0, 0, 1, 1], [], []>, transpose_lhs_hint = false} : vector<1000x256xf32>, vector<256x256xf32>, vector<1000x256xf32> -> vector<1000x256xf32>
    %get3A_17 = arith.constant 0 : index
    %get3A_18 = arith.constant 0 : index
    %get3A_19 = vector.load %arg5[%get3A_17, %get3A_18] : memref<1x256xf32, #tpu.memory_space<vmem>>, vector<1x256xf32>
    %add3A_20 = vector.broadcast %get3A_19 : vector<1x256xf32> to vector<1000x256xf32>
    %add3A_21 = arith.addf %dot_general3A_16, %add3A_20 : vector<1000x256xf32>
    %swap3A_22 = arith.constant 0 : index
    %swap3A_23 = arith.constant 0 : index
    %swap3A_24 = vector.load %arg7[%swap3A_22, %swap3A_23] : memref<1000x256xf32, #tpu.memory_space<vmem>>, vector<1000x256xf32>
    tpu.vector_store %arg7[%swap3A_22, %swap3A_23], %add3A_21 {strides = array<i32>} : memref<1000x256xf32, #tpu.memory_space<vmem>>, vector<1000x256xf32>,
    return
  }
  func.func @transform_0(%arg0: i32) -> (i32, i32) {
    %c0_i32 = arith.constant 0 : i32
    %c0_i32_0 = arith.constant 0 : i32
    return %arg0, %c0_i32 : i32, i32
  }
  func.func @transform_1(%arg0: i32) -> (i32, i32) {
    %c0_i32 = arith.constant 0 : i32
    %c0_i32_0 = arith.constant 0 : i32
    %c0_i32_1 = arith.constant 0 : i32
    return %c0_i32, %c0_i32_0 : i32, i32
  }
  func.func @transform_2(%arg0: i32) -> (i32, i32) {
    %c0_i32 = arith.constant 0 : i32
    %c0_i32_0 = arith.constant 0 : i32
    %c0_i32_1 = arith.constant 0 : i32
    return %c0_i32, %c0_i32_0 : i32, i32
  }
  func.func @transform_3(%arg0: i32) -> (i32, i32) {
    %c0_i32 = arith.constant 0 : i32
    %c0_i32_0 = arith.constant 0 : i32
    %c0_i32_1 = arith.constant 0 : i32
    return %c0_i32, %c0_i32_0 : i32, i32
  }
  func.func @transform_4(%arg0: i32) -> (i32, i32) {
    %c0_i32 = arith.constant 0 : i32
    %c0_i32_0 = arith.constant 0 : i32
    %c0_i32_1 = arith.constant 0 : i32
    return %c0_i32, %c0_i32_0 : i32, i32
  }
  func.func @transform_5(%arg0: i32) -> (i32, i32) {
    %c0_i32 = arith.constant 0 : i32
    %c0_i32_0 = arith.constant 0 : i32
    return %arg0, %c0_i32 : i32, i32
  }
  func.func @transform_6(%arg0: i32) -> (i32, i32) {
    %c0_i32 = arith.constant 0 : i32
    %c0_i32_0 = arith.constant 0 : i32
    return %arg0, %c0_i32 : i32, i32
  }
}

module attributes {stable_mosaic.version = 14 : i64} {
  func.func @_tc_body(%arg0: i32, %arg1: memref<2x1000x128xf32, #tpu.memory_space<vmem>>, %arg2: memref<1000x256xf32, #tpu.memory_space<vmem>>, %arg3: memref<1000x256xf32, #tpu.memory_space<vmem>>, %arg4: memref<1000x256xf32, #tpu.memory_space<vmem>>, %arg5: memref<256x256xf32, #tpu.memory_space<vmem>>, %arg6: memref<1x256xf32, #tpu.memory_space<vmem>>, %arg7: memref<256x256xf32, #tpu.memory_space<vmem>>, %arg8: memref<256x256xf32, #tpu.memory_space<vmem>>, %arg9: memref<1x256xf32, #tpu.memory_space<vmem>>, %arg10: memref<256x256xf32, #tpu.memory_space<vmem>>, %arg11: memref<256x256xf32, #tpu.memory_space<vmem>>, %arg12: memref<1x256xf32, #tpu.memory_space<vmem>>, %arg13: memref<256x256xf32, #tpu.memory_space<vmem>>, %arg14: memref<256x256xf32, #tpu.memory_space<vmem>>, %arg15: memref<1x256xf32, #tpu.memory_space<vmem>>, %arg16: memref<256x256xf32, #tpu.memory_space<vmem>>, %arg17: memref<1x256xf32, #tpu.memory_space<vmem>>, %arg18: memref<1000x256xf32, #tpu.memory_space<vmem>>, %arg19: memref<1000x256xf32, #tpu.memory_space<vmem>>) attributes {dimension_semantics = [#tpu.dimension_semantics<arbitrary>], iteration_bounds = array<i64: 10>, scalar_prefetch = 0 : i64, scratch_operands = 0 : i64, tpu.core_type = #tpu.core_type<tc>, window_params = [{transform_indices = @transform_0, window_bounds = array<i64: 2, 1000, 128>}, {transform_indices = @transform_1, window_bounds = array<i64: 1000, 256>}, {transform_indices = @transform_2, window_bounds = array<i64: 1000, 256>}, {transform_indices = @transform_3, window_bounds = array<i64: 1000, 256>}, {pipeline_mode = #tpu.pipeline_mode<synchronous>, transform_indices = @transform_4, window_bounds = array<i64: 256, 256>}, {pipeline_mode = #tpu.pipeline_mode<synchronous>, transform_indices = @transform_5, window_bounds = array<i64: 1, 256>}, {pipeline_mode = #tpu.pipeline_mode<synchronous>, transform_indices = @transform_6, window_bounds = array<i64: 256, 256>}, {pipeline_mode = #tpu.pipeline_mode<synchronous>, transform_indices = @transform_7, window_bounds = array<i64: 256, 256>}, {pipeline_mode = #tpu.pipeline_mode<synchronous>, transform_indices = @transform_8, window_bounds = array<i64: 1, 256>}, {pipeline_mode = #tpu.pipeline_mode<synchronous>, transform_indices = @transform_9, window_bounds = array<i64: 256, 256>}, {pipeline_mode = #tpu.pipeline_mode<synchronous>, transform_indices = @transform_10, window_bounds = array<i64: 256, 256>}, {pipeline_mode = #tpu.pipeline_mode<synchronous>, transform_indices = @transform_11, window_bounds = array<i64: 1, 256>}, {pipeline_mode = #tpu.pipeline_mode<synchronous>, transform_indices = @transform_12, window_bounds = array<i64: 256, 256>}, {pipeline_mode = #tpu.pipeline_mode<synchronous>, transform_indices = @transform_13, window_bounds = array<i64: 256, 256>}, {pipeline_mode = #tpu.pipeline_mode<synchronous>, transform_indices = @transform_14, window_bounds = array<i64: 1, 256>}, {pipeline_mode = #tpu.pipeline_mode<synchronous>, transform_indices = @transform_15, window_bounds = array<i64: 256, 256>}, {pipeline_mode = #tpu.pipeline_mode<synchronous>, transform_indices = @transform_16, window_bounds = array<i64: 1, 256>}, {transform_indices = @transform_17, window_bounds = array<i64: 1000, 256>}, {transform_indices = @transform_18, window_bounds = array<i64: 1000, 256>}]} {
    %get3A = arith.constant 0 : index
    %get3A_0 = arith.constant 0 : index
    %get3A_1 = arith.constant 0 : index
    %get3A_2 = vector.load %arg1[%get3A, %get3A_0, %get3A_1] : memref<2x1000x128xf32, #tpu.memory_space<vmem>>, vector<1x1000x128xf32>
    %get3A_3 = vector.shape_cast %get3A_2 : vector<1x1000x128xf32> to vector<1000x128xf32>
    %get3A_4 = arith.constant 1 : index
    %get3A_5 = arith.constant 0 : index
    %get3A_6 = arith.constant 0 : index
    %get3A_7 = vector.load %arg1[%get3A_4, %get3A_5, %get3A_6] : memref<2x1000x128xf32, #tpu.memory_space<vmem>>, vector<1x1000x128xf32>
    %get3A_8 = vector.shape_cast %get3A_7 : vector<1x1000x128xf32> to vector<1000x128xf32>
    %concatenate3A = tpu.concatenate %get3A_3, %get3A_8 in 1 : vector<1000x128xf32>, vector<1000x128xf32> -> vector<1000x256xf32>
    %get3A_9 = arith.constant 0 : index
    %get3A_10 = arith.constant 0 : index
    %get3A_11 = vector.load %arg2[%get3A_9, %get3A_10] : memref<1000x256xf32, #tpu.memory_space<vmem>>, vector<1000x256xf32>
    %get3A_12 = arith.constant 0 : index
    %get3A_13 = arith.constant 0 : index
    %get3A_14 = vector.load %arg5[%get3A_12, %get3A_13] : memref<256x256xf32, #tpu.memory_space<vmem>>, vector<256x256xf32>
    %dot_general3A = arith.constant dense<0.000000e+00> : vector<1000x256xf32>
    %dot_general3A_15 = tpu.matmul %concatenate3A, %get3A_14, %dot_general3A {dimension_numbers = #tpu.dot_dimension_numbers<[1], [0], [0], [1], [0, 0, 1, 1], [], []>, transpose_lhs_hint = false} : vector<1000x256xf32>, vector<256x256xf32>, vector<1000x256xf32> -> vector<1000x256xf32>
    %get3A_16 = arith.constant 0 : index
    %get3A_17 = arith.constant 0 : index
    %get3A_18 = vector.load %arg6[%get3A_16, %get3A_17] : memref<1x256xf32, #tpu.memory_space<vmem>>, vector<1x256xf32>
    %add3A = vector.broadcast %get3A_18 : vector<1x256xf32> to vector<1000x256xf32>
    %add3A_19 = arith.addf %dot_general3A_15, %add3A : vector<1000x256xf32>
    %get3A_20 = arith.constant 0 : index
    %get3A_21 = arith.constant 0 : index
    %get3A_22 = vector.load %arg7[%get3A_20, %get3A_21] : memref<256x256xf32, #tpu.memory_space<vmem>>, vector<256x256xf32>
    %dot_general3A_23 = arith.constant dense<0.000000e+00> : vector<1000x256xf32>
    %dot_general3A_24 = tpu.matmul %add3A_19, %get3A_22, %dot_general3A_23 {dimension_numbers = #tpu.dot_dimension_numbers<[1], [0], [0], [1], [0, 0, 1, 1], [], []>, transpose_lhs_hint = false} : vector<1000x256xf32>, vector<256x256xf32>, vector<1000x256xf32> -> vector<1000x256xf32>
    %get3A_25 = arith.constant 0 : index
    %get3A_26 = arith.constant 0 : index
    %get3A_27 = vector.load %arg3[%get3A_25, %get3A_26] : memref<1000x256xf32, #tpu.memory_space<vmem>>, vector<1000x256xf32>
    %add3A_28 = arith.addf %dot_general3A_24, %get3A_27 : vector<1000x256xf32>
    %logistic3A = arith.negf %add3A_28 : vector<1000x256xf32>
    %logistic3A_29 = math.exp %logistic3A : vector<1000x256xf32>
    %logistic3A_30 = arith.constant 1.000000e+00 : f32
    %logistic3A_31 = vector.broadcast %logistic3A_30 : f32 to vector<1000x256xf32>
    %logistic3A_32 = arith.addf %logistic3A_31, %logistic3A_29 : vector<1000x256xf32>
    %logistic3A_33 = arith.divf %logistic3A_31, %logistic3A_32 : vector<1000x256xf32>
    %get3A_34 = arith.constant 0 : index
    %get3A_35 = arith.constant 0 : index
    %get3A_36 = vector.load %arg8[%get3A_34, %get3A_35] : memref<256x256xf32, #tpu.memory_space<vmem>>, vector<256x256xf32>
    %dot_general3A_37 = arith.constant dense<0.000000e+00> : vector<1000x256xf32>
    %dot_general3A_38 = tpu.matmul %concatenate3A, %get3A_36, %dot_general3A_37 {dimension_numbers = #tpu.dot_dimension_numbers<[1], [0], [0], [1], [0, 0, 1, 1], [], []>, transpose_lhs_hint = false} : vector<1000x256xf32>, vector<256x256xf32>, vector<1000x256xf32> -> vector<1000x256xf32>
    %get3A_39 = arith.constant 0 : index
    %get3A_40 = arith.constant 0 : index
    %get3A_41 = vector.load %arg9[%get3A_39, %get3A_40] : memref<1x256xf32, #tpu.memory_space<vmem>>, vector<1x256xf32>
    %add3A_42 = vector.broadcast %get3A_41 : vector<1x256xf32> to vector<1000x256xf32>
    %add3A_43 = arith.addf %dot_general3A_38, %add3A_42 : vector<1000x256xf32>
    %get3A_44 = arith.constant 0 : index
    %get3A_45 = arith.constant 0 : index
    %get3A_46 = vector.load %arg10[%get3A_44, %get3A_45] : memref<256x256xf32, #tpu.memory_space<vmem>>, vector<256x256xf32>
    %dot_general3A_47 = arith.constant dense<0.000000e+00> : vector<1000x256xf32>
    %dot_general3A_48 = tpu.matmul %add3A_43, %get3A_46, %dot_general3A_47 {dimension_numbers = #tpu.dot_dimension_numbers<[1], [0], [0], [1], [0, 0, 1, 1], [], []>, transpose_lhs_hint = false} : vector<1000x256xf32>, vector<256x256xf32>, vector<1000x256xf32> -> vector<1000x256xf32>
    %get3A_49 = arith.constant 0 : index
    %get3A_50 = arith.constant 0 : index
    %get3A_51 = vector.load %arg4[%get3A_49, %get3A_50] : memref<1000x256xf32, #tpu.memory_space<vmem>>, vector<1000x256xf32>
    %add3A_52 = arith.addf %dot_general3A_48, %get3A_51 : vector<1000x256xf32>
    %logistic3A_53 = arith.negf %add3A_52 : vector<1000x256xf32>
    %logistic3A_54 = math.exp %logistic3A_53 : vector<1000x256xf32>
    %logistic3A_55 = arith.constant 1.000000e+00 : f32
    %logistic3A_56 = vector.broadcast %logistic3A_55 : f32 to vector<1000x256xf32>
    %logistic3A_57 = arith.addf %logistic3A_56, %logistic3A_54 : vector<1000x256xf32>
    %logistic3A_58 = arith.divf %logistic3A_56, %logistic3A_57 : vector<1000x256xf32>
    %get3A_59 = arith.constant 0 : index
    %get3A_60 = arith.constant 0 : index
    %get3A_61 = vector.load %arg11[%get3A_59, %get3A_60] : memref<256x256xf32, #tpu.memory_space<vmem>>, vector<256x256xf32>
    %dot_general3A_62 = arith.constant dense<0.000000e+00> : vector<1000x256xf32>
    %dot_general3A_63 = tpu.matmul %concatenate3A, %get3A_61, %dot_general3A_62 {dimension_numbers = #tpu.dot_dimension_numbers<[1], [0], [0], [1], [0, 0, 1, 1], [], []>, transpose_lhs_hint = false} : vector<1000x256xf32>, vector<256x256xf32>, vector<1000x256xf32> -> vector<1000x256xf32>
    %get3A_64 = arith.constant 0 : index
    %get3A_65 = arith.constant 0 : index
    %get3A_66 = vector.load %arg12[%get3A_64, %get3A_65] : memref<1x256xf32, #tpu.memory_space<vmem>>, vector<1x256xf32>
    %add3A_67 = vector.broadcast %get3A_66 : vector<1x256xf32> to vector<1000x256xf32>
    %add3A_68 = arith.addf %dot_general3A_63, %add3A_67 : vector<1000x256xf32>
    %get3A_69 = arith.constant 0 : index
    %get3A_70 = arith.constant 0 : index
    %get3A_71 = vector.load %arg13[%get3A_69, %get3A_70] : memref<256x256xf32, #tpu.memory_space<vmem>>, vector<256x256xf32>
    %dot_general3A_72 = arith.constant dense<0.000000e+00> : vector<1000x256xf32>
    %dot_general3A_73 = tpu.matmul %add3A_68, %get3A_71, %dot_general3A_72 {dimension_numbers = #tpu.dot_dimension_numbers<[1], [0], [0], [1], [0, 0, 1, 1], [], []>, transpose_lhs_hint = false} : vector<1000x256xf32>, vector<256x256xf32>, vector<1000x256xf32> -> vector<1000x256xf32>
    %mul3A = arith.mulf %get3A_11, %logistic3A_58 : vector<1000x256xf32>
    %get3A_74 = arith.constant 0 : index
    %get3A_75 = arith.constant 0 : index
    %get3A_76 = vector.load %arg14[%get3A_74, %get3A_75] : memref<256x256xf32, #tpu.memory_space<vmem>>, vector<256x256xf32>
    %dot_general3A_77 = arith.constant dense<0.000000e+00> : vector<1000x256xf32>
    %dot_general3A_78 = tpu.matmul %mul3A, %get3A_76, %dot_general3A_77 {dimension_numbers = #tpu.dot_dimension_numbers<[1], [0], [0], [1], [0, 0, 1, 1], [], []>, transpose_lhs_hint = false} : vector<1000x256xf32>, vector<256x256xf32>, vector<1000x256xf32> -> vector<1000x256xf32>
    %add3A_79 = arith.addf %dot_general3A_73, %dot_general3A_78 : vector<1000x256xf32>
    %get3A_80 = arith.constant 0 : index
    %get3A_81 = arith.constant 0 : index
    %get3A_82 = vector.load %arg15[%get3A_80, %get3A_81] : memref<1x256xf32, #tpu.memory_space<vmem>>, vector<1x256xf32>
    %add3A_83 = vector.broadcast %get3A_82 : vector<1x256xf32> to vector<1000x256xf32>
    %add3A_84 = arith.addf %add3A_79, %add3A_83 : vector<1000x256xf32>
    %tanh3A = math.tanh %add3A_84 : vector<1000x256xf32>
    %mul3A_85 = arith.mulf %logistic3A_33, %get3A_11 : vector<1000x256xf32>
    %sub3A = arith.constant 1.000000e+00 : f32
    %sub3A_86 = vector.broadcast %sub3A : f32 to vector<1000x256xf32>
    %sub3A_87 = arith.subf %sub3A_86, %logistic3A_33 : vector<1000x256xf32>
    %mul3A_88 = arith.mulf %sub3A_87, %tanh3A : vector<1000x256xf32>
    %add3A_89 = arith.addf %mul3A_85, %mul3A_88 : vector<1000x256xf32>
    %max3A = arith.constant 0.000000e+00 : f32
    %max3A_90 = vector.broadcast %max3A : f32 to vector<1000x256xf32>
    %max3A_91 = arith.maximumf %add3A_89, %max3A_90 : vector<1000x256xf32>
    %get3A_92 = arith.constant 0 : index
    %get3A_93 = arith.constant 0 : index
    %get3A_94 = vector.load %arg16[%get3A_92, %get3A_93] : memref<256x256xf32, #tpu.memory_space<vmem>>, vector<256x256xf32>
    %dot_general3A_95 = arith.constant dense<0.000000e+00> : vector<1000x256xf32>
    %dot_general3A_96 = tpu.matmul %max3A_91, %get3A_94, %dot_general3A_95 {dimension_numbers = #tpu.dot_dimension_numbers<[1], [0], [0], [1], [0, 0, 1, 1], [], []>, transpose_lhs_hint = false} : vector<1000x256xf32>, vector<256x256xf32>, vector<1000x256xf32> -> vector<1000x256xf32>
    %get3A_97 = arith.constant 0 : index
    %get3A_98 = arith.constant 0 : index
    %get3A_99 = vector.load %arg17[%get3A_97, %get3A_98] : memref<1x256xf32, #tpu.memory_space<vmem>>, vector<1x256xf32>
    %add3A_100 = vector.broadcast %get3A_99 : vector<1x256xf32> to vector<1000x256xf32>
    %add3A_101 = arith.addf %dot_general3A_96, %add3A_100 : vector<1000x256xf32>
    %swap3A = arith.constant 0 : index
    %swap3A_102 = arith.constant 0 : index
    %swap3A_103 = vector.load %arg18[%swap3A, %swap3A_102] : memref<1000x256xf32, #tpu.memory_space<vmem>>, vector<1000x256xf32>
    tpu.vector_store %arg18[%swap3A, %swap3A_102], %add3A_101 {strides = array<i32>} : memref<1000x256xf32, #tpu.memory_space<vmem>>, vector<1000x256xf32>,
    %swap3A_104 = arith.constant 0 : index
    %swap3A_105 = arith.constant 0 : index
    %swap3A_106 = vector.load %arg19[%swap3A_104, %swap3A_105] : memref<1000x256xf32, #tpu.memory_space<vmem>>, vector<1000x256xf32>
    tpu.vector_store %arg19[%swap3A_104, %swap3A_105], %add3A_89 {strides = array<i32>} : memref<1000x256xf32, #tpu.memory_space<vmem>>, vector<1000x256xf32>,
    return
  }
  func.func @transform_0(%arg0: i32) -> (i32, i32, i32) {
    %c0_i32 = arith.constant 0 : i32
    %c0_i32_0 = arith.constant 0 : i32
    %c0_i32_1 = arith.constant 0 : i32
    return %c0_i32, %arg0, %c0_i32_0 : i32, i32, i32
  }
  func.func @transform_1(%arg0: i32) -> (i32, i32) {
    %c0_i32 = arith.constant 0 : i32
    %c0_i32_0 = arith.constant 0 : i32
    return %arg0, %c0_i32 : i32, i32
  }
  func.func @transform_2(%arg0: i32) -> (i32, i32) {
    %c0_i32 = arith.constant 0 : i32
    %c0_i32_0 = arith.constant 0 : i32
    return %arg0, %c0_i32 : i32, i32
  }
  func.func @transform_3(%arg0: i32) -> (i32, i32) {
    %c0_i32 = arith.constant 0 : i32
    %c0_i32_0 = arith.constant 0 : i32
    return %arg0, %c0_i32 : i32, i32
  }
  func.func @transform_4(%arg0: i32) -> (i32, i32) {
    %c0_i32 = arith.constant 0 : i32
    %c0_i32_0 = arith.constant 0 : i32
    %c0_i32_1 = arith.constant 0 : i32
    return %c0_i32, %c0_i32_0 : i32, i32
  }
  func.func @transform_5(%arg0: i32) -> (i32, i32) {
    %c0_i32 = arith.constant 0 : i32
    %c0_i32_0 = arith.constant 0 : i32
    %c0_i32_1 = arith.constant 0 : i32
    return %c0_i32, %c0_i32_0 : i32, i32
  }
  func.func @transform_6(%arg0: i32) -> (i32, i32) {
    %c0_i32 = arith.constant 0 : i32
    %c0_i32_0 = arith.constant 0 : i32
    %c0_i32_1 = arith.constant 0 : i32
    return %c0_i32, %c0_i32_0 : i32, i32
  }
  func.func @transform_7(%arg0: i32) -> (i32, i32) {
    %c0_i32 = arith.constant 0 : i32
    %c0_i32_0 = arith.constant 0 : i32
    %c0_i32_1 = arith.constant 0 : i32
    return %c0_i32, %c0_i32_0 : i32, i32
  }
  func.func @transform_8(%arg0: i32) -> (i32, i32) {
    %c0_i32 = arith.constant 0 : i32
    %c0_i32_0 = arith.constant 0 : i32
    %c0_i32_1 = arith.constant 0 : i32
    return %c0_i32, %c0_i32_0 : i32, i32
  }
  func.func @transform_9(%arg0: i32) -> (i32, i32) {
    %c0_i32 = arith.constant 0 : i32
    %c0_i32_0 = arith.constant 0 : i32
    %c0_i32_1 = arith.constant 0 : i32
    return %c0_i32, %c0_i32_0 : i32, i32
  }
  func.func @transform_10(%arg0: i32) -> (i32, i32) {
    %c0_i32 = arith.constant 0 : i32
    %c0_i32_0 = arith.constant 0 : i32
    %c0_i32_1 = arith.constant 0 : i32
    return %c0_i32, %c0_i32_0 : i32, i32
  }
  func.func @transform_11(%arg0: i32) -> (i32, i32) {
    %c0_i32 = arith.constant 0 : i32
    %c0_i32_0 = arith.constant 0 : i32
    %c0_i32_1 = arith.constant 0 : i32
    return %c0_i32, %c0_i32_0 : i32, i32
  }
  func.func @transform_12(%arg0: i32) -> (i32, i32) {
    %c0_i32 = arith.constant 0 : i32
    %c0_i32_0 = arith.constant 0 : i32
    %c0_i32_1 = arith.constant 0 : i32
    return %c0_i32, %c0_i32_0 : i32, i32
  }
  func.func @transform_13(%arg0: i32) -> (i32, i32) {
    %c0_i32 = arith.constant 0 : i32
    %c0_i32_0 = arith.constant 0 : i32
    %c0_i32_1 = arith.constant 0 : i32
    return %c0_i32, %c0_i32_0 : i32, i32
  }
  func.func @transform_14(%arg0: i32) -> (i32, i32) {
    %c0_i32 = arith.constant 0 : i32
    %c0_i32_0 = arith.constant 0 : i32
    %c0_i32_1 = arith.constant 0 : i32
    return %c0_i32, %c0_i32_0 : i32, i32
  }
  func.func @transform_15(%arg0: i32) -> (i32, i32) {
    %c0_i32 = arith.constant 0 : i32
    %c0_i32_0 = arith.constant 0 : i32
    %c0_i32_1 = arith.constant 0 : i32
    return %c0_i32, %c0_i32_0 : i32, i32
  }
  func.func @transform_16(%arg0: i32) -> (i32, i32) {
    %c0_i32 = arith.constant 0 : i32
    %c0_i32_0 = arith.constant 0 : i32
    %c0_i32_1 = arith.constant 0 : i32
    return %c0_i32, %c0_i32_0 : i32, i32
  }
  func.func @transform_17(%arg0: i32) -> (i32, i32) {
    %c0_i32 = arith.constant 0 : i32
    %c0_i32_0 = arith.constant 0 : i32
    return %arg0, %c0_i32 : i32, i32
  }
  func.func @transform_18(%arg0: i32) -> (i32, i32) {
    %c0_i32 = arith.constant 0 : i32
    %c0_i32_0 = arith.constant 0 : i32
    return %arg0, %c0_i32 : i32, i32
  }
}

</mosaic_0001>

<sc_bundles>
// kernel: kernel.5.cloned.1.call-start
scs
__scs_entry_jumppad:
0x0: {  	(pc) =	sbr.rel $0x88, $3  }
0x1: {  	(tag) =	ssettag $0x0;
	lr =	simm.s32 $0x1  }
0x2: {  	[smem:$0x3F8F] =	sst lr;
	_ =	strace $0xD0000000  }
0x3: {  	_ = 	snop  }
0x4: {  	_ = 	snop  }
0x5: {  	_ = 	snop  }
0x6: {  	_ = 	snop  }
0x7: {  	_ = 	snop  }
__scs_overlays_trampoline_lowered:
0x8: {  	[smem:$0x3F9E] =	sst s0  }
0x9: {  	[smem:$0x3F9F] =	sst s1  }
0xa: {  	[smem:$0x3FA0] =	sst s2  }
0xb: {  	[smem:$0x3FA1] =	sst s3  }
0xc: {  	[smem:$0x3FA2] =	sst s4  }
0xd: {  	[smem:$0x3FA3] =	sst s5  }
0xe: {  	[smem:$0x3FA4] =	sst s6  }
0xf: {  	[smem:$0x3FA5] =	sst s7  }
0x10: {  	[smem:$0x3FA6] =	sst s8  }
0x11: {  	[smem:$0x3FA7] =	sst s9;
	s0 =	simm.s32 @!p0 $0x0  }
0x12: {  	s1 =	sld [smem:$0x3F8D];
	s0 =	simm.s32 @p0 $0x1  }
0x13: {  	[smem:$0x3FA8] =	sst s0;
	s0 =	simm.s32 @!p1 $0x0  }
0x14: {  	s2 =	sld [smem:$0x3F8C];
	s0 =	simm.s32 @p1 $0x1  }
0x15: {  	[smem:$0x3FA9] =	sst s0;
	s0 =	simm.s32 @!p2 $0x0  }
0x16: {  	s3 =	sld [smem:$0x3FDB];
	s0 =	simm.s32 @p2 $0x1  }
0x17: {  	s4 =	simm.s32 $0x1BF5;
	[smem:$0x3FAB] =	sst s0  }
0x18: {  	s0 =	sld [smem:$0x3F8E];
	_ =	swait.ge [sflag:s4], $0x0  }
0x19: {  	s7 =	sld [smem:$0x3F8F]  }
0x1a: {  	s8 =	sadd.s32 $0xFFFFE003, lr  }
0x1b: {  	s9 =	sadd.s32 $0xFFFFFEF7, lr;
	s5 =	simm.s32 $0xFFFFFFFF;
	p2 =	slt.u32 s8, $0xFFFFF086  }
0x1c: {  	p1 =	slt.u32 s9, $0xF7A;
	s5 =	simm.s32 @!p2 $0x0  }
0x1d: {  	s5 =	simm.s32 @p1 $0x1;
	p0 =	seq.s32 s7, s2  }
0x1e: {  	s7 =	smul.u32 @!p0 $0xF7A, s2;
	p2 =	seq.s32 @!p0 s5, $0x0  }
0x1f: {  	s9 =	smul.u32 $0xF7A, s1;
	s8 =	simm.s32 @!p0 $0x1BF5;
	p2 =	por !p2, p0  }
0x20: {  	[sflag:s8] =	ssyncset.s32 @!p0 $0xFFFFF086;
	s6 =	sadd.s32 @!p0 s3, s7;
	s7 =	simm.s32 @!p0 $0x108  }
0x21: {  	s3 =	sadd.s32 s3, s9;
	s6 =	sadd.s32 @!p0 $0x88, s6;
	s7 =	simm.s32 @p2 $0x1082  }
0x22: {  	[simem:s7], [sflag:s8] =	dma.local @!p0 [hbm:s6], $0xF7A  }
0x23: {  	s9 =	sor.u32 $0xD0000000, s2;
	s6 =	simm.s32 $0x108;
	_ =	swait.ge @!p0 [sflag:s8], $0x0  }
0x24: {  	s3 =	sadd.s32 $0x88, s3;
	s6 =	simm.s32 @!p1 $0x1082;
	[sflag:s4] =	ssyncset.s32 $0xFFFFF086  }
0x25: {  	[simem:s6], [sflag:s4] =	dma.local [hbm:s3], $0xF7A  }
0x26: {  	[smem:$0x3F8F] =	sst s1;
	(tag) =	ssettag s2;
	_ =	strace s9  }
0x27: {  	s1 =	sld [smem:$0x3F9F]  }
0x28: {  	s2 =	sld [smem:$0x3FA0]  }
0x29: {  	s4 =	sld [smem:$0x3FA2]  }
0x2a: {  	p0 =	seq.s32 s5, $0x0;
	s5 =	sld [smem:$0x3FA3]  }
0x2b: {  	s6 =	sld [smem:$0x3FA4]  }
0x2c: {  	s7 =	sld [smem:$0x3FA5]  }
0x2d: {  	s3 =	simm.s32 $0x108;
	s8 =	sld [smem:$0x3FA6]  }
0x2e: {  	s3 =	simm.s32 @!p0 $0x1082;
	s9 =	sld [smem:$0x3FA7]  }
0x2f: {  	lr =	sadd.s32 s0, s3;
	s0 =	sld [smem:$0x3F9E]  }
0x30: {  	s3 =	sld [smem:$0x3FA1]  }
0x31: {  	[smem:$0x3FAA] =	sst s10  }
0x32: {  	s10 =	sld [smem:$0x3FA8];
	_ =	sdelay $0x3  }
0x33: {  	p0 =	seq.s32 s10, $0x1;
	s10 =	sld [smem:$0x3FAA];
	_ =	sdelay $0x3  }
0x34: {  	[smem:$0x3FAA] =	sst s10  }
0x35: {  	s10 =	sld [smem:$0x3FA9];
	_ =	sdelay $0x3  }
0x36: {  	p1 =	seq.s32 s10, $0x1;
	s10 =	sld [smem:$0x3FAA];
	_ =	sdelay $0x3  }
0x37: {  	[smem:$0x3FAA] =	sst s10  }
0x38: {  	s10 =	sld [smem:$0x3FAB]  }
0x39: {  	_ = 	snop;
	(pc) =	sbr.ind lr, $3  }
0x3a: {  	_ = 	snop  }
0x3b: {  	_ = 	snop  }
0x3c: {  	p2 =	seq.s32 s10, $0x1;
	s10 =	sld [smem:$0x3FAA]  }
0x3d: {  	_ =	shalt  }
0x3e: {  	_ =	shalt  }
0x3f: {  	_ =	shalt  }
0x40: {  	_ =	shalt  }
0x41: {  	_ =	shalt  }
0x42: {  	_ =	shalt  }
0x43: {  	_ =	shalt  }
0x44: {  	_ =	shalt  }
0x45: {  	_ =	shalt  }
0x46: {  	_ =	shalt  }
0x47: {  	_ =	shalt  }
0x48: {  	_ =	shalt  }
0x49: {  	_ =	shalt  }
0x4a: {  	_ =	shalt  }
0x4b: {  	_ =	shalt  }
0x4c: {  	_ =	shalt  }
0x4d: {  	_ =	shalt  }
0x4e: {  	_ =	shalt  }
0x4f: {  	_ =	shalt  }
0x50: {  	_ =	shalt  }
0x51: {  	_ =	shalt  }
0x52: {  	_ =	shalt  }
0x53: {  	_ =	shalt  }
0x54: {  	_ =	shalt  }
0x55: {  	_ =	shalt  }
0x56: {  	_ =	shalt  }
0x57: {  	_ =	shalt  }
0x58: {  	_ =	shalt  }
0x59: {  	_ =	shalt  }
0x5a: {  	_ =	shalt  }
0x5b: {  	_ =	shalt  }
0x5c: {  	_ =	shalt  }
0x5d: {  	_ =	shalt  }
0x5e: {  	_ =	shalt  }
0x5f: {  	_ =	shalt  }
0x60: {  	_ =	shalt  }
0x61: {  	_ =	shalt  }
0x62: {  	_ =	shalt  }
0x63: {  	_ =	shalt  }
0x64: {  	_ =	shalt  }
0x65: {  	_ =	shalt  }
0x66: {  	_ =	shalt  }
0x67: {  	_ =	shalt  }
0x68: {  	_ =	shalt  }
0x69: {  	_ =	shalt  }
0x6a: {  	_ =	shalt  }
0x6b: {  	_ =	shalt  }
0x6c: {  	_ =	shalt  }
0x6d: {  	_ =	shalt  }
0x6e: {  	_ =	shalt  }
0x6f: {  	_ =	shalt  }
0x70: {  	_ =	shalt  }
0x71: {  	_ =	shalt  }
0x72: {  	_ =	shalt  }
0x73: {  	_ =	shalt  }
0x74: {  	_ =	shalt  }
0x75: {  	_ =	shalt  }
0x76: {  	_ =	shalt  }
0x77: {  	_ =	shalt  }
0x78: {  	_ =	shalt  }
0x79: {  	_ =	shalt  }
0x7a: {  	_ =	shalt  }
0x7b: {  	_ =	shalt  }
0x7c: {  	_ =	shalt  }
0x7d: {  	_ =	shalt  }
0x7e: {  	_ =	shalt  }
0x7f: {  	_ =	shalt  }
0x80: {  	_ =	shalt  }
0x81: {  	_ =	shalt  }
0x82: {  	_ =	shalt  }
0x83: {  	_ =	shalt  }
0x84: {  	_ =	shalt  }
0x85: {  	_ =	shalt  }
0x86: {  	_ =	shalt  }
0x87: {  	_ =	shalt  }
.Lfunc_end0:
.L_simem_size_0:
called_computation_lowered:
.L_overlay_start_0:
0x88: {  	s2 =	sld [smem:$0x3FD9]  }
0x89: {  	s3 =	sld [smem:$0x3FFE];
	_ =	sdelay $0x1  }
0x8a: {  	s1 =	srdreg.scid  }
0x8b: {  	s0 =	sand.u32 $0x1, s1  }
0x8c: {  	s14 =	sshll.u32 s0, $0xA;
	s2 =	sadd.s32 s3, s2  }
0x8d: {  	s2 =	sadd.s32 s2, s14  }
0x8e: {  	[smem:$0x3FB6] =	sst s2  }
0x8f: {  	_ = 	snop  }
0x90: {  	s2 =	sld [smem:$0x3FD0];
	_ =	sdelay $0x2  }
0x91: {  	s15 =	simm.s32 $0xA;
	s4 =	simm.s32 $0x10  }
0x92: {  	[smem:s4], [sflag:s15] =	dma.local [hbm:s2], $0x1  }
0x93: {  	_ =	swait.eq [sflag:s15], $0x1  }
0x94: {  	[sflag:s15] =	ssyncset.done $0x0  }
0x95: {  	s16 =	sld [smem:$0x10];
	[sflag:s15] =	ssyncadd.s32 $0xFFFFFFFF  }
0x96: {  	s17 =	sld [smem:$0x11];
	(tm) =	ssettm $0x1  }
0x97: {  	s18 =	sld [smem:$0x3FFB];
	_ =	sdelay $0x3  }
0x98: {  	_ =	strace s18  }
0x99: {  	s4 =	sld [smem:$0x3FFC];
	_ =	sdelay $0x3  }
0x9a: {  	_ =	strace s4  }
0x9b: {  	s4 =	sld [smem:$0x3FFD];
	_ =	sdelay $0x3  }
0x9c: {  	_ =	strace s4  }
0x9d: {  	_ =	strace $0x8FFFFFFF  }
0x9e: {  	s19 =	sld [smem:$0x3FDB];
	_ =	sdelay $0x1  }
0x9f: {  	s5 =	simm.s32 $_scs_section_size  }
0xa0: {  	s6 =	simm.s32 $_size__tile_overlayer_lowered;
	s7 =	simm.s32 $_tile_overlayer_lowered  }
0xa1: {  	s22 =	simm.s32 $0x1BFF;
	s21 =	sshll.u32 s7, $0x1;
	s4 =	sadd.s32 s5, s19  }
0xa2: {  	s8 =	simm.s32 $0x0;
	s20 =	sshll.u32 s6, $0x1;
	s6 =	sadd.s32 s21, s4  }
0xa3: {  	[timem:s8], [sflag:s22] =	dma.local [hbm:s6], s20  }
0xa4: {  	_ =	swait.ge [sflag:s22], s20  }
0xa5: {  	s5 =	ssub.s32 $0x0, s20;
	[sflag:s22] =	ssyncset.done $0x0  }
0xa6: {  	[sflag:s22] =	ssyncadd.s32 s5;
	_ =	sdelay $0x1  }
0xa7: {  	s23 =	simm.s32 $0x1B8B  }
0xa8: {  	_ =	swait.ge [sflag:s23], $0x1  }
0xa9: {  	[sflag:s23] =	ssyncset.done $0x0  }
0xaa: {  	s25 =	simm.s32 $0x1B8E;
	s24 =	sld [smem:$0x3FFE];
	[sflag:s23] =	ssyncadd.s32 $0xFFFFFFFF  }
0xab: {  	s26 =	simm.s32 $execute0_lowered;
	[smem:$0x3FD2] =	sst s25  }
0xac: {  	s6 =	sshll.u32 s26, $0x1;
	_ =	strace $0x80000046;
	[dreg:$0x1] =	wrdreg $0xFFFFFFFF  }
0xad: {  	s28 =	simm.s32 $_size_execute0_lowered;
	s4 =	sadd.s32 s4, s6;
	[dreg:$0x0] =	wrdreg $0x0  }
0xae: {  	s6 =	sshll.u32 s28, $0x1;
	[dreg:$0x2] =	wrdreg s4  }
0xaf: {  	[dreg:$0x3] =	wrdreg s6  }
0xb0: {  	[dreg:$0x4] =	wrdreg $0xC0  }
0xb1: {  	_ =	task [dreg:s8], $0x5FFFF  }
0xb2: {  	[dreg:$0x1] =	wrdreg $0xFFFFFFFF  }
0xb3: {  	[dreg:$0x0] =	wrdreg $0x60  }
0xb4: {  	[dreg:$0x2] =	wrdreg s16  }
0xb5: {  	[dreg:$0x3] =	wrdreg s24  }
0xb6: {  	[dreg:$0x4] =	wrdreg s17  }
0xb7: {  	[dreg:$0x5] =	wrdreg $0x0  }
0xb8: {  	[dreg:$0x6] =	wrdreg $0x140000  }
0xb9: {  	[dreg:$0x7] =	wrdreg $0x9  }
0xba: {  	_ =	task.clear_ibuf [dreg:s8], $0x8FFFF;
	_ =	strace $0x90000046  }
0xbb: {  	s29 =	simm.s32 $0x9;
	_ =	strace $0x80000048  }
0xbc: {  	_ =	swait.ge [sflag:s29], $0x1  }
0xbd: {  	[sflag:s29] =	ssyncadd.s32 $0xFFFFFFFF  }
0xbe: {  	_ =	strace $0x90000048  }
0xbf: {  	_ =	sfence  }
0xc0: {  	s30 =	sld [smem:$0x0];
	_ =	sdelay $0x2  }
0xc1: {  	s31 =	sshll.u32 s1, $0xD;
	s1 =	sshrl.u32 s1, $0x2  }
0xc2: {  	s3 =	sand.u32 $0x4000, s31;
	s1 =	sadd.s32 s1, s30  }
0xc3: {  	s0 =	sor.u32 s3, s0;
	s1 =	sshll.u32 s1, $0x11  }
0xc4: {  	s0 =	sor.u32 s1, s0  }
0xc5: {  	s0 =	sadd.s32 $0x8F2B, s0  }
0xc6: {  	[sflag:s0] =	ssyncadd.remote.s32 $0x1  }
0xc7: {  	_ =	sfence.sel $0xFFFF  }
0xc8: {  	[dreg:$0x0] =	wrdreg $0xFFFFFFFF;
	(pc) =	sbr.abs _section_cstart, $3  }
0xc9: {  	[dreg:$0x1] =	wrdreg $0xFFFFFFFF  }
0xca: {  	_ =	task.clear_ibuf [dreg:s8], $0x2FFFF;
	_ =	strace $0x9FFFFFFF  }
0xcb: {  	(tm) =	ssettm $0x7FFFFFFF  }
tec
execute0_lowered:
.L_overlay_start_1:
0x0: {  	(tag) =	ssettag $0x1  }
0x1: {  	s13 =	rddreg [dreg:$0x0]  }
0x2: {  	s0 =	rddreg [dreg:$0x1]  }
0x3: {  	s14 =	rddreg [dreg:$0x3]  }
0x4: {  	s4 =	rddreg [dreg:$0x4];
	s12 =	stileid.u32  }
0x5: {  	s1 =	srdreg.scid;
	s3 =	smul.u32 $0x14000, s12  }
0x6: {  	s6 =	simm.s32 $0x0;
	s30 =	simm.s32 $0x16A80;
	s8 =	smul.u32 $0x2C00, s12  }
0x7: {  	s31 =	simm.s32 $0x5;
	s28 =	simm.s32 $0x3;
	s22 =	smul.u32 $0xA00, s12  }
0x8: {  	s1 =	sand.u32 $0x1, s1;
	[smem:$0x7FF] =	sst s6;
	s12 =	smul.u32 $0x50000, s12  }
0x9: {  	s7 =	sadd.s32 $0x8600, s0;
	s9 =	sadd.s32 $0x2E00, s0;
	s2 =	smul.u32 $0x140000, s1  }
0xa: {  	_ =	strace $0x80000047;
	s15 =	ssub.s32 $0x2, s1;
	s10 =	sshrl.u32 s8, $0x3  }
0xb: {  	s5 =	sshrl.u32 s15, $0x1;
	s26 =	sshrl.u32 s22, $0x2;
	s18 =	sadd.s32 s7, s10  }
0xc: {  	s29 =	sadd.s32 s9, s10;
	s16 =	sor.u32 $0x20, s10;
	[dreg:$0x6] =	wrdreg s18  }
0xd: {  	s2 =	sadd.s32 s3, s2;
	s11 =	sadd.s32 s7, s16;
	[dreg:$0x7] =	wrdreg s29  }
0xe: {  	s17 =	sor.u32 $0x30, s10;
	s3 =	sadd.s32 s9, s16;
	[dreg:$0x8] =	wrdreg s11  }
0xf: {  	s21 =	sor.u32 $0x40, s10;
	s19 =	sadd.s32 s7, s17;
	[dreg:$0x9] =	wrdreg s3  }
0x10: {  	s24 =	sor.u32 $0x50, s10;
	s20 =	sadd.s32 s9, s17;
	[dreg:$0xa] =	wrdreg s19  }
0x11: {  	s2 =	sshrl.u32 s2, $0x3;
	s23 =	sadd.s32 s7, s21;
	[dreg:$0xb] =	wrdreg s20  }
0x12: {  	s25 =	sadd.s32 s7, s24;
	s16 =	sshrl.u32 s12, $0x2;
	[dreg:$0xc] =	wrdreg s23  }
0x13: {  	s17 =	sor.u32 $0x10, s10;
	s10 =	sadd.s32 s13, s10;
	[dreg:$0xe] =	wrdreg s25  }
0x14: {  	s0 =	sadd.s32 s2, s0;
	s3 =	sadd.s32 s9, s21;
	[dreg:$0x12] =	wrdreg s10  }
0x15: {  	s2 =	ssub.s32 s15, s5;
	s15 =	sadd.s32 s9, s24;
	[dreg:$0xd] =	wrdreg s3  }
0x16: {  	s12 =	simm.s32 $0x1F680;
	s19 =	sadd.s32 s7, s17;
	[dreg:$0xf] =	wrdreg s15  }
0x17: {  	s5 =	sadd.s32 s16, s14;
	s20 =	sadd.s32 s9, s17;
	[dreg:$0x13] =	wrdreg s19  }
0x18: {  	s10 =	simm.s32 $0x6;
	s11 =	simm.s32 $0x4;
	[dreg:$0x14] =	wrdreg s20  }
0x19: {  	s14 =	simm.s32 $0x1AA80;
	s3 =	sadd.s32 s26, s4;
	[dreg:$0x11] =	wrdreg s5  }
0x1a: {  	s16 =	simm.s32 $0x2;
	s0 =	sadd.s32 $0xDE00, s0;
	[dreg:$0x10] =	wrdreg s3  }
0x1b: {  	s21 =	smax.u32 s2, $0x1;
	s22 =	sadd.s32 $0x4000, s5;
	[dreg:$0x16] =	wrdreg s0  }
0x1c: {  	s23 =	sadd.s32 $0x8000, s5;
	s24 =	sadd.s32 $0xC000, s5;
	[dreg:$0x17] =	wrdreg s21  }
0x1d: {  	s25 =	sadd.s32 $0x10000, s5;
	s26 =	sadd.s32 $0x400, s8;
	[dreg:$0x18] =	wrdreg s22  }
0x1e: {  	s19 =	simm.s32 $0x1F480;
	s20 =	simm.s32 $0x1;
	[dreg:$0x19] =	wrdreg s23  }
0x1f: {  	s15 =	simm.s32 $0x8;
	s2 =	simm.s32 $0x0;
	[dreg:$0x1a] =	wrdreg s24  }
.Ltmp0:
0x20: {  	s3 =	sadd.s32 s13, s17;
	[dreg:$0x1b] =	wrdreg s25;
	(pc) =	sbr.rel .LBB2_1-.Ltmp0, $4  }
0x21: {  	[dreg:$0x1c] =	wrdreg s26;
	s22 =	simm.s32 $0x1F300;
	s23 =	simm.s32 $0x1F500  }
0x22: {  	s25 =	simm.s32 $0x1F380;
	s26 =	simm.s32 $0x1F580;
	s17 =	simm.s32 $0x9  }
0x23: {  	s0 =	simm.s32 $0x80;
	s24 =	simm.s32 $0x14280;
	s21 =	simm.s32 $0x1EB80  }
0x24: {  	v1 =	vimm.f32 $0.0e+00;
	v0 =	vmov s1;
	s13 =	simm.s32 $0x1ED80;
	[dreg:$0x15] =	wrdreg s3;
	s3 =	simm.s32 $0x1F280  }
.LBB2_15:
0x25: {  	_ =	swait.ge [sflag:s28], $0x4000  }
0x26: {  	[sflag:s28] =	ssyncset.done $0x0  }
0x27: {  	[sflag:s28] =	ssyncadd.s32 $0xFFFFC000  }
0x28: {  	s1 =	rddreg [dreg:$0x3]  }
0x29: {  	[spmem:s1] =	stream.indirect.scatter.add.f32 [tilespmem:s14], [sflag:$0x4], $0x80, s13, s0, $0xb8;
	[tilespmem:$0x1F980] =	vst v63  }
0x2a: {  	_ =	swait.ge [sflag:s11], $0x4000  }
0x2b: {  	[sflag:s11] =	ssyncset.done $0x0  }
0x2c: {  	[sflag:s11] =	ssyncadd.s32 $0xFFFFC000  }
0x2d: {  	s2 =	stileid.u32;
	[bflag:$0x0] =	sbarrier.arrive $0xFFFF  }
0x2e: {  	s17 =	simm.s32 $0x9;
	s1 =	sshll.u32 s2, $0x6;
	s5 =	rddreg [dreg:$0x11]  }
0x2f: {  	s1 =	sor.u32 $0x1C09, s1;
	s3 =	rddreg [dreg:$0x16];
	s2 =	sshrl.u32 s5, $0x3  }
0x30: {  	[hbm:s3], [sflag:s1] =	dma.local [spmem:s2], $0x2800  }
0x31: {  	_ =	swait.ge [sflag:s17], $0x2800  }
0x32: {  	s3 =	rddreg [dreg:$0x1d]  }
0x33: {  	s18 =	rddreg [dreg:$0x17];
	s2 =	sadd.s32 $0x1, s3  }
0x34: {  	p0 =	sne.s32 s2, s18  }
.Ltmp1:
0x35: {  	_ = 	snop;
	(pc) =	sbr.rel @!p0 .LBB2_16-.Ltmp1, $3  }
0x36: {  	_ =	sdelay $0x1  }
0x37: {  	[sflag:s17] =	ssyncset.done $0x0;
	s29 =	rddreg [dreg:$0x7]  }
0x38: {  	[sflag:s17] =	ssyncadd.s32 $0xFFFFD800;
	s3 =	simm.s32 $0x1F280;
	s18 =	rddreg [dreg:$0x6]  }
.LBB2_1:
0x39: {  	s1 =	simm.s32 $0x1EE80  }
0x3a: {  	[tilespmem:s1], [sflag:$0x5] =	stream.linear.gather [hbm4b:s18+s6], $0x80, $0x38;
	[tilespmem:$0x1F980] =	vst v63  }
0x3b: {  	[dreg:$0x1d] =	wrdreg s2;
	s18 =	simm.s32 $0x1F080  }
0x3c: {  	[tilespmem:s18], [sflag:$0x5] =	stream.linear.gather [hbm4b:s29+s6], $0x80, $0x38;
	[tilespmem:$0x1F980] =	vst v63  }
0x3d: {  	s2 =	rddreg [dreg:$0x13];
	s18 =	simm.s32 $0x1EF00  }
0x3e: {  	[tilespmem:s18], [sflag:$0x5] =	stream.linear.gather [hbm4b:s2+s6], $0x80, $0x38;
	[tilespmem:$0x1F980] =	vst v63  }
0x3f: {  	s2 =	rddreg [dreg:$0x14];
	s18 =	simm.s32 $0x1F100  }
0x40: {  	[tilespmem:s18], [sflag:$0x5] =	stream.linear.gather [hbm4b:s2+s6], $0x80, $0x38;
	[tilespmem:$0x1F980] =	vst v63  }
0x41: {  	s2 =	rddreg [dreg:$0x8];
	s18 =	simm.s32 $0x1EF80  }
0x42: {  	[tilespmem:s18], [sflag:$0x5] =	stream.linear.gather [hbm4b:s2+s6], $0x80, $0x38;
	[tilespmem:$0x1F980] =	vst v63  }
0x43: {  	s2 =	rddreg [dreg:$0x9];
	s18 =	simm.s32 $0x1F180  }
0x44: {  	[tilespmem:s18], [sflag:$0x5] =	stream.linear.gather [hbm4b:s2+s6], $0x80, $0x38;
	[tilespmem:$0x1F980] =	vst v63  }
0x45: {  	s2 =	rddreg [dreg:$0xa]  }
0x46: {  	[tilespmem:s3], [sflag:$0x6] =	stream.linear.gather [hbm4b:s2+s6], $0x80, $0x38;
	[tilespmem:$0x1F980] =	vst v63  }
0x47: {  	s3 =	rddreg [dreg:$0xb]  }
0x48: {  	[tilespmem:s19], [sflag:$0x6] =	stream.linear.gather [hbm4b:s3+s6], $0x80, $0x38;
	[tilespmem:$0x1F980] =	vst v63  }
0x49: {  	s18 =	rddreg [dreg:$0xc]  }
0x4a: {  	[tilespmem:s22], [sflag:$0x6] =	stream.linear.gather [hbm4b:s18+s6], $0x80, $0x38;
	[tilespmem:$0x1F980] =	vst v63  }
0x4b: {  	s2 =	rddreg [dreg:$0xd]  }
0x4c: {  	[tilespmem:s23], [sflag:$0x6] =	stream.linear.gather [hbm4b:s2+s6], $0x80, $0x38;
	[tilespmem:$0x1F980] =	vst v63  }
0x4d: {  	s3 =	rddreg [dreg:$0xe]  }
0x4e: {  	[tilespmem:s25], [sflag:$0x6] =	stream.linear.gather [hbm4b:s3+s6], $0x80, $0x38;
	[tilespmem:$0x1F980] =	vst v63  }
0x4f: {  	s18 =	rddreg [dreg:$0xf]  }
0x50: {  	[tilespmem:s26], [sflag:$0x6] =	stream.linear.gather [hbm4b:s18+s6], $0x80, $0x38;
	[tilespmem:$0x1F980] =	vst v63  }
0x51: {  	[tilespmem:$0x1F700] =	vst v1  }
0x52: {  	[tilespmem:$0x1F710] =	vst v1  }
0x53: {  	[tilespmem:$0x1F720] =	vst v1  }
0x54: {  	[tilespmem:$0x1F730] =	vst v1  }
0x55: {  	[tilespmem:$0x1F740] =	vst v1  }
0x56: {  	[tilespmem:$0x1F750] =	vst v1  }
0x57: {  	[tilespmem:$0x1F760] =	vst v1  }
0x58: {  	[tilespmem:$0x1F770] =	vst v1  }
0x59: {  	[tilespmem:$0x1F780] =	vst v1  }
0x5a: {  	[tilespmem:$0x1F790] =	vst v1  }
0x5b: {  	[tilespmem:$0x1F7A0] =	vst v1  }
0x5c: {  	[tilespmem:$0x1F7B0] =	vst v1  }
0x5d: {  	[tilespmem:$0x1F7C0] =	vst v1  }
0x5e: {  	[tilespmem:$0x1F7D0] =	vst v1  }
0x5f: {  	[tilespmem:$0x1F7E0] =	vst v1  }
0x60: {  	[tilespmem:$0x1F7F0] =	vst v1  }
0x61: {  	[tilespmem:$0x1F800] =	vst v1  }
0x62: {  	[tilespmem:$0x1F810] =	vst v1  }
0x63: {  	[tilespmem:$0x1F820] =	vst v1  }
0x64: {  	[tilespmem:$0x1F830] =	vst v1  }
0x65: {  	[tilespmem:$0x1F840] =	vst v1  }
0x66: {  	[tilespmem:$0x1F850] =	vst v1  }
0x67: {  	[tilespmem:$0x1F860] =	vst v1  }
0x68: {  	[tilespmem:$0x1F870] =	vst v1  }
0x69: {  	[tilespmem:$0x1F880] =	vst v1  }
0x6a: {  	[tilespmem:$0x1F890] =	vst v1  }
0x6b: {  	[tilespmem:$0x1F8A0] =	vst v1  }
0x6c: {  	[tilespmem:$0x1F8B0] =	vst v1  }
0x6d: {  	[tilespmem:$0x1F8C0] =	vst v1  }
0x6e: {  	[tilespmem:$0x1F8D0] =	vst v1  }
0x6f: {  	[tilespmem:$0x1F8E0] =	vst v1  }
0x70: {  	[tilespmem:$0x1F8F0] =	vst v1  }
0x71: {  	[tilespmem:$0x1F900] =	vst v1  }
0x72: {  	[tilespmem:$0x1F910] =	vst v1  }
0x73: {  	[tilespmem:$0x1F920] =	vst v1  }
0x74: {  	[tilespmem:$0x1F930] =	vst v1  }
0x75: {  	[tilespmem:$0x1F940] =	vst v1  }
0x76: {  	[tilespmem:$0x1F950] =	vst v1  }
0x77: {  	[tilespmem:$0x1F960] =	vst v1  }
0x78: {  	s1 =	simm.s32 $0x0;
	s2 =	simm.s32 $0x200;
	[tilespmem:$0x1F970] =	vst v1  }
.LBB2_2:
0x79: {  	p0 =	sne.s32 s2, $0xFE00;
	[tilespmem:s1+$0x16AF0] =	vst v1  }
0x7a: {  	[tilespmem:s1+$0x16A80] =	vst v1  }
0x7b: {  	[tilespmem:s1+$0x16A90] =	vst v1  }
.Ltmp2:
0x7c: {  	[tilespmem:s1+$0x16AA0] =	vst v1;
	(pc) =	sbr.rel @p0 .LBB2_2-.Ltmp2, $4  }
0x7d: {  	[tilespmem:s1+$0x16AB0] =	vst v1  }
0x7e: {  	[tilespmem:s1+$0x16AC0] =	vst v1  }
0x7f: {  	[tilespmem:s1+$0x16AD0] =	vst v1  }
0x80: {  	[tilespmem:s1+$0x16AE0] =	vst v1;
	s1 =	sshra.s32 s2, $0x2;
	s2 =	sadd.s32 $0x200, s2  }
0x81: {  	[tilespmem:s1+$0x16AF0] =	vst v1  }
0x82: {  	[tilespmem:s1+$0x16A80] =	vst v1  }
0x83: {  	[tilespmem:s1+$0x16A90] =	vst v1  }
0x84: {  	[tilespmem:s1+$0x16AA0] =	vst v1  }
0x85: {  	[tilespmem:s1+$0x16AB0] =	vst v1  }
0x86: {  	[tilespmem:s1+$0x16AC0] =	vst v1  }
0x87: {  	[tilespmem:s1+$0x16AD0] =	vst v1  }
0x88: {  	[tilespmem:s1+$0x16AE0] =	vst v1;
	s18 =	rddreg [dreg:$0x10];
	s2 =	simm.s32 $0x1F700  }
0x89: {  	[spmem:s18] =	stream.linear.scatter [tilespmem:s2], [sflag:$0x9], $0x280, $0x38;
	[tilespmem:$0x1F980] =	vst v63  }
0x8a: {  	_ =	swait.ge [sflag:s17], $0x280  }
0x8b: {  	[sflag:s17] =	ssyncset.done $0x0  }
0x8c: {  	[sflag:s17] =	ssyncadd.s32 $0xFFFFFD80  }
0x8d: {  	[spmem:s5] =	stream.linear.scatter [tilespmem:s30], [sflag:$0x9], $0x4000, $0x38;
	[tilespmem:$0x1F980] =	vst v63  }
0x8e: {  	_ =	swait.ge [sflag:s17], $0x4000  }
0x8f: {  	[sflag:s17] =	ssyncset.done $0x0  }
0x90: {  	s2 =	rddreg [dreg:$0x18];
	[sflag:s17] =	ssyncadd.s32 $0xFFFFC000  }
0x91: {  	[spmem:s2] =	stream.linear.scatter [tilespmem:s30], [sflag:$0x9], $0x4000, $0x38;
	[tilespmem:$0x1F980] =	vst v63  }
0x92: {  	_ =	swait.ge [sflag:s17], $0x4000  }
0x93: {  	[sflag:s17] =	ssyncset.done $0x0  }
0x94: {  	s3 =	rddreg [dreg:$0x19];
	[sflag:s17] =	ssyncadd.s32 $0xFFFFC000  }
0x95: {  	[spmem:s3] =	stream.linear.scatter [tilespmem:s30], [sflag:$0x9], $0x4000, $0x38;
	[tilespmem:$0x1F980] =	vst v63  }
0x96: {  	_ =	swait.ge [sflag:s17], $0x4000  }
0x97: {  	[sflag:s17] =	ssyncset.done $0x0  }
0x98: {  	s5 =	rddreg [dreg:$0x1a];
	[sflag:s17] =	ssyncadd.s32 $0xFFFFC000  }
0x99: {  	[spmem:s5] =	stream.linear.scatter [tilespmem:s30], [sflag:$0x9], $0x4000, $0x38;
	[tilespmem:$0x1F980] =	vst v63  }
0x9a: {  	_ =	swait.ge [sflag:s17], $0x4000  }
0x9b: {  	[sflag:s17] =	ssyncset.done $0x0  }
0x9c: {  	s18 =	rddreg [dreg:$0x1b];
	[sflag:s17] =	ssyncadd.s32 $0xFFFFC000  }
0x9d: {  	[spmem:s18] =	stream.linear.scatter [tilespmem:s30], [sflag:$0x9], $0x4000, $0x38;
	[tilespmem:$0x1F980] =	vst v63  }
0x9e: {  	_ =	swait.ge [sflag:s17], $0x4000  }
0x9f: {  	[sflag:s17] =	ssyncset.done $0x0  }
0xa0: {  	[sflag:s17] =	ssyncadd.s32 $0xFFFFC000  }
0xa1: {  	s1 =	simm.s32 $0x580;
	s18 =	simm.s32 $0x1F280;
	[bflag:$0x0] =	sbarrier.arrive $0xFFFF  }
.LBB2_4:
0xa2: {  	_ =	swait.ge [sflag:s31], $0x80  }
0xa3: {  	[sflag:s31] =	ssyncset.done $0x0  }
0xa4: {  	[sflag:s31] =	ssyncadd.s32 $0xFFFFFF80  }
0xa5: {  	_ =	swait.ge [sflag:s31], $0x80  }
0xa6: {  	[sflag:s31] =	ssyncset.done $0x0  }
0xa7: {  	[sflag:s31] =	ssyncadd.s32 $0xFFFFFF80  }
0xa8: {  	_ =	swait.ge [sflag:s31], $0x80  }
0xa9: {  	[sflag:s31] =	ssyncset.done $0x0  }
0xaa: {  	[sflag:s31] =	ssyncadd.s32 $0xFFFFFF80  }
0xab: {  	_ =	swait.ge [sflag:s31], $0x80  }
0xac: {  	[sflag:s31] =	ssyncset.done $0x0  }
0xad: {  	[sflag:s31] =	ssyncadd.s32 $0xFFFFFF80  }
0xae: {  	_ =	swait.ge [sflag:s31], $0x80  }
0xaf: {  	[sflag:s31] =	ssyncset.done $0x0  }
0xb0: {  	[sflag:s31] =	ssyncadd.s32 $0xFFFFFF80  }
0xb1: {  	_ =	swait.ge [sflag:s31], $0x80  }
0xb2: {  	[sflag:s31] =	ssyncset.done $0x0  }
0xb3: {  	s2 =	simm.s32 $0x1EE80;
	s3 =	simm.s32 $0x1F080;
	[sflag:s31] =	ssyncadd.s32 $0xFFFFFF80  }
0xb4: {  	[spmem:s4] =	stream.indirect.scatter.add.f32 [tilespmem:s3], [sflag:$0x3], $0x1, s2, s0, $0xb8;
	[tilespmem:$0x1F980] =	vst v63  }
0xb5: {  	s5 =	simm.s32 $0x1EF00;
	s17 =	simm.s32 $0x1F100  }
0xb6: {  	[spmem:s4] =	stream.indirect.scatter.add.f32 [tilespmem:s17], [sflag:$0x3], $0x1, s5, s0, $0xb8;
	[tilespmem:$0x1F980] =	vst v63  }
0xb7: {  	s5 =	simm.s32 $0x1EF80;
	s17 =	simm.s32 $0x1F180  }
0xb8: {  	[spmem:s4] =	stream.indirect.scatter.add.f32 [tilespmem:s17], [sflag:$0x3], $0x1, s5, s0, $0xb8;
	[tilespmem:$0x1F980] =	vst v63  }
0xb9: {  	_ =	swait.ge [sflag:s28], $0x80  }
0xba: {  	[sflag:s28] =	ssyncset.done $0x0  }
0xbb: {  	p0 =	seq.s32 s1, $0x2C80;
	[sflag:s28] =	ssyncadd.s32 $0xFFFFFF80  }
0xbc: {  	s2 =	sadd.s32 @!p0 $0xFFFFFD80, s1;
	_ =	swait.ge [sflag:s28], $0x80  }
0xbd: {  	s3 =	sand.u32 @!p0 $0x7C00, s2;
	[sflag:s28] =	ssyncset.done $0x0  }
0xbe: {  	s2 =	sand.u32 @!p0 $0x300, s2;
	s3 =	sadd.s32 @!p0 s8, s3;
	[sflag:s28] =	ssyncadd.s32 $0xFFFFFF80  }
0xbf: {  	s2 =	sor.u32 @!p0 s2, s3;
	_ =	swait.ge [sflag:s28], $0x80  }
0xc0: {  	s2 =	sshrl.u32 @!p0 s2, $0x3;
	s5 =	simm.s32 @!p0 $0x0;
	[sflag:s28] =	ssyncset.done $0x0  }
0xc1: {  	s17 =	simm.s32 @!p0 $0x1EE80;
	s3 =	sadd.s32 @!p0 s7, s2;
	[sflag:s28] =	ssyncadd.s32 $0xFFFFFF80  }
0xc2: {  	[tilespmem:s17], [sflag:$0x5] =	stream.linear.gather @!p0 [hbm4b:s3+s5], $0x80, $0x38;
	[tilespmem:$0x1F980] =	vst v63  }
0xc3: {  	s2 =	sadd.s32 @!p0 s9, s2;
	s3 =	simm.s32 @!p0 $0x1F080  }
0xc4: {  	[tilespmem:s3], [sflag:$0x5] =	stream.linear.gather @!p0 [hbm4b:s2+s5], $0x80, $0x38;
	[tilespmem:$0x1F980] =	vst v63  }
0xc5: {  	s2 =	sadd.s32 @!p0 $0xFFFFFE00, s1  }
0xc6: {  	s3 =	sand.u32 @!p0 $0x7C00, s2  }
0xc7: {  	s2 =	sand.u32 @!p0 $0x380, s2;
	s3 =	sadd.s32 @!p0 s8, s3  }
0xc8: {  	s2 =	sor.u32 @!p0 s2, s3  }
0xc9: {  	s2 =	sshrl.u32 @!p0 s2, $0x3  }
0xca: {  	s17 =	simm.s32 @!p0 $0x1EF00;
	s3 =	sadd.s32 @!p0 s7, s2  }
0xcb: {  	[tilespmem:s17], [sflag:$0x5] =	stream.linear.gather @!p0 [hbm4b:s3+s5], $0x80, $0x38;
	[tilespmem:$0x1F980] =	vst v63  }
0xcc: {  	s2 =	sadd.s32 @!p0 s9, s2;
	s3 =	sadd.s32 @!p0 $0xFFFFFA80, s1;
	s17 =	simm.s32 @!p0 $0x1F100  }
0xcd: {  	[tilespmem:s17], [sflag:$0x5] =	stream.linear.gather @!p0 [hbm4b:s2+s5], $0x80, $0x38;
	[tilespmem:$0x1F980] =	vst v63  }
0xce: {  	s2 =	sand.u32 @!p0 $0x3C00, s3;
	s17 =	rddreg [dreg:$0x1c]  }
0xcf: {  	s3 =	sand.u32 @!p0 $0x300, s3;
	s2 =	sadd.s32 @!p0 s2, s17  }
0xd0: {  	s2 =	sor.u32 @!p0 s3, s2  }
0xd1: {  	s2 =	sshrl.u32 @!p0 s2, $0x3  }
0xd2: {  	s17 =	simm.s32 @!p0 $0x1EF80;
	s3 =	sadd.s32 @!p0 s7, s2  }
0xd3: {  	[tilespmem:s17], [sflag:$0x5] =	stream.linear.gather @!p0 [hbm4b:s3+s5], $0x80, $0x38;
	[tilespmem:$0x1F980] =	vst v63  }
0xd4: {  	s2 =	sadd.s32 @!p0 s9, s2;
	s3 =	simm.s32 @!p0 $0x1F180  }
0xd5: {  	[tilespmem:s3], [sflag:$0x5] =	stream.linear.gather @!p0 [hbm4b:s2+s5], $0x80, $0x38;
	[tilespmem:$0x1F980] =	vst v63  }
0xd6: {  	_ =	swait.ge [sflag:s10], $0x80  }
0xd7: {  	[sflag:s10] =	ssyncset.done $0x0  }
0xd8: {  	[sflag:s10] =	ssyncadd.s32 $0xFFFFFF80  }
0xd9: {  	_ =	swait.ge [sflag:s10], $0x80  }
0xda: {  	[sflag:s10] =	ssyncset.done $0x0  }
0xdb: {  	[sflag:s10] =	ssyncadd.s32 $0xFFFFFF80  }
0xdc: {  	_ =	swait.ge [sflag:s10], $0x80  }
0xdd: {  	[sflag:s10] =	ssyncset.done $0x0  }
0xde: {  	[sflag:s10] =	ssyncadd.s32 $0xFFFFFF80  }
0xdf: {  	_ =	swait.ge [sflag:s10], $0x80  }
0xe0: {  	[sflag:s10] =	ssyncset.done $0x0  }
0xe1: {  	[sflag:s10] =	ssyncadd.s32 $0xFFFFFF80  }
0xe2: {  	_ =	swait.ge [sflag:s10], $0x80  }
0xe3: {  	[sflag:s10] =	ssyncset.done $0x0  }
0xe4: {  	[sflag:s10] =	ssyncadd.s32 $0xFFFFFF80  }
0xe5: {  	_ =	swait.ge [sflag:s10], $0x80  }
0xe6: {  	[sflag:s10] =	ssyncset.done $0x0  }
0xe7: {  	[sflag:s10] =	ssyncadd.s32 $0xFFFFFF80  }
0xe8: {  	[spmem:s4] =	stream.indirect.scatter.add.f32 [tilespmem:s19], [sflag:$0x4], $0x1, s18, s0, $0xb8;
	[tilespmem:$0x1F980] =	vst v63  }
0xe9: {  	_ = 	snop  }
0xea: {  	[spmem:s4] =	stream.indirect.scatter.add.f32 [tilespmem:s23], [sflag:$0x4], $0x1, s22, s0, $0xb8;
	[tilespmem:$0x1F980] =	vst v63  }
0xeb: {  	_ = 	snop  }
0xec: {  	[spmem:s4] =	stream.indirect.scatter.add.f32 [tilespmem:s26], [sflag:$0x4], $0x1, s25, s0, $0xb8;
	[tilespmem:$0x1F980] =	vst v63  }
0xed: {  	_ =	swait.ge [sflag:s11], $0x80  }
0xee: {  	[sflag:s11] =	ssyncset.done $0x0  }
0xef: {  	[sflag:s11] =	ssyncadd.s32 $0xFFFFFF80  }
0xf0: {  	_ =	swait.ge [sflag:s11], $0x80  }
.Ltmp3:
0xf1: {  	[sflag:s11] =	ssyncset.done $0x0;
	(pc) =	sbr.rel @p0 .LBB2_6-.Ltmp3, $4  }
0xf2: {  	[sflag:s11] =	ssyncadd.s32 $0xFFFFFF80  }
0xf3: {  	_ =	swait.ge [sflag:s11], $0x80  }
0xf4: {  	[sflag:s11] =	ssyncset.done $0x0  }
0xf5: {  	s5 =	simm.s32 $0x1F280;
	[sflag:s11] =	ssyncadd.s32 $0xFFFFFF80  }
0xf6: {  	s2 =	sadd.s32 $0xFFFFFF00, s1  }
0xf7: {  	s3 =	sand.u32 $0x7C00, s2  }
0xf8: {  	s2 =	sand.u32 $0x380, s2;
	s3 =	sadd.s32 s8, s3  }
0xf9: {  	s2 =	sor.u32 s2, s3  }
0xfa: {  	s2 =	sshrl.u32 s2, $0x3  }
0xfb: {  	s18 =	sadd.s32 s7, s2  }
0xfc: {  	[tilespmem:s5], [sflag:$0x6] =	stream.linear.gather [hbm4b:s18+s6], $0x80, $0x38;
	[tilespmem:$0x1F980] =	vst v63  }
0xfd: {  	s5 =	sadd.s32 $0xFFFFFF80, s1  }
0xfe: {  	s2 =	sadd.s32 s9, s2;
	s17 =	sand.u32 $0x7C00, s5  }
0xff: {  	[tilespmem:s19], [sflag:$0x6] =	stream.linear.gather [hbm4b:s2+s6], $0x80, $0x38;
	[tilespmem:$0x1F980] =	vst v63  }
0x100: {  	s3 =	sadd.s32 s8, s17;
	s2 =	sand.u32 $0x300, s5  }
0x101: {  	s2 =	sor.u32 s2, s3  }
0x102: {  	s2 =	sshrl.u32 s2, $0x3  }
0x103: {  	s18 =	sadd.s32 s7, s2  }
0x104: {  	[tilespmem:s22], [sflag:$0x6] =	stream.linear.gather [hbm4b:s18+s6], $0x80, $0x38;
	[tilespmem:$0x1F980] =	vst v63  }
0x105: {  	s5 =	sand.u32 $0x7C00, s1;
	s2 =	sadd.s32 s9, s2  }
0x106: {  	[tilespmem:s23], [sflag:$0x6] =	stream.linear.gather [hbm4b:s2+s6], $0x80, $0x38;
	[tilespmem:$0x1F980] =	vst v63  }
0x107: {  	s17 =	sand.u32 $0x380, s1;
	s2 =	sadd.s32 s8, s5  }
0x108: {  	s2 =	sor.u32 s17, s2  }
.Ltmp4:
0x109: {  	s2 =	sshrl.u32 s2, $0x3;
	(pc) =	sbr.rel .LBB2_4-.Ltmp4, $4  }
0x10a: {  	s18 =	sadd.s32 s7, s2  }
0x10b: {  	[tilespmem:s25], [sflag:$0x6] =	stream.linear.gather [hbm4b:s18+s6], $0x80, $0x38;
	[tilespmem:$0x1F980] =	vst v63  }
0x10c: {  	s1 =	sadd.s32 $0x300, s1;
	s2 =	sadd.s32 s9, s2;
	s18 =	simm.s32 $0x1F280  }
0x10d: {  	[tilespmem:s26], [sflag:$0x6] =	stream.linear.gather [hbm4b:s2+s6], $0x80, $0x38;
	[tilespmem:$0x1F980] =	vst v63  }
.LBB2_6:
0x10e: {  	[bflag:$0x0] =	sbarrier.arrive $0xFFFF  }
0x10f: {  	s2 =	simm.s32 $0x1F700;
	s3 =	simm.s32 $0x9;
	s1 =	rddreg [dreg:$0x10]  }
0x110: {  	[tilespmem:s2], [sflag:$0x9] =	stream.linear.gather [spmem:s1], $0x280, $0x38;
	[tilespmem:$0x1F980] =	vst v63  }
0x111: {  	_ =	swait.ge [sflag:s3], $0x280  }
0x112: {  	[sflag:s3] =	ssyncset.done $0x0  }
0x113: {  	s1 =	simm.s32 $0x0;
	s2 =	simm.s32 $0x40;
	[sflag:s3] =	ssyncadd.s32 $0xFFFFFD80  }
.LBB2_7:
0x114: {  	p0 =	sne.s32 s2, $0x9C0;
	v2 =	vld [tilespmem:s1+$0x1F700];
	_ =	sdelay $0x4  }
0x115: {  	v3 =	vshra.s32 v2, $0x1;
	v2 =	vmul.f32 $5.000000000e-01, v2  }
0x116: {  	v3 =	vsub.s32 $0x5F3759DF, v3  }
0x117: {  	v4 =	vmul.f32 v3, v2;
	_ =	sdelay $0x1  }
0x118: {  	v4 =	vmul.f32 v3, v4;
	_ =	sdelay $0x1  }
0x119: {  	v4 =	vsub.f32 $1.500000000e+00, v4;
	_ =	sdelay $0x1  }
0x11a: {  	v3 =	vmul.f32 v3, v4;
	_ =	sdelay $0x1  }
0x11b: {  	v4 =	vmul.f32 v3, v2;
	_ =	sdelay $0x1  }
0x11c: {  	v4 =	vmul.f32 v4, v3;
	_ =	sdelay $0x1  }
0x11d: {  	v4 =	vsub.f32 $1.500000000e+00, v4;
	_ =	sdelay $0x1  }
0x11e: {  	v3 =	vmul.f32 v4, v3;
	_ =	sdelay $0x1  }
0x11f: {  	v2 =	vmul.f32 v3, v2;
	_ =	sdelay $0x1  }
0x120: {  	v2 =	vmul.f32 v2, v3;
	_ =	sdelay $0x1  }
.Ltmp5:
0x121: {  	v2 =	vsub.f32 $1.500000000e+00, v2;
	(pc) =	sbr.rel @p0 .LBB2_7-.Ltmp5, $3  }
0x122: {  	_ = 	snop  }
0x123: {  	v2 =	vmul.f32 v2, v3;
	_ =	sdelay $0x1  }
0x124: {  	[tilespmem:s1+$0x1F700] =	vst v2;
	s1 =	sshra.s32 s2, $0x2;
	s2 =	sadd.s32 $0x40, s2  }
0x125: {  	v2 =	vld [tilespmem:s1+$0x1F700];
	_ =	sdelay $0x4  }
0x126: {  	v3 =	vshra.s32 v2, $0x1;
	v2 =	vmul.f32 $5.000000000e-01, v2  }
0x127: {  	v3 =	vsub.s32 $0x5F3759DF, v3  }
0x128: {  	v4 =	vmul.f32 v3, v2;
	_ =	sdelay $0x1  }
0x129: {  	v4 =	vmul.f32 v3, v4;
	_ =	sdelay $0x1  }
0x12a: {  	v4 =	vsub.f32 $1.500000000e+00, v4;
	_ =	sdelay $0x1  }
0x12b: {  	v3 =	vmul.f32 v3, v4;
	_ =	sdelay $0x1  }
0x12c: {  	v4 =	vmul.f32 v3, v2;
	_ =	sdelay $0x1  }
0x12d: {  	v4 =	vmul.f32 v4, v3;
	_ =	sdelay $0x1  }
0x12e: {  	v4 =	vsub.f32 $1.500000000e+00, v4;
	_ =	sdelay $0x1  }
0x12f: {  	v3 =	vmul.f32 v4, v3;
	_ =	sdelay $0x1  }
0x130: {  	v2 =	vmul.f32 v3, v2;
	_ =	sdelay $0x1  }
0x131: {  	v2 =	vmul.f32 v2, v3;
	_ =	sdelay $0x1  }
0x132: {  	v2 =	vsub.f32 $1.500000000e+00, v2;
	_ =	sdelay $0x1  }
0x133: {  	v2 =	vmul.f32 v2, v3;
	_ =	sdelay $0x1  }
0x134: {  	s18 =	rddreg [dreg:$0x10];
	s2 =	simm.s32 $0x1F700;
	[tilespmem:s1+$0x1F700] =	vst v2  }
0x135: {  	[spmem:s18] =	stream.linear.scatter [tilespmem:s2], [sflag:$0x9], $0x280, $0x38;
	[tilespmem:$0x1F980] =	vst v63  }
0x136: {  	_ =	swait.ge [sflag:s3], $0x280  }
0x137: {  	[sflag:s3] =	ssyncset.done $0x0  }
0x138: {  	[sflag:s3] =	ssyncadd.s32 $0xFFFFFD80  }
0x139: {  	[bflag:$0x0] =	sbarrier.arrive $0xFFFF  }
0x13a: {  	[tilespmem:s24], [sflag:$0x9] =	stream.linear.gather [spmem:s4], $0x2800, $0x38;
	[tilespmem:$0x1F980] =	vst v63  }
0x13b: {  	_ =	swait.ge [sflag:s3], $0x2800  }
0x13c: {  	s5 =	simm.s32 $0x0;
	[sflag:s3] =	ssyncset.done $0x0  }
0x13d: {  	s17 =	simm.s32 $0x1EA80;
	s2 =	rddreg [dreg:$0x12];
	[sflag:s3] =	ssyncadd.s32 $0xFFFFD800  }
0x13e: {  	[tilespmem:s17], [sflag:$0x9] =	stream.linear.gather [hbm4b:s2+s5], $0x80, $0x38;
	[tilespmem:$0x1F980] =	vst v63  }
0x13f: {  	_ =	swait.ge [sflag:s3], $0x80  }
0x140: {  	[sflag:s3] =	ssyncset.done $0x0  }
0x141: {  	s18 =	simm.s32 $0x1EC00;
	[sflag:s3] =	ssyncadd.s32 $0xFFFFFF80  }
0x142: {  	[tilespmem:s18], [sflag:$0x9] =	stream.linear.gather [hbm4b:s29+s5], $0x80, $0x38;
	[tilespmem:$0x1F980] =	vst v63  }
0x143: {  	_ =	swait.ge [sflag:s3], $0x80  }
0x144: {  	[sflag:s3] =	ssyncset.done $0x0  }
0x145: {  	s2 =	rddreg [dreg:$0x6];
	[sflag:s3] =	ssyncadd.s32 $0xFFFFFF80  }
0x146: {  	[tilespmem:s21], [sflag:$0x9] =	stream.linear.gather [hbm4b:s2+s5], $0x80, $0x38;
	[tilespmem:$0x1F980] =	vst v63  }
0x147: {  	_ =	swait.ge [sflag:s3], $0x80  }
0x148: {  	[sflag:s3] =	ssyncset.done $0x0  }
0x149: {  	s18 =	simm.s32 $0x1EC80;
	s17 =	rddreg [dreg:$0x15];
	[sflag:s3] =	ssyncadd.s32 $0xFFFFFF80  }
0x14a: {  	[tilespmem:s18], [sflag:$0x9] =	stream.linear.gather [hbm4b:s17+s5], $0x80, $0x38;
	[tilespmem:$0x1F980] =	vst v63  }
0x14b: {  	_ =	swait.ge [sflag:s3], $0x80  }
0x14c: {  	[sflag:s3] =	ssyncset.done $0x0  }
0x14d: {  	s18 =	simm.s32 $0x1EE00;
	s17 =	rddreg [dreg:$0x14];
	[sflag:s3] =	ssyncadd.s32 $0xFFFFFF80  }
0x14e: {  	[tilespmem:s18], [sflag:$0x9] =	stream.linear.gather [hbm4b:s17+s5], $0x80, $0x38;
	[tilespmem:$0x1F980] =	vst v63  }
0x14f: {  	_ =	swait.ge [sflag:s3], $0x80  }
0x150: {  	[sflag:s3] =	ssyncset.done $0x0  }
0x151: {  	[sflag:s3] =	ssyncadd.s32 $0xFFFFFF80  }
0x152: {  	v2 =	vld [tilespmem:$0x1EA80]  }
0x153: {  	v3 =	vld [tilespmem:$0x1EA90]  }
0x154: {  	v62 =	vld [tilespmem:$0x1EAA0]  }
0x155: {  	v5 =	vld [tilespmem:$0x1EAB0]  }
0x156: {  	v6 =	vld [tilespmem:$0x1EAC0]  }
0x157: {  	v7 =	vld [tilespmem:$0x1EAD0];
	v2 =	vshll.u32 v2, $0x1  }
0x158: {  	v8 =	vld [tilespmem:$0x1EAE0];
	v3 =	vshll.u32 v3, $0x1;
	v2 =	vor.u32 v0, v2  }
0x159: {  	v63 =	vld [tilespmem:$0x1EAF0];
	[tilespmem:$0x1EB00] =	vst v2;
	v2 =	vor.u32 v0, v3;
	v3 =	vshll.u32 v62, $0x1  }
0x15a: {  	[tilespmem:$0x1EB10] =	vst v2;
	v2 =	vor.u32 v0, v3;
	v3 =	vshll.u32 v5, $0x1  }
0x15b: {  	[tilespmem:$0x1EB20] =	vst v2;
	v2 =	vor.u32 v0, v3;
	v3 =	vshll.u32 v6, $0x1  }
0x15c: {  	[tilespmem:$0x1EB30] =	vst v2;
	v2 =	vor.u32 v0, v3;
	v3 =	vshll.u32 v7, $0x1  }
0x15d: {  	[tilespmem:$0x1EB40] =	vst v2;
	v2 =	vor.u32 v0, v3;
	v3 =	vshll.u32 v8, $0x1  }
0x15e: {  	[tilespmem:$0x1EB50] =	vst v2;
	v2 =	vor.u32 v0, v3;
	v3 =	vshll.u32 v63, $0x1  }
0x15f: {  	[tilespmem:$0x1EB60] =	vst v2;
	v2 =	vor.u32 v0, v3  }
0x160: {  	s29 =	simm.s32 $0x0;
	s18 =	simm.s32 $0x1EB00;
	s17 =	rddreg [dreg:$0x2];
	[tilespmem:$0x1EB70] =	vst v2  }
0x161: {  	[tilespmem:s30], [sflag:$0x1] =	stream.indirect.gather [hbm4b:s17+s0], $0x80, s18, s0, $0xb8;
	[tilespmem:$0x1F980] =	vst v63  }
.LBB2_9:
0x162: {  	p1 =	seq.s32 s29, $0x0  }
0x163: {  	s1 =	simm.s32 @!p1 $0x7  }
0x164: {  	_ =	swait.ge @!p1 [sflag:s1], $0x80  }
0x165: {  	[sflag:s1] =	ssyncset.done @!p1 $0x0  }
0x166: {  	[sflag:s1] =	ssyncadd.s32 @!p1 $0xFFFFFF80  }
0x167: {  	v2 =	vld [tilespmem:$0x1EA80];
	_ =	sdelay $0x1  }
0x168: {  	v3 =	vld [tilespmem:$0x1EB80];
	_ =	sdelay $0x4  }
0x169: {  	v4 =	vld [tilespmem:$0x1EC00]  }
0x16a: {  	v2 =	vld.idx.msk [tilespmem:v2+s24+$0x0], $0xffff  }
0x16b: {  	v5 =	vld [tilespmem:$0x1EA90]  }
0x16c: {  	v3 =	vld.idx.msk [tilespmem:v3+s24+$0x0], $0xffff  }
0x16d: {  	v6 =	vld [tilespmem:$0x1EB90];
	_ =	sdelay $0x1  }
0x16e: {  	v2 =	vmul.f32 v4, v2;
	_ =	sdelay $0x1  }
0x16f: {  	v2 =	vmul.f32 v2, v3;
	_ =	sdelay $0x1  }
0x170: {  	v3 =	vld [tilespmem:$0x1EC10];
	[tilespmem:$0x1F680] =	vst v2  }
0x171: {  	v2 =	vld.idx.msk [tilespmem:v5+s24+$0x0], $0xffff  }
0x172: {  	v4 =	vld.idx.msk [tilespmem:v6+s24+$0x0], $0xffff  }
0x173: {  	v5 =	vld [tilespmem:$0x1EAA0]  }
0x174: {  	v6 =	vld [tilespmem:$0x1EBA0];
	_ =	sdelay $0x1  }
0x175: {  	v2 =	vmul.f32 v3, v2;
	_ =	sdelay $0x1  }
0x176: {  	v2 =	vmul.f32 v2, v4;
	_ =	sdelay $0x1  }
0x177: {  	v3 =	vld [tilespmem:$0x1EC20];
	[tilespmem:$0x1F690] =	vst v2  }
0x178: {  	v2 =	vld.idx.msk [tilespmem:v5+s24+$0x0], $0xffff  }
0x179: {  	v4 =	vld.idx.msk [tilespmem:v6+s24+$0x0], $0xffff  }
0x17a: {  	v5 =	vld [tilespmem:$0x1EAB0]  }
0x17b: {  	v6 =	vld [tilespmem:$0x1EBB0];
	_ =	sdelay $0x1  }
0x17c: {  	v2 =	vmul.f32 v3, v2;
	_ =	sdelay $0x1  }
0x17d: {  	v2 =	vmul.f32 v2, v4;
	_ =	sdelay $0x1  }
0x17e: {  	v3 =	vld [tilespmem:$0x1EC30];
	[tilespmem:$0x1F6A0] =	vst v2  }
0x17f: {  	v2 =	vld.idx.msk [tilespmem:v5+s24+$0x0], $0xffff  }
0x180: {  	v4 =	vld.idx.msk [tilespmem:v6+s24+$0x0], $0xffff  }
0x181: {  	v5 =	vld [tilespmem:$0x1EAC0]  }
0x182: {  	v6 =	vld [tilespmem:$0x1EBC0];
	_ =	sdelay $0x1  }
0x183: {  	v2 =	vmul.f32 v3, v2;
	_ =	sdelay $0x1  }
0x184: {  	v2 =	vmul.f32 v2, v4;
	_ =	sdelay $0x1  }
0x185: {  	v3 =	vld [tilespmem:$0x1EC40];
	[tilespmem:$0x1F6B0] =	vst v2  }
0x186: {  	v2 =	vld.idx.msk [tilespmem:v5+s24+$0x0], $0xffff  }
0x187: {  	v4 =	vld.idx.msk [tilespmem:v6+s24+$0x0], $0xffff  }
0x188: {  	v5 =	vld [tilespmem:$0x1EAD0]  }
0x189: {  	v6 =	vld [tilespmem:$0x1EBD0];
	_ =	sdelay $0x1  }
0x18a: {  	v2 =	vmul.f32 v3, v2;
	_ =	sdelay $0x1  }
0x18b: {  	v2 =	vmul.f32 v2, v4;
	_ =	sdelay $0x1  }
0x18c: {  	v3 =	vld [tilespmem:$0x1EC50];
	[tilespmem:$0x1F6C0] =	vst v2  }
0x18d: {  	v2 =	vld.idx.msk [tilespmem:v5+s24+$0x0], $0xffff  }
0x18e: {  	v4 =	vld.idx.msk [tilespmem:v6+s24+$0x0], $0xffff  }
0x18f: {  	v5 =	vld [tilespmem:$0x1EAE0];
	_ =	sdelay $0x1  }
0x190: {  	v6 =	vld [tilespmem:$0x1EBE0]  }
0x191: {  	v2 =	vmul.f32 v3, v2;
	_ =	sdelay $0x1  }
0x192: {  	v2 =	vmul.f32 v2, v4;
	_ =	sdelay $0x1  }
0x193: {  	v3 =	vld [tilespmem:$0x1EC60];
	[tilespmem:$0x1F6D0] =	vst v2  }
0x194: {  	v2 =	vld.idx.msk [tilespmem:v5+s24+$0x0], $0xffff;
	_ =	sdelay $0x1  }
0x195: {  	v4 =	vld.idx.msk [tilespmem:v6+s24+$0x0], $0xffff  }
0x196: {  	v5 =	vld [tilespmem:$0x1EAF0];
	_ =	sdelay $0x1  }
0x197: {  	v2 =	vmul.f32 v3, v2;
	v3 =	vld [tilespmem:$0x1EBF0];
	_ =	sdelay $0x2  }
0x198: {  	v2 =	vmul.f32 v2, v4;
	_ =	sdelay $0x1  }
0x199: {  	v4 =	vld [tilespmem:$0x1EC70];
	[tilespmem:$0x1F6E0] =	vst v2  }
0x19a: {  	v2 =	vld.idx.msk [tilespmem:v5+s24+$0x0], $0xffff;
	_ =	sdelay $0x1  }
0x19b: {  	v3 =	vld.idx.msk [tilespmem:v3+s24+$0x0], $0xffff;
	_ =	sdelay $0x1  }
0x19c: {  	s2 =	simm.s32 $0x0  }
0x19d: {  	v2 =	vmul.f32 v4, v2;
	v4 =	vmov s2  }
0x19e: {  	v4 =	vand.u32 $0xFFFFFFFC, v4  }
0x19f: {  	v2 =	vmul.f32 v2, v3;
	v3 =	vbroadcast v4, $0x0;
	_ =	sdelay $0x1  }
0x1a0: {  	s3 =	simm.s32 $0x2;
	[tilespmem:$0x1F6F0] =	vst v2  }
0x1a1: {  	v5 =	vmov s3;
	_ =	swait.ge [sflag:s20], $0x4000  }
0x1a2: {  	v4 =	vand.u32 $0xFFFFFFFE, v5;
	[sflag:s20] =	ssyncset.done $0x0  }
0x1a3: {  	v4 =	vbroadcast v4, $0x0;
	[sflag:s20] =	ssyncadd.s32 $0xFFFFC000  }
0x1a4: {  	s1 =	simm.s32 $0x16B80;
	v2 =	vld.idx.msk [tilespmem:v3+s12+$0x0], $0xffff  }
0x1a5: {  	v5 =	vld [tilespmem:s1+$0x70]  }
0x1a6: {  	v6 =	vld [tilespmem:s1+$0xFFFFFF00]  }
0x1a7: {  	v7 =	vld [tilespmem:s1+$0xFFFFFF10]  }
0x1a8: {  	s2 =	simm.s32 $0x1;
	v8 =	vld [tilespmem:s1+$0xFFFFFF20]  }
0x1a9: {  	v3 =	vld.idx.msk [tilespmem:v4+s12+$0x0], $0xffff;
	v4 =	vmov s2  }
0x1aa: {  	v9 =	vld [tilespmem:s1+$0xFFFFFF30];
	v4 =	vand.u32 $0xFFFFFFFD, v4  }
0x1ab: {  	v10 =	vld [tilespmem:s1+$0xFFFFFF40];
	v4 =	vbroadcast v4, $0x0  }
0x1ac: {  	v11 =	vld [tilespmem:s1+$0xFFFFFF50]  }
0x1ad: {  	v12 =	vld [tilespmem:s1+$0xFFFFFF60];
	v6 =	vmul.f32 v6, v2  }
0x1ae: {  	v14 =	vld [tilespmem:s1+$0x40];
	v5 =	vmul.f32 v5, v3  }
0x1af: {  	[tilespmem:s1+$0xFFFFFF00] =	vst v6;
	v6 =	vmul.f32 v7, v2;
	v7 =	vld [tilespmem:s1+$0xFFFFFF70]  }
0x1b0: {  	[tilespmem:s1+$0x70] =	vst v5;
	v5 =	vmul.f32 v8, v2;
	v8 =	vld [tilespmem:s1+$0xFFFFFF80]  }
0x1b1: {  	v4 =	vld.idx.msk [tilespmem:v4+s12+$0x0], $0xffff;
	[tilespmem:s1+$0xFFFFFF10] =	vst v6;
	v6 =	vmul.f32 v9, v2  }
0x1b2: {  	v9 =	vld [tilespmem:s1+$0xFFFFFF90];
	[tilespmem:s1+$0xFFFFFF20] =	vst v5;
	v5 =	vmul.f32 v10, v2  }
0x1b3: {  	v10 =	vld [tilespmem:s1+$0xFFFFFFA0];
	[tilespmem:s1+$0xFFFFFF30] =	vst v6;
	v6 =	vmul.f32 v11, v2  }
0x1b4: {  	v11 =	vld [tilespmem:s1+$0xFFFFFFB0];
	[tilespmem:s1+$0xFFFFFF40] =	vst v5;
	v5 =	vmul.f32 v12, v2  }
0x1b5: {  	v12 =	vld [tilespmem:s1+$0xFFFFFFC0];
	v7 =	vmul.f32 v7, v2;
	[tilespmem:s1+$0xFFFFFF50] =	vst v6  }
0x1b6: {  	v6 =	vmul.f32 v8, v4;
	v8 =	vld [tilespmem:s1+$0xFFFFFFD0];
	[tilespmem:s1+$0xFFFFFF60] =	vst v5  }
0x1b7: {  	s5 =	simm.s32 $0x3;
	v5 =	vld [tilespmem:s1+$0xFFFFFFE0];
	v9 =	vmul.f32 v9, v4;
	[tilespmem:s1+$0xFFFFFF70] =	vst v7  }
0x1b8: {  	v13 =	vmov s5;
	v7 =	vld [tilespmem:s1+$0xFFFFFFF0];
	[tilespmem:s1+$0xFFFFFF80] =	vst v6;
	v6 =	vmul.f32 v10, v4  }
0x1b9: {  	[tilespmem:s1+$0xFFFFFF90] =	vst v9;
	v9 =	vmul.f32 v11, v4;
	v10 =	vld [tilespmem:s1+$0x0]  }
0x1ba: {  	v11 =	vld [tilespmem:s1+$0x10];
	[tilespmem:s1+$0xFFFFFFA0] =	vst v6;
	v6 =	vmul.f32 v12, v4  }
0x1bb: {  	[tilespmem:s1+$0xFFFFFFB0] =	vst v9;
	v9 =	vld [tilespmem:s1+$0x20];
	v8 =	vmul.f32 v8, v4  }
0x1bc: {  	v12 =	vld [tilespmem:s1+$0x30];
	v5 =	vmul.f32 v5, v4;
	[tilespmem:s1+$0xFFFFFFC0] =	vst v6  }
0x1bd: {  	v2 =	vld.idx.msk [tilespmem:v13+s12+$0x0], $0xffff;
	v4 =	vmul.f32 v7, v4;
	[tilespmem:s1+$0xFFFFFFD0] =	vst v8  }
0x1be: {  	[tilespmem:s1+$0xFFFFFFE0] =	vst v5;
	v6 =	vmul.f32 v10, v3;
	v5 =	vld [tilespmem:s1+$0x50]  }
0x1bf: {  	s17 =	simm.s32 $0x4;
	[tilespmem:s1+$0xFFFFFFF0] =	vst v4;
	v7 =	vmul.f32 v11, v3;
	v4 =	vld [tilespmem:s1+$0x60]  }
0x1c0: {  	s18 =	simm.s32 $0x7;
	v8 =	vmov s17;
	[tilespmem:s1+$0x0] =	vst v6;
	v10 =	vmul.f32 v9, v3;
	v9 =	vld [tilespmem:s1+$0x80]  }
0x1c1: {  	s5 =	simm.s32 $0x6;
	s3 =	simm.s32 $0x5;
	v13 =	vand.u32 $0xFFFFFFFC, v8;
	v8 =	vld [tilespmem:s1+$0x90];
	v6 =	vmov s18;
	[tilespmem:s1+$0x10] =	vst v7;
	v11 =	vmul.f32 v12, v3  }
0x1c2: {  	s2 =	simm.s32 $0x16B80;
	s17 =	sshll.u32 s29, $0x8;
	v7 =	vbroadcast v13, $0x0;
	v13 =	vmov s3;
	s3 =	simm.s32 $0x8;
	v12 =	vmul.f32 v14, v3;
	[tilespmem:s1+$0x20] =	vst v10;
	v10 =	vld [tilespmem:s1+$0xA0]  }
.LBB2_10:
0x1c3: {  	p0 =	slt.u32 s3, $0x7C;
	v13 =	vand.u32 $0xFFFFFFFD, v13;
	v14 =	vmov s5;
	[tilespmem:s1+$0x30] =	vst v11;
	v5 =	vmul.f32 v5, v3;
	v11 =	vld [tilespmem:s1+$0xB0]  }
0x1c4: {  	v13 =	vbroadcast v13, $0x0;
	v14 =	vand.u32 $0xFFFFFFFE, v14;
	[tilespmem:s1+$0x40] =	vst v12;
	v3 =	vmul.f32 v4, v3;
	v4 =	vld [tilespmem:s1+$0xC0]  }
0x1c5: {  	v12 =	vbroadcast v14, $0x0;
	[tilespmem:s1+$0x50] =	vst v5;
	v5 =	vmul.f32 v9, v2;
	v9 =	vld [tilespmem:s1+$0xD0]  }
0x1c6: {  	[tilespmem:s1+$0x60] =	vst v3;
	v3 =	vmul.f32 v8, v2;
	v8 =	vld [tilespmem:s1+$0xE0]  }
0x1c7: {  	[tilespmem:s1+$0x80] =	vst v5;
	v5 =	vmul.f32 v10, v2;
	v10 =	vld [tilespmem:s1+$0xF0]  }
0x1c8: {  	v6 =	vld.idx.msk [tilespmem:v6+s12+$0x0], $0xffff;
	[tilespmem:s1+$0x90] =	vst v3;
	v3 =	vmul.f32 v11, v2  }
0x1c9: {  	v7 =	vld.idx.msk [tilespmem:v7+s12+$0x0], $0xffff;
	[tilespmem:s1+$0xA0] =	vst v5;
	v4 =	vmul.f32 v4, v2  }
0x1ca: {  	v5 =	vld.idx.msk [tilespmem:v13+s12+$0x0], $0xffff;
	[tilespmem:s1+$0xB0] =	vst v3;
	v9 =	vmul.f32 v9, v2  }
0x1cb: {  	s1 =	sadd.s32 $0x200, s1;
	v3 =	vld.idx.msk [tilespmem:v12+s12+$0x0], $0xffff;
	[tilespmem:s2+$0xC0] =	vst v4;
	v4 =	vmul.f32 v8, v2  }
0x1cc: {  	v8 =	vld [tilespmem:s1+$0x70];
	[tilespmem:s2+$0xD0] =	vst v9;
	v10 =	vmul.f32 v10, v2  }
0x1cd: {  	v9 =	vld [tilespmem:s1+$0xFFFFFF00];
	[tilespmem:s2+$0xE0] =	vst v4  }
0x1ce: {  	v2 =	vmov v6;
	v4 =	vld [tilespmem:s1+$0xFFFFFF10];
	[tilespmem:s2+$0xF0] =	vst v10;
	s2 =	smov.u32 s1  }
0x1cf: {  	v6 =	vld [tilespmem:s1+$0xFFFFFF20]  }
0x1d0: {  	v10 =	vld [tilespmem:s1+$0xFFFFFF30]  }
0x1d1: {  	v11 =	vld [tilespmem:s1+$0xFFFFFF40];
	v8 =	vmul.f32 v8, v3  }
0x1d2: {  	v9 =	vmul.f32 v9, v7;
	v12 =	vld [tilespmem:s1+$0xFFFFFF50]  }
0x1d3: {  	v4 =	vmul.f32 v4, v7;
	v13 =	vld [tilespmem:s1+$0xFFFFFF60];
	[tilespmem:s1+$0x70] =	vst v8  }
0x1d4: {  	[tilespmem:s1+$0xFFFFFF00] =	vst v9;
	v6 =	vmul.f32 v6, v7;
	v8 =	vld [tilespmem:s1+$0xFFFFFF70]  }
0x1d5: {  	[tilespmem:s1+$0xFFFFFF10] =	vst v4;
	v4 =	vmul.f32 v10, v7;
	v9 =	vld [tilespmem:s1+$0xFFFFFF80]  }
0x1d6: {  	[tilespmem:s1+$0xFFFFFF20] =	vst v6;
	v6 =	vmul.f32 v11, v7;
	v10 =	vld [tilespmem:s1+$0xFFFFFF90]  }
0x1d7: {  	[tilespmem:s1+$0xFFFFFF30] =	vst v4;
	v4 =	vmul.f32 v12, v7;
	v11 =	vld [tilespmem:s1+$0xFFFFFFA0]  }
0x1d8: {  	[tilespmem:s1+$0xFFFFFF40] =	vst v6;
	v6 =	vmul.f32 v13, v7;
	v12 =	vld [tilespmem:s1+$0xFFFFFFB0]  }
0x1d9: {  	[tilespmem:s1+$0xFFFFFF50] =	vst v4;
	v4 =	vmul.f32 v8, v7;
	v7 =	vld [tilespmem:s1+$0xFFFFFFC0]  }
0x1da: {  	[tilespmem:s1+$0xFFFFFF60] =	vst v6;
	v6 =	vmul.f32 v9, v5;
	v8 =	vld [tilespmem:s1+$0xFFFFFFD0]  }
0x1db: {  	[tilespmem:s1+$0xFFFFFF70] =	vst v4;
	v4 =	vmul.f32 v10, v5;
	v9 =	vld [tilespmem:s1+$0xFFFFFFE0]  }
0x1dc: {  	[tilespmem:s1+$0xFFFFFF80] =	vst v6;
	v6 =	vmul.f32 v11, v5;
	v10 =	vld [tilespmem:s1+$0xFFFFFFF0]  }
0x1dd: {  	[tilespmem:s1+$0xFFFFFF90] =	vst v4;
	v4 =	vmul.f32 v12, v5;
	v11 =	vld [tilespmem:s1+$0x0]  }
0x1de: {  	[tilespmem:s1+$0xFFFFFFA0] =	vst v6;
	v6 =	vmul.f32 v7, v5;
	v7 =	vld [tilespmem:s1+$0x10]  }
0x1df: {  	[tilespmem:s1+$0xFFFFFFB0] =	vst v4;
	v4 =	vmul.f32 v8, v5;
	v8 =	vld [tilespmem:s1+$0x20]  }
0x1e0: {  	[tilespmem:s1+$0xFFFFFFC0] =	vst v6;
	v6 =	vmul.f32 v9, v5;
	v12 =	vld [tilespmem:s1+$0x30]  }
0x1e1: {  	[tilespmem:s1+$0xFFFFFFD0] =	vst v4;
	v4 =	vmul.f32 v10, v5;
	v10 =	vld [tilespmem:s1+$0x40]  }
.Ltmp6:
0x1e2: {  	[tilespmem:s1+$0xFFFFFFE0] =	vst v6;
	v6 =	vmul.f32 v11, v3;
	v5 =	vld [tilespmem:s1+$0x50];
	(pc) =	sbr.rel @p0 .LBB2_10-.Ltmp6, $4  }
0x1e3: {  	[tilespmem:s1+$0xFFFFFFF0] =	vst v4;
	v7 =	vmul.f32 v7, v3;
	v4 =	vld [tilespmem:s1+$0x60]  }
0x1e4: {  	s5 =	sadd.s32 $0x3, s3;
	v11 =	vmov s3;
	[tilespmem:s1+$0x0] =	vst v6;
	v14 =	vmul.f32 v8, v3;
	v9 =	vld [tilespmem:s1+$0x80]  }
0x1e5: {  	s18 =	sadd.s32 $0x1, s3;
	v13 =	vand.u32 $0xFFFFFFFC, v11;
	v6 =	vmov s5;
	[tilespmem:s1+$0x10] =	vst v7;
	v11 =	vmul.f32 v12, v3;
	v8 =	vld [tilespmem:s1+$0x90]  }
0x1e6: {  	s5 =	sadd.s32 $0x2, s3;
	s3 =	sadd.s32 $0x4, s3;
	v7 =	vbroadcast v13, $0x0;
	v13 =	vmov s18;
	[tilespmem:s1+$0x20] =	vst v14;
	v12 =	vmul.f32 v10, v3;
	v10 =	vld [tilespmem:s1+$0xA0]  }
0x1e7: {  	v14 =	vld [tilespmem:s1+$0xB0]  }
0x1e8: {  	v16 =	vld [tilespmem:s1+$0xC0]  }
0x1e9: {  	v15 =	vmov s5;
	v17 =	vld [tilespmem:s1+$0xD0]  }
0x1ea: {  	v18 =	vld [tilespmem:s1+$0xE0];
	[tilespmem:s1+$0x30] =	vst v11;
	v5 =	vmul.f32 v5, v3;
	v15 =	vand.u32 $0xFFFFFFFE, v15  }
0x1eb: {  	v13 =	vand.u32 $0xFFFFFFFD, v13;
	v6 =	vld.idx.msk [tilespmem:v6+s12+$0x0], $0xffff;
	[tilespmem:s1+$0x40] =	vst v12;
	v3 =	vmul.f32 v4, v3;
	v15 =	vbroadcast v15, $0x0  }
0x1ec: {  	s3 =	sadd.s32 $0x200, s1;
	v13 =	vbroadcast v13, $0x0;
	v4 =	vld.idx.msk [tilespmem:v7+s12+$0x0], $0xffff;
	v9 =	vmul.f32 v9, v2;
	[tilespmem:s1+$0x50] =	vst v5  }
0x1ed: {  	v11 =	vld [tilespmem:s3+$0xFFFFFF00];
	v5 =	vmul.f32 v8, v2;
	[tilespmem:s1+$0x60] =	vst v3  }
0x1ee: {  	[tilespmem:s1+$0x80] =	vst v9;
	v9 =	vld [tilespmem:s1+$0xF0];
	v3 =	vmul.f32 v10, v2  }
0x1ef: {  	v12 =	vld [tilespmem:s3+$0xFFFFFF10];
	[tilespmem:s1+$0x90] =	vst v5;
	v5 =	vmul.f32 v14, v2  }
0x1f0: {  	v10 =	vld [tilespmem:s3+$0x70];
	[tilespmem:s1+$0xA0] =	vst v3;
	v3 =	vmul.f32 v16, v2  }
0x1f1: {  	[tilespmem:s1+$0xB0] =	vst v5;
	v5 =	vmul.f32 v17, v2;
	v8 =	vld.idx.msk [tilespmem:v15+s12+$0x0], $0xffff  }
0x1f2: {  	v7 =	vld.idx.msk [tilespmem:v13+s12+$0x0], $0xffff;
	[tilespmem:s2+$0xC0] =	vst v3;
	v3 =	vmul.f32 v18, v2  }
0x1f3: {  	v13 =	vld [tilespmem:s3+$0xFFFFFF20];
	[tilespmem:s2+$0xD0] =	vst v5;
	v2 =	vmul.f32 v9, v2  }
0x1f4: {  	v5 =	vld [tilespmem:s3+$0xFFFFFF30];
	[tilespmem:s2+$0xE0] =	vst v3  }
0x1f5: {  	v3 =	vld [tilespmem:s3+$0xFFFFFF40];
	[tilespmem:s2+$0xF0] =	vst v2;
	v2 =	vmul.f32 v11, v4  }
0x1f6: {  	v9 =	vmul.f32 v10, v8;
	v10 =	vld [tilespmem:s3+$0xFFFFFF50]  }
0x1f7: {  	v11 =	vmul.f32 v12, v4;
	v12 =	vld [tilespmem:s3+$0xFFFFFF60];
	[tilespmem:s3+$0xFFFFFF00] =	vst v2  }
0x1f8: {  	v2 =	vmul.f32 v13, v4;
	[tilespmem:s3+$0x70] =	vst v9;
	v9 =	vld [tilespmem:s3+$0xFFFFFF70]  }
0x1f9: {  	[tilespmem:s3+$0xFFFFFF10] =	vst v11;
	v11 =	vld [tilespmem:s3+$0xFFFFFF80];
	v5 =	vmul.f32 v5, v4  }
0x1fa: {  	[tilespmem:s3+$0xFFFFFF20] =	vst v2;
	v2 =	vmul.f32 v3, v4;
	v3 =	vld [tilespmem:s3+$0xFFFFFF90]  }
0x1fb: {  	[tilespmem:s3+$0xFFFFFF30] =	vst v5;
	v5 =	vmul.f32 v10, v4;
	v10 =	vld [tilespmem:s3+$0xFFFFFFA0]  }
0x1fc: {  	[tilespmem:s3+$0xFFFFFF40] =	vst v2;
	v2 =	vmul.f32 v12, v4;
	v12 =	vld [tilespmem:s3+$0xFFFFFFB0]  }
0x1fd: {  	[tilespmem:s3+$0xFFFFFF50] =	vst v5;
	v4 =	vmul.f32 v9, v4;
	v5 =	vld [tilespmem:s3+$0xFFFFFFC0]  }
0x1fe: {  	[tilespmem:s3+$0xFFFFFF60] =	vst v2;
	v2 =	vmul.f32 v11, v7;
	v9 =	vld [tilespmem:s3+$0xFFFFFFD0]  }
0x1ff: {  	v3 =	vmul.f32 v3, v7;
	[tilespmem:s3+$0xFFFFFF70] =	vst v4;
	v4 =	vld [tilespmem:s3+$0xFFFFFFE0]  }
0x200: {  	[tilespmem:s3+$0xFFFFFF80] =	vst v2;
	v2 =	vmul.f32 v10, v7;
	v10 =	vld [tilespmem:s3+$0xFFFFFFF0]  }
0x201: {  	v11 =	vld [tilespmem:s3+$0x0];
	[tilespmem:s3+$0xFFFFFF90] =	vst v3;
	v3 =	vmul.f32 v12, v7  }
0x202: {  	[tilespmem:s3+$0xFFFFFFA0] =	vst v2;
	v2 =	vmul.f32 v5, v7;
	v5 =	vld [tilespmem:s3+$0x10]  }
0x203: {  	[tilespmem:s3+$0xFFFFFFB0] =	vst v3;
	v3 =	vmul.f32 v9, v7;
	v9 =	vld [tilespmem:s3+$0x20]  }
0x204: {  	[tilespmem:s3+$0xFFFFFFC0] =	vst v2;
	v2 =	vmul.f32 v4, v7;
	v4 =	vld [tilespmem:s3+$0x30]  }
0x205: {  	[tilespmem:s3+$0xFFFFFFD0] =	vst v3;
	v3 =	vmul.f32 v10, v7;
	v7 =	vld [tilespmem:s3+$0x40]  }
0x206: {  	v10 =	vld [tilespmem:s3+$0x50];
	[tilespmem:s3+$0xFFFFFFE0] =	vst v2;
	v2 =	vmul.f32 v11, v8  }
0x207: {  	[tilespmem:s3+$0xFFFFFFF0] =	vst v3;
	v3 =	vmul.f32 v5, v8;
	v5 =	vld [tilespmem:s3+$0x60]  }
0x208: {  	[tilespmem:s3+$0x0] =	vst v2;
	v2 =	vmul.f32 v9, v8;
	v9 =	vld [tilespmem:s3+$0x80]  }
0x209: {  	[tilespmem:s3+$0x10] =	vst v3;
	v3 =	vmul.f32 v4, v8;
	v4 =	vld [tilespmem:s3+$0x90]  }
0x20a: {  	[tilespmem:s3+$0x20] =	vst v2;
	v2 =	vmul.f32 v7, v8;
	v7 =	vld [tilespmem:s3+$0xA0]  }
0x20b: {  	[tilespmem:s3+$0x30] =	vst v3;
	v3 =	vmul.f32 v10, v8;
	v10 =	vld [tilespmem:s3+$0xB0]  }
0x20c: {  	[tilespmem:s3+$0x40] =	vst v2;
	v2 =	vmul.f32 v5, v8;
	v5 =	vld [tilespmem:s3+$0xC0]  }
0x20d: {  	v8 =	vld [tilespmem:s3+$0xD0];
	[tilespmem:s3+$0x50] =	vst v3;
	v3 =	vmul.f32 v9, v6  }
0x20e: {  	[tilespmem:s3+$0x60] =	vst v2;
	v2 =	vmul.f32 v4, v6;
	v4 =	vld [tilespmem:s3+$0xE0]  }
0x20f: {  	[tilespmem:s3+$0x80] =	vst v3;
	v3 =	vmul.f32 v7, v6;
	v7 =	vld [tilespmem:s3+$0xF0]  }
0x210: {  	p0 =	seq.s32 s29, $0x29;
	[tilespmem:s3+$0x90] =	vst v2;
	v2 =	vmul.f32 v10, v6  }
0x211: {  	s1 =	sadd.s32 @!p0 $0x100, s17;
	[tilespmem:s3+$0xA0] =	vst v3;
	v3 =	vmul.f32 v5, v6  }
0x212: {  	s2 =	sand.u32 @!p0 $0x7C00, s1;
	[tilespmem:s3+$0xB0] =	vst v2;
	v2 =	vmul.f32 v8, v6  }
0x213: {  	s1 =	sand.u32 @!p0 $0x300, s1;
	s2 =	sadd.s32 @!p0 s8, s2;
	[tilespmem:s3+$0xC0] =	vst v3;
	v3 =	vmul.f32 v4, v6  }
0x214: {  	s1 =	sor.u32 @!p0 s1, s2;
	[tilespmem:s3+$0xD0] =	vst v2;
	v2 =	vmul.f32 v7, v6  }
0x215: {  	s2 =	rddreg [dreg:$0x0];
	s1 =	sshrl.u32 @!p0 s1, $0x3;
	[tilespmem:s3+$0xE0] =	vst v3  }
0x216: {  	s5 =	simm.s32 @!p0 $0x1EA80;
	s2 =	sadd.s32 @!p0 s2, s1;
	[tilespmem:s3+$0xF0] =	vst v2;
	s3 =	simm.s32 @!p0 $0x0  }
0x217: {  	[tilespmem:s5], [sflag:$0x5] =	stream.linear.gather @!p0 [hbm4b:s2+s3], $0x80, $0x38;
	[tilespmem:$0x1F980] =	vst v63  }
0x218: {  	s1 =	sadd.s32 @!p0 s9, s1;
	s2 =	simm.s32 @!p0 $0x1EC00  }
0x219: {  	[tilespmem:s2], [sflag:$0x5] =	stream.linear.gather @!p0 [hbm4b:s1+s3], $0x80, $0x38;
	[tilespmem:$0x1F980] =	vst v63  }
0x21a: {  	s2 =	sand.u32 $0x3C00, s17  }
0x21b: {  	p2 =	seq.s32 @!p0 s29, $0x0;
	s3 =	sand.u32 $0x300, s17;
	s1 =	sadd.s32 s8, s2  }
0x21c: {  	p2 =	por p0, !p2;
	s1 =	sor.u32 s1, s3  }
0x21d: {  	_ =	swait.ge @p2 [sflag:s11], $0x4000;
	s1 =	sor.u32 $0x80, s1  }
0x21e: {  	[sflag:s11] =	ssyncset.done @p2 $0x0;
	s1 =	sshrl.u32 s1, $0x3  }
0x21f: {  	[sflag:s11] =	ssyncadd.s32 @p2 $0xFFFFC000;
	s1 =	sadd.s32 s7, s1  }
0x220: {  	[tilespmem:s13], [sflag:$0x8] =	stream.linear.gather [hbm4b:s1+s6], $0x80, $0x38;
	[tilespmem:$0x1F980] =	vst v63  }
0x221: {  	s5 =	rddreg [dreg:$0x3];
	s1 =	simm.s32 @!p1 $0x6  }
0x222: {  	[spmem:s5] =	stream.indirect.scatter.add.f32 [tilespmem:s30], [sflag:$0x3], $0x80, s21, s0, $0xb8;
	[tilespmem:$0x1F980] =	vst v63  }
0x223: {  	_ =	swait.ge @!p1 [sflag:s1], $0x80  }
0x224: {  	[sflag:s1] =	ssyncset.done @!p1 $0x0  }
0x225: {  	[sflag:s1] =	ssyncadd.s32 @!p1 $0xFFFFFF80  }
0x226: {  	_ =	swait.ge @!p1 [sflag:s1], $0x80  }
0x227: {  	[sflag:s1] =	ssyncset.done @!p1 $0x0  }
0x228: {  	[sflag:s1] =	ssyncadd.s32 @!p1 $0xFFFFFF80  }
0x229: {  	v2 =	vld [tilespmem:$0x1EC80]  }
0x22a: {  	v3 =	vld [tilespmem:$0x1EC90]  }
0x22b: {  	v4 =	vld [tilespmem:$0x1ECA0]  }
0x22c: {  	v5 =	vld [tilespmem:$0x1ECB0]  }
0x22d: {  	v6 =	vld [tilespmem:$0x1ECC0]  }
0x22e: {  	v7 =	vld [tilespmem:$0x1ECD0];
	v2 =	vshll.u32 v2, $0x1  }
0x22f: {  	v8 =	vld [tilespmem:$0x1ECE0];
	v3 =	vshll.u32 v3, $0x1;
	v2 =	vor.u32 v0, v2  }
0x230: {  	[tilespmem:$0x1ED00] =	vst v2;
	v2 =	vor.u32 v0, v3;
	v3 =	vshll.u32 v4, $0x1;
	v4 =	vld [tilespmem:$0x1ECF0]  }
0x231: {  	[tilespmem:$0x1ED10] =	vst v2;
	v2 =	vor.u32 v0, v3;
	v3 =	vshll.u32 v5, $0x1  }
0x232: {  	[tilespmem:$0x1ED20] =	vst v2;
	v2 =	vor.u32 v0, v3;
	v3 =	vshll.u32 v6, $0x1  }
0x233: {  	[tilespmem:$0x1ED30] =	vst v2;
	v2 =	vor.u32 v0, v3;
	v3 =	vshll.u32 v7, $0x1  }
0x234: {  	[tilespmem:$0x1ED40] =	vst v2;
	v2 =	vor.u32 v0, v3;
	v3 =	vshll.u32 v8, $0x1  }
0x235: {  	[tilespmem:$0x1ED50] =	vst v2;
	v2 =	vor.u32 v0, v3;
	v3 =	vshll.u32 v4, $0x1  }
0x236: {  	[tilespmem:$0x1ED60] =	vst v2;
	v2 =	vor.u32 v0, v3  }
0x237: {  	s18 =	simm.s32 $0x1ED00;
	s1 =	rddreg [dreg:$0x2];
	[tilespmem:$0x1ED70] =	vst v2  }
0x238: {  	[tilespmem:s14], [sflag:$0x2] =	stream.indirect.gather [hbm4b:s1+s0], $0x80, s18, s0, $0xb8;
	[tilespmem:$0x1F980] =	vst v63  }
0x239: {  	_ =	swait.ge [sflag:s15], $0x80  }
0x23a: {  	[sflag:s15] =	ssyncset.done $0x0  }
0x23b: {  	[sflag:s15] =	ssyncadd.s32 $0xFFFFFF80  }
0x23c: {  	v2 =	vld [tilespmem:$0x1EC80];
	_ =	sdelay $0x1  }
0x23d: {  	v3 =	vld [tilespmem:$0x1ED80];
	_ =	sdelay $0x4  }
0x23e: {  	v4 =	vld [tilespmem:$0x1EE00]  }
0x23f: {  	v2 =	vld.idx.msk [tilespmem:v2+s24+$0x0], $0xffff  }
0x240: {  	v5 =	vld [tilespmem:$0x1EC90]  }
0x241: {  	v3 =	vld.idx.msk [tilespmem:v3+s24+$0x0], $0xffff  }
0x242: {  	v6 =	vld [tilespmem:$0x1ED90];
	_ =	sdelay $0x1  }
0x243: {  	v2 =	vmul.f32 v4, v2;
	_ =	sdelay $0x1  }
0x244: {  	v2 =	vmul.f32 v2, v3;
	_ =	sdelay $0x1  }
0x245: {  	v3 =	vld [tilespmem:$0x1EE10];
	[tilespmem:$0x1F680] =	vst v2  }
0x246: {  	v2 =	vld.idx.msk [tilespmem:v5+s24+$0x0], $0xffff  }
0x247: {  	v4 =	vld.idx.msk [tilespmem:v6+s24+$0x0], $0xffff  }
0x248: {  	v5 =	vld [tilespmem:$0x1ECA0]  }
0x249: {  	v6 =	vld [tilespmem:$0x1EDA0];
	_ =	sdelay $0x1  }
0x24a: {  	v2 =	vmul.f32 v3, v2;
	_ =	sdelay $0x1  }
0x24b: {  	v2 =	vmul.f32 v2, v4;
	_ =	sdelay $0x1  }
0x24c: {  	v3 =	vld [tilespmem:$0x1EE20];
	[tilespmem:$0x1F690] =	vst v2  }
0x24d: {  	v2 =	vld.idx.msk [tilespmem:v5+s24+$0x0], $0xffff  }
0x24e: {  	v4 =	vld.idx.msk [tilespmem:v6+s24+$0x0], $0xffff  }
0x24f: {  	v5 =	vld [tilespmem:$0x1ECB0]  }
0x250: {  	v6 =	vld [tilespmem:$0x1EDB0];
	_ =	sdelay $0x1  }
0x251: {  	v2 =	vmul.f32 v3, v2;
	_ =	sdelay $0x1  }
0x252: {  	v2 =	vmul.f32 v2, v4;
	_ =	sdelay $0x1  }
0x253: {  	v3 =	vld [tilespmem:$0x1EE30];
	[tilespmem:$0x1F6A0] =	vst v2  }
0x254: {  	v2 =	vld.idx.msk [tilespmem:v5+s24+$0x0], $0xffff  }
0x255: {  	v4 =	vld.idx.msk [tilespmem:v6+s24+$0x0], $0xffff  }
0x256: {  	v5 =	vld [tilespmem:$0x1ECC0]  }
0x257: {  	v6 =	vld [tilespmem:$0x1EDC0];
	_ =	sdelay $0x1  }
0x258: {  	v2 =	vmul.f32 v3, v2;
	_ =	sdelay $0x1  }
0x259: {  	v2 =	vmul.f32 v2, v4;
	_ =	sdelay $0x1  }
0x25a: {  	v3 =	vld [tilespmem:$0x1EE40];
	[tilespmem:$0x1F6B0] =	vst v2  }
0x25b: {  	v2 =	vld.idx.msk [tilespmem:v5+s24+$0x0], $0xffff  }
0x25c: {  	v4 =	vld.idx.msk [tilespmem:v6+s24+$0x0], $0xffff  }
0x25d: {  	v5 =	vld [tilespmem:$0x1ECD0]  }
0x25e: {  	v6 =	vld [tilespmem:$0x1EDD0];
	_ =	sdelay $0x1  }
0x25f: {  	v2 =	vmul.f32 v3, v2;
	_ =	sdelay $0x1  }
0x260: {  	v2 =	vmul.f32 v2, v4;
	_ =	sdelay $0x1  }
0x261: {  	v3 =	vld [tilespmem:$0x1EE50];
	[tilespmem:$0x1F6C0] =	vst v2  }
0x262: {  	v2 =	vld.idx.msk [tilespmem:v5+s24+$0x0], $0xffff  }
0x263: {  	v4 =	vld.idx.msk [tilespmem:v6+s24+$0x0], $0xffff  }
0x264: {  	v5 =	vld [tilespmem:$0x1ECE0];
	_ =	sdelay $0x1  }
0x265: {  	v6 =	vld [tilespmem:$0x1EDE0]  }
0x266: {  	v2 =	vmul.f32 v3, v2;
	_ =	sdelay $0x1  }
0x267: {  	v2 =	vmul.f32 v2, v4;
	_ =	sdelay $0x1  }
0x268: {  	v3 =	vld [tilespmem:$0x1EE60];
	[tilespmem:$0x1F6D0] =	vst v2  }
0x269: {  	v2 =	vld.idx.msk [tilespmem:v5+s24+$0x0], $0xffff;
	_ =	sdelay $0x1  }
0x26a: {  	v4 =	vld.idx.msk [tilespmem:v6+s24+$0x0], $0xffff  }
0x26b: {  	v5 =	vld [tilespmem:$0x1ECF0];
	_ =	sdelay $0x1  }
0x26c: {  	v2 =	vmul.f32 v3, v2;
	v3 =	vld [tilespmem:$0x1EDF0];
	_ =	sdelay $0x2  }
0x26d: {  	v2 =	vmul.f32 v2, v4;
	_ =	sdelay $0x1  }
0x26e: {  	v4 =	vld [tilespmem:$0x1EE70];
	[tilespmem:$0x1F6E0] =	vst v2  }
0x26f: {  	v2 =	vld.idx.msk [tilespmem:v5+s24+$0x0], $0xffff;
	_ =	sdelay $0x1  }
0x270: {  	v3 =	vld.idx.msk [tilespmem:v3+s24+$0x0], $0xffff;
	_ =	sdelay $0x1  }
0x271: {  	s2 =	simm.s32 $0x0  }
0x272: {  	v2 =	vmul.f32 v4, v2;
	v4 =	vmov s2  }
0x273: {  	v4 =	vand.u32 $0xFFFFFFFC, v4  }
0x274: {  	v2 =	vmul.f32 v2, v3;
	v3 =	vbroadcast v4, $0x0;
	_ =	sdelay $0x1  }
0x275: {  	s3 =	simm.s32 $0x2;
	[tilespmem:$0x1F6F0] =	vst v2  }
0x276: {  	v5 =	vmov s3;
	_ =	swait.ge [sflag:s16], $0x4000  }
0x277: {  	v4 =	vand.u32 $0xFFFFFFFE, v5;
	[sflag:s16] =	ssyncset.done $0x0  }
0x278: {  	v4 =	vbroadcast v4, $0x0;
	[sflag:s16] =	ssyncadd.s32 $0xFFFFC000  }
0x279: {  	s1 =	simm.s32 $0x1AB80;
	v2 =	vld.idx.msk [tilespmem:v3+s12+$0x0], $0xffff  }
0x27a: {  	v5 =	vld [tilespmem:s1+$0x70]  }
0x27b: {  	v6 =	vld [tilespmem:s1+$0xFFFFFF00]  }
0x27c: {  	v7 =	vld [tilespmem:s1+$0xFFFFFF10]  }
0x27d: {  	s5 =	simm.s32 $0x1;
	v8 =	vld [tilespmem:s1+$0xFFFFFF20]  }
0x27e: {  	v3 =	vld.idx.msk [tilespmem:v4+s12+$0x0], $0xffff;
	v4 =	vmov s5  }
0x27f: {  	v9 =	vld [tilespmem:s1+$0xFFFFFF30];
	v4 =	vand.u32 $0xFFFFFFFD, v4  }
0x280: {  	v10 =	vld [tilespmem:s1+$0xFFFFFF40];
	v4 =	vbroadcast v4, $0x0  }
0x281: {  	v11 =	vld [tilespmem:s1+$0xFFFFFF50]  }
0x282: {  	v12 =	vld [tilespmem:s1+$0xFFFFFF60];
	v6 =	vmul.f32 v6, v2  }
0x283: {  	v14 =	vld [tilespmem:s1+$0x40];
	v5 =	vmul.f32 v5, v3  }
0x284: {  	[tilespmem:s1+$0xFFFFFF00] =	vst v6;
	v6 =	vmul.f32 v7, v2;
	v7 =	vld [tilespmem:s1+$0xFFFFFF70]  }
0x285: {  	[tilespmem:s1+$0x70] =	vst v5;
	v5 =	vmul.f32 v8, v2;
	v8 =	vld [tilespmem:s1+$0xFFFFFF80]  }
0x286: {  	v4 =	vld.idx.msk [tilespmem:v4+s12+$0x0], $0xffff;
	[tilespmem:s1+$0xFFFFFF10] =	vst v6;
	v6 =	vmul.f32 v9, v2  }
0x287: {  	v9 =	vld [tilespmem:s1+$0xFFFFFF90];
	[tilespmem:s1+$0xFFFFFF20] =	vst v5;
	v5 =	vmul.f32 v10, v2  }
0x288: {  	v10 =	vld [tilespmem:s1+$0xFFFFFFA0];
	[tilespmem:s1+$0xFFFFFF30] =	vst v6;
	v6 =	vmul.f32 v11, v2  }
0x289: {  	v11 =	vld [tilespmem:s1+$0xFFFFFFB0];
	[tilespmem:s1+$0xFFFFFF40] =	vst v5;
	v5 =	vmul.f32 v12, v2  }
0x28a: {  	v12 =	vld [tilespmem:s1+$0xFFFFFFC0];
	v7 =	vmul.f32 v7, v2;
	[tilespmem:s1+$0xFFFFFF50] =	vst v6  }
0x28b: {  	v6 =	vmul.f32 v8, v4;
	v8 =	vld [tilespmem:s1+$0xFFFFFFD0];
	[tilespmem:s1+$0xFFFFFF60] =	vst v5  }
0x28c: {  	s18 =	simm.s32 $0x3;
	v5 =	vld [tilespmem:s1+$0xFFFFFFE0];
	v9 =	vmul.f32 v9, v4;
	[tilespmem:s1+$0xFFFFFF70] =	vst v7  }
0x28d: {  	v13 =	vmov s18;
	v7 =	vld [tilespmem:s1+$0xFFFFFFF0];
	[tilespmem:s1+$0xFFFFFF80] =	vst v6;
	v6 =	vmul.f32 v10, v4  }
0x28e: {  	[tilespmem:s1+$0xFFFFFF90] =	vst v9;
	v9 =	vmul.f32 v11, v4;
	v10 =	vld [tilespmem:s1+$0x0]  }
0x28f: {  	v11 =	vld [tilespmem:s1+$0x10];
	[tilespmem:s1+$0xFFFFFFA0] =	vst v6;
	v6 =	vmul.f32 v12, v4  }
0x290: {  	[tilespmem:s1+$0xFFFFFFB0] =	vst v9;
	v9 =	vld [tilespmem:s1+$0x20];
	v8 =	vmul.f32 v8, v4  }
0x291: {  	v12 =	vld [tilespmem:s1+$0x30];
	v5 =	vmul.f32 v5, v4;
	[tilespmem:s1+$0xFFFFFFC0] =	vst v6  }
0x292: {  	v2 =	vld.idx.msk [tilespmem:v13+s12+$0x0], $0xffff;
	v4 =	vmul.f32 v7, v4;
	[tilespmem:s1+$0xFFFFFFD0] =	vst v8  }
0x293: {  	[tilespmem:s1+$0xFFFFFFE0] =	vst v5;
	v6 =	vmul.f32 v10, v3;
	v5 =	vld [tilespmem:s1+$0x50]  }
0x294: {  	s3 =	simm.s32 $0x4;
	[tilespmem:s1+$0xFFFFFFF0] =	vst v4;
	v7 =	vmul.f32 v11, v3;
	v4 =	vld [tilespmem:s1+$0x60]  }
0x295: {  	s5 =	simm.s32 $0x7;
	v8 =	vmov s3;
	[tilespmem:s1+$0x0] =	vst v6;
	v10 =	vmul.f32 v9, v3;
	v9 =	vld [tilespmem:s1+$0x80]  }
0x296: {  	s18 =	simm.s32 $0x5;
	v13 =	vand.u32 $0xFFFFFFFC, v8;
	v8 =	vld [tilespmem:s1+$0x90];
	v6 =	vmov s5;
	[tilespmem:s1+$0x10] =	vst v7;
	v11 =	vmul.f32 v12, v3  }
0x297: {  	s2 =	simm.s32 $0x1AB80;
	s3 =	simm.s32 $0x8;
	v7 =	vbroadcast v13, $0x0;
	v13 =	vmov s18;
	s5 =	simm.s32 $0x6;
	v12 =	vmul.f32 v14, v3;
	[tilespmem:s1+$0x20] =	vst v10;
	v10 =	vld [tilespmem:s1+$0xA0]  }
.LBB2_12:
0x298: {  	p1 =	slt.u32 s3, $0x7C;
	v13 =	vand.u32 $0xFFFFFFFD, v13;
	v14 =	vmov s5;
	[tilespmem:s1+$0x30] =	vst v11;
	v5 =	vmul.f32 v5, v3;
	v11 =	vld [tilespmem:s1+$0xB0]  }
0x299: {  	v13 =	vbroadcast v13, $0x0;
	v14 =	vand.u32 $0xFFFFFFFE, v14;
	[tilespmem:s1+$0x40] =	vst v12;
	v3 =	vmul.f32 v4, v3;
	v4 =	vld [tilespmem:s1+$0xC0]  }
0x29a: {  	v12 =	vbroadcast v14, $0x0;
	[tilespmem:s1+$0x50] =	vst v5;
	v5 =	vmul.f32 v9, v2;
	v9 =	vld [tilespmem:s1+$0xD0]  }
0x29b: {  	[tilespmem:s1+$0x60] =	vst v3;
	v3 =	vmul.f32 v8, v2;
	v8 =	vld [tilespmem:s1+$0xE0]  }
0x29c: {  	[tilespmem:s1+$0x80] =	vst v5;
	v5 =	vmul.f32 v10, v2;
	v10 =	vld [tilespmem:s1+$0xF0]  }
0x29d: {  	v6 =	vld.idx.msk [tilespmem:v6+s12+$0x0], $0xffff;
	[tilespmem:s1+$0x90] =	vst v3;
	v3 =	vmul.f32 v11, v2  }
0x29e: {  	v7 =	vld.idx.msk [tilespmem:v7+s12+$0x0], $0xffff;
	[tilespmem:s1+$0xA0] =	vst v5;
	v4 =	vmul.f32 v4, v2  }
0x29f: {  	v5 =	vld.idx.msk [tilespmem:v13+s12+$0x0], $0xffff;
	[tilespmem:s1+$0xB0] =	vst v3;
	v9 =	vmul.f32 v9, v2  }
0x2a0: {  	s1 =	sadd.s32 $0x200, s1;
	v3 =	vld.idx.msk [tilespmem:v12+s12+$0x0], $0xffff;
	[tilespmem:s2+$0xC0] =	vst v4;
	v4 =	vmul.f32 v8, v2  }
0x2a1: {  	v8 =	vld [tilespmem:s1+$0x70];
	[tilespmem:s2+$0xD0] =	vst v9;
	v10 =	vmul.f32 v10, v2  }
0x2a2: {  	v9 =	vld [tilespmem:s1+$0xFFFFFF00];
	[tilespmem:s2+$0xE0] =	vst v4  }
0x2a3: {  	v2 =	vmov v6;
	v4 =	vld [tilespmem:s1+$0xFFFFFF10];
	[tilespmem:s2+$0xF0] =	vst v10;
	s2 =	smov.u32 s1  }
0x2a4: {  	v6 =	vld [tilespmem:s1+$0xFFFFFF20]  }
0x2a5: {  	v10 =	vld [tilespmem:s1+$0xFFFFFF30]  }
0x2a6: {  	v11 =	vld [tilespmem:s1+$0xFFFFFF40];
	v8 =	vmul.f32 v8, v3  }
0x2a7: {  	v9 =	vmul.f32 v9, v7;
	v12 =	vld [tilespmem:s1+$0xFFFFFF50]  }
0x2a8: {  	v4 =	vmul.f32 v4, v7;
	v13 =	vld [tilespmem:s1+$0xFFFFFF60];
	[tilespmem:s1+$0x70] =	vst v8  }
0x2a9: {  	[tilespmem:s1+$0xFFFFFF00] =	vst v9;
	v6 =	vmul.f32 v6, v7;
	v8 =	vld [tilespmem:s1+$0xFFFFFF70]  }
0x2aa: {  	[tilespmem:s1+$0xFFFFFF10] =	vst v4;
	v4 =	vmul.f32 v10, v7;
	v9 =	vld [tilespmem:s1+$0xFFFFFF80]  }
0x2ab: {  	[tilespmem:s1+$0xFFFFFF20] =	vst v6;
	v6 =	vmul.f32 v11, v7;
	v10 =	vld [tilespmem:s1+$0xFFFFFF90]  }
0x2ac: {  	[tilespmem:s1+$0xFFFFFF30] =	vst v4;
	v4 =	vmul.f32 v12, v7;
	v11 =	vld [tilespmem:s1+$0xFFFFFFA0]  }
0x2ad: {  	[tilespmem:s1+$0xFFFFFF40] =	vst v6;
	v6 =	vmul.f32 v13, v7;
	v12 =	vld [tilespmem:s1+$0xFFFFFFB0]  }
0x2ae: {  	[tilespmem:s1+$0xFFFFFF50] =	vst v4;
	v4 =	vmul.f32 v8, v7;
	v7 =	vld [tilespmem:s1+$0xFFFFFFC0]  }
0x2af: {  	[tilespmem:s1+$0xFFFFFF60] =	vst v6;
	v6 =	vmul.f32 v9, v5;
	v8 =	vld [tilespmem:s1+$0xFFFFFFD0]  }
0x2b0: {  	[tilespmem:s1+$0xFFFFFF70] =	vst v4;
	v4 =	vmul.f32 v10, v5;
	v9 =	vld [tilespmem:s1+$0xFFFFFFE0]  }
0x2b1: {  	[tilespmem:s1+$0xFFFFFF80] =	vst v6;
	v6 =	vmul.f32 v11, v5;
	v10 =	vld [tilespmem:s1+$0xFFFFFFF0]  }
0x2b2: {  	[tilespmem:s1+$0xFFFFFF90] =	vst v4;
	v4 =	vmul.f32 v12, v5;
	v11 =	vld [tilespmem:s1+$0x0]  }
0x2b3: {  	[tilespmem:s1+$0xFFFFFFA0] =	vst v6;
	v6 =	vmul.f32 v7, v5;
	v7 =	vld [tilespmem:s1+$0x10]  }
0x2b4: {  	[tilespmem:s1+$0xFFFFFFB0] =	vst v4;
	v4 =	vmul.f32 v8, v5;
	v8 =	vld [tilespmem:s1+$0x20]  }
0x2b5: {  	[tilespmem:s1+$0xFFFFFFC0] =	vst v6;
	v6 =	vmul.f32 v9, v5;
	v12 =	vld [tilespmem:s1+$0x30]  }
0x2b6: {  	[tilespmem:s1+$0xFFFFFFD0] =	vst v4;
	v4 =	vmul.f32 v10, v5;
	v10 =	vld [tilespmem:s1+$0x40]  }
.Ltmp7:
0x2b7: {  	[tilespmem:s1+$0xFFFFFFE0] =	vst v6;
	v6 =	vmul.f32 v11, v3;
	v5 =	vld [tilespmem:s1+$0x50];
	(pc) =	sbr.rel @p1 .LBB2_12-.Ltmp7, $4  }
0x2b8: {  	[tilespmem:s1+$0xFFFFFFF0] =	vst v4;
	v7 =	vmul.f32 v7, v3;
	v4 =	vld [tilespmem:s1+$0x60]  }
0x2b9: {  	s5 =	sadd.s32 $0x3, s3;
	v11 =	vmov s3;
	[tilespmem:s1+$0x0] =	vst v6;
	v14 =	vmul.f32 v8, v3;
	v9 =	vld [tilespmem:s1+$0x80]  }
0x2ba: {  	s18 =	sadd.s32 $0x1, s3;
	v13 =	vand.u32 $0xFFFFFFFC, v11;
	v6 =	vmov s5;
	[tilespmem:s1+$0x10] =	vst v7;
	v11 =	vmul.f32 v12, v3;
	v8 =	vld [tilespmem:s1+$0x90]  }
0x2bb: {  	s5 =	sadd.s32 $0x2, s3;
	s3 =	sadd.s32 $0x4, s3;
	v7 =	vbroadcast v13, $0x0;
	v13 =	vmov s18;
	[tilespmem:s1+$0x20] =	vst v14;
	v12 =	vmul.f32 v10, v3;
	v10 =	vld [tilespmem:s1+$0xA0]  }
0x2bc: {  	v14 =	vld [tilespmem:s1+$0xB0]  }
0x2bd: {  	v16 =	vld [tilespmem:s1+$0xC0]  }
0x2be: {  	v17 =	vld [tilespmem:s1+$0xD0]  }
0x2bf: {  	v18 =	vld [tilespmem:s1+$0xE0]  }
0x2c0: {  	v24 =	vld [tilespmem:s1+$0xF0];
	[tilespmem:s1+$0x30] =	vst v11;
	v5 =	vmul.f32 v5, v3  }
0x2c1: {  	v6 =	vld.idx.msk [tilespmem:v6+s12+$0x0], $0xffff;
	[tilespmem:s1+$0x40] =	vst v12;
	v3 =	vmul.f32 v4, v3  }
0x2c2: {  	s3 =	sadd.s32 $0x200, s1;
	v25 =	vld.idx.msk [tilespmem:v7+s12+$0x0], $0xffff;
	v9 =	vmul.f32 v9, v2;
	[tilespmem:s1+$0x50] =	vst v5  }
0x2c3: {  	v30 =	vld [tilespmem:s3+$0x70];
	v26 =	vmul.f32 v8, v2;
	[tilespmem:s1+$0x60] =	vst v3  }
0x2c4: {  	v31 =	vld [tilespmem:s3+$0xFFFFFF00];
	[tilespmem:s1+$0x80] =	vst v9;
	v3 =	vmul.f32 v10, v2  }
0x2c5: {  	v15 =	vmov s5;
	v33 =	vld [tilespmem:s3+$0xFFFFFF10];
	[tilespmem:s1+$0x90] =	vst v26;
	v29 =	vmul.f32 v14, v2  }
0x2c6: {  	v15 =	vand.u32 $0xFFFFFFFE, v15;
	v34 =	vld [tilespmem:s3+$0xFFFFFF20];
	[tilespmem:s1+$0xA0] =	vst v3;
	v3 =	vmul.f32 v16, v2  }
0x2c7: {  	v13 =	vand.u32 $0xFFFFFFFD, v13;
	v35 =	vld [tilespmem:s3+$0xFFFFFF30];
	v15 =	vbroadcast v15, $0x0;
	v32 =	vmul.f32 v17, v2;
	[tilespmem:s1+$0xB0] =	vst v29  }
0x2c8: {  	v13 =	vbroadcast v13, $0x0;
	v37 =	vld [tilespmem:s3+$0xFFFFFF50];
	[tilespmem:s2+$0xC0] =	vst v3;
	v3 =	vmul.f32 v18, v2  }
0x2c9: {  	v39 =	vld [tilespmem:s3+$0xFFFFFF60];
	[tilespmem:s2+$0xD0] =	vst v32;
	v2 =	vmul.f32 v24, v2  }
0x2ca: {  	v38 =	vmul.f32 v33, v25;
	[tilespmem:s2+$0xE0] =	vst v3;
	v3 =	vld [tilespmem:s3+$0xFFFFFF40]  }
0x2cb: {  	v40 =	vld [tilespmem:s3+$0xFFFFFF70];
	[tilespmem:s2+$0xF0] =	vst v2;
	v2 =	vmul.f32 v31, v25  }
0x2cc: {  	v41 =	vld [tilespmem:s3+$0xFFFFFF80];
	v5 =	vmul.f32 v35, v25;
	[tilespmem:s3+$0xFFFFFF10] =	vst v38  }
0x2cd: {  	v28 =	vld.idx.msk [tilespmem:v15+s12+$0x0], $0xffff;
	[tilespmem:s3+$0xFFFFFF00] =	vst v2;
	v2 =	vmul.f32 v34, v25  }
0x2ce: {  	v42 =	vmul.f32 v37, v25;
	v27 =	vld.idx.msk [tilespmem:v13+s12+$0x0], $0xffff;
	[tilespmem:s3+$0xFFFFFF30] =	vst v5  }
0x2cf: {  	[tilespmem:s3+$0xFFFFFF20] =	vst v2;
	v2 =	vmul.f32 v3, v25;
	v3 =	vld [tilespmem:s3+$0xFFFFFF90]  }
0x2d0: {  	v43 =	vld [tilespmem:s3+$0xFFFFFFA0];
	v4 =	vmul.f32 v40, v25;
	[tilespmem:s3+$0xFFFFFF50] =	vst v42  }
0x2d1: {  	v44 =	vld [tilespmem:s3+$0xFFFFFFB0];
	[tilespmem:s3+$0xFFFFFF40] =	vst v2;
	v2 =	vmul.f32 v39, v25  }
0x2d2: {  	v45 =	vld [tilespmem:s3+$0xFFFFFFC0];
	[tilespmem:s3+$0xFFFFFF70] =	vst v4;
	v36 =	vmul.f32 v30, v28  }
0x2d3: {  	v46 =	vld [tilespmem:s3+$0xFFFFFFD0];
	[tilespmem:s3+$0xFFFFFF60] =	vst v2;
	v2 =	vmul.f32 v41, v27  }
0x2d4: {  	v47 =	vld [tilespmem:s3+$0xFFFFFFE0];
	[tilespmem:s3+$0x70] =	vst v36;
	v3 =	vmul.f32 v3, v27  }
0x2d5: {  	v48 =	vld [tilespmem:s3+$0xFFFFFFF0];
	[tilespmem:s3+$0xFFFFFF80] =	vst v2;
	v2 =	vmul.f32 v43, v27  }
0x2d6: {  	v49 =	vld [tilespmem:s3+$0x0];
	[tilespmem:s3+$0xFFFFFF90] =	vst v3;
	v3 =	vmul.f32 v44, v27  }
0x2d7: {  	v50 =	vld [tilespmem:s3+$0x10];
	[tilespmem:s3+$0xFFFFFFA0] =	vst v2;
	v2 =	vmul.f32 v45, v27  }
0x2d8: {  	v51 =	vld [tilespmem:s3+$0x20];
	[tilespmem:s3+$0xFFFFFFB0] =	vst v3;
	v3 =	vmul.f32 v46, v27  }
0x2d9: {  	v52 =	vld [tilespmem:s3+$0x30];
	[tilespmem:s3+$0xFFFFFFC0] =	vst v2;
	v2 =	vmul.f32 v47, v27  }
0x2da: {  	v53 =	vld [tilespmem:s3+$0x40];
	[tilespmem:s3+$0xFFFFFFD0] =	vst v3;
	v3 =	vmul.f32 v48, v27  }
0x2db: {  	v54 =	vld [tilespmem:s3+$0x50];
	[tilespmem:s3+$0xFFFFFFE0] =	vst v2;
	v2 =	vmul.f32 v49, v28  }
0x2dc: {  	v55 =	vld [tilespmem:s3+$0x60];
	[tilespmem:s3+$0xFFFFFFF0] =	vst v3;
	v3 =	vmul.f32 v50, v28  }
0x2dd: {  	v56 =	vld [tilespmem:s3+$0x80];
	[tilespmem:s3+$0x0] =	vst v2;
	v2 =	vmul.f32 v51, v28  }
0x2de: {  	v57 =	vld [tilespmem:s3+$0x90];
	[tilespmem:s3+$0x10] =	vst v3;
	v3 =	vmul.f32 v52, v28  }
0x2df: {  	v58 =	vld [tilespmem:s3+$0xA0];
	[tilespmem:s3+$0x20] =	vst v2;
	v2 =	vmul.f32 v53, v28  }
0x2e0: {  	v59 =	vld [tilespmem:s3+$0xB0];
	[tilespmem:s3+$0x30] =	vst v3;
	v3 =	vmul.f32 v54, v28  }
0x2e1: {  	v60 =	vld [tilespmem:s3+$0xC0];
	[tilespmem:s3+$0x40] =	vst v2;
	v2 =	vmul.f32 v55, v28  }
0x2e2: {  	v61 =	vld [tilespmem:s3+$0xD0];
	[tilespmem:s3+$0x50] =	vst v3;
	v3 =	vmul.f32 v56, v6  }
0x2e3: {  	v62 =	vld [tilespmem:s3+$0xE0];
	[tilespmem:s3+$0x60] =	vst v2;
	v2 =	vmul.f32 v57, v6  }
0x2e4: {  	v63 =	vld [tilespmem:s3+$0xF0];
	[tilespmem:s3+$0x80] =	vst v3;
	v3 =	vmul.f32 v58, v6  }
0x2e5: {  	[tilespmem:s3+$0x90] =	vst v2;
	v2 =	vmul.f32 v59, v6  }
0x2e6: {  	[tilespmem:s3+$0xA0] =	vst v3;
	v3 =	vmul.f32 v60, v6  }
.Ltmp8:
0x2e7: {  	[tilespmem:s3+$0xB0] =	vst v2;
	v2 =	vmul.f32 v61, v6;
	(pc) =	sbr.rel @p0 .LBB2_15-.Ltmp8, $4  }
0x2e8: {  	[tilespmem:s3+$0xC0] =	vst v3;
	v3 =	vmul.f32 v62, v6  }
0x2e9: {  	[tilespmem:s3+$0xD0] =	vst v2;
	v2 =	vmul.f32 v63, v6  }
0x2ea: {  	[tilespmem:s3+$0xE0] =	vst v3  }
0x2eb: {  	[tilespmem:s3+$0xF0] =	vst v2  }
0x2ec: {  	s1 =	sadd.s32 $0x180, s17  }
0x2ed: {  	s2 =	sand.u32 $0x7C00, s1  }
0x2ee: {  	s1 =	sand.u32 $0x380, s1;
	s2 =	sadd.s32 s8, s2  }
0x2ef: {  	s1 =	sor.u32 s1, s2  }
0x2f0: {  	s5 =	rddreg [dreg:$0x0];
	s1 =	sshrl.u32 s1, $0x3  }
0x2f1: {  	s3 =	simm.s32 $0x1EC80;
	s2 =	sadd.s32 s5, s1  }
0x2f2: {  	[tilespmem:s3], [sflag:$0x6] =	stream.linear.gather [hbm4b:s2+s6], $0x80, $0x38;
	[tilespmem:$0x1F980] =	vst v63  }
0x2f3: {  	s18 =	simm.s32 $0x1EE00;
	s1 =	sadd.s32 s9, s1  }
0x2f4: {  	[tilespmem:s18], [sflag:$0x6] =	stream.linear.gather [hbm4b:s1+s6], $0x80, $0x38;
	[tilespmem:$0x1F980] =	vst v63  }
0x2f5: {  	_ =	swait.ge [sflag:s28], $0x4000  }
0x2f6: {  	[sflag:s28] =	ssyncset.done $0x0  }
0x2f7: {  	s3 =	sadd.s32 $0x100, s17;
	[sflag:s28] =	ssyncadd.s32 $0xFFFFC000  }
0x2f8: {  	s5 =	sand.u32 $0x7C00, s3;
	s2 =	rddreg [dreg:$0x3]  }
0x2f9: {  	[spmem:s2] =	stream.indirect.scatter.add.f32 [tilespmem:s14], [sflag:$0x4], $0x80, s13, s0, $0xb8;
	[tilespmem:$0x1F980] =	vst v63  }
0x2fa: {  	s1 =	sand.u32 $0x300, s3;
	s2 =	sadd.s32 s8, s5  }
0x2fb: {  	s1 =	sor.u32 s1, s2  }
0x2fc: {  	s1 =	sshrl.u32 s1, $0x3  }
0x2fd: {  	s1 =	sadd.s32 s7, s1  }
0x2fe: {  	[tilespmem:s21], [sflag:$0x7] =	stream.linear.gather [hbm4b:s1+s6], $0x80, $0x38;
	[tilespmem:$0x1F980] =	vst v63  }
0x2ff: {  	_ =	swait.ge [sflag:s31], $0x80  }
0x300: {  	[sflag:s31] =	ssyncset.done $0x0  }
0x301: {  	[sflag:s31] =	ssyncadd.s32 $0xFFFFFF80  }
0x302: {  	_ =	swait.ge [sflag:s31], $0x80  }
0x303: {  	[sflag:s31] =	ssyncset.done $0x0  }
0x304: {  	[sflag:s31] =	ssyncadd.s32 $0xFFFFFF80  }
0x305: {  	v2 =	vld [tilespmem:$0x1EA80]  }
0x306: {  	v3 =	vld [tilespmem:$0x1EA90]  }
0x307: {  	v4 =	vld [tilespmem:$0x1EAA0]  }
0x308: {  	v5 =	vld [tilespmem:$0x1EAB0]  }
0x309: {  	v6 =	vld [tilespmem:$0x1EAC0]  }
0x30a: {  	v7 =	vld [tilespmem:$0x1EAD0];
	v2 =	vshll.u32 v2, $0x1  }
0x30b: {  	v8 =	vld [tilespmem:$0x1EAE0];
	v3 =	vshll.u32 v3, $0x1;
	v2 =	vor.u32 v0, v2  }
0x30c: {  	v63 =	vld [tilespmem:$0x1EAF0];
	[tilespmem:$0x1EB00] =	vst v2;
	v2 =	vor.u32 v0, v3;
	v3 =	vshll.u32 v4, $0x1  }
0x30d: {  	[tilespmem:$0x1EB10] =	vst v2;
	v2 =	vor.u32 v0, v3;
	v3 =	vshll.u32 v5, $0x1  }
0x30e: {  	[tilespmem:$0x1EB20] =	vst v2;
	v2 =	vor.u32 v0, v3;
	v3 =	vshll.u32 v6, $0x1  }
0x30f: {  	[tilespmem:$0x1EB30] =	vst v2;
	v2 =	vor.u32 v0, v3;
	v3 =	vshll.u32 v7, $0x1  }
.Ltmp9:
0x310: {  	[tilespmem:$0x1EB40] =	vst v2;
	v2 =	vor.u32 v0, v3;
	v3 =	vshll.u32 v8, $0x1;
	(pc) =	sbr.rel .LBB2_9-.Ltmp9, $4  }
0x311: {  	[tilespmem:$0x1EB50] =	vst v2;
	v2 =	vor.u32 v0, v3;
	v3 =	vshll.u32 v63, $0x1  }
0x312: {  	[tilespmem:$0x1EB60] =	vst v2;
	v2 =	vor.u32 v0, v3  }
0x313: {  	s29 =	sadd.s32 $0x1, s29;
	s18 =	simm.s32 $0x1EB00;
	s17 =	rddreg [dreg:$0x2];
	[tilespmem:$0x1EB70] =	vst v2  }
0x314: {  	[tilespmem:s30], [sflag:$0x1] =	stream.indirect.gather [hbm4b:s17+s0], $0x80, s18, s0, $0xb8;
	[tilespmem:$0x1F980] =	vst v63  }
.LBB2_16:
0x315: {  	_ =	sfence.sel $0x180000  }
0x316: {  	[bflag:$0x0] =	sbarrier.arrive $0xFFFF  }
0x317: {  	_ =	strace $0x90000047  }
0x318: {  	s0 =	stileid.u32;
	[bflag:$0x2] =	sbarrier.arrive $0xFFFF  }
0x319: {  	p0 =	sne.s32 s0, $0x0;
	s0 =	rddreg [dreg:$0x5]  }
0x31a: {  	s0 =	sadd.s32 @!p0 $0x100000, s0  }
0x31b: {  	[sflag:s0] =	ssyncadd.tile.s32 @!p0 $0x1;
	_ =	shalt  }
.Lfunc_end2:
_tile_overlayer_lowered:
.L_overlay_start_2:
0x31c: {  	(tag) =	ssettag $0x2  }
0x31d: {  	s0 =	rddreg [dreg:$0x0];
	s2 =	stileid.u32  }
0x31e: {  	s1 =	rddreg [dreg:$0x1];
	p0 =	sne.s32 s2, $0x0  }
0x31f: {  	s3 =	rddreg [dreg:$0x2];
	[bflag:$0x3] =	sbarrier.arrive $0xFFFF;
	s2 =	simm.s32 @!p0 $0x1C09  }
0x320: {  	[timem:s3], [sflag:s2] =	dma.local @!p0 [hbm:s0], s1  }
0x321: {  	s0 =	simm.s32 @!p0 $0x9  }
0x322: {  	_ =	swait.ge @!p0 [sflag:s0], s1  }
0x323: {  	s1 =	ssub.s32 @!p0 $0x0, s1;
	[sflag:s0] =	ssyncset.done @!p0 $0x0  }
0x324: {  	[sflag:s0] =	ssyncadd.s32 @!p0 s1  }
0x325: {  	[bflag:$0x3] =	sbarrier.arrive $0xFFFF  }
0x326: {  	_ =	shalt  }

</sc_bundles>
